<compile_context>
chip_gen: v7x
topology: tpu7x:2x2x1
jax: 0.10.2.dev20260603
libtpu: 0.0.44.dev20260713+nightly
codegen_flags: <defaults>
</compile_context>

<pallas_src>
import functools

import jax
import jax.numpy as jnp
from jax import lax
from jax.experimental import pallas as pl
from jax.experimental.pallas import tpu as pltpu
from jax.experimental.pallas import tpu_sc as plsc

N = 10000
E = 320000
D = 128
H = 128
G = 64
TEMP = 2.0
EPS = 1e-5
ISQ = float(1.0 / (1.0 + EPS) ** 0.5)

NC = 2
NS = 16
NW = NC * NS
EW = E // NW
CHUNK = 80
NCHUNK = EW // CHUNK
DCHUNK = 128
EWP = 10240
DNCHUNK = EWP // DCHUNK
NJUNK = N
WSTEP = 624
WSLAB = 640
ZCH = 80

NBLK = 10
BLK = N // NBLK




def _spmm_body(h_hbm, src1d, dst1d, out,
               sidx0, didx0, sidx1, didx1, g0, g1,
               gsem0, gsem1, ssem0, ssem1, aggsh):
    c = lax.axis_index("c")
    s = lax.axis_index("s")

    def zrow(i, carry):
        for j in range(8):
            g0[i, pl.ds(j * 16, 16)] = jnp.zeros((16,), jnp.float32)
        return carry
    lax.fori_loop(0, ZCH, zrow, 0)
    for t in range(WSLAB // ZCH):
        pltpu.sync_copy(g0.at[pl.ds(0, ZCH)],
                        aggsh.at[pl.ds(s * WSTEP + t * ZCH, ZCH)])
    plsc.subcore_barrier()

    base = (c * NS + s) * EW

    def icopy(k, sb, db):
        off = base + k * CHUNK
        pltpu.sync_copy(src1d.at[pl.ds(off, CHUNK)], sb)
        pltpu.sync_copy(dst1d.at[pl.ds(off, CHUNK)], db)

    def pair(j, carry):
        k0 = 2 * j

        @pl.when(j > 0)
        def _():
            pltpu.make_async_copy(g0, aggsh.at[didx0], ssem0).wait()
        icopy(k0, sidx0, didx0)
        pltpu.async_copy(h_hbm.at[sidx0], g0, gsem0)

        @pl.when(j > 0)
        def _():
            pltpu.make_async_copy(g1, aggsh.at[didx1], ssem1).wait()
        icopy(k0 + 1, sidx1, didx1)
        pltpu.async_copy(h_hbm.at[sidx1], g1, gsem1)

        pltpu.make_async_copy(h_hbm.at[sidx0], g0, gsem0).wait()
        pltpu.async_copy(g0, aggsh.at[didx0], ssem0, add=True)
        pltpu.make_async_copy(h_hbm.at[sidx1], g1, gsem1).wait()
        pltpu.async_copy(g1, aggsh.at[didx1], ssem1, add=True)
        return carry
    lax.fori_loop(0, NCHUNK // 2, pair, 0)

    pltpu.make_async_copy(g0, aggsh.at[didx0], ssem0).wait()
    pltpu.make_async_copy(g1, aggsh.at[didx1], ssem1).wait()
    icopy(NCHUNK - 1, sidx0, didx0)
    pltpu.async_copy(h_hbm.at[sidx0], g0, gsem0).wait()
    pltpu.sync_copy(g0, aggsh.at[didx0], add=True)
    plsc.subcore_barrier()

    rs = s * WSTEP
    pltpu.sync_copy(aggsh.at[pl.ds(rs, WSLAB)], out.at[c, pl.ds(rs, WSLAB)])


@functools.cache
def _get_spmm():
    mesh = plsc.VectorSubcoreMesh(core_axis_name="c", subcore_axis_name="s",
                                  num_cores=NC, num_subcores=NS)
    return pl.kernel(
        _spmm_body,
        out_type=jax.ShapeDtypeStruct((NC, N, D), jnp.float32),
        mesh=mesh,
        scratch_types=[
            pltpu.VMEM((CHUNK,), jnp.int32),
            pltpu.VMEM((CHUNK,), jnp.int32),
            pltpu.VMEM((CHUNK,), jnp.int32),
            pltpu.VMEM((CHUNK,), jnp.int32),
            pltpu.VMEM((CHUNK, D), jnp.float32),
            pltpu.VMEM((CHUNK, D), jnp.float32),
            pltpu.SemaphoreType.DMA,
            pltpu.SemaphoreType.DMA,
            pltpu.SemaphoreType.DMA,
            pltpu.SemaphoreType.DMA,
            pltpu.VMEM_SHARED((N, D), jnp.float32),
        ],
    )



def _deg_body(dst3d, out, didx, obuf, ssem, degsh):
    c = lax.axis_index("c")
    s = lax.axis_index("s")
    wid = c * NS + s

    def zrow(i, carry):
        for j in range(8):
            obuf[i, pl.ds(j * 16, 16)] = jnp.zeros((16,), jnp.float32)
        return carry
    lax.fori_loop(0, ZCH, zrow, 0)
    for t in range(WSLAB // ZCH):
        pltpu.sync_copy(obuf.at[pl.ds(0, ZCH)],
                        degsh.at[pl.ds(s * WSTEP + t * ZCH, ZCH)])

    def fill(i, carry):
        for j in range(8):
            obuf[i, pl.ds(j * 16, 16)] = jnp.ones((16,), jnp.float32)
        return carry
    lax.fori_loop(0, DCHUNK, fill, 0)
    pltpu.sync_copy(dst3d.at[wid], didx)
    plsc.subcore_barrier()

    DEPTH = 8

    def step(k, carry):
        pltpu.async_copy(obuf, degsh.at[didx.at[k]], ssem, add=True)

        @pl.when(k >= DEPTH)
        def _():
            pltpu.make_async_copy(obuf, degsh.at[didx.at[k]], ssem).wait()
        return carry
    lax.fori_loop(0, DNCHUNK, step, 0)

    def drain(k, carry):
        pltpu.make_async_copy(obuf, degsh.at[didx.at[0]], ssem).wait()
        return carry
    lax.fori_loop(0, DEPTH, drain, 0)
    plsc.subcore_barrier()

    rs = s * WSTEP
    pltpu.sync_copy(degsh.at[pl.ds(rs, WSLAB)], out.at[c, pl.ds(rs, WSLAB)])


@functools.cache
def _get_deg():
    mesh = plsc.VectorSubcoreMesh(core_axis_name="c", subcore_axis_name="s",
                                  num_cores=NC, num_subcores=NS)
    return pl.kernel(
        _deg_body,
        out_type=jax.ShapeDtypeStruct((NC, N, D), jnp.float32),
        mesh=mesh,
        scratch_types=[
            pltpu.VMEM((DNCHUNK, DCHUNK), jnp.int32),
            pltpu.VMEM((DCHUNK, D), jnp.float32),
            pltpu.SemaphoreType.DMA,
            pltpu.VMEM_SHARED((N + 8, D), jnp.float32),
        ],
    )



def _bn_body(x, g, b, o):
    o[...] = x[...] * g[...] + b[...]


_bn = pl.pallas_call(
    _bn_body,
    out_shape=jax.ShapeDtypeStruct((N, D), jnp.float32),
    grid=(NBLK,),
    in_specs=[
        pl.BlockSpec((BLK, D), lambda i: (i, 0)),
        pl.BlockSpec((1, D), lambda i: (0, 0)),
        pl.BlockSpec((1, D), lambda i: (0, 0)),
    ],
    out_specs=pl.BlockSpec((BLK, D), lambda i: (i, 0)),
)


def _dense_body(ap, h, r, wl, bl, wr, o):
    a = (ap[0] + ap[1]) * r[...]
    acc = jnp.dot(a, wl[...], preferred_element_type=jnp.float32)
    acc += jnp.dot(h[...], wr[...], preferred_element_type=jnp.float32)
    o[...] = jnp.maximum(acc + bl[...], 0.0)


_dense = pl.pallas_call(
    _dense_body,
    out_shape=jax.ShapeDtypeStruct((N, H), jnp.float32),
    grid=(NBLK,),
    in_specs=[
        pl.BlockSpec((NC, BLK, H), lambda i: (0, i, 0)),
        pl.BlockSpec((BLK, H), lambda i: (i, 0)),
        pl.BlockSpec((BLK, 1), lambda i: (i, 0)),
        pl.BlockSpec((H, H), lambda i: (0, 0)),
        pl.BlockSpec((1, H), lambda i: (0, 0)),
        pl.BlockSpec((H, H), lambda i: (0, 0)),
    ],
    out_specs=pl.BlockSpec((BLK, H), lambda i: (i, 0)),
)


def _pool_body(h, brow, bcol, pg, pb, w1, b1, w2, b2, w3, b3, o,
               ssum, smax, scnt):
    i = pl.program_id(0)

    @pl.when(i == 0)
    def _():
        ssum[...] = jnp.zeros_like(ssum)
        smax[...] = jnp.full_like(smax, -jnp.inf)
        scnt[...] = jnp.zeros_like(scnt)

    hb = h[...]
    br = brow[0]
    giota = lax.broadcasted_iota(jnp.int32, (G, 1), 0)
    onehot = jnp.where(br == giota, 1.0, 0.0)
    ssum[...] += jnp.dot(onehot, hb, preferred_element_type=jnp.float32)
    scnt[...] += jnp.sum(onehot, axis=1, keepdims=True)

    bc = bcol[...]
    g0 = jnp.min(br)
    g1 = jnp.max(br)

    def mstep(g, carry):
        m = jnp.max(jnp.where(bc == g, hb, -jnp.inf), axis=0, keepdims=True)
        smax[pl.ds(g, 1), :] = jnp.maximum(smax[pl.ds(g, 1), :], m)
        return carry
    lax.fori_loop(g0, g1 + 1, mstep, 0)

    @pl.when(i == NBLK - 1)
    def _():
        cnt = scnt[...]
        mean = ssum[...] / jnp.maximum(cnt, 1.0)
        mx = smax[...]
        mx = jnp.where(mx == -jnp.inf, 0.0, mx)
        p = jnp.concatenate([mean, mx], axis=1)
        p = p * (pg[...] * ISQ) + pb[...]
        p = jnp.maximum(jnp.dot(p, w1[...], preferred_element_type=jnp.float32) + b1[...], 0.0)
        p = jnp.maximum(jnp.dot(p, w2[...], preferred_element_type=jnp.float32) + b2[...], 0.0)
        o[...] = (jnp.dot(p, w3[...], preferred_element_type=jnp.float32) + b3[...]) * (1.0 / TEMP)


def _make_pool(m1, m2, out_dim):
    return pl.pallas_call(
        _pool_body,
        out_shape=jax.ShapeDtypeStruct((G, out_dim), jnp.float32),
        grid=(NBLK,),
        in_specs=[
            pl.BlockSpec((BLK, H), lambda i: (i, 0)),
            pl.BlockSpec((1, 1, BLK), lambda i: (i, 0, 0)),
            pl.BlockSpec((BLK, 1), lambda i: (i, 0)),
            pl.BlockSpec((1, 2 * H), lambda i: (0, 0)),
            pl.BlockSpec((1, 2 * H), lambda i: (0, 0)),
            pl.BlockSpec((2 * H, m1), lambda i: (0, 0)),
            pl.BlockSpec((1, m1), lambda i: (0, 0)),
            pl.BlockSpec((m1, m2), lambda i: (0, 0)),
            pl.BlockSpec((1, m2), lambda i: (0, 0)),
            pl.BlockSpec((m2, out_dim), lambda i: (0, 0)),
            pl.BlockSpec((1, out_dim), lambda i: (0, 0)),
        ],
        out_specs=pl.BlockSpec((G, out_dim), lambda i: (0, 0)),
        scratch_shapes=[
            pltpu.VMEM((G, H), jnp.float32),
            pltpu.VMEM((G, H), jnp.float32),
            pltpu.VMEM((G, 1), jnp.float32),
        ],
    )



def kernel(x, edge_index, batch, bn_g, bn_b,
           Wl1, bl1, Wr1, Wl2, bl2, Wr2, Wl3, bl3, Wr3, Wl4, bl4, Wr4,
           pbn_g, pbn_b, W1, b1, W2, b2, W3, b3):
    src1d = edge_index[0]
    dst1d = edge_index[1]
    pad_d = jnp.full((NW, EWP - EW), NJUNK, jnp.int32)
    dst3d = jnp.concatenate(
        [dst1d.reshape(NW, EW), pad_d], axis=1).reshape(NW, DNCHUNK, DCHUNK)

    h = _bn(x, (bn_g * ISQ).reshape(1, D), bn_b.reshape(1, D))

    dp = _get_deg()(dst3d)
    recip = 1.0 / jnp.maximum(dp[0, :, :1] + dp[1, :, :1], 1.0)


    for Wl, bl, Wr in ((Wl1, bl1, Wr1), (Wl2, bl2, Wr2),
                       (Wl3, bl3, Wr3), (Wl4, bl4, Wr4)):
        ap = _get_spmm()(h, src1d, dst1d)
        h = _dense(ap, h, recip, Wl, bl.reshape(1, H), Wr)

    m1 = W1.shape[1]
    m2 = W2.shape[1]
    out_dim = W3.shape[1]
    pool = _make_pool(m1, m2, out_dim)
    return pool(h, batch.reshape(NBLK, 1, BLK), batch.reshape(N, 1),
                pbn_g.reshape(1, 2 * H), pbn_b.reshape(1, 2 * H),
                W1, b1.reshape(1, m1), W2, b2.reshape(1, m2),
                W3, b3.reshape(1, out_dim))

# --- scband reference (transcript-rebuilt; emitter-appended) ---
"""Pipeline reference for scband-mevgraph-sage-53996328846126 (READ-ONLY COPY).

The authoritative reference and input builder live on the scoring server;
editing this copy changes nothing except your own understanding.
"""

import jax, jax.numpy as jnp
import numpy as np

N = 10000
E = 320000
D = 128
H = 128
G = 64
M1 = 64
M2 = 32
OUT = 2
TEMP = 2.0
EPS = 1e-5


def _init_lin(key, fan_in, fan_out):
    k1, k2 = jax.random.split(key)
    bound = 1.0 / np.sqrt(fan_in)
    W = jax.random.uniform(k1, (fan_in, fan_out), minval=-bound, maxval=bound, dtype=jnp.float32)
    b = jax.random.uniform(k2, (fan_out,), minval=-bound, maxval=bound, dtype=jnp.float32)
    return W, b


def setup_inputs(seed: int = 0) -> dict:
    key = jax.random.key(seed)
    ks = jax.random.split(key, 24)
    x = jax.random.normal(ks[0], (N, D), dtype=jnp.float32)
    edge_index = jax.random.randint(ks[1], (2, E), 0, N)
    batch = jnp.sort(jax.random.randint(ks[2], (N,), 0, G))
    # input BatchNorm params (eval mode: running_mean=0, running_var=1)
    bn_g = jnp.ones((D,), dtype=jnp.float32)
    bn_b = jnp.zeros((D,), dtype=jnp.float32)
    # SAGEConv layers: lin_l (on aggregated neighbors, with bias), lin_r (on root, no bias)
    Wl1, bl1 = _init_lin(ks[3], D, H); Wr1, _ = _init_lin(ks[4], D, H)
    Wl2, bl2 = _init_lin(ks[5], H, H); Wr2, _ = _init_lin(ks[6], H, H)
    Wl3, bl3 = _init_lin(ks[7], H, H); Wr3, _ = _init_lin(ks[8], H, H)
    Wl4, bl4 = _init_lin(ks[9], H, H); Wr4, _ = _init_lin(ks[10], H, H)
    # post-pool BatchNorm (eval mode)
    pbn_g = jnp.ones((2 * H,), dtype=jnp.float32)
    pbn_b = jnp.zeros((2 * H,), dtype=jnp.float32)
    # MLP head
    W1, b1 = _init_lin(ks[11], 2 * H, M1)
    W2, b2 = _init_lin(ks[12], M1, M2)
    W3, b3 = _init_lin(ks[13], M2, OUT)
    return {
        "x": x, "edge_index": edge_index, "batch": batch,
        "bn_g": bn_g, "bn_b": bn_b,
        "Wl1": Wl1, "bl1": bl1, "Wr1": Wr1,
        "Wl2": Wl2, "bl2": bl2, "Wr2": Wr2,
        "Wl3": Wl3, "bl3": bl3, "Wr3": Wr3,
        "Wl4": Wl4, "bl4": bl4, "Wr4": Wr4,
        "pbn_g": pbn_g, "pbn_b": pbn_b,
        "W1": W1, "b1": b1, "W2": W2, "b2": b2, "W3": W3, "b3": b3,
    }


def _sage_conv(x, src, dst, Wl, bl, Wr):
    # mean aggregation of source features at destination nodes
    msgs = jnp.take(x, src, axis=0)
    agg = jax.ops.segment_sum(msgs, dst, num_segments=N)
    deg = jax.ops.segment_sum(jnp.ones((src.shape[0],), dtype=x.dtype), dst, num_segments=N)
    agg = agg / jnp.clip(deg, 1.0, None)[:, None]
    return agg @ Wl + bl + x @ Wr


def reference(x, edge_index, batch,
              bn_g, bn_b,
              Wl1, bl1, Wr1, Wl2, bl2, Wr2, Wl3, bl3, Wr3, Wl4, bl4, Wr4,
              pbn_g, pbn_b, W1, b1, W2, b2, W3, b3):
    src = edge_index[0]
    dst = edge_index[1]
    # input BatchNorm, eval mode (running_mean=0, running_var=1)
    h = (x / jnp.sqrt(1.0 + EPS)) * bn_g + bn_b
    h = jax.nn.relu(_sage_conv(h, src, dst, Wl1, bl1, Wr1))
    # dropout is identity in eval mode
    h = jax.nn.relu(_sage_conv(h, src, dst, Wl2, bl2, Wr2))
    h = jax.nn.relu(_sage_conv(h, src, dst, Wl3, bl3, Wr3))
    h = jax.nn.relu(_sage_conv(h, src, dst, Wl4, bl4, Wr4))
    # global mean + max pooling over graphs
    seg_sum = jax.ops.segment_sum(h, batch, num_segments=G)
    counts = jax.ops.segment_sum(jnp.ones((N,), dtype=h.dtype), batch, num_segments=G)
    x_mean = seg_sum / jnp.clip(counts, 1.0, None)[:, None]
    x_max = jax.ops.segment_max(h, batch, num_segments=G)
    x_max = jnp.where(jnp.isfinite(x_max), x_max, 0.0)
    p = jnp.concatenate([x_mean, x_max], axis=1)
    # post-pool BatchNorm, eval mode
    p = (p / jnp.sqrt(1.0 + EPS)) * pbn_g + pbn_b
    p = jax.nn.relu(p @ W1 + b1)
    p = jax.nn.relu(p @ W2 + b2)
    out = (p @ W3 + b3) / TEMP
    return out

if __name__ == "__main__":
    import jax
    _d = setup_inputs()
    print(jax.jit(kernel)(*tuple(_d.values())))

</pallas_src>

<mosaic_0001>
#map = affine_map<(d0, d1) -> (0, 0)>
#map1 = affine_map<(d0, d1) -> (0)>
#map2 = affine_map<(d0, d1) -> (0, 0, 0)>
module attributes {stable_mosaic.version = 14 : i64} {
  func.func @_spmm_body(%arg0: i32, %arg1: i32, %arg2: memref<10000x128xf32, #tpu.memory_space<hbm>>, %arg3: memref<320000xi32, #tpu.memory_space<hbm>>, %arg4: memref<320000xi32, #tpu.memory_space<hbm>>, %arg5: memref<2x10000x128xf32, #tpu.memory_space<hbm>>, %arg6: memref<80xi32, #tpu.memory_space<vmem>>, %arg7: memref<80xi32, #tpu.memory_space<vmem>>, %arg8: memref<80xi32, #tpu.memory_space<vmem>>, %arg9: memref<80xi32, #tpu.memory_space<vmem>>, %arg10: memref<80x128xf32, #tpu.memory_space<vmem>>, %arg11: memref<80x128xf32, #tpu.memory_space<vmem>>, %arg12: memref<!tpu.dma_semaphore, #tpu.memory_space<semaphore_mem>>, %arg13: memref<!tpu.dma_semaphore, #tpu.memory_space<semaphore_mem>>, %arg14: memref<!tpu.dma_semaphore, #tpu.memory_space<semaphore_mem>>, %arg15: memref<!tpu.dma_semaphore, #tpu.memory_space<semaphore_mem>>, %arg16: memref<10000x128xf32, #tpu.memory_space<vmem_shared>>) attributes {dimension_semantics = [#tpu.dimension_semantics<core_parallel>, #tpu.dimension_semantics<subcore_parallel>], iteration_bounds = array<i64: 2, 16>, scalar_prefetch = 0 : i64, scratch_operands = 11 : i64, tpu.core_type = #tpu.core_type<sc_vector_subcore>, window_params = [{transform_indices = #map}, {transform_indices = #map1}, {transform_indices = #map1}, {transform_indices = #map2}]} {
    %scan3A = arith.constant 0 : i32
    %scan3A_0 = arith.constant 0 : i32
    %scan3A_1 = arith.constant 80 : i32
    %scan3A_2 = arith.addi %scan3A_0, %scan3A_1 : i32
    %scan3A_3 = arith.constant 1 : i32
    scf.for %scan3A_61 = %scan3A_0 to %scan3A_2 step %scan3A_3  : i32 {
      %broadcast_in_dim3A = arith.constant 0.000000e+00 : f32
      %broadcast_in_dim3A_62 = vector.broadcast %broadcast_in_dim3A : f32 to vector<16xf32>
      %swap3A = arith.index_cast %scan3A_61 : i32 to index
      %swap3A_63 = arith.constant 0 : index
      %swap3A_64 = tpu.vector_load %arg10[%swap3A, %swap3A_63] {strides = array<i32>} : memref<80x128xf32, #tpu.memory_space<vmem>>, vector<1x16xf32>,
      %swap3A_65 = vector.shape_cast %swap3A_64 : vector<1x16xf32> to vector<16xf32>
      %swap3A_66 = vector.shape_cast %broadcast_in_dim3A_62 : vector<16xf32> to vector<1x16xf32>
      tpu.vector_store %arg10[%swap3A, %swap3A_63], %swap3A_66 {strides = array<i32>} : memref<80x128xf32, #tpu.memory_space<vmem>>, vector<1x16xf32>,
      %broadcast_in_dim3A_67 = arith.constant 0.000000e+00 : f32
      %broadcast_in_dim3A_68 = vector.broadcast %broadcast_in_dim3A_67 : f32 to vector<16xf32>
      %swap3A_69 = arith.index_cast %scan3A_61 : i32 to index
      %swap3A_70 = arith.constant 16 : index
      %swap3A_71 = tpu.vector_load %arg10[%swap3A_69, %swap3A_70] {strides = array<i32>} : memref<80x128xf32, #tpu.memory_space<vmem>>, vector<1x16xf32>,
      %swap3A_72 = vector.shape_cast %swap3A_71 : vector<1x16xf32> to vector<16xf32>
      %swap3A_73 = vector.shape_cast %broadcast_in_dim3A_68 : vector<16xf32> to vector<1x16xf32>
      tpu.vector_store %arg10[%swap3A_69, %swap3A_70], %swap3A_73 {strides = array<i32>} : memref<80x128xf32, #tpu.memory_space<vmem>>, vector<1x16xf32>,
      %broadcast_in_dim3A_74 = arith.constant 0.000000e+00 : f32
      %broadcast_in_dim3A_75 = vector.broadcast %broadcast_in_dim3A_74 : f32 to vector<16xf32>
      %swap3A_76 = arith.index_cast %scan3A_61 : i32 to index
      %swap3A_77 = arith.constant 32 : index
      %swap3A_78 = tpu.vector_load %arg10[%swap3A_76, %swap3A_77] {strides = array<i32>} : memref<80x128xf32, #tpu.memory_space<vmem>>, vector<1x16xf32>,
      %swap3A_79 = vector.shape_cast %swap3A_78 : vector<1x16xf32> to vector<16xf32>
      %swap3A_80 = vector.shape_cast %broadcast_in_dim3A_75 : vector<16xf32> to vector<1x16xf32>
      tpu.vector_store %arg10[%swap3A_76, %swap3A_77], %swap3A_80 {strides = array<i32>} : memref<80x128xf32, #tpu.memory_space<vmem>>, vector<1x16xf32>,
      %broadcast_in_dim3A_81 = arith.constant 0.000000e+00 : f32
      %broadcast_in_dim3A_82 = vector.broadcast %broadcast_in_dim3A_81 : f32 to vector<16xf32>
      %swap3A_83 = arith.index_cast %scan3A_61 : i32 to index
      %swap3A_84 = arith.constant 48 : index
      %swap3A_85 = tpu.vector_load %arg10[%swap3A_83, %swap3A_84] {strides = array<i32>} : memref<80x128xf32, #tpu.memory_space<vmem>>, vector<1x16xf32>,
      %swap3A_86 = vector.shape_cast %swap3A_85 : vector<1x16xf32> to vector<16xf32>
      %swap3A_87 = vector.shape_cast %broadcast_in_dim3A_82 : vector<16xf32> to vector<1x16xf32>
      tpu.vector_store %arg10[%swap3A_83, %swap3A_84], %swap3A_87 {strides = array<i32>} : memref<80x128xf32, #tpu.memory_space<vmem>>, vector<1x16xf32>,
      %broadcast_in_dim3A_88 = arith.constant 0.000000e+00 : f32
      %broadcast_in_dim3A_89 = vector.broadcast %broadcast_in_dim3A_88 : f32 to vector<16xf32>
      %swap3A_90 = arith.index_cast %scan3A_61 : i32 to index
      %swap3A_91 = arith.constant 64 : index
      %swap3A_92 = tpu.vector_load %arg10[%swap3A_90, %swap3A_91] {strides = array<i32>} : memref<80x128xf32, #tpu.memory_space<vmem>>, vector<1x16xf32>,
      %swap3A_93 = vector.shape_cast %swap3A_92 : vector<1x16xf32> to vector<16xf32>
      %swap3A_94 = vector.shape_cast %broadcast_in_dim3A_89 : vector<16xf32> to vector<1x16xf32>
      tpu.vector_store %arg10[%swap3A_90, %swap3A_91], %swap3A_94 {strides = array<i32>} : memref<80x128xf32, #tpu.memory_space<vmem>>, vector<1x16xf32>,
      %broadcast_in_dim3A_95 = arith.constant 0.000000e+00 : f32
      %broadcast_in_dim3A_96 = vector.broadcast %broadcast_in_dim3A_95 : f32 to vector<16xf32>
      %swap3A_97 = arith.index_cast %scan3A_61 : i32 to index
      %swap3A_98 = arith.constant 80 : index
      %swap3A_99 = tpu.vector_load %arg10[%swap3A_97, %swap3A_98] {strides = array<i32>} : memref<80x128xf32, #tpu.memory_space<vmem>>, vector<1x16xf32>,
      %swap3A_100 = vector.shape_cast %swap3A_99 : vector<1x16xf32> to vector<16xf32>
      %swap3A_101 = vector.shape_cast %broadcast_in_dim3A_96 : vector<16xf32> to vector<1x16xf32>
      tpu.vector_store %arg10[%swap3A_97, %swap3A_98], %swap3A_101 {strides = array<i32>} : memref<80x128xf32, #tpu.memory_space<vmem>>, vector<1x16xf32>,
      %broadcast_in_dim3A_102 = arith.constant 0.000000e+00 : f32
      %broadcast_in_dim3A_103 = vector.broadcast %broadcast_in_dim3A_102 : f32 to vector<16xf32>
      %swap3A_104 = arith.index_cast %scan3A_61 : i32 to index
      %swap3A_105 = arith.constant 96 : index
      %swap3A_106 = tpu.vector_load %arg10[%swap3A_104, %swap3A_105] {strides = array<i32>} : memref<80x128xf32, #tpu.memory_space<vmem>>, vector<1x16xf32>,
      %swap3A_107 = vector.shape_cast %swap3A_106 : vector<1x16xf32> to vector<16xf32>
      %swap3A_108 = vector.shape_cast %broadcast_in_dim3A_103 : vector<16xf32> to vector<1x16xf32>
      tpu.vector_store %arg10[%swap3A_104, %swap3A_105], %swap3A_108 {strides = array<i32>} : memref<80x128xf32, #tpu.memory_space<vmem>>, vector<1x16xf32>,
      %broadcast_in_dim3A_109 = arith.constant 0.000000e+00 : f32
      %broadcast_in_dim3A_110 = vector.broadcast %broadcast_in_dim3A_109 : f32 to vector<16xf32>
      %swap3A_111 = arith.index_cast %scan3A_61 : i32 to index
      %swap3A_112 = arith.constant 112 : index
      %swap3A_113 = tpu.vector_load %arg10[%swap3A_111, %swap3A_112] {strides = array<i32>} : memref<80x128xf32, #tpu.memory_space<vmem>>, vector<1x16xf32>,
      %swap3A_114 = vector.shape_cast %swap3A_113 : vector<1x16xf32> to vector<16xf32>
      %swap3A_115 = vector.shape_cast %broadcast_in_dim3A_110 : vector<16xf32> to vector<1x16xf32>
      tpu.vector_store %arg10[%swap3A_111, %swap3A_112], %swap3A_115 {strides = array<i32>} : memref<80x128xf32, #tpu.memory_space<vmem>>, vector<1x16xf32>,
    }
    %scan3A_4 = arith.constant 80 : i32
    %mul3A = arith.constant 624 : i32
    %mul3A_5 = arith.muli %arg1, %mul3A : i32
    %add3A = arith.constant 0 : i32
    %add3A_6 = arith.addi %mul3A_5, %add3A : i32
    "tpu.region"() ({
      %run_scoped3A = tpu.sem_alloc : memref<!tpu.dma_semaphore, #tpu.memory_space<semaphore_mem>>
      %dma_start3A_61 = arith.constant 0 : i32
      %dma_start3A_62 = arith.constant 0 : i32
      %dma_start3A_63 = tpu.memref_slice %arg10[%dma_start3A_61, %dma_start3A_62] : memref<80x128xf32, #tpu.memory_space<vmem>> -> memref<80x128xf32, #tpu.memory_space<vmem>>
      %dma_start3A_64 = arith.constant 0 : i32
      %dma_start3A_65 = tpu.memref_slice %arg16[%add3A_6, %dma_start3A_64] : memref<10000x128xf32, #tpu.memory_space<vmem_shared>> -> memref<80x128xf32, #tpu.memory_space<vmem_shared>>
      %dma_start3A_66 = arith.constant 0 : i32
      %dma_start3A_67 = tpu.memref_slice %arg16[%add3A_6, %dma_start3A_66] : memref<10000x128xf32, #tpu.memory_space<vmem_shared>> -> memref<80x128xf32, #tpu.memory_space<vmem_shared>>
      %dma_start3A_68 = arith.constant 0 : i32
      %dma_start3A_69 = arith.constant 0 : i32
      %dma_start3A_70 = tpu.memref_slice %arg10[%dma_start3A_68, %dma_start3A_69] : memref<80x128xf32, #tpu.memory_space<vmem>> -> memref<80x128xf32, #tpu.memory_space<vmem>>
      tpu.enqueue_dma source(%dma_start3A_70 : memref<80x128xf32, #tpu.memory_space<vmem>>) target(%dma_start3A_67 : memref<80x128xf32, #tpu.memory_space<vmem_shared>>) target_semaphore(%run_scoped3A : memref<!tpu.dma_semaphore, #tpu.memory_space<semaphore_mem>>)
      %dma_wait3A_71 = arith.constant 0 : i32
      %dma_wait3A_72 = arith.constant 0 : i32
      %dma_wait3A_73 = tpu.memref_slice %arg10[%dma_wait3A_71, %dma_wait3A_72] : memref<80x128xf32, #tpu.memory_space<vmem>> -> memref<80x128xf32, #tpu.memory_space<vmem>>
      %dma_wait3A_74 = arith.constant 0 : i32
      %dma_wait3A_75 = tpu.memref_slice %arg16[%add3A_6, %dma_wait3A_74] : memref<10000x128xf32, #tpu.memory_space<vmem_shared>> -> memref<80x128xf32, #tpu.memory_space<vmem_shared>>
      %dma_wait3A_76 = arith.constant 0 : i32
      %dma_wait3A_77 = tpu.memref_slice %arg16[%add3A_6, %dma_wait3A_76] : memref<10000x128xf32, #tpu.memory_space<vmem_shared>> -> memref<80x128xf32, #tpu.memory_space<vmem_shared>>
      %dma_wait3A_78 = arith.constant 0 : i32
      %dma_wait3A_79 = arith.constant 0 : i32
      %dma_wait3A_80 = tpu.memref_slice %arg10[%dma_wait3A_78, %dma_wait3A_79] : memref<80x128xf32, #tpu.memory_space<vmem>> -> memref<80x128xf32, #tpu.memory_space<vmem>>
      tpu.wait_dma2 semaphore(%run_scoped3A : memref<!tpu.dma_semaphore, #tpu.memory_space<semaphore_mem>>) src(%dma_wait3A_80 : memref<80x128xf32, #tpu.memory_space<vmem>>) dst(%dma_wait3A_77 : memref<80x128xf32, #tpu.memory_space<vmem_shared>>)
      tpu.yield
    }) : () -> ()
    %mul3A_7 = arith.constant 624 : i32
    %mul3A_8 = arith.muli %arg1, %mul3A_7 : i32
    %add3A_9 = arith.constant 80 : i32
    %add3A_10 = arith.addi %mul3A_8, %add3A_9 : i32
    "tpu.region"() ({
      %run_scoped3A = tpu.sem_alloc : memref<!tpu.dma_semaphore, #tpu.memory_space<semaphore_mem>>
      %dma_start3A_61 = arith.constant 0 : i32
      %dma_start3A_62 = arith.constant 0 : i32
      %dma_start3A_63 = tpu.memref_slice %arg10[%dma_start3A_61, %dma_start3A_62] : memref<80x128xf32, #tpu.memory_space<vmem>> -> memref<80x128xf32, #tpu.memory_space<vmem>>
      %dma_start3A_64 = arith.constant 0 : i32
      %dma_start3A_65 = tpu.memref_slice %arg16[%add3A_10, %dma_start3A_64] : memref<10000x128xf32, #tpu.memory_space<vmem_shared>> -> memref<80x128xf32, #tpu.memory_space<vmem_shared>>
      %dma_start3A_66 = arith.constant 0 : i32
      %dma_start3A_67 = tpu.memref_slice %arg16[%add3A_10, %dma_start3A_66] : memref<10000x128xf32, #tpu.memory_space<vmem_shared>> -> memref<80x128xf32, #tpu.memory_space<vmem_shared>>
      %dma_start3A_68 = arith.constant 0 : i32
      %dma_start3A_69 = arith.constant 0 : i32
      %dma_start3A_70 = tpu.memref_slice %arg10[%dma_start3A_68, %dma_start3A_69] : memref<80x128xf32, #tpu.memory_space<vmem>> -> memref<80x128xf32, #tpu.memory_space<vmem>>
      tpu.enqueue_dma source(%dma_start3A_70 : memref<80x128xf32, #tpu.memory_space<vmem>>) target(%dma_start3A_67 : memref<80x128xf32, #tpu.memory_space<vmem_shared>>) target_semaphore(%run_scoped3A : memref<!tpu.dma_semaphore, #tpu.memory_space<semaphore_mem>>)
      %dma_wait3A_71 = arith.constant 0 : i32
      %dma_wait3A_72 = arith.constant 0 : i32
      %dma_wait3A_73 = tpu.memref_slice %arg10[%dma_wait3A_71, %dma_wait3A_72] : memref<80x128xf32, #tpu.memory_space<vmem>> -> memref<80x128xf32, #tpu.memory_space<vmem>>
      %dma_wait3A_74 = arith.constant 0 : i32
      %dma_wait3A_75 = tpu.memref_slice %arg16[%add3A_10, %dma_wait3A_74] : memref<10000x128xf32, #tpu.memory_space<vmem_shared>> -> memref<80x128xf32, #tpu.memory_space<vmem_shared>>
      %dma_wait3A_76 = arith.constant 0 : i32
      %dma_wait3A_77 = tpu.memref_slice %arg16[%add3A_10, %dma_wait3A_76] : memref<10000x128xf32, #tpu.memory_space<vmem_shared>> -> memref<80x128xf32, #tpu.memory_space<vmem_shared>>
      %dma_wait3A_78 = arith.constant 0 : i32
      %dma_wait3A_79 = arith.constant 0 : i32
      %dma_wait3A_80 = tpu.memref_slice %arg10[%dma_wait3A_78, %dma_wait3A_79] : memref<80x128xf32, #tpu.memory_space<vmem>> -> memref<80x128xf32, #tpu.memory_space<vmem>>
      tpu.wait_dma2 semaphore(%run_scoped3A : memref<!tpu.dma_semaphore, #tpu.memory_space<semaphore_mem>>) src(%dma_wait3A_80 : memref<80x128xf32, #tpu.memory_space<vmem>>) dst(%dma_wait3A_77 : memref<80x128xf32, #tpu.memory_space<vmem_shared>>)
      tpu.yield
    }) : () -> ()
    %mul3A_11 = arith.constant 624 : i32
    %mul3A_12 = arith.muli %arg1, %mul3A_11 : i32
    %add3A_13 = arith.constant 160 : i32
    %add3A_14 = arith.addi %mul3A_12, %add3A_13 : i32
    "tpu.region"() ({
      %run_scoped3A = tpu.sem_alloc : memref<!tpu.dma_semaphore, #tpu.memory_space<semaphore_mem>>
      %dma_start3A_61 = arith.constant 0 : i32
      %dma_start3A_62 = arith.constant 0 : i32
      %dma_start3A_63 = tpu.memref_slice %arg10[%dma_start3A_61, %dma_start3A_62] : memref<80x128xf32, #tpu.memory_space<vmem>> -> memref<80x128xf32, #tpu.memory_space<vmem>>
      %dma_start3A_64 = arith.constant 0 : i32
      %dma_start3A_65 = tpu.memref_slice %arg16[%add3A_14, %dma_start3A_64] : memref<10000x128xf32, #tpu.memory_space<vmem_shared>> -> memref<80x128xf32, #tpu.memory_space<vmem_shared>>
      %dma_start3A_66 = arith.constant 0 : i32
      %dma_start3A_67 = tpu.memref_slice %arg16[%add3A_14, %dma_start3A_66] : memref<10000x128xf32, #tpu.memory_space<vmem_shared>> -> memref<80x128xf32, #tpu.memory_space<vmem_shared>>
      %dma_start3A_68 = arith.constant 0 : i32
      %dma_start3A_69 = arith.constant 0 : i32
      %dma_start3A_70 = tpu.memref_slice %arg10[%dma_start3A_68, %dma_start3A_69] : memref<80x128xf32, #tpu.memory_space<vmem>> -> memref<80x128xf32, #tpu.memory_space<vmem>>
      tpu.enqueue_dma source(%dma_start3A_70 : memref<80x128xf32, #tpu.memory_space<vmem>>) target(%dma_start3A_67 : memref<80x128xf32, #tpu.memory_space<vmem_shared>>) target_semaphore(%run_scoped3A : memref<!tpu.dma_semaphore, #tpu.memory_space<semaphore_mem>>)
      %dma_wait3A_71 = arith.constant 0 : i32
      %dma_wait3A_72 = arith.constant 0 : i32
      %dma_wait3A_73 = tpu.memref_slice %arg10[%dma_wait3A_71, %dma_wait3A_72] : memref<80x128xf32, #tpu.memory_space<vmem>> -> memref<80x128xf32, #tpu.memory_space<vmem>>
      %dma_wait3A_74 = arith.constant 0 : i32
      %dma_wait3A_75 = tpu.memref_slice %arg16[%add3A_14, %dma_wait3A_74] : memref<10000x128xf32, #tpu.memory_space<vmem_shared>> -> memref<80x128xf32, #tpu.memory_space<vmem_shared>>
      %dma_wait3A_76 = arith.constant 0 : i32
      %dma_wait3A_77 = tpu.memref_slice %arg16[%add3A_14, %dma_wait3A_76] : memref<10000x128xf32, #tpu.memory_space<vmem_shared>> -> memref<80x128xf32, #tpu.memory_space<vmem_shared>>
      %dma_wait3A_78 = arith.constant 0 : i32
      %dma_wait3A_79 = arith.constant 0 : i32
      %dma_wait3A_80 = tpu.memref_slice %arg10[%dma_wait3A_78, %dma_wait3A_79] : memref<80x128xf32, #tpu.memory_space<vmem>> -> memref<80x128xf32, #tpu.memory_space<vmem>>
      tpu.wait_dma2 semaphore(%run_scoped3A : memref<!tpu.dma_semaphore, #tpu.memory_space<semaphore_mem>>) src(%dma_wait3A_80 : memref<80x128xf32, #tpu.memory_space<vmem>>) dst(%dma_wait3A_77 : memref<80x128xf32, #tpu.memory_space<vmem_shared>>)
      tpu.yield
    }) : () -> ()
    %mul3A_15 = arith.constant 624 : i32
    %mul3A_16 = arith.muli %arg1, %mul3A_15 : i32
    %add3A_17 = arith.constant 240 : i32
    %add3A_18 = arith.addi %mul3A_16, %add3A_17 : i32
    "tpu.region"() ({
      %run_scoped3A = tpu.sem_alloc : memref<!tpu.dma_semaphore, #tpu.memory_space<semaphore_mem>>
      %dma_start3A_61 = arith.constant 0 : i32
      %dma_start3A_62 = arith.constant 0 : i32
      %dma_start3A_63 = tpu.memref_slice %arg10[%dma_start3A_61, %dma_start3A_62] : memref<80x128xf32, #tpu.memory_space<vmem>> -> memref<80x128xf32, #tpu.memory_space<vmem>>
      %dma_start3A_64 = arith.constant 0 : i32
      %dma_start3A_65 = tpu.memref_slice %arg16[%add3A_18, %dma_start3A_64] : memref<10000x128xf32, #tpu.memory_space<vmem_shared>> -> memref<80x128xf32, #tpu.memory_space<vmem_shared>>
      %dma_start3A_66 = arith.constant 0 : i32
      %dma_start3A_67 = tpu.memref_slice %arg16[%add3A_18, %dma_start3A_66] : memref<10000x128xf32, #tpu.memory_space<vmem_shared>> -> memref<80x128xf32, #tpu.memory_space<vmem_shared>>
      %dma_start3A_68 = arith.constant 0 : i32
      %dma_start3A_69 = arith.constant 0 : i32
      %dma_start3A_70 = tpu.memref_slice %arg10[%dma_start3A_68, %dma_start3A_69] : memref<80x128xf32, #tpu.memory_space<vmem>> -> memref<80x128xf32, #tpu.memory_space<vmem>>
      tpu.enqueue_dma source(%dma_start3A_70 : memref<80x128xf32, #tpu.memory_space<vmem>>) target(%dma_start3A_67 : memref<80x128xf32, #tpu.memory_space<vmem_shared>>) target_semaphore(%run_scoped3A : memref<!tpu.dma_semaphore, #tpu.memory_space<semaphore_mem>>)
      %dma_wait3A_71 = arith.constant 0 : i32
      %dma_wait3A_72 = arith.constant 0 : i32
      %dma_wait3A_73 = tpu.memref_slice %arg10[%dma_wait3A_71, %dma_wait3A_72] : memref<80x128xf32, #tpu.memory_space<vmem>> -> memref<80x128xf32, #tpu.memory_space<vmem>>
      %dma_wait3A_74 = arith.constant 0 : i32
      %dma_wait3A_75 = tpu.memref_slice %arg16[%add3A_18, %dma_wait3A_74] : memref<10000x128xf32, #tpu.memory_space<vmem_shared>> -> memref<80x128xf32, #tpu.memory_space<vmem_shared>>
      %dma_wait3A_76 = arith.constant 0 : i32
      %dma_wait3A_77 = tpu.memref_slice %arg16[%add3A_18, %dma_wait3A_76] : memref<10000x128xf32, #tpu.memory_space<vmem_shared>> -> memref<80x128xf32, #tpu.memory_space<vmem_shared>>
      %dma_wait3A_78 = arith.constant 0 : i32
      %dma_wait3A_79 = arith.constant 0 : i32
      %dma_wait3A_80 = tpu.memref_slice %arg10[%dma_wait3A_78, %dma_wait3A_79] : memref<80x128xf32, #tpu.memory_space<vmem>> -> memref<80x128xf32, #tpu.memory_space<vmem>>
      tpu.wait_dma2 semaphore(%run_scoped3A : memref<!tpu.dma_semaphore, #tpu.memory_space<semaphore_mem>>) src(%dma_wait3A_80 : memref<80x128xf32, #tpu.memory_space<vmem>>) dst(%dma_wait3A_77 : memref<80x128xf32, #tpu.memory_space<vmem_shared>>)
      tpu.yield
    }) : () -> ()
    %mul3A_19 = arith.constant 624 : i32
    %mul3A_20 = arith.muli %arg1, %mul3A_19 : i32
    %add3A_21 = arith.constant 320 : i32
    %add3A_22 = arith.addi %mul3A_20, %add3A_21 : i32
    "tpu.region"() ({
      %run_scoped3A = tpu.sem_alloc : memref<!tpu.dma_semaphore, #tpu.memory_space<semaphore_mem>>
      %dma_start3A_61 = arith.constant 0 : i32
      %dma_start3A_62 = arith.constant 0 : i32
      %dma_start3A_63 = tpu.memref_slice %arg10[%dma_start3A_61, %dma_start3A_62] : memref<80x128xf32, #tpu.memory_space<vmem>> -> memref<80x128xf32, #tpu.memory_space<vmem>>
      %dma_start3A_64 = arith.constant 0 : i32
      %dma_start3A_65 = tpu.memref_slice %arg16[%add3A_22, %dma_start3A_64] : memref<10000x128xf32, #tpu.memory_space<vmem_shared>> -> memref<80x128xf32, #tpu.memory_space<vmem_shared>>
      %dma_start3A_66 = arith.constant 0 : i32
      %dma_start3A_67 = tpu.memref_slice %arg16[%add3A_22, %dma_start3A_66] : memref<10000x128xf32, #tpu.memory_space<vmem_shared>> -> memref<80x128xf32, #tpu.memory_space<vmem_shared>>
      %dma_start3A_68 = arith.constant 0 : i32
      %dma_start3A_69 = arith.constant 0 : i32
      %dma_start3A_70 = tpu.memref_slice %arg10[%dma_start3A_68, %dma_start3A_69] : memref<80x128xf32, #tpu.memory_space<vmem>> -> memref<80x128xf32, #tpu.memory_space<vmem>>
      tpu.enqueue_dma source(%dma_start3A_70 : memref<80x128xf32, #tpu.memory_space<vmem>>) target(%dma_start3A_67 : memref<80x128xf32, #tpu.memory_space<vmem_shared>>) target_semaphore(%run_scoped3A : memref<!tpu.dma_semaphore, #tpu.memory_space<semaphore_mem>>)
      %dma_wait3A_71 = arith.constant 0 : i32
      %dma_wait3A_72 = arith.constant 0 : i32
      %dma_wait3A_73 = tpu.memref_slice %arg10[%dma_wait3A_71, %dma_wait3A_72] : memref<80x128xf32, #tpu.memory_space<vmem>> -> memref<80x128xf32, #tpu.memory_space<vmem>>
      %dma_wait3A_74 = arith.constant 0 : i32
      %dma_wait3A_75 = tpu.memref_slice %arg16[%add3A_22, %dma_wait3A_74] : memref<10000x128xf32, #tpu.memory_space<vmem_shared>> -> memref<80x128xf32, #tpu.memory_space<vmem_shared>>
      %dma_wait3A_76 = arith.constant 0 : i32
      %dma_wait3A_77 = tpu.memref_slice %arg16[%add3A_22, %dma_wait3A_76] : memref<10000x128xf32, #tpu.memory_space<vmem_shared>> -> memref<80x128xf32, #tpu.memory_space<vmem_shared>>
      %dma_wait3A_78 = arith.constant 0 : i32
      %dma_wait3A_79 = arith.constant 0 : i32
      %dma_wait3A_80 = tpu.memref_slice %arg10[%dma_wait3A_78, %dma_wait3A_79] : memref<80x128xf32, #tpu.memory_space<vmem>> -> memref<80x128xf32, #tpu.memory_space<vmem>>
      tpu.wait_dma2 semaphore(%run_scoped3A : memref<!tpu.dma_semaphore, #tpu.memory_space<semaphore_mem>>) src(%dma_wait3A_80 : memref<80x128xf32, #tpu.memory_space<vmem>>) dst(%dma_wait3A_77 : memref<80x128xf32, #tpu.memory_space<vmem_shared>>)
      tpu.yield
    }) : () -> ()
    %mul3A_23 = arith.constant 624 : i32
    %mul3A_24 = arith.muli %arg1, %mul3A_23 : i32
    %add3A_25 = arith.constant 400 : i32
    %add3A_26 = arith.addi %mul3A_24, %add3A_25 : i32
    "tpu.region"() ({
      %run_scoped3A = tpu.sem_alloc : memref<!tpu.dma_semaphore, #tpu.memory_space<semaphore_mem>>
      %dma_start3A_61 = arith.constant 0 : i32
      %dma_start3A_62 = arith.constant 0 : i32
      %dma_start3A_63 = tpu.memref_slice %arg10[%dma_start3A_61, %dma_start3A_62] : memref<80x128xf32, #tpu.memory_space<vmem>> -> memref<80x128xf32, #tpu.memory_space<vmem>>
      %dma_start3A_64 = arith.constant 0 : i32
      %dma_start3A_65 = tpu.memref_slice %arg16[%add3A_26, %dma_start3A_64] : memref<10000x128xf32, #tpu.memory_space<vmem_shared>> -> memref<80x128xf32, #tpu.memory_space<vmem_shared>>
      %dma_start3A_66 = arith.constant 0 : i32
      %dma_start3A_67 = tpu.memref_slice %arg16[%add3A_26, %dma_start3A_66] : memref<10000x128xf32, #tpu.memory_space<vmem_shared>> -> memref<80x128xf32, #tpu.memory_space<vmem_shared>>
      %dma_start3A_68 = arith.constant 0 : i32
      %dma_start3A_69 = arith.constant 0 : i32
      %dma_start3A_70 = tpu.memref_slice %arg10[%dma_start3A_68, %dma_start3A_69] : memref<80x128xf32, #tpu.memory_space<vmem>> -> memref<80x128xf32, #tpu.memory_space<vmem>>
      tpu.enqueue_dma source(%dma_start3A_70 : memref<80x128xf32, #tpu.memory_space<vmem>>) target(%dma_start3A_67 : memref<80x128xf32, #tpu.memory_space<vmem_shared>>) target_semaphore(%run_scoped3A : memref<!tpu.dma_semaphore, #tpu.memory_space<semaphore_mem>>)
      %dma_wait3A_71 = arith.constant 0 : i32
      %dma_wait3A_72 = arith.constant 0 : i32
      %dma_wait3A_73 = tpu.memref_slice %arg10[%dma_wait3A_71, %dma_wait3A_72] : memref<80x128xf32, #tpu.memory_space<vmem>> -> memref<80x128xf32, #tpu.memory_space<vmem>>
      %dma_wait3A_74 = arith.constant 0 : i32
      %dma_wait3A_75 = tpu.memref_slice %arg16[%add3A_26, %dma_wait3A_74] : memref<10000x128xf32, #tpu.memory_space<vmem_shared>> -> memref<80x128xf32, #tpu.memory_space<vmem_shared>>
      %dma_wait3A_76 = arith.constant 0 : i32
      %dma_wait3A_77 = tpu.memref_slice %arg16[%add3A_26, %dma_wait3A_76] : memref<10000x128xf32, #tpu.memory_space<vmem_shared>> -> memref<80x128xf32, #tpu.memory_space<vmem_shared>>
      %dma_wait3A_78 = arith.constant 0 : i32
      %dma_wait3A_79 = arith.constant 0 : i32
      %dma_wait3A_80 = tpu.memref_slice %arg10[%dma_wait3A_78, %dma_wait3A_79] : memref<80x128xf32, #tpu.memory_space<vmem>> -> memref<80x128xf32, #tpu.memory_space<vmem>>
      tpu.wait_dma2 semaphore(%run_scoped3A : memref<!tpu.dma_semaphore, #tpu.memory_space<semaphore_mem>>) src(%dma_wait3A_80 : memref<80x128xf32, #tpu.memory_space<vmem>>) dst(%dma_wait3A_77 : memref<80x128xf32, #tpu.memory_space<vmem_shared>>)
      tpu.yield
    }) : () -> ()
    %mul3A_27 = arith.constant 624 : i32
    %mul3A_28 = arith.muli %arg1, %mul3A_27 : i32
    %add3A_29 = arith.constant 480 : i32
    %add3A_30 = arith.addi %mul3A_28, %add3A_29 : i32
    "tpu.region"() ({
      %run_scoped3A = tpu.sem_alloc : memref<!tpu.dma_semaphore, #tpu.memory_space<semaphore_mem>>
      %dma_start3A_61 = arith.constant 0 : i32
      %dma_start3A_62 = arith.constant 0 : i32
      %dma_start3A_63 = tpu.memref_slice %arg10[%dma_start3A_61, %dma_start3A_62] : memref<80x128xf32, #tpu.memory_space<vmem>> -> memref<80x128xf32, #tpu.memory_space<vmem>>
      %dma_start3A_64 = arith.constant 0 : i32
      %dma_start3A_65 = tpu.memref_slice %arg16[%add3A_30, %dma_start3A_64] : memref<10000x128xf32, #tpu.memory_space<vmem_shared>> -> memref<80x128xf32, #tpu.memory_space<vmem_shared>>
      %dma_start3A_66 = arith.constant 0 : i32
      %dma_start3A_67 = tpu.memref_slice %arg16[%add3A_30, %dma_start3A_66] : memref<10000x128xf32, #tpu.memory_space<vmem_shared>> -> memref<80x128xf32, #tpu.memory_space<vmem_shared>>
      %dma_start3A_68 = arith.constant 0 : i32
      %dma_start3A_69 = arith.constant 0 : i32
      %dma_start3A_70 = tpu.memref_slice %arg10[%dma_start3A_68, %dma_start3A_69] : memref<80x128xf32, #tpu.memory_space<vmem>> -> memref<80x128xf32, #tpu.memory_space<vmem>>
      tpu.enqueue_dma source(%dma_start3A_70 : memref<80x128xf32, #tpu.memory_space<vmem>>) target(%dma_start3A_67 : memref<80x128xf32, #tpu.memory_space<vmem_shared>>) target_semaphore(%run_scoped3A : memref<!tpu.dma_semaphore, #tpu.memory_space<semaphore_mem>>)
      %dma_wait3A_71 = arith.constant 0 : i32
      %dma_wait3A_72 = arith.constant 0 : i32
      %dma_wait3A_73 = tpu.memref_slice %arg10[%dma_wait3A_71, %dma_wait3A_72] : memref<80x128xf32, #tpu.memory_space<vmem>> -> memref<80x128xf32, #tpu.memory_space<vmem>>
      %dma_wait3A_74 = arith.constant 0 : i32
      %dma_wait3A_75 = tpu.memref_slice %arg16[%add3A_30, %dma_wait3A_74] : memref<10000x128xf32, #tpu.memory_space<vmem_shared>> -> memref<80x128xf32, #tpu.memory_space<vmem_shared>>
      %dma_wait3A_76 = arith.constant 0 : i32
      %dma_wait3A_77 = tpu.memref_slice %arg16[%add3A_30, %dma_wait3A_76] : memref<10000x128xf32, #tpu.memory_space<vmem_shared>> -> memref<80x128xf32, #tpu.memory_space<vmem_shared>>
      %dma_wait3A_78 = arith.constant 0 : i32
      %dma_wait3A_79 = arith.constant 0 : i32
      %dma_wait3A_80 = tpu.memref_slice %arg10[%dma_wait3A_78, %dma_wait3A_79] : memref<80x128xf32, #tpu.memory_space<vmem>> -> memref<80x128xf32, #tpu.memory_space<vmem>>
      tpu.wait_dma2 semaphore(%run_scoped3A : memref<!tpu.dma_semaphore, #tpu.memory_space<semaphore_mem>>) src(%dma_wait3A_80 : memref<80x128xf32, #tpu.memory_space<vmem>>) dst(%dma_wait3A_77 : memref<80x128xf32, #tpu.memory_space<vmem_shared>>)
      tpu.yield
    }) : () -> ()
    %mul3A_31 = arith.constant 624 : i32
    %mul3A_32 = arith.muli %arg1, %mul3A_31 : i32
    %add3A_33 = arith.constant 560 : i32
    %add3A_34 = arith.addi %mul3A_32, %add3A_33 : i32
    "tpu.region"() ({
      %run_scoped3A = tpu.sem_alloc : memref<!tpu.dma_semaphore, #tpu.memory_space<semaphore_mem>>
      %dma_start3A_61 = arith.constant 0 : i32
      %dma_start3A_62 = arith.constant 0 : i32
      %dma_start3A_63 = tpu.memref_slice %arg10[%dma_start3A_61, %dma_start3A_62] : memref<80x128xf32, #tpu.memory_space<vmem>> -> memref<80x128xf32, #tpu.memory_space<vmem>>
      %dma_start3A_64 = arith.constant 0 : i32
      %dma_start3A_65 = tpu.memref_slice %arg16[%add3A_34, %dma_start3A_64] : memref<10000x128xf32, #tpu.memory_space<vmem_shared>> -> memref<80x128xf32, #tpu.memory_space<vmem_shared>>
      %dma_start3A_66 = arith.constant 0 : i32
      %dma_start3A_67 = tpu.memref_slice %arg16[%add3A_34, %dma_start3A_66] : memref<10000x128xf32, #tpu.memory_space<vmem_shared>> -> memref<80x128xf32, #tpu.memory_space<vmem_shared>>
      %dma_start3A_68 = arith.constant 0 : i32
      %dma_start3A_69 = arith.constant 0 : i32
      %dma_start3A_70 = tpu.memref_slice %arg10[%dma_start3A_68, %dma_start3A_69] : memref<80x128xf32, #tpu.memory_space<vmem>> -> memref<80x128xf32, #tpu.memory_space<vmem>>
      tpu.enqueue_dma source(%dma_start3A_70 : memref<80x128xf32, #tpu.memory_space<vmem>>) target(%dma_start3A_67 : memref<80x128xf32, #tpu.memory_space<vmem_shared>>) target_semaphore(%run_scoped3A : memref<!tpu.dma_semaphore, #tpu.memory_space<semaphore_mem>>)
      %dma_wait3A_71 = arith.constant 0 : i32
      %dma_wait3A_72 = arith.constant 0 : i32
      %dma_wait3A_73 = tpu.memref_slice %arg10[%dma_wait3A_71, %dma_wait3A_72] : memref<80x128xf32, #tpu.memory_space<vmem>> -> memref<80x128xf32, #tpu.memory_space<vmem>>
      %dma_wait3A_74 = arith.constant 0 : i32
      %dma_wait3A_75 = tpu.memref_slice %arg16[%add3A_34, %dma_wait3A_74] : memref<10000x128xf32, #tpu.memory_space<vmem_shared>> -> memref<80x128xf32, #tpu.memory_space<vmem_shared>>
      %dma_wait3A_76 = arith.constant 0 : i32
      %dma_wait3A_77 = tpu.memref_slice %arg16[%add3A_34, %dma_wait3A_76] : memref<10000x128xf32, #tpu.memory_space<vmem_shared>> -> memref<80x128xf32, #tpu.memory_space<vmem_shared>>
      %dma_wait3A_78 = arith.constant 0 : i32
      %dma_wait3A_79 = arith.constant 0 : i32
      %dma_wait3A_80 = tpu.memref_slice %arg10[%dma_wait3A_78, %dma_wait3A_79] : memref<80x128xf32, #tpu.memory_space<vmem>> -> memref<80x128xf32, #tpu.memory_space<vmem>>
      tpu.wait_dma2 semaphore(%run_scoped3A : memref<!tpu.dma_semaphore, #tpu.memory_space<semaphore_mem>>) src(%dma_wait3A_80 : memref<80x128xf32, #tpu.memory_space<vmem>>) dst(%dma_wait3A_77 : memref<80x128xf32, #tpu.memory_space<vmem_shared>>)
      tpu.yield
    }) : () -> ()
    %barrier3A = arith.constant 0 : index
    tpu.barrier barrier_id(%barrier3A)
    %mul3A_35 = arith.constant 16 : i32
    %mul3A_36 = arith.muli %arg0, %mul3A_35 : i32
    %add3A_37 = arith.addi %mul3A_36, %arg1 : i32
    %mul3A_38 = arith.constant 10000 : i32
    %mul3A_39 = arith.muli %add3A_37, %mul3A_38 : i32
    %scan3A_40 = arith.constant 0 : i32
    %scan3A_41 = arith.constant 0 : i32
    %scan3A_42 = arith.constant 62 : i32
    %scan3A_43 = arith.addi %scan3A_41, %scan3A_42 : i32
    %scan3A_44 = arith.constant 1 : i32
    scf.for %scan3A_61 = %scan3A_41 to %scan3A_43 step %scan3A_44  : i32 {
      %mul3A_62 = arith.constant 2 : i32
      %mul3A_63 = arith.muli %mul3A_62, %scan3A_61 : i32
      %gt3A = arith.constant 0 : i32
      %gt3A_64 = arith.cmpi sgt, %scan3A_61, %gt3A : i32
      %convert_element_type3A = arith.extui %gt3A_64 : i1 to i32
      %cond3A = arith.constant 0 : i32
      %cond3A_65 = arith.cmpi ne, %convert_element_type3A, %cond3A : i32
      scf.if %cond3A_65 {
        %dma_wait3A_97 = arith.constant 0 : i32
        %dma_wait3A_98 = arith.constant 0 : i32
        %dma_wait3A_99 = tpu.memref_slice %arg16[%dma_wait3A_97, %dma_wait3A_98] : memref<10000x128xf32, #tpu.memory_space<vmem_shared>> -> memref<10000x128xf32, #tpu.memory_space<vmem_shared>>
        tpu.wait_indirect_dma semaphore(%arg14 : memref<!tpu.dma_semaphore, #tpu.memory_space<semaphore_mem>>) src(%arg10 : memref<80x128xf32, #tpu.memory_space<vmem>>) dst(%dma_wait3A_99 : memref<10000x128xf32, #tpu.memory_space<vmem_shared>>)
      } else {
      }
      %mul3A_66 = arith.constant 80 : i32
      %mul3A_67 = arith.muli %mul3A_63, %mul3A_66 : i32
      %add3A_68 = arith.addi %mul3A_39, %mul3A_67 : i32
      "tpu.region"() ({
        %run_scoped3A = tpu.sem_alloc : memref<!tpu.dma_semaphore, #tpu.memory_space<semaphore_mem>>
        %dma_start3A_97 = tpu.memref_slice %arg3[%add3A_68] : memref<320000xi32, #tpu.memory_space<hbm>> -> memref<80xi32, #tpu.memory_space<hbm>>
        %dma_start3A_98 = tpu.memref_slice %arg3[%add3A_68] : memref<320000xi32, #tpu.memory_space<hbm>> -> memref<80xi32, #tpu.memory_space<hbm>>
        tpu.enqueue_dma source(%dma_start3A_98 : memref<80xi32, #tpu.memory_space<hbm>>) target(%arg6 : memref<80xi32, #tpu.memory_space<vmem>>) target_semaphore(%run_scoped3A : memref<!tpu.dma_semaphore, #tpu.memory_space<semaphore_mem>>)
        %dma_wait3A_99 = tpu.memref_slice %arg3[%add3A_68] : memref<320000xi32, #tpu.memory_space<hbm>> -> memref<80xi32, #tpu.memory_space<hbm>>
        %dma_wait3A_100 = tpu.memref_slice %arg3[%add3A_68] : memref<320000xi32, #tpu.memory_space<hbm>> -> memref<80xi32, #tpu.memory_space<hbm>>
        tpu.wait_dma2 semaphore(%run_scoped3A : memref<!tpu.dma_semaphore, #tpu.memory_space<semaphore_mem>>) src(%dma_wait3A_100 : memref<80xi32, #tpu.memory_space<hbm>>) dst(%arg6 : memref<80xi32, #tpu.memory_space<vmem>>)
        tpu.yield
      }) : () -> ()
      "tpu.region"() ({
        %run_scoped3A = tpu.sem_alloc : memref<!tpu.dma_semaphore, #tpu.memory_space<semaphore_mem>>
        %dma_start3A_97 = tpu.memref_slice %arg4[%add3A_68] : memref<320000xi32, #tpu.memory_space<hbm>> -> memref<80xi32, #tpu.memory_space<hbm>>
        %dma_start3A_98 = tpu.memref_slice %arg4[%add3A_68] : memref<320000xi32, #tpu.memory_space<hbm>> -> memref<80xi32, #tpu.memory_space<hbm>>
        tpu.enqueue_dma source(%dma_start3A_98 : memref<80xi32, #tpu.memory_space<hbm>>) target(%arg7 : memref<80xi32, #tpu.memory_space<vmem>>) target_semaphore(%run_scoped3A : memref<!tpu.dma_semaphore, #tpu.memory_space<semaphore_mem>>)
        %dma_wait3A_99 = tpu.memref_slice %arg4[%add3A_68] : memref<320000xi32, #tpu.memory_space<hbm>> -> memref<80xi32, #tpu.memory_space<hbm>>
        %dma_wait3A_100 = tpu.memref_slice %arg4[%add3A_68] : memref<320000xi32, #tpu.memory_space<hbm>> -> memref<80xi32, #tpu.memory_space<hbm>>
        tpu.wait_dma2 semaphore(%run_scoped3A : memref<!tpu.dma_semaphore, #tpu.memory_space<semaphore_mem>>) src(%dma_wait3A_100 : memref<80xi32, #tpu.memory_space<hbm>>) dst(%arg7 : memref<80xi32, #tpu.memory_space<vmem>>)
        tpu.yield
      }) : () -> ()
      %dma_start3A_69 = arith.constant 0 : i32
      %dma_start3A_70 = arith.constant 0 : i32
      %dma_start3A_71 = tpu.memref_slice %arg2[%dma_start3A_69, %dma_start3A_70] : memref<10000x128xf32, #tpu.memory_space<hbm>> -> memref<10000x128xf32, #tpu.memory_space<hbm>>
      tpu.enqueue_indirect_dma source(%dma_start3A_71 : memref<10000x128xf32, #tpu.memory_space<hbm>>) target(%arg10 : memref<80x128xf32, #tpu.memory_space<vmem>>) offsets(%arg6 : memref<80xi32, #tpu.memory_space<vmem>>) semaphore(%arg12 : memref<!tpu.dma_semaphore, #tpu.memory_space<semaphore_mem>>)
      %gt3A_72 = arith.constant 0 : i32
      %gt3A_73 = arith.cmpi sgt, %scan3A_61, %gt3A_72 : i32
      %convert_element_type3A_74 = arith.extui %gt3A_73 : i1 to i32
      %cond3A_75 = arith.constant 0 : i32
      %cond3A_76 = arith.cmpi ne, %convert_element_type3A_74, %cond3A_75 : i32
      scf.if %cond3A_76 {
        %dma_wait3A_97 = arith.constant 0 : i32
        %dma_wait3A_98 = arith.constant 0 : i32
        %dma_wait3A_99 = tpu.memref_slice %arg16[%dma_wait3A_97, %dma_wait3A_98] : memref<10000x128xf32, #tpu.memory_space<vmem_shared>> -> memref<10000x128xf32, #tpu.memory_space<vmem_shared>>
        tpu.wait_indirect_dma semaphore(%arg15 : memref<!tpu.dma_semaphore, #tpu.memory_space<semaphore_mem>>) src(%arg11 : memref<80x128xf32, #tpu.memory_space<vmem>>) dst(%dma_wait3A_99 : memref<10000x128xf32, #tpu.memory_space<vmem_shared>>)
      } else {
      }
      %add3A_77 = arith.constant 1 : i32
      %add3A_78 = arith.addi %mul3A_63, %add3A_77 : i32
      %mul3A_79 = arith.constant 80 : i32
      %mul3A_80 = arith.muli %add3A_78, %mul3A_79 : i32
      %add3A_81 = arith.addi %mul3A_39, %mul3A_80 : i32
      "tpu.region"() ({
        %run_scoped3A = tpu.sem_alloc : memref<!tpu.dma_semaphore, #tpu.memory_space<semaphore_mem>>
        %dma_start3A_97 = tpu.memref_slice %arg3[%add3A_81] : memref<320000xi32, #tpu.memory_space<hbm>> -> memref<80xi32, #tpu.memory_space<hbm>>
        %dma_start3A_98 = tpu.memref_slice %arg3[%add3A_81] : memref<320000xi32, #tpu.memory_space<hbm>> -> memref<80xi32, #tpu.memory_space<hbm>>
        tpu.enqueue_dma source(%dma_start3A_98 : memref<80xi32, #tpu.memory_space<hbm>>) target(%arg8 : memref<80xi32, #tpu.memory_space<vmem>>) target_semaphore(%run_scoped3A : memref<!tpu.dma_semaphore, #tpu.memory_space<semaphore_mem>>)
        %dma_wait3A_99 = tpu.memref_slice %arg3[%add3A_81] : memref<320000xi32, #tpu.memory_space<hbm>> -> memref<80xi32, #tpu.memory_space<hbm>>
        %dma_wait3A_100 = tpu.memref_slice %arg3[%add3A_81] : memref<320000xi32, #tpu.memory_space<hbm>> -> memref<80xi32, #tpu.memory_space<hbm>>
        tpu.wait_dma2 semaphore(%run_scoped3A : memref<!tpu.dma_semaphore, #tpu.memory_space<semaphore_mem>>) src(%dma_wait3A_100 : memref<80xi32, #tpu.memory_space<hbm>>) dst(%arg8 : memref<80xi32, #tpu.memory_space<vmem>>)
        tpu.yield
      }) : () -> ()
      "tpu.region"() ({
        %run_scoped3A = tpu.sem_alloc : memref<!tpu.dma_semaphore, #tpu.memory_space<semaphore_mem>>
        %dma_start3A_97 = tpu.memref_slice %arg4[%add3A_81] : memref<320000xi32, #tpu.memory_space<hbm>> -> memref<80xi32, #tpu.memory_space<hbm>>
        %dma_start3A_98 = tpu.memref_slice %arg4[%add3A_81] : memref<320000xi32, #tpu.memory_space<hbm>> -> memref<80xi32, #tpu.memory_space<hbm>>
        tpu.enqueue_dma source(%dma_start3A_98 : memref<80xi32, #tpu.memory_space<hbm>>) target(%arg9 : memref<80xi32, #tpu.memory_space<vmem>>) target_semaphore(%run_scoped3A : memref<!tpu.dma_semaphore, #tpu.memory_space<semaphore_mem>>)
        %dma_wait3A_99 = tpu.memref_slice %arg4[%add3A_81] : memref<320000xi32, #tpu.memory_space<hbm>> -> memref<80xi32, #tpu.memory_space<hbm>>
        %dma_wait3A_100 = tpu.memref_slice %arg4[%add3A_81] : memref<320000xi32, #tpu.memory_space<hbm>> -> memref<80xi32, #tpu.memory_space<hbm>>
        tpu.wait_dma2 semaphore(%run_scoped3A : memref<!tpu.dma_semaphore, #tpu.memory_space<semaphore_mem>>) src(%dma_wait3A_100 : memref<80xi32, #tpu.memory_space<hbm>>) dst(%arg9 : memref<80xi32, #tpu.memory_space<vmem>>)
        tpu.yield
      }) : () -> ()
      %dma_start3A_82 = arith.constant 0 : i32
      %dma_start3A_83 = arith.constant 0 : i32
      %dma_start3A_84 = tpu.memref_slice %arg2[%dma_start3A_82, %dma_start3A_83] : memref<10000x128xf32, #tpu.memory_space<hbm>> -> memref<10000x128xf32, #tpu.memory_space<hbm>>
      tpu.enqueue_indirect_dma source(%dma_start3A_84 : memref<10000x128xf32, #tpu.memory_space<hbm>>) target(%arg11 : memref<80x128xf32, #tpu.memory_space<vmem>>) offsets(%arg8 : memref<80xi32, #tpu.memory_space<vmem>>) semaphore(%arg13 : memref<!tpu.dma_semaphore, #tpu.memory_space<semaphore_mem>>)
      %dma_wait3A_85 = arith.constant 0 : i32
      %dma_wait3A_86 = arith.constant 0 : i32
      %dma_wait3A_87 = tpu.memref_slice %arg2[%dma_wait3A_85, %dma_wait3A_86] : memref<10000x128xf32, #tpu.memory_space<hbm>> -> memref<10000x128xf32, #tpu.memory_space<hbm>>
      tpu.wait_indirect_dma semaphore(%arg12 : memref<!tpu.dma_semaphore, #tpu.memory_space<semaphore_mem>>) src(%dma_wait3A_87 : memref<10000x128xf32, #tpu.memory_space<hbm>>) dst(%arg10 : memref<80x128xf32, #tpu.memory_space<vmem>>)
      %dma_start3A_88 = arith.constant 0 : i32
      %dma_start3A_89 = arith.constant 0 : i32
      %dma_start3A_90 = tpu.memref_slice %arg16[%dma_start3A_88, %dma_start3A_89] : memref<10000x128xf32, #tpu.memory_space<vmem_shared>> -> memref<10000x128xf32, #tpu.memory_space<vmem_shared>>
      tpu.enqueue_indirect_dma source(%arg10 : memref<80x128xf32, #tpu.memory_space<vmem>>) target(%dma_start3A_90 : memref<10000x128xf32, #tpu.memory_space<vmem_shared>>) offsets(%arg7 : memref<80xi32, #tpu.memory_space<vmem>>) semaphore(%arg14 : memref<!tpu.dma_semaphore, #tpu.memory_space<semaphore_mem>>) {add = true}
      %dma_wait3A_91 = arith.constant 0 : i32
      %dma_wait3A_92 = arith.constant 0 : i32
      %dma_wait3A_93 = tpu.memref_slice %arg2[%dma_wait3A_91, %dma_wait3A_92] : memref<10000x128xf32, #tpu.memory_space<hbm>> -> memref<10000x128xf32, #tpu.memory_space<hbm>>
      tpu.wait_indirect_dma semaphore(%arg13 : memref<!tpu.dma_semaphore, #tpu.memory_space<semaphore_mem>>) src(%dma_wait3A_93 : memref<10000x128xf32, #tpu.memory_space<hbm>>) dst(%arg11 : memref<80x128xf32, #tpu.memory_space<vmem>>)
      %dma_start3A_94 = arith.constant 0 : i32
      %dma_start3A_95 = arith.constant 0 : i32
      %dma_start3A_96 = tpu.memref_slice %arg16[%dma_start3A_94, %dma_start3A_95] : memref<10000x128xf32, #tpu.memory_space<vmem_shared>> -> memref<10000x128xf32, #tpu.memory_space<vmem_shared>>
      tpu.enqueue_indirect_dma source(%arg11 : memref<80x128xf32, #tpu.memory_space<vmem>>) target(%dma_start3A_96 : memref<10000x128xf32, #tpu.memory_space<vmem_shared>>) offsets(%arg9 : memref<80xi32, #tpu.memory_space<vmem>>) semaphore(%arg15 : memref<!tpu.dma_semaphore, #tpu.memory_space<semaphore_mem>>) {add = true}
    }
    %scan3A_45 = arith.constant 62 : i32
    %dma_wait3A = arith.constant 0 : i32
    %dma_wait3A_46 = arith.constant 0 : i32
    %dma_wait3A_47 = tpu.memref_slice %arg16[%dma_wait3A, %dma_wait3A_46] : memref<10000x128xf32, #tpu.memory_space<vmem_shared>> -> memref<10000x128xf32, #tpu.memory_space<vmem_shared>>
    tpu.wait_indirect_dma semaphore(%arg14 : memref<!tpu.dma_semaphore, #tpu.memory_space<semaphore_mem>>) src(%arg10 : memref<80x128xf32, #tpu.memory_space<vmem>>) dst(%dma_wait3A_47 : memref<10000x128xf32, #tpu.memory_space<vmem_shared>>)
    %dma_wait3A_48 = arith.constant 0 : i32
    %dma_wait3A_49 = arith.constant 0 : i32
    %dma_wait3A_50 = tpu.memref_slice %arg16[%dma_wait3A_48, %dma_wait3A_49] : memref<10000x128xf32, #tpu.memory_space<vmem_shared>> -> memref<10000x128xf32, #tpu.memory_space<vmem_shared>>
    tpu.wait_indirect_dma semaphore(%arg15 : memref<!tpu.dma_semaphore, #tpu.memory_space<semaphore_mem>>) src(%arg11 : memref<80x128xf32, #tpu.memory_space<vmem>>) dst(%dma_wait3A_50 : memref<10000x128xf32, #tpu.memory_space<vmem_shared>>)
    %add3A_51 = arith.constant 9920 : i32
    %add3A_52 = arith.addi %mul3A_39, %add3A_51 : i32
    "tpu.region"() ({
      %run_scoped3A = tpu.sem_alloc : memref<!tpu.dma_semaphore, #tpu.memory_space<semaphore_mem>>
      %dma_start3A_61 = tpu.memref_slice %arg3[%add3A_52] : memref<320000xi32, #tpu.memory_space<hbm>> -> memref<80xi32, #tpu.memory_space<hbm>>
      %dma_start3A_62 = tpu.memref_slice %arg3[%add3A_52] : memref<320000xi32, #tpu.memory_space<hbm>> -> memref<80xi32, #tpu.memory_space<hbm>>
      tpu.enqueue_dma source(%dma_start3A_62 : memref<80xi32, #tpu.memory_space<hbm>>) target(%arg6 : memref<80xi32, #tpu.memory_space<vmem>>) target_semaphore(%run_scoped3A : memref<!tpu.dma_semaphore, #tpu.memory_space<semaphore_mem>>)
      %dma_wait3A_63 = tpu.memref_slice %arg3[%add3A_52] : memref<320000xi32, #tpu.memory_space<hbm>> -> memref<80xi32, #tpu.memory_space<hbm>>
      %dma_wait3A_64 = tpu.memref_slice %arg3[%add3A_52] : memref<320000xi32, #tpu.memory_space<hbm>> -> memref<80xi32, #tpu.memory_space<hbm>>
      tpu.wait_dma2 semaphore(%run_scoped3A : memref<!tpu.dma_semaphore, #tpu.memory_space<semaphore_mem>>) src(%dma_wait3A_64 : memref<80xi32, #tpu.memory_space<hbm>>) dst(%arg6 : memref<80xi32, #tpu.memory_space<vmem>>)
      tpu.yield
    }) : () -> ()
    "tpu.region"() ({
      %run_scoped3A = tpu.sem_alloc : memref<!tpu.dma_semaphore, #tpu.memory_space<semaphore_mem>>
      %dma_start3A_61 = tpu.memref_slice %arg4[%add3A_52] : memref<320000xi32, #tpu.memory_space<hbm>> -> memref<80xi32, #tpu.memory_space<hbm>>
      %dma_start3A_62 = tpu.memref_slice %arg4[%add3A_52] : memref<320000xi32, #tpu.memory_space<hbm>> -> memref<80xi32, #tpu.memory_space<hbm>>
      tpu.enqueue_dma source(%dma_start3A_62 : memref<80xi32, #tpu.memory_space<hbm>>) target(%arg7 : memref<80xi32, #tpu.memory_space<vmem>>) target_semaphore(%run_scoped3A : memref<!tpu.dma_semaphore, #tpu.memory_space<semaphore_mem>>)
      %dma_wait3A_63 = tpu.memref_slice %arg4[%add3A_52] : memref<320000xi32, #tpu.memory_space<hbm>> -> memref<80xi32, #tpu.memory_space<hbm>>
      %dma_wait3A_64 = tpu.memref_slice %arg4[%add3A_52] : memref<320000xi32, #tpu.memory_space<hbm>> -> memref<80xi32, #tpu.memory_space<hbm>>
      tpu.wait_dma2 semaphore(%run_scoped3A : memref<!tpu.dma_semaphore, #tpu.memory_space<semaphore_mem>>) src(%dma_wait3A_64 : memref<80xi32, #tpu.memory_space<hbm>>) dst(%arg7 : memref<80xi32, #tpu.memory_space<vmem>>)
      tpu.yield
    }) : () -> ()
    %dma_start3A = arith.constant 0 : i32
    %dma_start3A_53 = arith.constant 0 : i32
    %dma_start3A_54 = tpu.memref_slice %arg2[%dma_start3A, %dma_start3A_53] : memref<10000x128xf32, #tpu.memory_space<hbm>> -> memref<10000x128xf32, #tpu.memory_space<hbm>>
    tpu.enqueue_indirect_dma source(%dma_start3A_54 : memref<10000x128xf32, #tpu.memory_space<hbm>>) target(%arg10 : memref<80x128xf32, #tpu.memory_space<vmem>>) offsets(%arg6 : memref<80xi32, #tpu.memory_space<vmem>>) semaphore(%arg12 : memref<!tpu.dma_semaphore, #tpu.memory_space<semaphore_mem>>)
    %dma_wait3A_55 = arith.constant 0 : i32
    %dma_wait3A_56 = arith.constant 0 : i32
    %dma_wait3A_57 = tpu.memref_slice %arg2[%dma_wait3A_55, %dma_wait3A_56] : memref<10000x128xf32, #tpu.memory_space<hbm>> -> memref<10000x128xf32, #tpu.memory_space<hbm>>
    tpu.wait_indirect_dma semaphore(%arg12 : memref<!tpu.dma_semaphore, #tpu.memory_space<semaphore_mem>>) src(%dma_wait3A_57 : memref<10000x128xf32, #tpu.memory_space<hbm>>) dst(%arg10 : memref<80x128xf32, #tpu.memory_space<vmem>>)
    "tpu.region"() ({
      %run_scoped3A = tpu.sem_alloc : memref<!tpu.dma_semaphore, #tpu.memory_space<semaphore_mem>>
      %dma_start3A_61 = arith.constant 0 : i32
      %dma_start3A_62 = arith.constant 0 : i32
      %dma_start3A_63 = tpu.memref_slice %arg16[%dma_start3A_61, %dma_start3A_62] : memref<10000x128xf32, #tpu.memory_space<vmem_shared>> -> memref<10000x128xf32, #tpu.memory_space<vmem_shared>>
      tpu.enqueue_indirect_dma source(%arg10 : memref<80x128xf32, #tpu.memory_space<vmem>>) target(%dma_start3A_63 : memref<10000x128xf32, #tpu.memory_space<vmem_shared>>) offsets(%arg7 : memref<80xi32, #tpu.memory_space<vmem>>) semaphore(%run_scoped3A : memref<!tpu.dma_semaphore, #tpu.memory_space<semaphore_mem>>) {add = true}
      %dma_wait3A_64 = arith.constant 0 : i32
      %dma_wait3A_65 = arith.constant 0 : i32
      %dma_wait3A_66 = tpu.memref_slice %arg16[%dma_wait3A_64, %dma_wait3A_65] : memref<10000x128xf32, #tpu.memory_space<vmem_shared>> -> memref<10000x128xf32, #tpu.memory_space<vmem_shared>>
      tpu.wait_indirect_dma semaphore(%run_scoped3A : memref<!tpu.dma_semaphore, #tpu.memory_space<semaphore_mem>>) src(%arg10 : memref<80x128xf32, #tpu.memory_space<vmem>>) dst(%dma_wait3A_66 : memref<10000x128xf32, #tpu.memory_space<vmem_shared>>)
      tpu.yield
    }) : () -> ()
    %barrier3A_58 = arith.constant 0 : index
    tpu.barrier barrier_id(%barrier3A_58)
    %mul3A_59 = arith.constant 624 : i32
    %mul3A_60 = arith.muli %arg1, %mul3A_59 : i32
    "tpu.region"() ({
      %run_scoped3A = tpu.sem_alloc : memref<!tpu.dma_semaphore, #tpu.memory_space<semaphore_mem>>
      %dma_start3A_61 = arith.constant 0 : i32
      %dma_start3A_62 = tpu.memref_slice %arg5[%arg0, %mul3A_60, %dma_start3A_61] : memref<2x10000x128xf32, #tpu.memory_space<hbm>> -> memref<1x640x128xf32, #tpu.memory_space<hbm>>
      %dma_start3A_63 = tpu.memref_squeeze %dma_start3A_62 : memref<1x640x128xf32, #tpu.memory_space<hbm>> -> memref<640x128xf32, #tpu.memory_space<hbm>>
      %dma_start3A_64 = arith.constant 0 : i32
      %dma_start3A_65 = tpu.memref_slice %arg16[%mul3A_60, %dma_start3A_64] : memref<10000x128xf32, #tpu.memory_space<vmem_shared>> -> memref<640x128xf32, #tpu.memory_space<vmem_shared>>
      tpu.enqueue_dma source(%dma_start3A_65 : memref<640x128xf32, #tpu.memory_space<vmem_shared>>) target(%dma_start3A_63 : memref<640x128xf32, #tpu.memory_space<hbm>>) target_semaphore(%run_scoped3A : memref<!tpu.dma_semaphore, #tpu.memory_space<semaphore_mem>>)
      %dma_wait3A_66 = arith.constant 0 : i32
      %dma_wait3A_67 = tpu.memref_slice %arg5[%arg0, %mul3A_60, %dma_wait3A_66] : memref<2x10000x128xf32, #tpu.memory_space<hbm>> -> memref<1x640x128xf32, #tpu.memory_space<hbm>>
      %dma_wait3A_68 = tpu.memref_squeeze %dma_wait3A_67 : memref<1x640x128xf32, #tpu.memory_space<hbm>> -> memref<640x128xf32, #tpu.memory_space<hbm>>
      %dma_wait3A_69 = arith.constant 0 : i32
      %dma_wait3A_70 = tpu.memref_slice %arg16[%mul3A_60, %dma_wait3A_69] : memref<10000x128xf32, #tpu.memory_space<vmem_shared>> -> memref<640x128xf32, #tpu.memory_space<vmem_shared>>
      tpu.wait_dma2 semaphore(%run_scoped3A : memref<!tpu.dma_semaphore, #tpu.memory_space<semaphore_mem>>) src(%dma_wait3A_70 : memref<640x128xf32, #tpu.memory_space<vmem_shared>>) dst(%dma_wait3A_68 : memref<640x128xf32, #tpu.memory_space<hbm>>)
      tpu.yield
    }) : () -> ()
    return
  }
}

#map = affine_map<(d0, d1) -> (0, 0)>
#map1 = affine_map<(d0, d1) -> (0)>
#map2 = affine_map<(d0, d1) -> (0, 0, 0)>
module attributes {stable_mosaic.version = 14 : i64} {
  func.func @_spmm_body(%arg0: i32, %arg1: i32, %arg2: memref<10000x128xf32, #tpu.memory_space<hbm>>, %arg3: memref<320000xi32, #tpu.memory_space<hbm>>, %arg4: memref<320000xi32, #tpu.memory_space<hbm>>, %arg5: memref<2x10000x128xf32, #tpu.memory_space<hbm>>, %arg6: memref<80xi32, #tpu.memory_space<vmem>>, %arg7: memref<80xi32, #tpu.memory_space<vmem>>, %arg8: memref<80xi32, #tpu.memory_space<vmem>>, %arg9: memref<80xi32, #tpu.memory_space<vmem>>, %arg10: memref<80x128xf32, #tpu.memory_space<vmem>>, %arg11: memref<80x128xf32, #tpu.memory_space<vmem>>, %arg12: memref<!tpu.dma_semaphore, #tpu.memory_space<semaphore_mem>>, %arg13: memref<!tpu.dma_semaphore, #tpu.memory_space<semaphore_mem>>, %arg14: memref<!tpu.dma_semaphore, #tpu.memory_space<semaphore_mem>>, %arg15: memref<!tpu.dma_semaphore, #tpu.memory_space<semaphore_mem>>, %arg16: memref<10000x128xf32, #tpu.memory_space<vmem_shared>>) attributes {dimension_semantics = [#tpu.dimension_semantics<core_parallel>, #tpu.dimension_semantics<subcore_parallel>], iteration_bounds = array<i64: 2, 16>, scalar_prefetch = 0 : i64, scratch_operands = 11 : i64, tpu.core_type = #tpu.core_type<sc_vector_subcore>, window_params = [{transform_indices = #map}, {transform_indices = #map1}, {transform_indices = #map1}, {transform_indices = #map2}]} {
    %scan3A = arith.constant 0 : i32
    %scan3A_0 = arith.constant 0 : i32
    %scan3A_1 = arith.constant 80 : i32
    %scan3A_2 = arith.addi %scan3A_0, %scan3A_1 : i32
    %scan3A_3 = arith.constant 1 : i32
    scf.for %scan3A_61 = %scan3A_0 to %scan3A_2 step %scan3A_3  : i32 {
      %broadcast_in_dim3A = arith.constant 0.000000e+00 : f32
      %broadcast_in_dim3A_62 = vector.broadcast %broadcast_in_dim3A : f32 to vector<16xf32>
      %swap3A = arith.index_cast %scan3A_61 : i32 to index
      %swap3A_63 = arith.constant 0 : index
      %swap3A_64 = tpu.vector_load %arg10[%swap3A, %swap3A_63] {strides = array<i32>} : memref<80x128xf32, #tpu.memory_space<vmem>>, vector<1x16xf32>,
      %swap3A_65 = vector.shape_cast %swap3A_64 : vector<1x16xf32> to vector<16xf32>
      %swap3A_66 = vector.shape_cast %broadcast_in_dim3A_62 : vector<16xf32> to vector<1x16xf32>
      tpu.vector_store %arg10[%swap3A, %swap3A_63], %swap3A_66 {strides = array<i32>} : memref<80x128xf32, #tpu.memory_space<vmem>>, vector<1x16xf32>,
      %broadcast_in_dim3A_67 = arith.constant 0.000000e+00 : f32
      %broadcast_in_dim3A_68 = vector.broadcast %broadcast_in_dim3A_67 : f32 to vector<16xf32>
      %swap3A_69 = arith.index_cast %scan3A_61 : i32 to index
      %swap3A_70 = arith.constant 16 : index
      %swap3A_71 = tpu.vector_load %arg10[%swap3A_69, %swap3A_70] {strides = array<i32>} : memref<80x128xf32, #tpu.memory_space<vmem>>, vector<1x16xf32>,
      %swap3A_72 = vector.shape_cast %swap3A_71 : vector<1x16xf32> to vector<16xf32>
      %swap3A_73 = vector.shape_cast %broadcast_in_dim3A_68 : vector<16xf32> to vector<1x16xf32>
      tpu.vector_store %arg10[%swap3A_69, %swap3A_70], %swap3A_73 {strides = array<i32>} : memref<80x128xf32, #tpu.memory_space<vmem>>, vector<1x16xf32>,
      %broadcast_in_dim3A_74 = arith.constant 0.000000e+00 : f32
      %broadcast_in_dim3A_75 = vector.broadcast %broadcast_in_dim3A_74 : f32 to vector<16xf32>
      %swap3A_76 = arith.index_cast %scan3A_61 : i32 to index
      %swap3A_77 = arith.constant 32 : index
      %swap3A_78 = tpu.vector_load %arg10[%swap3A_76, %swap3A_77] {strides = array<i32>} : memref<80x128xf32, #tpu.memory_space<vmem>>, vector<1x16xf32>,
      %swap3A_79 = vector.shape_cast %swap3A_78 : vector<1x16xf32> to vector<16xf32>
      %swap3A_80 = vector.shape_cast %broadcast_in_dim3A_75 : vector<16xf32> to vector<1x16xf32>
      tpu.vector_store %arg10[%swap3A_76, %swap3A_77], %swap3A_80 {strides = array<i32>} : memref<80x128xf32, #tpu.memory_space<vmem>>, vector<1x16xf32>,
      %broadcast_in_dim3A_81 = arith.constant 0.000000e+00 : f32
      %broadcast_in_dim3A_82 = vector.broadcast %broadcast_in_dim3A_81 : f32 to vector<16xf32>
      %swap3A_83 = arith.index_cast %scan3A_61 : i32 to index
      %swap3A_84 = arith.constant 48 : index
      %swap3A_85 = tpu.vector_load %arg10[%swap3A_83, %swap3A_84] {strides = array<i32>} : memref<80x128xf32, #tpu.memory_space<vmem>>, vector<1x16xf32>,
      %swap3A_86 = vector.shape_cast %swap3A_85 : vector<1x16xf32> to vector<16xf32>
      %swap3A_87 = vector.shape_cast %broadcast_in_dim3A_82 : vector<16xf32> to vector<1x16xf32>
      tpu.vector_store %arg10[%swap3A_83, %swap3A_84], %swap3A_87 {strides = array<i32>} : memref<80x128xf32, #tpu.memory_space<vmem>>, vector<1x16xf32>,
      %broadcast_in_dim3A_88 = arith.constant 0.000000e+00 : f32
      %broadcast_in_dim3A_89 = vector.broadcast %broadcast_in_dim3A_88 : f32 to vector<16xf32>
      %swap3A_90 = arith.index_cast %scan3A_61 : i32 to index
      %swap3A_91 = arith.constant 64 : index
      %swap3A_92 = tpu.vector_load %arg10[%swap3A_90, %swap3A_91] {strides = array<i32>} : memref<80x128xf32, #tpu.memory_space<vmem>>, vector<1x16xf32>,
      %swap3A_93 = vector.shape_cast %swap3A_92 : vector<1x16xf32> to vector<16xf32>
      %swap3A_94 = vector.shape_cast %broadcast_in_dim3A_89 : vector<16xf32> to vector<1x16xf32>
      tpu.vector_store %arg10[%swap3A_90, %swap3A_91], %swap3A_94 {strides = array<i32>} : memref<80x128xf32, #tpu.memory_space<vmem>>, vector<1x16xf32>,
      %broadcast_in_dim3A_95 = arith.constant 0.000000e+00 : f32
      %broadcast_in_dim3A_96 = vector.broadcast %broadcast_in_dim3A_95 : f32 to vector<16xf32>
      %swap3A_97 = arith.index_cast %scan3A_61 : i32 to index
      %swap3A_98 = arith.constant 80 : index
      %swap3A_99 = tpu.vector_load %arg10[%swap3A_97, %swap3A_98] {strides = array<i32>} : memref<80x128xf32, #tpu.memory_space<vmem>>, vector<1x16xf32>,
      %swap3A_100 = vector.shape_cast %swap3A_99 : vector<1x16xf32> to vector<16xf32>
      %swap3A_101 = vector.shape_cast %broadcast_in_dim3A_96 : vector<16xf32> to vector<1x16xf32>
      tpu.vector_store %arg10[%swap3A_97, %swap3A_98], %swap3A_101 {strides = array<i32>} : memref<80x128xf32, #tpu.memory_space<vmem>>, vector<1x16xf32>,
      %broadcast_in_dim3A_102 = arith.constant 0.000000e+00 : f32
      %broadcast_in_dim3A_103 = vector.broadcast %broadcast_in_dim3A_102 : f32 to vector<16xf32>
      %swap3A_104 = arith.index_cast %scan3A_61 : i32 to index
      %swap3A_105 = arith.constant 96 : index
      %swap3A_106 = tpu.vector_load %arg10[%swap3A_104, %swap3A_105] {strides = array<i32>} : memref<80x128xf32, #tpu.memory_space<vmem>>, vector<1x16xf32>,
      %swap3A_107 = vector.shape_cast %swap3A_106 : vector<1x16xf32> to vector<16xf32>
      %swap3A_108 = vector.shape_cast %broadcast_in_dim3A_103 : vector<16xf32> to vector<1x16xf32>
      tpu.vector_store %arg10[%swap3A_104, %swap3A_105], %swap3A_108 {strides = array<i32>} : memref<80x128xf32, #tpu.memory_space<vmem>>, vector<1x16xf32>,
      %broadcast_in_dim3A_109 = arith.constant 0.000000e+00 : f32
      %broadcast_in_dim3A_110 = vector.broadcast %broadcast_in_dim3A_109 : f32 to vector<16xf32>
      %swap3A_111 = arith.index_cast %scan3A_61 : i32 to index
      %swap3A_112 = arith.constant 112 : index
      %swap3A_113 = tpu.vector_load %arg10[%swap3A_111, %swap3A_112] {strides = array<i32>} : memref<80x128xf32, #tpu.memory_space<vmem>>, vector<1x16xf32>,
      %swap3A_114 = vector.shape_cast %swap3A_113 : vector<1x16xf32> to vector<16xf32>
      %swap3A_115 = vector.shape_cast %broadcast_in_dim3A_110 : vector<16xf32> to vector<1x16xf32>
      tpu.vector_store %arg10[%swap3A_111, %swap3A_112], %swap3A_115 {strides = array<i32>} : memref<80x128xf32, #tpu.memory_space<vmem>>, vector<1x16xf32>,
    }
    %scan3A_4 = arith.constant 80 : i32
    %mul3A = arith.constant 624 : i32
    %mul3A_5 = arith.muli %arg1, %mul3A : i32
    %add3A = arith.constant 0 : i32
    %add3A_6 = arith.addi %mul3A_5, %add3A : i32
    "tpu.region"() ({
      %run_scoped3A = tpu.sem_alloc : memref<!tpu.dma_semaphore, #tpu.memory_space<semaphore_mem>>
      %dma_start3A_61 = arith.constant 0 : i32
      %dma_start3A_62 = arith.constant 0 : i32
      %dma_start3A_63 = tpu.memref_slice %arg10[%dma_start3A_61, %dma_start3A_62] : memref<80x128xf32, #tpu.memory_space<vmem>> -> memref<80x128xf32, #tpu.memory_space<vmem>>
      %dma_start3A_64 = arith.constant 0 : i32
      %dma_start3A_65 = tpu.memref_slice %arg16[%add3A_6, %dma_start3A_64] : memref<10000x128xf32, #tpu.memory_space<vmem_shared>> -> memref<80x128xf32, #tpu.memory_space<vmem_shared>>
      %dma_start3A_66 = arith.constant 0 : i32
      %dma_start3A_67 = tpu.memref_slice %arg16[%add3A_6, %dma_start3A_66] : memref<10000x128xf32, #tpu.memory_space<vmem_shared>> -> memref<80x128xf32, #tpu.memory_space<vmem_shared>>
      %dma_start3A_68 = arith.constant 0 : i32
      %dma_start3A_69 = arith.constant 0 : i32
      %dma_start3A_70 = tpu.memref_slice %arg10[%dma_start3A_68, %dma_start3A_69] : memref<80x128xf32, #tpu.memory_space<vmem>> -> memref<80x128xf32, #tpu.memory_space<vmem>>
      tpu.enqueue_dma source(%dma_start3A_70 : memref<80x128xf32, #tpu.memory_space<vmem>>) target(%dma_start3A_67 : memref<80x128xf32, #tpu.memory_space<vmem_shared>>) target_semaphore(%run_scoped3A : memref<!tpu.dma_semaphore, #tpu.memory_space<semaphore_mem>>)
      %dma_wait3A_71 = arith.constant 0 : i32
      %dma_wait3A_72 = arith.constant 0 : i32
      %dma_wait3A_73 = tpu.memref_slice %arg10[%dma_wait3A_71, %dma_wait3A_72] : memref<80x128xf32, #tpu.memory_space<vmem>> -> memref<80x128xf32, #tpu.memory_space<vmem>>
      %dma_wait3A_74 = arith.constant 0 : i32
      %dma_wait3A_75 = tpu.memref_slice %arg16[%add3A_6, %dma_wait3A_74] : memref<10000x128xf32, #tpu.memory_space<vmem_shared>> -> memref<80x128xf32, #tpu.memory_space<vmem_shared>>
      %dma_wait3A_76 = arith.constant 0 : i32
      %dma_wait3A_77 = tpu.memref_slice %arg16[%add3A_6, %dma_wait3A_76] : memref<10000x128xf32, #tpu.memory_space<vmem_shared>> -> memref<80x128xf32, #tpu.memory_space<vmem_shared>>
      %dma_wait3A_78 = arith.constant 0 : i32
      %dma_wait3A_79 = arith.constant 0 : i32
      %dma_wait3A_80 = tpu.memref_slice %arg10[%dma_wait3A_78, %dma_wait3A_79] : memref<80x128xf32, #tpu.memory_space<vmem>> -> memref<80x128xf32, #tpu.memory_space<vmem>>
      tpu.wait_dma2 semaphore(%run_scoped3A : memref<!tpu.dma_semaphore, #tpu.memory_space<semaphore_mem>>) src(%dma_wait3A_80 : memref<80x128xf32, #tpu.memory_space<vmem>>) dst(%dma_wait3A_77 : memref<80x128xf32, #tpu.memory_space<vmem_shared>>)
      tpu.yield
    }) : () -> ()
    %mul3A_7 = arith.constant 624 : i32
    %mul3A_8 = arith.muli %arg1, %mul3A_7 : i32
    %add3A_9 = arith.constant 80 : i32
    %add3A_10 = arith.addi %mul3A_8, %add3A_9 : i32
    "tpu.region"() ({
      %run_scoped3A = tpu.sem_alloc : memref<!tpu.dma_semaphore, #tpu.memory_space<semaphore_mem>>
      %dma_start3A_61 = arith.constant 0 : i32
      %dma_start3A_62 = arith.constant 0 : i32
      %dma_start3A_63 = tpu.memref_slice %arg10[%dma_start3A_61, %dma_start3A_62] : memref<80x128xf32, #tpu.memory_space<vmem>> -> memref<80x128xf32, #tpu.memory_space<vmem>>
      %dma_start3A_64 = arith.constant 0 : i32
      %dma_start3A_65 = tpu.memref_slice %arg16[%add3A_10, %dma_start3A_64] : memref<10000x128xf32, #tpu.memory_space<vmem_shared>> -> memref<80x128xf32, #tpu.memory_space<vmem_shared>>
      %dma_start3A_66 = arith.constant 0 : i32
      %dma_start3A_67 = tpu.memref_slice %arg16[%add3A_10, %dma_start3A_66] : memref<10000x128xf32, #tpu.memory_space<vmem_shared>> -> memref<80x128xf32, #tpu.memory_space<vmem_shared>>
      %dma_start3A_68 = arith.constant 0 : i32
      %dma_start3A_69 = arith.constant 0 : i32
      %dma_start3A_70 = tpu.memref_slice %arg10[%dma_start3A_68, %dma_start3A_69] : memref<80x128xf32, #tpu.memory_space<vmem>> -> memref<80x128xf32, #tpu.memory_space<vmem>>
      tpu.enqueue_dma source(%dma_start3A_70 : memref<80x128xf32, #tpu.memory_space<vmem>>) target(%dma_start3A_67 : memref<80x128xf32, #tpu.memory_space<vmem_shared>>) target_semaphore(%run_scoped3A : memref<!tpu.dma_semaphore, #tpu.memory_space<semaphore_mem>>)
      %dma_wait3A_71 = arith.constant 0 : i32
      %dma_wait3A_72 = arith.constant 0 : i32
      %dma_wait3A_73 = tpu.memref_slice %arg10[%dma_wait3A_71, %dma_wait3A_72] : memref<80x128xf32, #tpu.memory_space<vmem>> -> memref<80x128xf32, #tpu.memory_space<vmem>>
      %dma_wait3A_74 = arith.constant 0 : i32
      %dma_wait3A_75 = tpu.memref_slice %arg16[%add3A_10, %dma_wait3A_74] : memref<10000x128xf32, #tpu.memory_space<vmem_shared>> -> memref<80x128xf32, #tpu.memory_space<vmem_shared>>
      %dma_wait3A_76 = arith.constant 0 : i32
      %dma_wait3A_77 = tpu.memref_slice %arg16[%add3A_10, %dma_wait3A_76] : memref<10000x128xf32, #tpu.memory_space<vmem_shared>> -> memref<80x128xf32, #tpu.memory_space<vmem_shared>>
      %dma_wait3A_78 = arith.constant 0 : i32
      %dma_wait3A_79 = arith.constant 0 : i32
      %dma_wait3A_80 = tpu.memref_slice %arg10[%dma_wait3A_78, %dma_wait3A_79] : memref<80x128xf32, #tpu.memory_space<vmem>> -> memref<80x128xf32, #tpu.memory_space<vmem>>
      tpu.wait_dma2 semaphore(%run_scoped3A : memref<!tpu.dma_semaphore, #tpu.memory_space<semaphore_mem>>) src(%dma_wait3A_80 : memref<80x128xf32, #tpu.memory_space<vmem>>) dst(%dma_wait3A_77 : memref<80x128xf32, #tpu.memory_space<vmem_shared>>)
      tpu.yield
    }) : () -> ()
    %mul3A_11 = arith.constant 624 : i32
    %mul3A_12 = arith.muli %arg1, %mul3A_11 : i32
    %add3A_13 = arith.constant 160 : i32
    %add3A_14 = arith.addi %mul3A_12, %add3A_13 : i32
    "tpu.region"() ({
      %run_scoped3A = tpu.sem_alloc : memref<!tpu.dma_semaphore, #tpu.memory_space<semaphore_mem>>
      %dma_start3A_61 = arith.constant 0 : i32
      %dma_start3A_62 = arith.constant 0 : i32
      %dma_start3A_63 = tpu.memref_slice %arg10[%dma_start3A_61, %dma_start3A_62] : memref<80x128xf32, #tpu.memory_space<vmem>> -> memref<80x128xf32, #tpu.memory_space<vmem>>
      %dma_start3A_64 = arith.constant 0 : i32
      %dma_start3A_65 = tpu.memref_slice %arg16[%add3A_14, %dma_start3A_64] : memref<10000x128xf32, #tpu.memory_space<vmem_shared>> -> memref<80x128xf32, #tpu.memory_space<vmem_shared>>
      %dma_start3A_66 = arith.constant 0 : i32
      %dma_start3A_67 = tpu.memref_slice %arg16[%add3A_14, %dma_start3A_66] : memref<10000x128xf32, #tpu.memory_space<vmem_shared>> -> memref<80x128xf32, #tpu.memory_space<vmem_shared>>
      %dma_start3A_68 = arith.constant 0 : i32
      %dma_start3A_69 = arith.constant 0 : i32
      %dma_start3A_70 = tpu.memref_slice %arg10[%dma_start3A_68, %dma_start3A_69] : memref<80x128xf32, #tpu.memory_space<vmem>> -> memref<80x128xf32, #tpu.memory_space<vmem>>
      tpu.enqueue_dma source(%dma_start3A_70 : memref<80x128xf32, #tpu.memory_space<vmem>>) target(%dma_start3A_67 : memref<80x128xf32, #tpu.memory_space<vmem_shared>>) target_semaphore(%run_scoped3A : memref<!tpu.dma_semaphore, #tpu.memory_space<semaphore_mem>>)
      %dma_wait3A_71 = arith.constant 0 : i32
      %dma_wait3A_72 = arith.constant 0 : i32
      %dma_wait3A_73 = tpu.memref_slice %arg10[%dma_wait3A_71, %dma_wait3A_72] : memref<80x128xf32, #tpu.memory_space<vmem>> -> memref<80x128xf32, #tpu.memory_space<vmem>>
      %dma_wait3A_74 = arith.constant 0 : i32
      %dma_wait3A_75 = tpu.memref_slice %arg16[%add3A_14, %dma_wait3A_74] : memref<10000x128xf32, #tpu.memory_space<vmem_shared>> -> memref<80x128xf32, #tpu.memory_space<vmem_shared>>
      %dma_wait3A_76 = arith.constant 0 : i32
      %dma_wait3A_77 = tpu.memref_slice %arg16[%add3A_14, %dma_wait3A_76] : memref<10000x128xf32, #tpu.memory_space<vmem_shared>> -> memref<80x128xf32, #tpu.memory_space<vmem_shared>>
      %dma_wait3A_78 = arith.constant 0 : i32
      %dma_wait3A_79 = arith.constant 0 : i32
      %dma_wait3A_80 = tpu.memref_slice %arg10[%dma_wait3A_78, %dma_wait3A_79] : memref<80x128xf32, #tpu.memory_space<vmem>> -> memref<80x128xf32, #tpu.memory_space<vmem>>
      tpu.wait_dma2 semaphore(%run_scoped3A : memref<!tpu.dma_semaphore, #tpu.memory_space<semaphore_mem>>) src(%dma_wait3A_80 : memref<80x128xf32, #tpu.memory_space<vmem>>) dst(%dma_wait3A_77 : memref<80x128xf32, #tpu.memory_space<vmem_shared>>)
      tpu.yield
    }) : () -> ()
    %mul3A_15 = arith.constant 624 : i32
    %mul3A_16 = arith.muli %arg1, %mul3A_15 : i32
    %add3A_17 = arith.constant 240 : i32
    %add3A_18 = arith.addi %mul3A_16, %add3A_17 : i32
    "tpu.region"() ({
      %run_scoped3A = tpu.sem_alloc : memref<!tpu.dma_semaphore, #tpu.memory_space<semaphore_mem>>
      %dma_start3A_61 = arith.constant 0 : i32
      %dma_start3A_62 = arith.constant 0 : i32
      %dma_start3A_63 = tpu.memref_slice %arg10[%dma_start3A_61, %dma_start3A_62] : memref<80x128xf32, #tpu.memory_space<vmem>> -> memref<80x128xf32, #tpu.memory_space<vmem>>
      %dma_start3A_64 = arith.constant 0 : i32
      %dma_start3A_65 = tpu.memref_slice %arg16[%add3A_18, %dma_start3A_64] : memref<10000x128xf32, #tpu.memory_space<vmem_shared>> -> memref<80x128xf32, #tpu.memory_space<vmem_shared>>
      %dma_start3A_66 = arith.constant 0 : i32
      %dma_start3A_67 = tpu.memref_slice %arg16[%add3A_18, %dma_start3A_66] : memref<10000x128xf32, #tpu.memory_space<vmem_shared>> -> memref<80x128xf32, #tpu.memory_space<vmem_shared>>
      %dma_start3A_68 = arith.constant 0 : i32
      %dma_start3A_69 = arith.constant 0 : i32
      %dma_start3A_70 = tpu.memref_slice %arg10[%dma_start3A_68, %dma_start3A_69] : memref<80x128xf32, #tpu.memory_space<vmem>> -> memref<80x128xf32, #tpu.memory_space<vmem>>
      tpu.enqueue_dma source(%dma_start3A_70 : memref<80x128xf32, #tpu.memory_space<vmem>>) target(%dma_start3A_67 : memref<80x128xf32, #tpu.memory_space<vmem_shared>>) target_semaphore(%run_scoped3A : memref<!tpu.dma_semaphore, #tpu.memory_space<semaphore_mem>>)
      %dma_wait3A_71 = arith.constant 0 : i32
      %dma_wait3A_72 = arith.constant 0 : i32
      %dma_wait3A_73 = tpu.memref_slice %arg10[%dma_wait3A_71, %dma_wait3A_72] : memref<80x128xf32, #tpu.memory_space<vmem>> -> memref<80x128xf32, #tpu.memory_space<vmem>>
      %dma_wait3A_74 = arith.constant 0 : i32
      %dma_wait3A_75 = tpu.memref_slice %arg16[%add3A_18, %dma_wait3A_74] : memref<10000x128xf32, #tpu.memory_space<vmem_shared>> -> memref<80x128xf32, #tpu.memory_space<vmem_shared>>
      %dma_wait3A_76 = arith.constant 0 : i32
      %dma_wait3A_77 = tpu.memref_slice %arg16[%add3A_18, %dma_wait3A_76] : memref<10000x128xf32, #tpu.memory_space<vmem_shared>> -> memref<80x128xf32, #tpu.memory_space<vmem_shared>>
      %dma_wait3A_78 = arith.constant 0 : i32
      %dma_wait3A_79 = arith.constant 0 : i32
      %dma_wait3A_80 = tpu.memref_slice %arg10[%dma_wait3A_78, %dma_wait3A_79] : memref<80x128xf32, #tpu.memory_space<vmem>> -> memref<80x128xf32, #tpu.memory_space<vmem>>
      tpu.wait_dma2 semaphore(%run_scoped3A : memref<!tpu.dma_semaphore, #tpu.memory_space<semaphore_mem>>) src(%dma_wait3A_80 : memref<80x128xf32, #tpu.memory_space<vmem>>) dst(%dma_wait3A_77 : memref<80x128xf32, #tpu.memory_space<vmem_shared>>)
      tpu.yield
    }) : () -> ()
    %mul3A_19 = arith.constant 624 : i32
    %mul3A_20 = arith.muli %arg1, %mul3A_19 : i32
    %add3A_21 = arith.constant 320 : i32
    %add3A_22 = arith.addi %mul3A_20, %add3A_21 : i32
    "tpu.region"() ({
      %run_scoped3A = tpu.sem_alloc : memref<!tpu.dma_semaphore, #tpu.memory_space<semaphore_mem>>
      %dma_start3A_61 = arith.constant 0 : i32
      %dma_start3A_62 = arith.constant 0 : i32
      %dma_start3A_63 = tpu.memref_slice %arg10[%dma_start3A_61, %dma_start3A_62] : memref<80x128xf32, #tpu.memory_space<vmem>> -> memref<80x128xf32, #tpu.memory_space<vmem>>
      %dma_start3A_64 = arith.constant 0 : i32
      %dma_start3A_65 = tpu.memref_slice %arg16[%add3A_22, %dma_start3A_64] : memref<10000x128xf32, #tpu.memory_space<vmem_shared>> -> memref<80x128xf32, #tpu.memory_space<vmem_shared>>
      %dma_start3A_66 = arith.constant 0 : i32
      %dma_start3A_67 = tpu.memref_slice %arg16[%add3A_22, %dma_start3A_66] : memref<10000x128xf32, #tpu.memory_space<vmem_shared>> -> memref<80x128xf32, #tpu.memory_space<vmem_shared>>
      %dma_start3A_68 = arith.constant 0 : i32
      %dma_start3A_69 = arith.constant 0 : i32
      %dma_start3A_70 = tpu.memref_slice %arg10[%dma_start3A_68, %dma_start3A_69] : memref<80x128xf32, #tpu.memory_space<vmem>> -> memref<80x128xf32, #tpu.memory_space<vmem>>
      tpu.enqueue_dma source(%dma_start3A_70 : memref<80x128xf32, #tpu.memory_space<vmem>>) target(%dma_start3A_67 : memref<80x128xf32, #tpu.memory_space<vmem_shared>>) target_semaphore(%run_scoped3A : memref<!tpu.dma_semaphore, #tpu.memory_space<semaphore_mem>>)
      %dma_wait3A_71 = arith.constant 0 : i32
      %dma_wait3A_72 = arith.constant 0 : i32
      %dma_wait3A_73 = tpu.memref_slice %arg10[%dma_wait3A_71, %dma_wait3A_72] : memref<80x128xf32, #tpu.memory_space<vmem>> -> memref<80x128xf32, #tpu.memory_space<vmem>>
      %dma_wait3A_74 = arith.constant 0 : i32
      %dma_wait3A_75 = tpu.memref_slice %arg16[%add3A_22, %dma_wait3A_74] : memref<10000x128xf32, #tpu.memory_space<vmem_shared>> -> memref<80x128xf32, #tpu.memory_space<vmem_shared>>
      %dma_wait3A_76 = arith.constant 0 : i32
      %dma_wait3A_77 = tpu.memref_slice %arg16[%add3A_22, %dma_wait3A_76] : memref<10000x128xf32, #tpu.memory_space<vmem_shared>> -> memref<80x128xf32, #tpu.memory_space<vmem_shared>>
      %dma_wait3A_78 = arith.constant 0 : i32
      %dma_wait3A_79 = arith.constant 0 : i32
      %dma_wait3A_80 = tpu.memref_slice %arg10[%dma_wait3A_78, %dma_wait3A_79] : memref<80x128xf32, #tpu.memory_space<vmem>> -> memref<80x128xf32, #tpu.memory_space<vmem>>
      tpu.wait_dma2 semaphore(%run_scoped3A : memref<!tpu.dma_semaphore, #tpu.memory_space<semaphore_mem>>) src(%dma_wait3A_80 : memref<80x128xf32, #tpu.memory_space<vmem>>) dst(%dma_wait3A_77 : memref<80x128xf32, #tpu.memory_space<vmem_shared>>)
      tpu.yield
    }) : () -> ()
    %mul3A_23 = arith.constant 624 : i32
    %mul3A_24 = arith.muli %arg1, %mul3A_23 : i32
    %add3A_25 = arith.constant 400 : i32
    %add3A_26 = arith.addi %mul3A_24, %add3A_25 : i32
    "tpu.region"() ({
      %run_scoped3A = tpu.sem_alloc : memref<!tpu.dma_semaphore, #tpu.memory_space<semaphore_mem>>
      %dma_start3A_61 = arith.constant 0 : i32
      %dma_start3A_62 = arith.constant 0 : i32
      %dma_start3A_63 = tpu.memref_slice %arg10[%dma_start3A_61, %dma_start3A_62] : memref<80x128xf32, #tpu.memory_space<vmem>> -> memref<80x128xf32, #tpu.memory_space<vmem>>
      %dma_start3A_64 = arith.constant 0 : i32
      %dma_start3A_65 = tpu.memref_slice %arg16[%add3A_26, %dma_start3A_64] : memref<10000x128xf32, #tpu.memory_space<vmem_shared>> -> memref<80x128xf32, #tpu.memory_space<vmem_shared>>
      %dma_start3A_66 = arith.constant 0 : i32
      %dma_start3A_67 = tpu.memref_slice %arg16[%add3A_26, %dma_start3A_66] : memref<10000x128xf32, #tpu.memory_space<vmem_shared>> -> memref<80x128xf32, #tpu.memory_space<vmem_shared>>
      %dma_start3A_68 = arith.constant 0 : i32
      %dma_start3A_69 = arith.constant 0 : i32
      %dma_start3A_70 = tpu.memref_slice %arg10[%dma_start3A_68, %dma_start3A_69] : memref<80x128xf32, #tpu.memory_space<vmem>> -> memref<80x128xf32, #tpu.memory_space<vmem>>
      tpu.enqueue_dma source(%dma_start3A_70 : memref<80x128xf32, #tpu.memory_space<vmem>>) target(%dma_start3A_67 : memref<80x128xf32, #tpu.memory_space<vmem_shared>>) target_semaphore(%run_scoped3A : memref<!tpu.dma_semaphore, #tpu.memory_space<semaphore_mem>>)
      %dma_wait3A_71 = arith.constant 0 : i32
      %dma_wait3A_72 = arith.constant 0 : i32
      %dma_wait3A_73 = tpu.memref_slice %arg10[%dma_wait3A_71, %dma_wait3A_72] : memref<80x128xf32, #tpu.memory_space<vmem>> -> memref<80x128xf32, #tpu.memory_space<vmem>>
      %dma_wait3A_74 = arith.constant 0 : i32
      %dma_wait3A_75 = tpu.memref_slice %arg16[%add3A_26, %dma_wait3A_74] : memref<10000x128xf32, #tpu.memory_space<vmem_shared>> -> memref<80x128xf32, #tpu.memory_space<vmem_shared>>
      %dma_wait3A_76 = arith.constant 0 : i32
      %dma_wait3A_77 = tpu.memref_slice %arg16[%add3A_26, %dma_wait3A_76] : memref<10000x128xf32, #tpu.memory_space<vmem_shared>> -> memref<80x128xf32, #tpu.memory_space<vmem_shared>>
      %dma_wait3A_78 = arith.constant 0 : i32
      %dma_wait3A_79 = arith.constant 0 : i32
      %dma_wait3A_80 = tpu.memref_slice %arg10[%dma_wait3A_78, %dma_wait3A_79] : memref<80x128xf32, #tpu.memory_space<vmem>> -> memref<80x128xf32, #tpu.memory_space<vmem>>
      tpu.wait_dma2 semaphore(%run_scoped3A : memref<!tpu.dma_semaphore, #tpu.memory_space<semaphore_mem>>) src(%dma_wait3A_80 : memref<80x128xf32, #tpu.memory_space<vmem>>) dst(%dma_wait3A_77 : memref<80x128xf32, #tpu.memory_space<vmem_shared>>)
      tpu.yield
    }) : () -> ()
    %mul3A_27 = arith.constant 624 : i32
    %mul3A_28 = arith.muli %arg1, %mul3A_27 : i32
    %add3A_29 = arith.constant 480 : i32
    %add3A_30 = arith.addi %mul3A_28, %add3A_29 : i32
    "tpu.region"() ({
      %run_scoped3A = tpu.sem_alloc : memref<!tpu.dma_semaphore, #tpu.memory_space<semaphore_mem>>
      %dma_start3A_61 = arith.constant 0 : i32
      %dma_start3A_62 = arith.constant 0 : i32
      %dma_start3A_63 = tpu.memref_slice %arg10[%dma_start3A_61, %dma_start3A_62] : memref<80x128xf32, #tpu.memory_space<vmem>> -> memref<80x128xf32, #tpu.memory_space<vmem>>
      %dma_start3A_64 = arith.constant 0 : i32
      %dma_start3A_65 = tpu.memref_slice %arg16[%add3A_30, %dma_start3A_64] : memref<10000x128xf32, #tpu.memory_space<vmem_shared>> -> memref<80x128xf32, #tpu.memory_space<vmem_shared>>
      %dma_start3A_66 = arith.constant 0 : i32
      %dma_start3A_67 = tpu.memref_slice %arg16[%add3A_30, %dma_start3A_66] : memref<10000x128xf32, #tpu.memory_space<vmem_shared>> -> memref<80x128xf32, #tpu.memory_space<vmem_shared>>
      %dma_start3A_68 = arith.constant 0 : i32
      %dma_start3A_69 = arith.constant 0 : i32
      %dma_start3A_70 = tpu.memref_slice %arg10[%dma_start3A_68, %dma_start3A_69] : memref<80x128xf32, #tpu.memory_space<vmem>> -> memref<80x128xf32, #tpu.memory_space<vmem>>
      tpu.enqueue_dma source(%dma_start3A_70 : memref<80x128xf32, #tpu.memory_space<vmem>>) target(%dma_start3A_67 : memref<80x128xf32, #tpu.memory_space<vmem_shared>>) target_semaphore(%run_scoped3A : memref<!tpu.dma_semaphore, #tpu.memory_space<semaphore_mem>>)
      %dma_wait3A_71 = arith.constant 0 : i32
      %dma_wait3A_72 = arith.constant 0 : i32
      %dma_wait3A_73 = tpu.memref_slice %arg10[%dma_wait3A_71, %dma_wait3A_72] : memref<80x128xf32, #tpu.memory_space<vmem>> -> memref<80x128xf32, #tpu.memory_space<vmem>>
      %dma_wait3A_74 = arith.constant 0 : i32
      %dma_wait3A_75 = tpu.memref_slice %arg16[%add3A_30, %dma_wait3A_74] : memref<10000x128xf32, #tpu.memory_space<vmem_shared>> -> memref<80x128xf32, #tpu.memory_space<vmem_shared>>
      %dma_wait3A_76 = arith.constant 0 : i32
      %dma_wait3A_77 = tpu.memref_slice %arg16[%add3A_30, %dma_wait3A_76] : memref<10000x128xf32, #tpu.memory_space<vmem_shared>> -> memref<80x128xf32, #tpu.memory_space<vmem_shared>>
      %dma_wait3A_78 = arith.constant 0 : i32
      %dma_wait3A_79 = arith.constant 0 : i32
      %dma_wait3A_80 = tpu.memref_slice %arg10[%dma_wait3A_78, %dma_wait3A_79] : memref<80x128xf32, #tpu.memory_space<vmem>> -> memref<80x128xf32, #tpu.memory_space<vmem>>
      tpu.wait_dma2 semaphore(%run_scoped3A : memref<!tpu.dma_semaphore, #tpu.memory_space<semaphore_mem>>) src(%dma_wait3A_80 : memref<80x128xf32, #tpu.memory_space<vmem>>) dst(%dma_wait3A_77 : memref<80x128xf32, #tpu.memory_space<vmem_shared>>)
      tpu.yield
    }) : () -> ()
    %mul3A_31 = arith.constant 624 : i32
    %mul3A_32 = arith.muli %arg1, %mul3A_31 : i32
    %add3A_33 = arith.constant 560 : i32
    %add3A_34 = arith.addi %mul3A_32, %add3A_33 : i32
    "tpu.region"() ({
      %run_scoped3A = tpu.sem_alloc : memref<!tpu.dma_semaphore, #tpu.memory_space<semaphore_mem>>
      %dma_start3A_61 = arith.constant 0 : i32
      %dma_start3A_62 = arith.constant 0 : i32
      %dma_start3A_63 = tpu.memref_slice %arg10[%dma_start3A_61, %dma_start3A_62] : memref<80x128xf32, #tpu.memory_space<vmem>> -> memref<80x128xf32, #tpu.memory_space<vmem>>
      %dma_start3A_64 = arith.constant 0 : i32
      %dma_start3A_65 = tpu.memref_slice %arg16[%add3A_34, %dma_start3A_64] : memref<10000x128xf32, #tpu.memory_space<vmem_shared>> -> memref<80x128xf32, #tpu.memory_space<vmem_shared>>
      %dma_start3A_66 = arith.constant 0 : i32
      %dma_start3A_67 = tpu.memref_slice %arg16[%add3A_34, %dma_start3A_66] : memref<10000x128xf32, #tpu.memory_space<vmem_shared>> -> memref<80x128xf32, #tpu.memory_space<vmem_shared>>
      %dma_start3A_68 = arith.constant 0 : i32
      %dma_start3A_69 = arith.constant 0 : i32
      %dma_start3A_70 = tpu.memref_slice %arg10[%dma_start3A_68, %dma_start3A_69] : memref<80x128xf32, #tpu.memory_space<vmem>> -> memref<80x128xf32, #tpu.memory_space<vmem>>
      tpu.enqueue_dma source(%dma_start3A_70 : memref<80x128xf32, #tpu.memory_space<vmem>>) target(%dma_start3A_67 : memref<80x128xf32, #tpu.memory_space<vmem_shared>>) target_semaphore(%run_scoped3A : memref<!tpu.dma_semaphore, #tpu.memory_space<semaphore_mem>>)
      %dma_wait3A_71 = arith.constant 0 : i32
      %dma_wait3A_72 = arith.constant 0 : i32
      %dma_wait3A_73 = tpu.memref_slice %arg10[%dma_wait3A_71, %dma_wait3A_72] : memref<80x128xf32, #tpu.memory_space<vmem>> -> memref<80x128xf32, #tpu.memory_space<vmem>>
      %dma_wait3A_74 = arith.constant 0 : i32
      %dma_wait3A_75 = tpu.memref_slice %arg16[%add3A_34, %dma_wait3A_74] : memref<10000x128xf32, #tpu.memory_space<vmem_shared>> -> memref<80x128xf32, #tpu.memory_space<vmem_shared>>
      %dma_wait3A_76 = arith.constant 0 : i32
      %dma_wait3A_77 = tpu.memref_slice %arg16[%add3A_34, %dma_wait3A_76] : memref<10000x128xf32, #tpu.memory_space<vmem_shared>> -> memref<80x128xf32, #tpu.memory_space<vmem_shared>>
      %dma_wait3A_78 = arith.constant 0 : i32
      %dma_wait3A_79 = arith.constant 0 : i32
      %dma_wait3A_80 = tpu.memref_slice %arg10[%dma_wait3A_78, %dma_wait3A_79] : memref<80x128xf32, #tpu.memory_space<vmem>> -> memref<80x128xf32, #tpu.memory_space<vmem>>
      tpu.wait_dma2 semaphore(%run_scoped3A : memref<!tpu.dma_semaphore, #tpu.memory_space<semaphore_mem>>) src(%dma_wait3A_80 : memref<80x128xf32, #tpu.memory_space<vmem>>) dst(%dma_wait3A_77 : memref<80x128xf32, #tpu.memory_space<vmem_shared>>)
      tpu.yield
    }) : () -> ()
    %barrier3A = arith.constant 0 : index
    tpu.barrier barrier_id(%barrier3A)
    %mul3A_35 = arith.constant 16 : i32
    %mul3A_36 = arith.muli %arg0, %mul3A_35 : i32
    %add3A_37 = arith.addi %mul3A_36, %arg1 : i32
    %mul3A_38 = arith.constant 10000 : i32
    %mul3A_39 = arith.muli %add3A_37, %mul3A_38 : i32
    %scan3A_40 = arith.constant 0 : i32
    %scan3A_41 = arith.constant 0 : i32
    %scan3A_42 = arith.constant 62 : i32
    %scan3A_43 = arith.addi %scan3A_41, %scan3A_42 : i32
    %scan3A_44 = arith.constant 1 : i32
    scf.for %scan3A_61 = %scan3A_41 to %scan3A_43 step %scan3A_44  : i32 {
      %mul3A_62 = arith.constant 2 : i32
      %mul3A_63 = arith.muli %mul3A_62, %scan3A_61 : i32
      %gt3A = arith.constant 0 : i32
      %gt3A_64 = arith.cmpi sgt, %scan3A_61, %gt3A : i32
      %convert_element_type3A = arith.extui %gt3A_64 : i1 to i32
      %cond3A = arith.constant 0 : i32
      %cond3A_65 = arith.cmpi ne, %convert_element_type3A, %cond3A : i32
      scf.if %cond3A_65 {
        %dma_wait3A_97 = arith.constant 0 : i32
        %dma_wait3A_98 = arith.constant 0 : i32
        %dma_wait3A_99 = tpu.memref_slice %arg16[%dma_wait3A_97, %dma_wait3A_98] : memref<10000x128xf32, #tpu.memory_space<vmem_shared>> -> memref<10000x128xf32, #tpu.memory_space<vmem_shared>>
        tpu.wait_indirect_dma semaphore(%arg14 : memref<!tpu.dma_semaphore, #tpu.memory_space<semaphore_mem>>) src(%arg10 : memref<80x128xf32, #tpu.memory_space<vmem>>) dst(%dma_wait3A_99 : memref<10000x128xf32, #tpu.memory_space<vmem_shared>>)
      } else {
      }
      %mul3A_66 = arith.constant 80 : i32
      %mul3A_67 = arith.muli %mul3A_63, %mul3A_66 : i32
      %add3A_68 = arith.addi %mul3A_39, %mul3A_67 : i32
      "tpu.region"() ({
        %run_scoped3A = tpu.sem_alloc : memref<!tpu.dma_semaphore, #tpu.memory_space<semaphore_mem>>
        %dma_start3A_97 = tpu.memref_slice %arg3[%add3A_68] : memref<320000xi32, #tpu.memory_space<hbm>> -> memref<80xi32, #tpu.memory_space<hbm>>
        %dma_start3A_98 = tpu.memref_slice %arg3[%add3A_68] : memref<320000xi32, #tpu.memory_space<hbm>> -> memref<80xi32, #tpu.memory_space<hbm>>
        tpu.enqueue_dma source(%dma_start3A_98 : memref<80xi32, #tpu.memory_space<hbm>>) target(%arg6 : memref<80xi32, #tpu.memory_space<vmem>>) target_semaphore(%run_scoped3A : memref<!tpu.dma_semaphore, #tpu.memory_space<semaphore_mem>>)
        %dma_wait3A_99 = tpu.memref_slice %arg3[%add3A_68] : memref<320000xi32, #tpu.memory_space<hbm>> -> memref<80xi32, #tpu.memory_space<hbm>>
        %dma_wait3A_100 = tpu.memref_slice %arg3[%add3A_68] : memref<320000xi32, #tpu.memory_space<hbm>> -> memref<80xi32, #tpu.memory_space<hbm>>
        tpu.wait_dma2 semaphore(%run_scoped3A : memref<!tpu.dma_semaphore, #tpu.memory_space<semaphore_mem>>) src(%dma_wait3A_100 : memref<80xi32, #tpu.memory_space<hbm>>) dst(%arg6 : memref<80xi32, #tpu.memory_space<vmem>>)
        tpu.yield
      }) : () -> ()
      "tpu.region"() ({
        %run_scoped3A = tpu.sem_alloc : memref<!tpu.dma_semaphore, #tpu.memory_space<semaphore_mem>>
        %dma_start3A_97 = tpu.memref_slice %arg4[%add3A_68] : memref<320000xi32, #tpu.memory_space<hbm>> -> memref<80xi32, #tpu.memory_space<hbm>>
        %dma_start3A_98 = tpu.memref_slice %arg4[%add3A_68] : memref<320000xi32, #tpu.memory_space<hbm>> -> memref<80xi32, #tpu.memory_space<hbm>>
        tpu.enqueue_dma source(%dma_start3A_98 : memref<80xi32, #tpu.memory_space<hbm>>) target(%arg7 : memref<80xi32, #tpu.memory_space<vmem>>) target_semaphore(%run_scoped3A : memref<!tpu.dma_semaphore, #tpu.memory_space<semaphore_mem>>)
        %dma_wait3A_99 = tpu.memref_slice %arg4[%add3A_68] : memref<320000xi32, #tpu.memory_space<hbm>> -> memref<80xi32, #tpu.memory_space<hbm>>
        %dma_wait3A_100 = tpu.memref_slice %arg4[%add3A_68] : memref<320000xi32, #tpu.memory_space<hbm>> -> memref<80xi32, #tpu.memory_space<hbm>>
        tpu.wait_dma2 semaphore(%run_scoped3A : memref<!tpu.dma_semaphore, #tpu.memory_space<semaphore_mem>>) src(%dma_wait3A_100 : memref<80xi32, #tpu.memory_space<hbm>>) dst(%arg7 : memref<80xi32, #tpu.memory_space<vmem>>)
        tpu.yield
      }) : () -> ()
      %dma_start3A_69 = arith.constant 0 : i32
      %dma_start3A_70 = arith.constant 0 : i32
      %dma_start3A_71 = tpu.memref_slice %arg2[%dma_start3A_69, %dma_start3A_70] : memref<10000x128xf32, #tpu.memory_space<hbm>> -> memref<10000x128xf32, #tpu.memory_space<hbm>>
      tpu.enqueue_indirect_dma source(%dma_start3A_71 : memref<10000x128xf32, #tpu.memory_space<hbm>>) target(%arg10 : memref<80x128xf32, #tpu.memory_space<vmem>>) offsets(%arg6 : memref<80xi32, #tpu.memory_space<vmem>>) semaphore(%arg12 : memref<!tpu.dma_semaphore, #tpu.memory_space<semaphore_mem>>)
      %gt3A_72 = arith.constant 0 : i32
      %gt3A_73 = arith.cmpi sgt, %scan3A_61, %gt3A_72 : i32
      %convert_element_type3A_74 = arith.extui %gt3A_73 : i1 to i32
      %cond3A_75 = arith.constant 0 : i32
      %cond3A_76 = arith.cmpi ne, %convert_element_type3A_74, %cond3A_75 : i32
      scf.if %cond3A_76 {
        %dma_wait3A_97 = arith.constant 0 : i32
        %dma_wait3A_98 = arith.constant 0 : i32
        %dma_wait3A_99 = tpu.memref_slice %arg16[%dma_wait3A_97, %dma_wait3A_98] : memref<10000x128xf32, #tpu.memory_space<vmem_shared>> -> memref<10000x128xf32, #tpu.memory_space<vmem_shared>>
        tpu.wait_indirect_dma semaphore(%arg15 : memref<!tpu.dma_semaphore, #tpu.memory_space<semaphore_mem>>) src(%arg11 : memref<80x128xf32, #tpu.memory_space<vmem>>) dst(%dma_wait3A_99 : memref<10000x128xf32, #tpu.memory_space<vmem_shared>>)
      } else {
      }
      %add3A_77 = arith.constant 1 : i32
      %add3A_78 = arith.addi %mul3A_63, %add3A_77 : i32
      %mul3A_79 = arith.constant 80 : i32
      %mul3A_80 = arith.muli %add3A_78, %mul3A_79 : i32
      %add3A_81 = arith.addi %mul3A_39, %mul3A_80 : i32
      "tpu.region"() ({
        %run_scoped3A = tpu.sem_alloc : memref<!tpu.dma_semaphore, #tpu.memory_space<semaphore_mem>>
        %dma_start3A_97 = tpu.memref_slice %arg3[%add3A_81] : memref<320000xi32, #tpu.memory_space<hbm>> -> memref<80xi32, #tpu.memory_space<hbm>>
        %dma_start3A_98 = tpu.memref_slice %arg3[%add3A_81] : memref<320000xi32, #tpu.memory_space<hbm>> -> memref<80xi32, #tpu.memory_space<hbm>>
        tpu.enqueue_dma source(%dma_start3A_98 : memref<80xi32, #tpu.memory_space<hbm>>) target(%arg8 : memref<80xi32, #tpu.memory_space<vmem>>) target_semaphore(%run_scoped3A : memref<!tpu.dma_semaphore, #tpu.memory_space<semaphore_mem>>)
        %dma_wait3A_99 = tpu.memref_slice %arg3[%add3A_81] : memref<320000xi32, #tpu.memory_space<hbm>> -> memref<80xi32, #tpu.memory_space<hbm>>
        %dma_wait3A_100 = tpu.memref_slice %arg3[%add3A_81] : memref<320000xi32, #tpu.memory_space<hbm>> -> memref<80xi32, #tpu.memory_space<hbm>>
        tpu.wait_dma2 semaphore(%run_scoped3A : memref<!tpu.dma_semaphore, #tpu.memory_space<semaphore_mem>>) src(%dma_wait3A_100 : memref<80xi32, #tpu.memory_space<hbm>>) dst(%arg8 : memref<80xi32, #tpu.memory_space<vmem>>)
        tpu.yield
      }) : () -> ()
      "tpu.region"() ({
        %run_scoped3A = tpu.sem_alloc : memref<!tpu.dma_semaphore, #tpu.memory_space<semaphore_mem>>
        %dma_start3A_97 = tpu.memref_slice %arg4[%add3A_81] : memref<320000xi32, #tpu.memory_space<hbm>> -> memref<80xi32, #tpu.memory_space<hbm>>
        %dma_start3A_98 = tpu.memref_slice %arg4[%add3A_81] : memref<320000xi32, #tpu.memory_space<hbm>> -> memref<80xi32, #tpu.memory_space<hbm>>
        tpu.enqueue_dma source(%dma_start3A_98 : memref<80xi32, #tpu.memory_space<hbm>>) target(%arg9 : memref<80xi32, #tpu.memory_space<vmem>>) target_semaphore(%run_scoped3A : memref<!tpu.dma_semaphore, #tpu.memory_space<semaphore_mem>>)
        %dma_wait3A_99 = tpu.memref_slice %arg4[%add3A_81] : memref<320000xi32, #tpu.memory_space<hbm>> -> memref<80xi32, #tpu.memory_space<hbm>>
        %dma_wait3A_100 = tpu.memref_slice %arg4[%add3A_81] : memref<320000xi32, #tpu.memory_space<hbm>> -> memref<80xi32, #tpu.memory_space<hbm>>
        tpu.wait_dma2 semaphore(%run_scoped3A : memref<!tpu.dma_semaphore, #tpu.memory_space<semaphore_mem>>) src(%dma_wait3A_100 : memref<80xi32, #tpu.memory_space<hbm>>) dst(%arg9 : memref<80xi32, #tpu.memory_space<vmem>>)
        tpu.yield
      }) : () -> ()
      %dma_start3A_82 = arith.constant 0 : i32
      %dma_start3A_83 = arith.constant 0 : i32
      %dma_start3A_84 = tpu.memref_slice %arg2[%dma_start3A_82, %dma_start3A_83] : memref<10000x128xf32, #tpu.memory_space<hbm>> -> memref<10000x128xf32, #tpu.memory_space<hbm>>
      tpu.enqueue_indirect_dma source(%dma_start3A_84 : memref<10000x128xf32, #tpu.memory_space<hbm>>) target(%arg11 : memref<80x128xf32, #tpu.memory_space<vmem>>) offsets(%arg8 : memref<80xi32, #tpu.memory_space<vmem>>) semaphore(%arg13 : memref<!tpu.dma_semaphore, #tpu.memory_space<semaphore_mem>>)
      %dma_wait3A_85 = arith.constant 0 : i32
      %dma_wait3A_86 = arith.constant 0 : i32
      %dma_wait3A_87 = tpu.memref_slice %arg2[%dma_wait3A_85, %dma_wait3A_86] : memref<10000x128xf32, #tpu.memory_space<hbm>> -> memref<10000x128xf32, #tpu.memory_space<hbm>>
      tpu.wait_indirect_dma semaphore(%arg12 : memref<!tpu.dma_semaphore, #tpu.memory_space<semaphore_mem>>) src(%dma_wait3A_87 : memref<10000x128xf32, #tpu.memory_space<hbm>>) dst(%arg10 : memref<80x128xf32, #tpu.memory_space<vmem>>)
      %dma_start3A_88 = arith.constant 0 : i32
      %dma_start3A_89 = arith.constant 0 : i32
      %dma_start3A_90 = tpu.memref_slice %arg16[%dma_start3A_88, %dma_start3A_89] : memref<10000x128xf32, #tpu.memory_space<vmem_shared>> -> memref<10000x128xf32, #tpu.memory_space<vmem_shared>>
      tpu.enqueue_indirect_dma source(%arg10 : memref<80x128xf32, #tpu.memory_space<vmem>>) target(%dma_start3A_90 : memref<10000x128xf32, #tpu.memory_space<vmem_shared>>) offsets(%arg7 : memref<80xi32, #tpu.memory_space<vmem>>) semaphore(%arg14 : memref<!tpu.dma_semaphore, #tpu.memory_space<semaphore_mem>>) {add = true}
      %dma_wait3A_91 = arith.constant 0 : i32
      %dma_wait3A_92 = arith.constant 0 : i32
      %dma_wait3A_93 = tpu.memref_slice %arg2[%dma_wait3A_91, %dma_wait3A_92] : memref<10000x128xf32, #tpu.memory_space<hbm>> -> memref<10000x128xf32, #tpu.memory_space<hbm>>
      tpu.wait_indirect_dma semaphore(%arg13 : memref<!tpu.dma_semaphore, #tpu.memory_space<semaphore_mem>>) src(%dma_wait3A_93 : memref<10000x128xf32, #tpu.memory_space<hbm>>) dst(%arg11 : memref<80x128xf32, #tpu.memory_space<vmem>>)
      %dma_start3A_94 = arith.constant 0 : i32
      %dma_start3A_95 = arith.constant 0 : i32
      %dma_start3A_96 = tpu.memref_slice %arg16[%dma_start3A_94, %dma_start3A_95] : memref<10000x128xf32, #tpu.memory_space<vmem_shared>> -> memref<10000x128xf32, #tpu.memory_space<vmem_shared>>
      tpu.enqueue_indirect_dma source(%arg11 : memref<80x128xf32, #tpu.memory_space<vmem>>) target(%dma_start3A_96 : memref<10000x128xf32, #tpu.memory_space<vmem_shared>>) offsets(%arg9 : memref<80xi32, #tpu.memory_space<vmem>>) semaphore(%arg15 : memref<!tpu.dma_semaphore, #tpu.memory_space<semaphore_mem>>) {add = true}
    }
    %scan3A_45 = arith.constant 62 : i32
    %dma_wait3A = arith.constant 0 : i32
    %dma_wait3A_46 = arith.constant 0 : i32
    %dma_wait3A_47 = tpu.memref_slice %arg16[%dma_wait3A, %dma_wait3A_46] : memref<10000x128xf32, #tpu.memory_space<vmem_shared>> -> memref<10000x128xf32, #tpu.memory_space<vmem_shared>>
    tpu.wait_indirect_dma semaphore(%arg14 : memref<!tpu.dma_semaphore, #tpu.memory_space<semaphore_mem>>) src(%arg10 : memref<80x128xf32, #tpu.memory_space<vmem>>) dst(%dma_wait3A_47 : memref<10000x128xf32, #tpu.memory_space<vmem_shared>>)
    %dma_wait3A_48 = arith.constant 0 : i32
    %dma_wait3A_49 = arith.constant 0 : i32
    %dma_wait3A_50 = tpu.memref_slice %arg16[%dma_wait3A_48, %dma_wait3A_49] : memref<10000x128xf32, #tpu.memory_space<vmem_shared>> -> memref<10000x128xf32, #tpu.memory_space<vmem_shared>>
    tpu.wait_indirect_dma semaphore(%arg15 : memref<!tpu.dma_semaphore, #tpu.memory_space<semaphore_mem>>) src(%arg11 : memref<80x128xf32, #tpu.memory_space<vmem>>) dst(%dma_wait3A_50 : memref<10000x128xf32, #tpu.memory_space<vmem_shared>>)
    %add3A_51 = arith.constant 9920 : i32
    %add3A_52 = arith.addi %mul3A_39, %add3A_51 : i32
    "tpu.region"() ({
      %run_scoped3A = tpu.sem_alloc : memref<!tpu.dma_semaphore, #tpu.memory_space<semaphore_mem>>
      %dma_start3A_61 = tpu.memref_slice %arg3[%add3A_52] : memref<320000xi32, #tpu.memory_space<hbm>> -> memref<80xi32, #tpu.memory_space<hbm>>
      %dma_start3A_62 = tpu.memref_slice %arg3[%add3A_52] : memref<320000xi32, #tpu.memory_space<hbm>> -> memref<80xi32, #tpu.memory_space<hbm>>
      tpu.enqueue_dma source(%dma_start3A_62 : memref<80xi32, #tpu.memory_space<hbm>>) target(%arg6 : memref<80xi32, #tpu.memory_space<vmem>>) target_semaphore(%run_scoped3A : memref<!tpu.dma_semaphore, #tpu.memory_space<semaphore_mem>>)
      %dma_wait3A_63 = tpu.memref_slice %arg3[%add3A_52] : memref<320000xi32, #tpu.memory_space<hbm>> -> memref<80xi32, #tpu.memory_space<hbm>>
      %dma_wait3A_64 = tpu.memref_slice %arg3[%add3A_52] : memref<320000xi32, #tpu.memory_space<hbm>> -> memref<80xi32, #tpu.memory_space<hbm>>
      tpu.wait_dma2 semaphore(%run_scoped3A : memref<!tpu.dma_semaphore, #tpu.memory_space<semaphore_mem>>) src(%dma_wait3A_64 : memref<80xi32, #tpu.memory_space<hbm>>) dst(%arg6 : memref<80xi32, #tpu.memory_space<vmem>>)
      tpu.yield
    }) : () -> ()
    "tpu.region"() ({
      %run_scoped3A = tpu.sem_alloc : memref<!tpu.dma_semaphore, #tpu.memory_space<semaphore_mem>>
      %dma_start3A_61 = tpu.memref_slice %arg4[%add3A_52] : memref<320000xi32, #tpu.memory_space<hbm>> -> memref<80xi32, #tpu.memory_space<hbm>>
      %dma_start3A_62 = tpu.memref_slice %arg4[%add3A_52] : memref<320000xi32, #tpu.memory_space<hbm>> -> memref<80xi32, #tpu.memory_space<hbm>>
      tpu.enqueue_dma source(%dma_start3A_62 : memref<80xi32, #tpu.memory_space<hbm>>) target(%arg7 : memref<80xi32, #tpu.memory_space<vmem>>) target_semaphore(%run_scoped3A : memref<!tpu.dma_semaphore, #tpu.memory_space<semaphore_mem>>)
      %dma_wait3A_63 = tpu.memref_slice %arg4[%add3A_52] : memref<320000xi32, #tpu.memory_space<hbm>> -> memref<80xi32, #tpu.memory_space<hbm>>
      %dma_wait3A_64 = tpu.memref_slice %arg4[%add3A_52] : memref<320000xi32, #tpu.memory_space<hbm>> -> memref<80xi32, #tpu.memory_space<hbm>>
      tpu.wait_dma2 semaphore(%run_scoped3A : memref<!tpu.dma_semaphore, #tpu.memory_space<semaphore_mem>>) src(%dma_wait3A_64 : memref<80xi32, #tpu.memory_space<hbm>>) dst(%arg7 : memref<80xi32, #tpu.memory_space<vmem>>)
      tpu.yield
    }) : () -> ()
    %dma_start3A = arith.constant 0 : i32
    %dma_start3A_53 = arith.constant 0 : i32
    %dma_start3A_54 = tpu.memref_slice %arg2[%dma_start3A, %dma_start3A_53] : memref<10000x128xf32, #tpu.memory_space<hbm>> -> memref<10000x128xf32, #tpu.memory_space<hbm>>
    tpu.enqueue_indirect_dma source(%dma_start3A_54 : memref<10000x128xf32, #tpu.memory_space<hbm>>) target(%arg10 : memref<80x128xf32, #tpu.memory_space<vmem>>) offsets(%arg6 : memref<80xi32, #tpu.memory_space<vmem>>) semaphore(%arg12 : memref<!tpu.dma_semaphore, #tpu.memory_space<semaphore_mem>>)
    %dma_wait3A_55 = arith.constant 0 : i32
    %dma_wait3A_56 = arith.constant 0 : i32
    %dma_wait3A_57 = tpu.memref_slice %arg2[%dma_wait3A_55, %dma_wait3A_56] : memref<10000x128xf32, #tpu.memory_space<hbm>> -> memref<10000x128xf32, #tpu.memory_space<hbm>>
    tpu.wait_indirect_dma semaphore(%arg12 : memref<!tpu.dma_semaphore, #tpu.memory_space<semaphore_mem>>) src(%dma_wait3A_57 : memref<10000x128xf32, #tpu.memory_space<hbm>>) dst(%arg10 : memref<80x128xf32, #tpu.memory_space<vmem>>)
    "tpu.region"() ({
      %run_scoped3A = tpu.sem_alloc : memref<!tpu.dma_semaphore, #tpu.memory_space<semaphore_mem>>
      %dma_start3A_61 = arith.constant 0 : i32
      %dma_start3A_62 = arith.constant 0 : i32
      %dma_start3A_63 = tpu.memref_slice %arg16[%dma_start3A_61, %dma_start3A_62] : memref<10000x128xf32, #tpu.memory_space<vmem_shared>> -> memref<10000x128xf32, #tpu.memory_space<vmem_shared>>
      tpu.enqueue_indirect_dma source(%arg10 : memref<80x128xf32, #tpu.memory_space<vmem>>) target(%dma_start3A_63 : memref<10000x128xf32, #tpu.memory_space<vmem_shared>>) offsets(%arg7 : memref<80xi32, #tpu.memory_space<vmem>>) semaphore(%run_scoped3A : memref<!tpu.dma_semaphore, #tpu.memory_space<semaphore_mem>>) {add = true}
      %dma_wait3A_64 = arith.constant 0 : i32
      %dma_wait3A_65 = arith.constant 0 : i32
      %dma_wait3A_66 = tpu.memref_slice %arg16[%dma_wait3A_64, %dma_wait3A_65] : memref<10000x128xf32, #tpu.memory_space<vmem_shared>> -> memref<10000x128xf32, #tpu.memory_space<vmem_shared>>
      tpu.wait_indirect_dma semaphore(%run_scoped3A : memref<!tpu.dma_semaphore, #tpu.memory_space<semaphore_mem>>) src(%arg10 : memref<80x128xf32, #tpu.memory_space<vmem>>) dst(%dma_wait3A_66 : memref<10000x128xf32, #tpu.memory_space<vmem_shared>>)
      tpu.yield
    }) : () -> ()
    %barrier3A_58 = arith.constant 0 : index
    tpu.barrier barrier_id(%barrier3A_58)
    %mul3A_59 = arith.constant 624 : i32
    %mul3A_60 = arith.muli %arg1, %mul3A_59 : i32
    "tpu.region"() ({
      %run_scoped3A = tpu.sem_alloc : memref<!tpu.dma_semaphore, #tpu.memory_space<semaphore_mem>>
      %dma_start3A_61 = arith.constant 0 : i32
      %dma_start3A_62 = tpu.memref_slice %arg5[%arg0, %mul3A_60, %dma_start3A_61] : memref<2x10000x128xf32, #tpu.memory_space<hbm>> -> memref<1x640x128xf32, #tpu.memory_space<hbm>>
      %dma_start3A_63 = tpu.memref_squeeze %dma_start3A_62 : memref<1x640x128xf32, #tpu.memory_space<hbm>> -> memref<640x128xf32, #tpu.memory_space<hbm>>
      %dma_start3A_64 = arith.constant 0 : i32
      %dma_start3A_65 = tpu.memref_slice %arg16[%mul3A_60, %dma_start3A_64] : memref<10000x128xf32, #tpu.memory_space<vmem_shared>> -> memref<640x128xf32, #tpu.memory_space<vmem_shared>>
      tpu.enqueue_dma source(%dma_start3A_65 : memref<640x128xf32, #tpu.memory_space<vmem_shared>>) target(%dma_start3A_63 : memref<640x128xf32, #tpu.memory_space<hbm>>) target_semaphore(%run_scoped3A : memref<!tpu.dma_semaphore, #tpu.memory_space<semaphore_mem>>)
      %dma_wait3A_66 = arith.constant 0 : i32
      %dma_wait3A_67 = tpu.memref_slice %arg5[%arg0, %mul3A_60, %dma_wait3A_66] : memref<2x10000x128xf32, #tpu.memory_space<hbm>> -> memref<1x640x128xf32, #tpu.memory_space<hbm>>
      %dma_wait3A_68 = tpu.memref_squeeze %dma_wait3A_67 : memref<1x640x128xf32, #tpu.memory_space<hbm>> -> memref<640x128xf32, #tpu.memory_space<hbm>>
      %dma_wait3A_69 = arith.constant 0 : i32
      %dma_wait3A_70 = tpu.memref_slice %arg16[%mul3A_60, %dma_wait3A_69] : memref<10000x128xf32, #tpu.memory_space<vmem_shared>> -> memref<640x128xf32, #tpu.memory_space<vmem_shared>>
      tpu.wait_dma2 semaphore(%run_scoped3A : memref<!tpu.dma_semaphore, #tpu.memory_space<semaphore_mem>>) src(%dma_wait3A_70 : memref<640x128xf32, #tpu.memory_space<vmem_shared>>) dst(%dma_wait3A_68 : memref<640x128xf32, #tpu.memory_space<hbm>>)
      tpu.yield
    }) : () -> ()
    return
  }
}

#map = affine_map<(d0, d1) -> (0, 0, 0)>
module attributes {stable_mosaic.version = 14 : i64} {
  func.func @_deg_body(%arg0: i32, %arg1: i32, %arg2: memref<32x80x128xi32, #tpu.memory_space<hbm>>, %arg3: memref<2x10000x128xf32, #tpu.memory_space<hbm>>, %arg4: memref<80x128xi32, #tpu.memory_space<vmem>>, %arg5: memref<128x128xf32, #tpu.memory_space<vmem>>, %arg6: memref<!tpu.dma_semaphore, #tpu.memory_space<semaphore_mem>>, %arg7: memref<10008x128xf32, #tpu.memory_space<vmem_shared>>) attributes {dimension_semantics = [#tpu.dimension_semantics<core_parallel>, #tpu.dimension_semantics<subcore_parallel>], iteration_bounds = array<i64: 2, 16>, scalar_prefetch = 0 : i64, scratch_operands = 4 : i64, tpu.core_type = #tpu.core_type<sc_vector_subcore>, window_params = [{transform_indices = #map}, {transform_indices = #map}]} {
    %mul3A = arith.constant 16 : i32
    %mul3A_0 = arith.muli %arg0, %mul3A : i32
    %add3A = arith.addi %mul3A_0, %arg1 : i32
    %scan3A = arith.constant 0 : i32
    %scan3A_1 = arith.constant 0 : i32
    %scan3A_2 = arith.constant 80 : i32
    %scan3A_3 = arith.addi %scan3A_1, %scan3A_2 : i32
    %scan3A_4 = arith.constant 1 : i32
    scf.for %scan3A_59 = %scan3A_1 to %scan3A_3 step %scan3A_4  : i32 {
      %broadcast_in_dim3A = arith.constant 0.000000e+00 : f32
      %broadcast_in_dim3A_60 = vector.broadcast %broadcast_in_dim3A : f32 to vector<16xf32>
      %swap3A = arith.index_cast %scan3A_59 : i32 to index
      %swap3A_61 = arith.constant 0 : index
      %swap3A_62 = tpu.vector_load %arg5[%swap3A, %swap3A_61] {strides = array<i32>} : memref<128x128xf32, #tpu.memory_space<vmem>>, vector<1x16xf32>,
      %swap3A_63 = vector.shape_cast %swap3A_62 : vector<1x16xf32> to vector<16xf32>
      %swap3A_64 = vector.shape_cast %broadcast_in_dim3A_60 : vector<16xf32> to vector<1x16xf32>
      tpu.vector_store %arg5[%swap3A, %swap3A_61], %swap3A_64 {strides = array<i32>} : memref<128x128xf32, #tpu.memory_space<vmem>>, vector<1x16xf32>,
      %broadcast_in_dim3A_65 = arith.constant 0.000000e+00 : f32
      %broadcast_in_dim3A_66 = vector.broadcast %broadcast_in_dim3A_65 : f32 to vector<16xf32>
      %swap3A_67 = arith.index_cast %scan3A_59 : i32 to index
      %swap3A_68 = arith.constant 16 : index
      %swap3A_69 = tpu.vector_load %arg5[%swap3A_67, %swap3A_68] {strides = array<i32>} : memref<128x128xf32, #tpu.memory_space<vmem>>, vector<1x16xf32>,
      %swap3A_70 = vector.shape_cast %swap3A_69 : vector<1x16xf32> to vector<16xf32>
      %swap3A_71 = vector.shape_cast %broadcast_in_dim3A_66 : vector<16xf32> to vector<1x16xf32>
      tpu.vector_store %arg5[%swap3A_67, %swap3A_68], %swap3A_71 {strides = array<i32>} : memref<128x128xf32, #tpu.memory_space<vmem>>, vector<1x16xf32>,
      %broadcast_in_dim3A_72 = arith.constant 0.000000e+00 : f32
      %broadcast_in_dim3A_73 = vector.broadcast %broadcast_in_dim3A_72 : f32 to vector<16xf32>
      %swap3A_74 = arith.index_cast %scan3A_59 : i32 to index
      %swap3A_75 = arith.constant 32 : index
      %swap3A_76 = tpu.vector_load %arg5[%swap3A_74, %swap3A_75] {strides = array<i32>} : memref<128x128xf32, #tpu.memory_space<vmem>>, vector<1x16xf32>,
      %swap3A_77 = vector.shape_cast %swap3A_76 : vector<1x16xf32> to vector<16xf32>
      %swap3A_78 = vector.shape_cast %broadcast_in_dim3A_73 : vector<16xf32> to vector<1x16xf32>
      tpu.vector_store %arg5[%swap3A_74, %swap3A_75], %swap3A_78 {strides = array<i32>} : memref<128x128xf32, #tpu.memory_space<vmem>>, vector<1x16xf32>,
      %broadcast_in_dim3A_79 = arith.constant 0.000000e+00 : f32
      %broadcast_in_dim3A_80 = vector.broadcast %broadcast_in_dim3A_79 : f32 to vector<16xf32>
      %swap3A_81 = arith.index_cast %scan3A_59 : i32 to index
      %swap3A_82 = arith.constant 48 : index
      %swap3A_83 = tpu.vector_load %arg5[%swap3A_81, %swap3A_82] {strides = array<i32>} : memref<128x128xf32, #tpu.memory_space<vmem>>, vector<1x16xf32>,
      %swap3A_84 = vector.shape_cast %swap3A_83 : vector<1x16xf32> to vector<16xf32>
      %swap3A_85 = vector.shape_cast %broadcast_in_dim3A_80 : vector<16xf32> to vector<1x16xf32>
      tpu.vector_store %arg5[%swap3A_81, %swap3A_82], %swap3A_85 {strides = array<i32>} : memref<128x128xf32, #tpu.memory_space<vmem>>, vector<1x16xf32>,
      %broadcast_in_dim3A_86 = arith.constant 0.000000e+00 : f32
      %broadcast_in_dim3A_87 = vector.broadcast %broadcast_in_dim3A_86 : f32 to vector<16xf32>
      %swap3A_88 = arith.index_cast %scan3A_59 : i32 to index
      %swap3A_89 = arith.constant 64 : index
      %swap3A_90 = tpu.vector_load %arg5[%swap3A_88, %swap3A_89] {strides = array<i32>} : memref<128x128xf32, #tpu.memory_space<vmem>>, vector<1x16xf32>,
      %swap3A_91 = vector.shape_cast %swap3A_90 : vector<1x16xf32> to vector<16xf32>
      %swap3A_92 = vector.shape_cast %broadcast_in_dim3A_87 : vector<16xf32> to vector<1x16xf32>
      tpu.vector_store %arg5[%swap3A_88, %swap3A_89], %swap3A_92 {strides = array<i32>} : memref<128x128xf32, #tpu.memory_space<vmem>>, vector<1x16xf32>,
      %broadcast_in_dim3A_93 = arith.constant 0.000000e+00 : f32
      %broadcast_in_dim3A_94 = vector.broadcast %broadcast_in_dim3A_93 : f32 to vector<16xf32>
      %swap3A_95 = arith.index_cast %scan3A_59 : i32 to index
      %swap3A_96 = arith.constant 80 : index
      %swap3A_97 = tpu.vector_load %arg5[%swap3A_95, %swap3A_96] {strides = array<i32>} : memref<128x128xf32, #tpu.memory_space<vmem>>, vector<1x16xf32>,
      %swap3A_98 = vector.shape_cast %swap3A_97 : vector<1x16xf32> to vector<16xf32>
      %swap3A_99 = vector.shape_cast %broadcast_in_dim3A_94 : vector<16xf32> to vector<1x16xf32>
      tpu.vector_store %arg5[%swap3A_95, %swap3A_96], %swap3A_99 {strides = array<i32>} : memref<128x128xf32, #tpu.memory_space<vmem>>, vector<1x16xf32>,
      %broadcast_in_dim3A_100 = arith.constant 0.000000e+00 : f32
      %broadcast_in_dim3A_101 = vector.broadcast %broadcast_in_dim3A_100 : f32 to vector<16xf32>
      %swap3A_102 = arith.index_cast %scan3A_59 : i32 to index
      %swap3A_103 = arith.constant 96 : index
      %swap3A_104 = tpu.vector_load %arg5[%swap3A_102, %swap3A_103] {strides = array<i32>} : memref<128x128xf32, #tpu.memory_space<vmem>>, vector<1x16xf32>,
      %swap3A_105 = vector.shape_cast %swap3A_104 : vector<1x16xf32> to vector<16xf32>
      %swap3A_106 = vector.shape_cast %broadcast_in_dim3A_101 : vector<16xf32> to vector<1x16xf32>
      tpu.vector_store %arg5[%swap3A_102, %swap3A_103], %swap3A_106 {strides = array<i32>} : memref<128x128xf32, #tpu.memory_space<vmem>>, vector<1x16xf32>,
      %broadcast_in_dim3A_107 = arith.constant 0.000000e+00 : f32
      %broadcast_in_dim3A_108 = vector.broadcast %broadcast_in_dim3A_107 : f32 to vector<16xf32>
      %swap3A_109 = arith.index_cast %scan3A_59 : i32 to index
      %swap3A_110 = arith.constant 112 : index
      %swap3A_111 = tpu.vector_load %arg5[%swap3A_109, %swap3A_110] {strides = array<i32>} : memref<128x128xf32, #tpu.memory_space<vmem>>, vector<1x16xf32>,
      %swap3A_112 = vector.shape_cast %swap3A_111 : vector<1x16xf32> to vector<16xf32>
      %swap3A_113 = vector.shape_cast %broadcast_in_dim3A_108 : vector<16xf32> to vector<1x16xf32>
      tpu.vector_store %arg5[%swap3A_109, %swap3A_110], %swap3A_113 {strides = array<i32>} : memref<128x128xf32, #tpu.memory_space<vmem>>, vector<1x16xf32>,
    }
    %scan3A_5 = arith.constant 80 : i32
    %mul3A_6 = arith.constant 624 : i32
    %mul3A_7 = arith.muli %arg1, %mul3A_6 : i32
    %add3A_8 = arith.constant 0 : i32
    %add3A_9 = arith.addi %mul3A_7, %add3A_8 : i32
    "tpu.region"() ({
      %run_scoped3A = tpu.sem_alloc : memref<!tpu.dma_semaphore, #tpu.memory_space<semaphore_mem>>
      %dma_start3A = arith.constant 0 : i32
      %dma_start3A_59 = arith.constant 0 : i32
      %dma_start3A_60 = tpu.memref_slice %arg5[%dma_start3A, %dma_start3A_59] : memref<128x128xf32, #tpu.memory_space<vmem>> -> memref<80x128xf32, #tpu.memory_space<vmem>>
      %dma_start3A_61 = arith.constant 0 : i32
      %dma_start3A_62 = tpu.memref_slice %arg7[%add3A_9, %dma_start3A_61] : memref<10008x128xf32, #tpu.memory_space<vmem_shared>> -> memref<80x128xf32, #tpu.memory_space<vmem_shared>>
      %dma_start3A_63 = arith.constant 0 : i32
      %dma_start3A_64 = tpu.memref_slice %arg7[%add3A_9, %dma_start3A_63] : memref<10008x128xf32, #tpu.memory_space<vmem_shared>> -> memref<80x128xf32, #tpu.memory_space<vmem_shared>>
      %dma_start3A_65 = arith.constant 0 : i32
      %dma_start3A_66 = arith.constant 0 : i32
      %dma_start3A_67 = tpu.memref_slice %arg5[%dma_start3A_65, %dma_start3A_66] : memref<128x128xf32, #tpu.memory_space<vmem>> -> memref<80x128xf32, #tpu.memory_space<vmem>>
      tpu.enqueue_dma source(%dma_start3A_67 : memref<80x128xf32, #tpu.memory_space<vmem>>) target(%dma_start3A_64 : memref<80x128xf32, #tpu.memory_space<vmem_shared>>) target_semaphore(%run_scoped3A : memref<!tpu.dma_semaphore, #tpu.memory_space<semaphore_mem>>)
      %dma_wait3A = arith.constant 0 : i32
      %dma_wait3A_68 = arith.constant 0 : i32
      %dma_wait3A_69 = tpu.memref_slice %arg5[%dma_wait3A, %dma_wait3A_68] : memref<128x128xf32, #tpu.memory_space<vmem>> -> memref<80x128xf32, #tpu.memory_space<vmem>>
      %dma_wait3A_70 = arith.constant 0 : i32
      %dma_wait3A_71 = tpu.memref_slice %arg7[%add3A_9, %dma_wait3A_70] : memref<10008x128xf32, #tpu.memory_space<vmem_shared>> -> memref<80x128xf32, #tpu.memory_space<vmem_shared>>
      %dma_wait3A_72 = arith.constant 0 : i32
      %dma_wait3A_73 = tpu.memref_slice %arg7[%add3A_9, %dma_wait3A_72] : memref<10008x128xf32, #tpu.memory_space<vmem_shared>> -> memref<80x128xf32, #tpu.memory_space<vmem_shared>>
      %dma_wait3A_74 = arith.constant 0 : i32
      %dma_wait3A_75 = arith.constant 0 : i32
      %dma_wait3A_76 = tpu.memref_slice %arg5[%dma_wait3A_74, %dma_wait3A_75] : memref<128x128xf32, #tpu.memory_space<vmem>> -> memref<80x128xf32, #tpu.memory_space<vmem>>
      tpu.wait_dma2 semaphore(%run_scoped3A : memref<!tpu.dma_semaphore, #tpu.memory_space<semaphore_mem>>) src(%dma_wait3A_76 : memref<80x128xf32, #tpu.memory_space<vmem>>) dst(%dma_wait3A_73 : memref<80x128xf32, #tpu.memory_space<vmem_shared>>)
      tpu.yield
    }) : () -> ()
    %mul3A_10 = arith.constant 624 : i32
    %mul3A_11 = arith.muli %arg1, %mul3A_10 : i32
    %add3A_12 = arith.constant 80 : i32
    %add3A_13 = arith.addi %mul3A_11, %add3A_12 : i32
    "tpu.region"() ({
      %run_scoped3A = tpu.sem_alloc : memref<!tpu.dma_semaphore, #tpu.memory_space<semaphore_mem>>
      %dma_start3A = arith.constant 0 : i32
      %dma_start3A_59 = arith.constant 0 : i32
      %dma_start3A_60 = tpu.memref_slice %arg5[%dma_start3A, %dma_start3A_59] : memref<128x128xf32, #tpu.memory_space<vmem>> -> memref<80x128xf32, #tpu.memory_space<vmem>>
      %dma_start3A_61 = arith.constant 0 : i32
      %dma_start3A_62 = tpu.memref_slice %arg7[%add3A_13, %dma_start3A_61] : memref<10008x128xf32, #tpu.memory_space<vmem_shared>> -> memref<80x128xf32, #tpu.memory_space<vmem_shared>>
      %dma_start3A_63 = arith.constant 0 : i32
      %dma_start3A_64 = tpu.memref_slice %arg7[%add3A_13, %dma_start3A_63] : memref<10008x128xf32, #tpu.memory_space<vmem_shared>> -> memref<80x128xf32, #tpu.memory_space<vmem_shared>>
      %dma_start3A_65 = arith.constant 0 : i32
      %dma_start3A_66 = arith.constant 0 : i32
      %dma_start3A_67 = tpu.memref_slice %arg5[%dma_start3A_65, %dma_start3A_66] : memref<128x128xf32, #tpu.memory_space<vmem>> -> memref<80x128xf32, #tpu.memory_space<vmem>>
      tpu.enqueue_dma source(%dma_start3A_67 : memref<80x128xf32, #tpu.memory_space<vmem>>) target(%dma_start3A_64 : memref<80x128xf32, #tpu.memory_space<vmem_shared>>) target_semaphore(%run_scoped3A : memref<!tpu.dma_semaphore, #tpu.memory_space<semaphore_mem>>)
      %dma_wait3A = arith.constant 0 : i32
      %dma_wait3A_68 = arith.constant 0 : i32
      %dma_wait3A_69 = tpu.memref_slice %arg5[%dma_wait3A, %dma_wait3A_68] : memref<128x128xf32, #tpu.memory_space<vmem>> -> memref<80x128xf32, #tpu.memory_space<vmem>>
      %dma_wait3A_70 = arith.constant 0 : i32
      %dma_wait3A_71 = tpu.memref_slice %arg7[%add3A_13, %dma_wait3A_70] : memref<10008x128xf32, #tpu.memory_space<vmem_shared>> -> memref<80x128xf32, #tpu.memory_space<vmem_shared>>
      %dma_wait3A_72 = arith.constant 0 : i32
      %dma_wait3A_73 = tpu.memref_slice %arg7[%add3A_13, %dma_wait3A_72] : memref<10008x128xf32, #tpu.memory_space<vmem_shared>> -> memref<80x128xf32, #tpu.memory_space<vmem_shared>>
      %dma_wait3A_74 = arith.constant 0 : i32
      %dma_wait3A_75 = arith.constant 0 : i32
      %dma_wait3A_76 = tpu.memref_slice %arg5[%dma_wait3A_74, %dma_wait3A_75] : memref<128x128xf32, #tpu.memory_space<vmem>> -> memref<80x128xf32, #tpu.memory_space<vmem>>
      tpu.wait_dma2 semaphore(%run_scoped3A : memref<!tpu.dma_semaphore, #tpu.memory_space<semaphore_mem>>) src(%dma_wait3A_76 : memref<80x128xf32, #tpu.memory_space<vmem>>) dst(%dma_wait3A_73 : memref<80x128xf32, #tpu.memory_space<vmem_shared>>)
      tpu.yield
    }) : () -> ()
    %mul3A_14 = arith.constant 624 : i32
    %mul3A_15 = arith.muli %arg1, %mul3A_14 : i32
    %add3A_16 = arith.constant 160 : i32
    %add3A_17 = arith.addi %mul3A_15, %add3A_16 : i32
    "tpu.region"() ({
      %run_scoped3A = tpu.sem_alloc : memref<!tpu.dma_semaphore, #tpu.memory_space<semaphore_mem>>
      %dma_start3A = arith.constant 0 : i32
      %dma_start3A_59 = arith.constant 0 : i32
      %dma_start3A_60 = tpu.memref_slice %arg5[%dma_start3A, %dma_start3A_59] : memref<128x128xf32, #tpu.memory_space<vmem>> -> memref<80x128xf32, #tpu.memory_space<vmem>>
      %dma_start3A_61 = arith.constant 0 : i32
      %dma_start3A_62 = tpu.memref_slice %arg7[%add3A_17, %dma_start3A_61] : memref<10008x128xf32, #tpu.memory_space<vmem_shared>> -> memref<80x128xf32, #tpu.memory_space<vmem_shared>>
      %dma_start3A_63 = arith.constant 0 : i32
      %dma_start3A_64 = tpu.memref_slice %arg7[%add3A_17, %dma_start3A_63] : memref<10008x128xf32, #tpu.memory_space<vmem_shared>> -> memref<80x128xf32, #tpu.memory_space<vmem_shared>>
      %dma_start3A_65 = arith.constant 0 : i32
      %dma_start3A_66 = arith.constant 0 : i32
      %dma_start3A_67 = tpu.memref_slice %arg5[%dma_start3A_65, %dma_start3A_66] : memref<128x128xf32, #tpu.memory_space<vmem>> -> memref<80x128xf32, #tpu.memory_space<vmem>>
      tpu.enqueue_dma source(%dma_start3A_67 : memref<80x128xf32, #tpu.memory_space<vmem>>) target(%dma_start3A_64 : memref<80x128xf32, #tpu.memory_space<vmem_shared>>) target_semaphore(%run_scoped3A : memref<!tpu.dma_semaphore, #tpu.memory_space<semaphore_mem>>)
      %dma_wait3A = arith.constant 0 : i32
      %dma_wait3A_68 = arith.constant 0 : i32
      %dma_wait3A_69 = tpu.memref_slice %arg5[%dma_wait3A, %dma_wait3A_68] : memref<128x128xf32, #tpu.memory_space<vmem>> -> memref<80x128xf32, #tpu.memory_space<vmem>>
      %dma_wait3A_70 = arith.constant 0 : i32
      %dma_wait3A_71 = tpu.memref_slice %arg7[%add3A_17, %dma_wait3A_70] : memref<10008x128xf32, #tpu.memory_space<vmem_shared>> -> memref<80x128xf32, #tpu.memory_space<vmem_shared>>
      %dma_wait3A_72 = arith.constant 0 : i32
      %dma_wait3A_73 = tpu.memref_slice %arg7[%add3A_17, %dma_wait3A_72] : memref<10008x128xf32, #tpu.memory_space<vmem_shared>> -> memref<80x128xf32, #tpu.memory_space<vmem_shared>>
      %dma_wait3A_74 = arith.constant 0 : i32
      %dma_wait3A_75 = arith.constant 0 : i32
      %dma_wait3A_76 = tpu.memref_slice %arg5[%dma_wait3A_74, %dma_wait3A_75] : memref<128x128xf32, #tpu.memory_space<vmem>> -> memref<80x128xf32, #tpu.memory_space<vmem>>
      tpu.wait_dma2 semaphore(%run_scoped3A : memref<!tpu.dma_semaphore, #tpu.memory_space<semaphore_mem>>) src(%dma_wait3A_76 : memref<80x128xf32, #tpu.memory_space<vmem>>) dst(%dma_wait3A_73 : memref<80x128xf32, #tpu.memory_space<vmem_shared>>)
      tpu.yield
    }) : () -> ()
    %mul3A_18 = arith.constant 624 : i32
    %mul3A_19 = arith.muli %arg1, %mul3A_18 : i32
    %add3A_20 = arith.constant 240 : i32
    %add3A_21 = arith.addi %mul3A_19, %add3A_20 : i32
    "tpu.region"() ({
      %run_scoped3A = tpu.sem_alloc : memref<!tpu.dma_semaphore, #tpu.memory_space<semaphore_mem>>
      %dma_start3A = arith.constant 0 : i32
      %dma_start3A_59 = arith.constant 0 : i32
      %dma_start3A_60 = tpu.memref_slice %arg5[%dma_start3A, %dma_start3A_59] : memref<128x128xf32, #tpu.memory_space<vmem>> -> memref<80x128xf32, #tpu.memory_space<vmem>>
      %dma_start3A_61 = arith.constant 0 : i32
      %dma_start3A_62 = tpu.memref_slice %arg7[%add3A_21, %dma_start3A_61] : memref<10008x128xf32, #tpu.memory_space<vmem_shared>> -> memref<80x128xf32, #tpu.memory_space<vmem_shared>>
      %dma_start3A_63 = arith.constant 0 : i32
      %dma_start3A_64 = tpu.memref_slice %arg7[%add3A_21, %dma_start3A_63] : memref<10008x128xf32, #tpu.memory_space<vmem_shared>> -> memref<80x128xf32, #tpu.memory_space<vmem_shared>>
      %dma_start3A_65 = arith.constant 0 : i32
      %dma_start3A_66 = arith.constant 0 : i32
      %dma_start3A_67 = tpu.memref_slice %arg5[%dma_start3A_65, %dma_start3A_66] : memref<128x128xf32, #tpu.memory_space<vmem>> -> memref<80x128xf32, #tpu.memory_space<vmem>>
      tpu.enqueue_dma source(%dma_start3A_67 : memref<80x128xf32, #tpu.memory_space<vmem>>) target(%dma_start3A_64 : memref<80x128xf32, #tpu.memory_space<vmem_shared>>) target_semaphore(%run_scoped3A : memref<!tpu.dma_semaphore, #tpu.memory_space<semaphore_mem>>)
      %dma_wait3A = arith.constant 0 : i32
      %dma_wait3A_68 = arith.constant 0 : i32
      %dma_wait3A_69 = tpu.memref_slice %arg5[%dma_wait3A, %dma_wait3A_68] : memref<128x128xf32, #tpu.memory_space<vmem>> -> memref<80x128xf32, #tpu.memory_space<vmem>>
      %dma_wait3A_70 = arith.constant 0 : i32
      %dma_wait3A_71 = tpu.memref_slice %arg7[%add3A_21, %dma_wait3A_70] : memref<10008x128xf32, #tpu.memory_space<vmem_shared>> -> memref<80x128xf32, #tpu.memory_space<vmem_shared>>
      %dma_wait3A_72 = arith.constant 0 : i32
      %dma_wait3A_73 = tpu.memref_slice %arg7[%add3A_21, %dma_wait3A_72] : memref<10008x128xf32, #tpu.memory_space<vmem_shared>> -> memref<80x128xf32, #tpu.memory_space<vmem_shared>>
      %dma_wait3A_74 = arith.constant 0 : i32
      %dma_wait3A_75 = arith.constant 0 : i32
      %dma_wait3A_76 = tpu.memref_slice %arg5[%dma_wait3A_74, %dma_wait3A_75] : memref<128x128xf32, #tpu.memory_space<vmem>> -> memref<80x128xf32, #tpu.memory_space<vmem>>
      tpu.wait_dma2 semaphore(%run_scoped3A : memref<!tpu.dma_semaphore, #tpu.memory_space<semaphore_mem>>) src(%dma_wait3A_76 : memref<80x128xf32, #tpu.memory_space<vmem>>) dst(%dma_wait3A_73 : memref<80x128xf32, #tpu.memory_space<vmem_shared>>)
      tpu.yield
    }) : () -> ()
    %mul3A_22 = arith.constant 624 : i32
    %mul3A_23 = arith.muli %arg1, %mul3A_22 : i32
    %add3A_24 = arith.constant 320 : i32
    %add3A_25 = arith.addi %mul3A_23, %add3A_24 : i32
    "tpu.region"() ({
      %run_scoped3A = tpu.sem_alloc : memref<!tpu.dma_semaphore, #tpu.memory_space<semaphore_mem>>
      %dma_start3A = arith.constant 0 : i32
      %dma_start3A_59 = arith.constant 0 : i32
      %dma_start3A_60 = tpu.memref_slice %arg5[%dma_start3A, %dma_start3A_59] : memref<128x128xf32, #tpu.memory_space<vmem>> -> memref<80x128xf32, #tpu.memory_space<vmem>>
      %dma_start3A_61 = arith.constant 0 : i32
      %dma_start3A_62 = tpu.memref_slice %arg7[%add3A_25, %dma_start3A_61] : memref<10008x128xf32, #tpu.memory_space<vmem_shared>> -> memref<80x128xf32, #tpu.memory_space<vmem_shared>>
      %dma_start3A_63 = arith.constant 0 : i32
      %dma_start3A_64 = tpu.memref_slice %arg7[%add3A_25, %dma_start3A_63] : memref<10008x128xf32, #tpu.memory_space<vmem_shared>> -> memref<80x128xf32, #tpu.memory_space<vmem_shared>>
      %dma_start3A_65 = arith.constant 0 : i32
      %dma_start3A_66 = arith.constant 0 : i32
      %dma_start3A_67 = tpu.memref_slice %arg5[%dma_start3A_65, %dma_start3A_66] : memref<128x128xf32, #tpu.memory_space<vmem>> -> memref<80x128xf32, #tpu.memory_space<vmem>>
      tpu.enqueue_dma source(%dma_start3A_67 : memref<80x128xf32, #tpu.memory_space<vmem>>) target(%dma_start3A_64 : memref<80x128xf32, #tpu.memory_space<vmem_shared>>) target_semaphore(%run_scoped3A : memref<!tpu.dma_semaphore, #tpu.memory_space<semaphore_mem>>)
      %dma_wait3A = arith.constant 0 : i32
      %dma_wait3A_68 = arith.constant 0 : i32
      %dma_wait3A_69 = tpu.memref_slice %arg5[%dma_wait3A, %dma_wait3A_68] : memref<128x128xf32, #tpu.memory_space<vmem>> -> memref<80x128xf32, #tpu.memory_space<vmem>>
      %dma_wait3A_70 = arith.constant 0 : i32
      %dma_wait3A_71 = tpu.memref_slice %arg7[%add3A_25, %dma_wait3A_70] : memref<10008x128xf32, #tpu.memory_space<vmem_shared>> -> memref<80x128xf32, #tpu.memory_space<vmem_shared>>
      %dma_wait3A_72 = arith.constant 0 : i32
      %dma_wait3A_73 = tpu.memref_slice %arg7[%add3A_25, %dma_wait3A_72] : memref<10008x128xf32, #tpu.memory_space<vmem_shared>> -> memref<80x128xf32, #tpu.memory_space<vmem_shared>>
      %dma_wait3A_74 = arith.constant 0 : i32
      %dma_wait3A_75 = arith.constant 0 : i32
      %dma_wait3A_76 = tpu.memref_slice %arg5[%dma_wait3A_74, %dma_wait3A_75] : memref<128x128xf32, #tpu.memory_space<vmem>> -> memref<80x128xf32, #tpu.memory_space<vmem>>
      tpu.wait_dma2 semaphore(%run_scoped3A : memref<!tpu.dma_semaphore, #tpu.memory_space<semaphore_mem>>) src(%dma_wait3A_76 : memref<80x128xf32, #tpu.memory_space<vmem>>) dst(%dma_wait3A_73 : memref<80x128xf32, #tpu.memory_space<vmem_shared>>)
      tpu.yield
    }) : () -> ()
    %mul3A_26 = arith.constant 624 : i32
    %mul3A_27 = arith.muli %arg1, %mul3A_26 : i32
    %add3A_28 = arith.constant 400 : i32
    %add3A_29 = arith.addi %mul3A_27, %add3A_28 : i32
    "tpu.region"() ({
      %run_scoped3A = tpu.sem_alloc : memref<!tpu.dma_semaphore, #tpu.memory_space<semaphore_mem>>
      %dma_start3A = arith.constant 0 : i32
      %dma_start3A_59 = arith.constant 0 : i32
      %dma_start3A_60 = tpu.memref_slice %arg5[%dma_start3A, %dma_start3A_59] : memref<128x128xf32, #tpu.memory_space<vmem>> -> memref<80x128xf32, #tpu.memory_space<vmem>>
      %dma_start3A_61 = arith.constant 0 : i32
      %dma_start3A_62 = tpu.memref_slice %arg7[%add3A_29, %dma_start3A_61] : memref<10008x128xf32, #tpu.memory_space<vmem_shared>> -> memref<80x128xf32, #tpu.memory_space<vmem_shared>>
      %dma_start3A_63 = arith.constant 0 : i32
      %dma_start3A_64 = tpu.memref_slice %arg7[%add3A_29, %dma_start3A_63] : memref<10008x128xf32, #tpu.memory_space<vmem_shared>> -> memref<80x128xf32, #tpu.memory_space<vmem_shared>>
      %dma_start3A_65 = arith.constant 0 : i32
      %dma_start3A_66 = arith.constant 0 : i32
      %dma_start3A_67 = tpu.memref_slice %arg5[%dma_start3A_65, %dma_start3A_66] : memref<128x128xf32, #tpu.memory_space<vmem>> -> memref<80x128xf32, #tpu.memory_space<vmem>>
      tpu.enqueue_dma source(%dma_start3A_67 : memref<80x128xf32, #tpu.memory_space<vmem>>) target(%dma_start3A_64 : memref<80x128xf32, #tpu.memory_space<vmem_shared>>) target_semaphore(%run_scoped3A : memref<!tpu.dma_semaphore, #tpu.memory_space<semaphore_mem>>)
      %dma_wait3A = arith.constant 0 : i32
      %dma_wait3A_68 = arith.constant 0 : i32
      %dma_wait3A_69 = tpu.memref_slice %arg5[%dma_wait3A, %dma_wait3A_68] : memref<128x128xf32, #tpu.memory_space<vmem>> -> memref<80x128xf32, #tpu.memory_space<vmem>>
      %dma_wait3A_70 = arith.constant 0 : i32
      %dma_wait3A_71 = tpu.memref_slice %arg7[%add3A_29, %dma_wait3A_70] : memref<10008x128xf32, #tpu.memory_space<vmem_shared>> -> memref<80x128xf32, #tpu.memory_space<vmem_shared>>
      %dma_wait3A_72 = arith.constant 0 : i32
      %dma_wait3A_73 = tpu.memref_slice %arg7[%add3A_29, %dma_wait3A_72] : memref<10008x128xf32, #tpu.memory_space<vmem_shared>> -> memref<80x128xf32, #tpu.memory_space<vmem_shared>>
      %dma_wait3A_74 = arith.constant 0 : i32
      %dma_wait3A_75 = arith.constant 0 : i32
      %dma_wait3A_76 = tpu.memref_slice %arg5[%dma_wait3A_74, %dma_wait3A_75] : memref<128x128xf32, #tpu.memory_space<vmem>> -> memref<80x128xf32, #tpu.memory_space<vmem>>
      tpu.wait_dma2 semaphore(%run_scoped3A : memref<!tpu.dma_semaphore, #tpu.memory_space<semaphore_mem>>) src(%dma_wait3A_76 : memref<80x128xf32, #tpu.memory_space<vmem>>) dst(%dma_wait3A_73 : memref<80x128xf32, #tpu.memory_space<vmem_shared>>)
      tpu.yield
    }) : () -> ()
    %mul3A_30 = arith.constant 624 : i32
    %mul3A_31 = arith.muli %arg1, %mul3A_30 : i32
    %add3A_32 = arith.constant 480 : i32
    %add3A_33 = arith.addi %mul3A_31, %add3A_32 : i32
    "tpu.region"() ({
      %run_scoped3A = tpu.sem_alloc : memref<!tpu.dma_semaphore, #tpu.memory_space<semaphore_mem>>
      %dma_start3A = arith.constant 0 : i32
      %dma_start3A_59 = arith.constant 0 : i32
      %dma_start3A_60 = tpu.memref_slice %arg5[%dma_start3A, %dma_start3A_59] : memref<128x128xf32, #tpu.memory_space<vmem>> -> memref<80x128xf32, #tpu.memory_space<vmem>>
      %dma_start3A_61 = arith.constant 0 : i32
      %dma_start3A_62 = tpu.memref_slice %arg7[%add3A_33, %dma_start3A_61] : memref<10008x128xf32, #tpu.memory_space<vmem_shared>> -> memref<80x128xf32, #tpu.memory_space<vmem_shared>>
      %dma_start3A_63 = arith.constant 0 : i32
      %dma_start3A_64 = tpu.memref_slice %arg7[%add3A_33, %dma_start3A_63] : memref<10008x128xf32, #tpu.memory_space<vmem_shared>> -> memref<80x128xf32, #tpu.memory_space<vmem_shared>>
      %dma_start3A_65 = arith.constant 0 : i32
      %dma_start3A_66 = arith.constant 0 : i32
      %dma_start3A_67 = tpu.memref_slice %arg5[%dma_start3A_65, %dma_start3A_66] : memref<128x128xf32, #tpu.memory_space<vmem>> -> memref<80x128xf32, #tpu.memory_space<vmem>>
      tpu.enqueue_dma source(%dma_start3A_67 : memref<80x128xf32, #tpu.memory_space<vmem>>) target(%dma_start3A_64 : memref<80x128xf32, #tpu.memory_space<vmem_shared>>) target_semaphore(%run_scoped3A : memref<!tpu.dma_semaphore, #tpu.memory_space<semaphore_mem>>)
      %dma_wait3A = arith.constant 0 : i32
      %dma_wait3A_68 = arith.constant 0 : i32
      %dma_wait3A_69 = tpu.memref_slice %arg5[%dma_wait3A, %dma_wait3A_68] : memref<128x128xf32, #tpu.memory_space<vmem>> -> memref<80x128xf32, #tpu.memory_space<vmem>>
      %dma_wait3A_70 = arith.constant 0 : i32
      %dma_wait3A_71 = tpu.memref_slice %arg7[%add3A_33, %dma_wait3A_70] : memref<10008x128xf32, #tpu.memory_space<vmem_shared>> -> memref<80x128xf32, #tpu.memory_space<vmem_shared>>
      %dma_wait3A_72 = arith.constant 0 : i32
      %dma_wait3A_73 = tpu.memref_slice %arg7[%add3A_33, %dma_wait3A_72] : memref<10008x128xf32, #tpu.memory_space<vmem_shared>> -> memref<80x128xf32, #tpu.memory_space<vmem_shared>>
      %dma_wait3A_74 = arith.constant 0 : i32
      %dma_wait3A_75 = arith.constant 0 : i32
      %dma_wait3A_76 = tpu.memref_slice %arg5[%dma_wait3A_74, %dma_wait3A_75] : memref<128x128xf32, #tpu.memory_space<vmem>> -> memref<80x128xf32, #tpu.memory_space<vmem>>
      tpu.wait_dma2 semaphore(%run_scoped3A : memref<!tpu.dma_semaphore, #tpu.memory_space<semaphore_mem>>) src(%dma_wait3A_76 : memref<80x128xf32, #tpu.memory_space<vmem>>) dst(%dma_wait3A_73 : memref<80x128xf32, #tpu.memory_space<vmem_shared>>)
      tpu.yield
    }) : () -> ()
    %mul3A_34 = arith.constant 624 : i32
    %mul3A_35 = arith.muli %arg1, %mul3A_34 : i32
    %add3A_36 = arith.constant 560 : i32
    %add3A_37 = arith.addi %mul3A_35, %add3A_36 : i32
    "tpu.region"() ({
      %run_scoped3A = tpu.sem_alloc : memref<!tpu.dma_semaphore, #tpu.memory_space<semaphore_mem>>
      %dma_start3A = arith.constant 0 : i32
      %dma_start3A_59 = arith.constant 0 : i32
      %dma_start3A_60 = tpu.memref_slice %arg5[%dma_start3A, %dma_start3A_59] : memref<128x128xf32, #tpu.memory_space<vmem>> -> memref<80x128xf32, #tpu.memory_space<vmem>>
      %dma_start3A_61 = arith.constant 0 : i32
      %dma_start3A_62 = tpu.memref_slice %arg7[%add3A_37, %dma_start3A_61] : memref<10008x128xf32, #tpu.memory_space<vmem_shared>> -> memref<80x128xf32, #tpu.memory_space<vmem_shared>>
      %dma_start3A_63 = arith.constant 0 : i32
      %dma_start3A_64 = tpu.memref_slice %arg7[%add3A_37, %dma_start3A_63] : memref<10008x128xf32, #tpu.memory_space<vmem_shared>> -> memref<80x128xf32, #tpu.memory_space<vmem_shared>>
      %dma_start3A_65 = arith.constant 0 : i32
      %dma_start3A_66 = arith.constant 0 : i32
      %dma_start3A_67 = tpu.memref_slice %arg5[%dma_start3A_65, %dma_start3A_66] : memref<128x128xf32, #tpu.memory_space<vmem>> -> memref<80x128xf32, #tpu.memory_space<vmem>>
      tpu.enqueue_dma source(%dma_start3A_67 : memref<80x128xf32, #tpu.memory_space<vmem>>) target(%dma_start3A_64 : memref<80x128xf32, #tpu.memory_space<vmem_shared>>) target_semaphore(%run_scoped3A : memref<!tpu.dma_semaphore, #tpu.memory_space<semaphore_mem>>)
      %dma_wait3A = arith.constant 0 : i32
      %dma_wait3A_68 = arith.constant 0 : i32
      %dma_wait3A_69 = tpu.memref_slice %arg5[%dma_wait3A, %dma_wait3A_68] : memref<128x128xf32, #tpu.memory_space<vmem>> -> memref<80x128xf32, #tpu.memory_space<vmem>>
      %dma_wait3A_70 = arith.constant 0 : i32
      %dma_wait3A_71 = tpu.memref_slice %arg7[%add3A_37, %dma_wait3A_70] : memref<10008x128xf32, #tpu.memory_space<vmem_shared>> -> memref<80x128xf32, #tpu.memory_space<vmem_shared>>
      %dma_wait3A_72 = arith.constant 0 : i32
      %dma_wait3A_73 = tpu.memref_slice %arg7[%add3A_37, %dma_wait3A_72] : memref<10008x128xf32, #tpu.memory_space<vmem_shared>> -> memref<80x128xf32, #tpu.memory_space<vmem_shared>>
      %dma_wait3A_74 = arith.constant 0 : i32
      %dma_wait3A_75 = arith.constant 0 : i32
      %dma_wait3A_76 = tpu.memref_slice %arg5[%dma_wait3A_74, %dma_wait3A_75] : memref<128x128xf32, #tpu.memory_space<vmem>> -> memref<80x128xf32, #tpu.memory_space<vmem>>
      tpu.wait_dma2 semaphore(%run_scoped3A : memref<!tpu.dma_semaphore, #tpu.memory_space<semaphore_mem>>) src(%dma_wait3A_76 : memref<80x128xf32, #tpu.memory_space<vmem>>) dst(%dma_wait3A_73 : memref<80x128xf32, #tpu.memory_space<vmem_shared>>)
      tpu.yield
    }) : () -> ()
    %scan3A_38 = arith.constant 0 : i32
    %scan3A_39 = arith.constant 0 : i32
    %scan3A_40 = arith.constant 128 : i32
    %scan3A_41 = arith.addi %scan3A_39, %scan3A_40 : i32
    %scan3A_42 = arith.constant 1 : i32
    scf.for %scan3A_59 = %scan3A_39 to %scan3A_41 step %scan3A_42  : i32 {
      %broadcast_in_dim3A = arith.constant 1.000000e+00 : f32
      %broadcast_in_dim3A_60 = vector.broadcast %broadcast_in_dim3A : f32 to vector<16xf32>
      %swap3A = arith.index_cast %scan3A_59 : i32 to index
      %swap3A_61 = arith.constant 0 : index
      %swap3A_62 = tpu.vector_load %arg5[%swap3A, %swap3A_61] {strides = array<i32>} : memref<128x128xf32, #tpu.memory_space<vmem>>, vector<1x16xf32>,
      %swap3A_63 = vector.shape_cast %swap3A_62 : vector<1x16xf32> to vector<16xf32>
      %swap3A_64 = vector.shape_cast %broadcast_in_dim3A_60 : vector<16xf32> to vector<1x16xf32>
      tpu.vector_store %arg5[%swap3A, %swap3A_61], %swap3A_64 {strides = array<i32>} : memref<128x128xf32, #tpu.memory_space<vmem>>, vector<1x16xf32>,
      %broadcast_in_dim3A_65 = arith.constant 1.000000e+00 : f32
      %broadcast_in_dim3A_66 = vector.broadcast %broadcast_in_dim3A_65 : f32 to vector<16xf32>
      %swap3A_67 = arith.index_cast %scan3A_59 : i32 to index
      %swap3A_68 = arith.constant 16 : index
      %swap3A_69 = tpu.vector_load %arg5[%swap3A_67, %swap3A_68] {strides = array<i32>} : memref<128x128xf32, #tpu.memory_space<vmem>>, vector<1x16xf32>,
      %swap3A_70 = vector.shape_cast %swap3A_69 : vector<1x16xf32> to vector<16xf32>
      %swap3A_71 = vector.shape_cast %broadcast_in_dim3A_66 : vector<16xf32> to vector<1x16xf32>
      tpu.vector_store %arg5[%swap3A_67, %swap3A_68], %swap3A_71 {strides = array<i32>} : memref<128x128xf32, #tpu.memory_space<vmem>>, vector<1x16xf32>,
      %broadcast_in_dim3A_72 = arith.constant 1.000000e+00 : f32
      %broadcast_in_dim3A_73 = vector.broadcast %broadcast_in_dim3A_72 : f32 to vector<16xf32>
      %swap3A_74 = arith.index_cast %scan3A_59 : i32 to index
      %swap3A_75 = arith.constant 32 : index
      %swap3A_76 = tpu.vector_load %arg5[%swap3A_74, %swap3A_75] {strides = array<i32>} : memref<128x128xf32, #tpu.memory_space<vmem>>, vector<1x16xf32>,
      %swap3A_77 = vector.shape_cast %swap3A_76 : vector<1x16xf32> to vector<16xf32>
      %swap3A_78 = vector.shape_cast %broadcast_in_dim3A_73 : vector<16xf32> to vector<1x16xf32>
      tpu.vector_store %arg5[%swap3A_74, %swap3A_75], %swap3A_78 {strides = array<i32>} : memref<128x128xf32, #tpu.memory_space<vmem>>, vector<1x16xf32>,
      %broadcast_in_dim3A_79 = arith.constant 1.000000e+00 : f32
      %broadcast_in_dim3A_80 = vector.broadcast %broadcast_in_dim3A_79 : f32 to vector<16xf32>
      %swap3A_81 = arith.index_cast %scan3A_59 : i32 to index
      %swap3A_82 = arith.constant 48 : index
      %swap3A_83 = tpu.vector_load %arg5[%swap3A_81, %swap3A_82] {strides = array<i32>} : memref<128x128xf32, #tpu.memory_space<vmem>>, vector<1x16xf32>,
      %swap3A_84 = vector.shape_cast %swap3A_83 : vector<1x16xf32> to vector<16xf32>
      %swap3A_85 = vector.shape_cast %broadcast_in_dim3A_80 : vector<16xf32> to vector<1x16xf32>
      tpu.vector_store %arg5[%swap3A_81, %swap3A_82], %swap3A_85 {strides = array<i32>} : memref<128x128xf32, #tpu.memory_space<vmem>>, vector<1x16xf32>,
      %broadcast_in_dim3A_86 = arith.constant 1.000000e+00 : f32
      %broadcast_in_dim3A_87 = vector.broadcast %broadcast_in_dim3A_86 : f32 to vector<16xf32>
      %swap3A_88 = arith.index_cast %scan3A_59 : i32 to index
      %swap3A_89 = arith.constant 64 : index
      %swap3A_90 = tpu.vector_load %arg5[%swap3A_88, %swap3A_89] {strides = array<i32>} : memref<128x128xf32, #tpu.memory_space<vmem>>, vector<1x16xf32>,
      %swap3A_91 = vector.shape_cast %swap3A_90 : vector<1x16xf32> to vector<16xf32>
      %swap3A_92 = vector.shape_cast %broadcast_in_dim3A_87 : vector<16xf32> to vector<1x16xf32>
      tpu.vector_store %arg5[%swap3A_88, %swap3A_89], %swap3A_92 {strides = array<i32>} : memref<128x128xf32, #tpu.memory_space<vmem>>, vector<1x16xf32>,
      %broadcast_in_dim3A_93 = arith.constant 1.000000e+00 : f32
      %broadcast_in_dim3A_94 = vector.broadcast %broadcast_in_dim3A_93 : f32 to vector<16xf32>
      %swap3A_95 = arith.index_cast %scan3A_59 : i32 to index
      %swap3A_96 = arith.constant 80 : index
      %swap3A_97 = tpu.vector_load %arg5[%swap3A_95, %swap3A_96] {strides = array<i32>} : memref<128x128xf32, #tpu.memory_space<vmem>>, vector<1x16xf32>,
      %swap3A_98 = vector.shape_cast %swap3A_97 : vector<1x16xf32> to vector<16xf32>
      %swap3A_99 = vector.shape_cast %broadcast_in_dim3A_94 : vector<16xf32> to vector<1x16xf32>
      tpu.vector_store %arg5[%swap3A_95, %swap3A_96], %swap3A_99 {strides = array<i32>} : memref<128x128xf32, #tpu.memory_space<vmem>>, vector<1x16xf32>,
      %broadcast_in_dim3A_100 = arith.constant 1.000000e+00 : f32
      %broadcast_in_dim3A_101 = vector.broadcast %broadcast_in_dim3A_100 : f32 to vector<16xf32>
      %swap3A_102 = arith.index_cast %scan3A_59 : i32 to index
      %swap3A_103 = arith.constant 96 : index
      %swap3A_104 = tpu.vector_load %arg5[%swap3A_102, %swap3A_103] {strides = array<i32>} : memref<128x128xf32, #tpu.memory_space<vmem>>, vector<1x16xf32>,
      %swap3A_105 = vector.shape_cast %swap3A_104 : vector<1x16xf32> to vector<16xf32>
      %swap3A_106 = vector.shape_cast %broadcast_in_dim3A_101 : vector<16xf32> to vector<1x16xf32>
      tpu.vector_store %arg5[%swap3A_102, %swap3A_103], %swap3A_106 {strides = array<i32>} : memref<128x128xf32, #tpu.memory_space<vmem>>, vector<1x16xf32>,
      %broadcast_in_dim3A_107 = arith.constant 1.000000e+00 : f32
      %broadcast_in_dim3A_108 = vector.broadcast %broadcast_in_dim3A_107 : f32 to vector<16xf32>
      %swap3A_109 = arith.index_cast %scan3A_59 : i32 to index
      %swap3A_110 = arith.constant 112 : index
      %swap3A_111 = tpu.vector_load %arg5[%swap3A_109, %swap3A_110] {strides = array<i32>} : memref<128x128xf32, #tpu.memory_space<vmem>>, vector<1x16xf32>,
      %swap3A_112 = vector.shape_cast %swap3A_111 : vector<1x16xf32> to vector<16xf32>
      %swap3A_113 = vector.shape_cast %broadcast_in_dim3A_108 : vector<16xf32> to vector<1x16xf32>
      tpu.vector_store %arg5[%swap3A_109, %swap3A_110], %swap3A_113 {strides = array<i32>} : memref<128x128xf32, #tpu.memory_space<vmem>>, vector<1x16xf32>,
    }
    %scan3A_43 = arith.constant 128 : i32
    "tpu.region"() ({
      %run_scoped3A = tpu.sem_alloc : memref<!tpu.dma_semaphore, #tpu.memory_space<semaphore_mem>>
      %dma_start3A = arith.constant 0 : i32
      %dma_start3A_59 = arith.constant 0 : i32
      %dma_start3A_60 = tpu.memref_slice %arg2[%add3A, %dma_start3A, %dma_start3A_59] : memref<32x80x128xi32, #tpu.memory_space<hbm>> -> memref<1x80x128xi32, #tpu.memory_space<hbm>>
      %dma_start3A_61 = tpu.memref_squeeze %dma_start3A_60 : memref<1x80x128xi32, #tpu.memory_space<hbm>> -> memref<80x128xi32, #tpu.memory_space<hbm>>
      %dma_start3A_62 = arith.constant 0 : i32
      %dma_start3A_63 = arith.constant 0 : i32
      %dma_start3A_64 = tpu.memref_slice %arg2[%add3A, %dma_start3A_62, %dma_start3A_63] : memref<32x80x128xi32, #tpu.memory_space<hbm>> -> memref<1x80x128xi32, #tpu.memory_space<hbm>>
      %dma_start3A_65 = tpu.memref_squeeze %dma_start3A_64 : memref<1x80x128xi32, #tpu.memory_space<hbm>> -> memref<80x128xi32, #tpu.memory_space<hbm>>
      tpu.enqueue_dma source(%dma_start3A_65 : memref<80x128xi32, #tpu.memory_space<hbm>>) target(%arg4 : memref<80x128xi32, #tpu.memory_space<vmem>>) target_semaphore(%run_scoped3A : memref<!tpu.dma_semaphore, #tpu.memory_space<semaphore_mem>>)
      %dma_wait3A = arith.constant 0 : i32
      %dma_wait3A_66 = arith.constant 0 : i32
      %dma_wait3A_67 = tpu.memref_slice %arg2[%add3A, %dma_wait3A, %dma_wait3A_66] : memref<32x80x128xi32, #tpu.memory_space<hbm>> -> memref<1x80x128xi32, #tpu.memory_space<hbm>>
      %dma_wait3A_68 = tpu.memref_squeeze %dma_wait3A_67 : memref<1x80x128xi32, #tpu.memory_space<hbm>> -> memref<80x128xi32, #tpu.memory_space<hbm>>
      %dma_wait3A_69 = arith.constant 0 : i32
      %dma_wait3A_70 = arith.constant 0 : i32
      %dma_wait3A_71 = tpu.memref_slice %arg2[%add3A, %dma_wait3A_69, %dma_wait3A_70] : memref<32x80x128xi32, #tpu.memory_space<hbm>> -> memref<1x80x128xi32, #tpu.memory_space<hbm>>
      %dma_wait3A_72 = tpu.memref_squeeze %dma_wait3A_71 : memref<1x80x128xi32, #tpu.memory_space<hbm>> -> memref<80x128xi32, #tpu.memory_space<hbm>>
      tpu.wait_dma2 semaphore(%run_scoped3A : memref<!tpu.dma_semaphore, #tpu.memory_space<semaphore_mem>>) src(%dma_wait3A_72 : memref<80x128xi32, #tpu.memory_space<hbm>>) dst(%arg4 : memref<80x128xi32, #tpu.memory_space<vmem>>)
      tpu.yield
    }) : () -> ()
    %barrier3A = arith.constant 0 : index
    tpu.barrier barrier_id(%barrier3A)
    %scan3A_44 = arith.constant 0 : i32
    %scan3A_45 = arith.constant 0 : i32
    %scan3A_46 = arith.constant 80 : i32
    %scan3A_47 = arith.addi %scan3A_45, %scan3A_46 : i32
    %scan3A_48 = arith.constant 1 : i32
    scf.for %scan3A_59 = %scan3A_45 to %scan3A_47 step %scan3A_48  : i32 {
      %dma_start3A = arith.constant 0 : i32
      %dma_start3A_60 = tpu.memref_slice %arg4[%scan3A_59, %dma_start3A] : memref<80x128xi32, #tpu.memory_space<vmem>> -> memref<1x128xi32, #tpu.memory_space<vmem>>
      %dma_start3A_61 = tpu.memref_squeeze %dma_start3A_60 : memref<1x128xi32, #tpu.memory_space<vmem>> -> memref<128xi32, #tpu.memory_space<vmem>>
      %dma_start3A_62 = arith.constant 0 : i32
      %dma_start3A_63 = arith.constant 0 : i32
      %dma_start3A_64 = tpu.memref_slice %arg7[%dma_start3A_62, %dma_start3A_63] : memref<10008x128xf32, #tpu.memory_space<vmem_shared>> -> memref<10008x128xf32, #tpu.memory_space<vmem_shared>>
      tpu.enqueue_indirect_dma source(%arg5 : memref<128x128xf32, #tpu.memory_space<vmem>>) target(%dma_start3A_64 : memref<10008x128xf32, #tpu.memory_space<vmem_shared>>) offsets(%dma_start3A_61 : memref<128xi32, #tpu.memory_space<vmem>>) semaphore(%arg6 : memref<!tpu.dma_semaphore, #tpu.memory_space<semaphore_mem>>) {add = true}
      %ge3A = arith.constant 8 : i32
      %ge3A_65 = arith.cmpi sge, %scan3A_59, %ge3A : i32
      %convert_element_type3A = arith.extui %ge3A_65 : i1 to i32
      %cond3A = arith.constant 0 : i32
      %cond3A_66 = arith.cmpi ne, %convert_element_type3A, %cond3A : i32
      scf.if %cond3A_66 {
        %dma_wait3A = arith.constant 0 : i32
        %dma_wait3A_67 = tpu.memref_slice %arg4[%scan3A_59, %dma_wait3A] : memref<80x128xi32, #tpu.memory_space<vmem>> -> memref<1x128xi32, #tpu.memory_space<vmem>>
        %dma_wait3A_68 = tpu.memref_squeeze %dma_wait3A_67 : memref<1x128xi32, #tpu.memory_space<vmem>> -> memref<128xi32, #tpu.memory_space<vmem>>
        %dma_wait3A_69 = arith.constant 0 : i32
        %dma_wait3A_70 = arith.constant 0 : i32
        %dma_wait3A_71 = tpu.memref_slice %arg7[%dma_wait3A_69, %dma_wait3A_70] : memref<10008x128xf32, #tpu.memory_space<vmem_shared>> -> memref<10008x128xf32, #tpu.memory_space<vmem_shared>>
        tpu.wait_indirect_dma semaphore(%arg6 : memref<!tpu.dma_semaphore, #tpu.memory_space<semaphore_mem>>) src(%arg5 : memref<128x128xf32, #tpu.memory_space<vmem>>) dst(%dma_wait3A_71 : memref<10008x128xf32, #tpu.memory_space<vmem_shared>>)
      } else {
      }
    }
    %scan3A_49 = arith.constant 80 : i32
    %scan3A_50 = arith.constant 0 : i32
    %scan3A_51 = arith.constant 0 : i32
    %scan3A_52 = arith.constant 8 : i32
    %scan3A_53 = arith.addi %scan3A_51, %scan3A_52 : i32
    %scan3A_54 = arith.constant 1 : i32
    scf.for %scan3A_59 = %scan3A_51 to %scan3A_53 step %scan3A_54  : i32 {
      %dma_wait3A = arith.constant 0 : i32
      %dma_wait3A_60 = arith.constant 0 : i32
      %dma_wait3A_61 = tpu.memref_slice %arg4[%dma_wait3A, %dma_wait3A_60] : memref<80x128xi32, #tpu.memory_space<vmem>> -> memref<1x128xi32, #tpu.memory_space<vmem>>
      %dma_wait3A_62 = tpu.memref_squeeze %dma_wait3A_61 : memref<1x128xi32, #tpu.memory_space<vmem>> -> memref<128xi32, #tpu.memory_space<vmem>>
      %dma_wait3A_63 = arith.constant 0 : i32
      %dma_wait3A_64 = arith.constant 0 : i32
      %dma_wait3A_65 = tpu.memref_slice %arg7[%dma_wait3A_63, %dma_wait3A_64] : memref<10008x128xf32, #tpu.memory_space<vmem_shared>> -> memref<10008x128xf32, #tpu.memory_space<vmem_shared>>
      tpu.wait_indirect_dma semaphore(%arg6 : memref<!tpu.dma_semaphore, #tpu.memory_space<semaphore_mem>>) src(%arg5 : memref<128x128xf32, #tpu.memory_space<vmem>>) dst(%dma_wait3A_65 : memref<10008x128xf32, #tpu.memory_space<vmem_shared>>)
    }
    %scan3A_55 = arith.constant 8 : i32
    %barrier3A_56 = arith.constant 0 : index
    tpu.barrier barrier_id(%barrier3A_56)
    %mul3A_57 = arith.constant 624 : i32
    %mul3A_58 = arith.muli %arg1, %mul3A_57 : i32
    "tpu.region"() ({
      %run_scoped3A = tpu.sem_alloc : memref<!tpu.dma_semaphore, #tpu.memory_space<semaphore_mem>>
      %dma_start3A = arith.constant 0 : i32
      %dma_start3A_59 = tpu.memref_slice %arg3[%arg0, %mul3A_58, %dma_start3A] : memref<2x10000x128xf32, #tpu.memory_space<hbm>> -> memref<1x640x128xf32, #tpu.memory_space<hbm>>
      %dma_start3A_60 = tpu.memref_squeeze %dma_start3A_59 : memref<1x640x128xf32, #tpu.memory_space<hbm>> -> memref<640x128xf32, #tpu.memory_space<hbm>>
      %dma_start3A_61 = arith.constant 0 : i32
      %dma_start3A_62 = tpu.memref_slice %arg7[%mul3A_58, %dma_start3A_61] : memref<10008x128xf32, #tpu.memory_space<vmem_shared>> -> memref<640x128xf32, #tpu.memory_space<vmem_shared>>
      tpu.enqueue_dma source(%dma_start3A_62 : memref<640x128xf32, #tpu.memory_space<vmem_shared>>) target(%dma_start3A_60 : memref<640x128xf32, #tpu.memory_space<hbm>>) target_semaphore(%run_scoped3A : memref<!tpu.dma_semaphore, #tpu.memory_space<semaphore_mem>>)
      %dma_wait3A = arith.constant 0 : i32
      %dma_wait3A_63 = tpu.memref_slice %arg3[%arg0, %mul3A_58, %dma_wait3A] : memref<2x10000x128xf32, #tpu.memory_space<hbm>> -> memref<1x640x128xf32, #tpu.memory_space<hbm>>
      %dma_wait3A_64 = tpu.memref_squeeze %dma_wait3A_63 : memref<1x640x128xf32, #tpu.memory_space<hbm>> -> memref<640x128xf32, #tpu.memory_space<hbm>>
      %dma_wait3A_65 = arith.constant 0 : i32
      %dma_wait3A_66 = tpu.memref_slice %arg7[%mul3A_58, %dma_wait3A_65] : memref<10008x128xf32, #tpu.memory_space<vmem_shared>> -> memref<640x128xf32, #tpu.memory_space<vmem_shared>>
      tpu.wait_dma2 semaphore(%run_scoped3A : memref<!tpu.dma_semaphore, #tpu.memory_space<semaphore_mem>>) src(%dma_wait3A_66 : memref<640x128xf32, #tpu.memory_space<vmem_shared>>) dst(%dma_wait3A_64 : memref<640x128xf32, #tpu.memory_space<hbm>>)
      tpu.yield
    }) : () -> ()
    return
  }
}

#map = affine_map<(d0, d1) -> (0, 0)>
#map1 = affine_map<(d0, d1) -> (0)>
#map2 = affine_map<(d0, d1) -> (0, 0, 0)>
module attributes {stable_mosaic.version = 14 : i64} {
  func.func @_spmm_body(%arg0: i32, %arg1: i32, %arg2: memref<10000x128xf32, #tpu.memory_space<hbm>>, %arg3: memref<320000xi32, #tpu.memory_space<hbm>>, %arg4: memref<320000xi32, #tpu.memory_space<hbm>>, %arg5: memref<2x10000x128xf32, #tpu.memory_space<hbm>>, %arg6: memref<80xi32, #tpu.memory_space<vmem>>, %arg7: memref<80xi32, #tpu.memory_space<vmem>>, %arg8: memref<80xi32, #tpu.memory_space<vmem>>, %arg9: memref<80xi32, #tpu.memory_space<vmem>>, %arg10: memref<80x128xf32, #tpu.memory_space<vmem>>, %arg11: memref<80x128xf32, #tpu.memory_space<vmem>>, %arg12: memref<!tpu.dma_semaphore, #tpu.memory_space<semaphore_mem>>, %arg13: memref<!tpu.dma_semaphore, #tpu.memory_space<semaphore_mem>>, %arg14: memref<!tpu.dma_semaphore, #tpu.memory_space<semaphore_mem>>, %arg15: memref<!tpu.dma_semaphore, #tpu.memory_space<semaphore_mem>>, %arg16: memref<10000x128xf32, #tpu.memory_space<vmem_shared>>) attributes {dimension_semantics = [#tpu.dimension_semantics<core_parallel>, #tpu.dimension_semantics<subcore_parallel>], iteration_bounds = array<i64: 2, 16>, scalar_prefetch = 0 : i64, scratch_operands = 11 : i64, tpu.core_type = #tpu.core_type<sc_vector_subcore>, window_params = [{transform_indices = #map}, {transform_indices = #map1}, {transform_indices = #map1}, {transform_indices = #map2}]} {
    %scan3A = arith.constant 0 : i32
    %scan3A_0 = arith.constant 0 : i32
    %scan3A_1 = arith.constant 80 : i32
    %scan3A_2 = arith.addi %scan3A_0, %scan3A_1 : i32
    %scan3A_3 = arith.constant 1 : i32
    scf.for %scan3A_61 = %scan3A_0 to %scan3A_2 step %scan3A_3  : i32 {
      %broadcast_in_dim3A = arith.constant 0.000000e+00 : f32
      %broadcast_in_dim3A_62 = vector.broadcast %broadcast_in_dim3A : f32 to vector<16xf32>
      %swap3A = arith.index_cast %scan3A_61 : i32 to index
      %swap3A_63 = arith.constant 0 : index
      %swap3A_64 = tpu.vector_load %arg10[%swap3A, %swap3A_63] {strides = array<i32>} : memref<80x128xf32, #tpu.memory_space<vmem>>, vector<1x16xf32>,
      %swap3A_65 = vector.shape_cast %swap3A_64 : vector<1x16xf32> to vector<16xf32>
      %swap3A_66 = vector.shape_cast %broadcast_in_dim3A_62 : vector<16xf32> to vector<1x16xf32>
      tpu.vector_store %arg10[%swap3A, %swap3A_63], %swap3A_66 {strides = array<i32>} : memref<80x128xf32, #tpu.memory_space<vmem>>, vector<1x16xf32>,
      %broadcast_in_dim3A_67 = arith.constant 0.000000e+00 : f32
      %broadcast_in_dim3A_68 = vector.broadcast %broadcast_in_dim3A_67 : f32 to vector<16xf32>
      %swap3A_69 = arith.index_cast %scan3A_61 : i32 to index
      %swap3A_70 = arith.constant 16 : index
      %swap3A_71 = tpu.vector_load %arg10[%swap3A_69, %swap3A_70] {strides = array<i32>} : memref<80x128xf32, #tpu.memory_space<vmem>>, vector<1x16xf32>,
      %swap3A_72 = vector.shape_cast %swap3A_71 : vector<1x16xf32> to vector<16xf32>
      %swap3A_73 = vector.shape_cast %broadcast_in_dim3A_68 : vector<16xf32> to vector<1x16xf32>
      tpu.vector_store %arg10[%swap3A_69, %swap3A_70], %swap3A_73 {strides = array<i32>} : memref<80x128xf32, #tpu.memory_space<vmem>>, vector<1x16xf32>,
      %broadcast_in_dim3A_74 = arith.constant 0.000000e+00 : f32
      %broadcast_in_dim3A_75 = vector.broadcast %broadcast_in_dim3A_74 : f32 to vector<16xf32>
      %swap3A_76 = arith.index_cast %scan3A_61 : i32 to index
      %swap3A_77 = arith.constant 32 : index
      %swap3A_78 = tpu.vector_load %arg10[%swap3A_76, %swap3A_77] {strides = array<i32>} : memref<80x128xf32, #tpu.memory_space<vmem>>, vector<1x16xf32>,
      %swap3A_79 = vector.shape_cast %swap3A_78 : vector<1x16xf32> to vector<16xf32>
      %swap3A_80 = vector.shape_cast %broadcast_in_dim3A_75 : vector<16xf32> to vector<1x16xf32>
      tpu.vector_store %arg10[%swap3A_76, %swap3A_77], %swap3A_80 {strides = array<i32>} : memref<80x128xf32, #tpu.memory_space<vmem>>, vector<1x16xf32>,
      %broadcast_in_dim3A_81 = arith.constant 0.000000e+00 : f32
      %broadcast_in_dim3A_82 = vector.broadcast %broadcast_in_dim3A_81 : f32 to vector<16xf32>
      %swap3A_83 = arith.index_cast %scan3A_61 : i32 to index
      %swap3A_84 = arith.constant 48 : index
      %swap3A_85 = tpu.vector_load %arg10[%swap3A_83, %swap3A_84] {strides = array<i32>} : memref<80x128xf32, #tpu.memory_space<vmem>>, vector<1x16xf32>,
      %swap3A_86 = vector.shape_cast %swap3A_85 : vector<1x16xf32> to vector<16xf32>
      %swap3A_87 = vector.shape_cast %broadcast_in_dim3A_82 : vector<16xf32> to vector<1x16xf32>
      tpu.vector_store %arg10[%swap3A_83, %swap3A_84], %swap3A_87 {strides = array<i32>} : memref<80x128xf32, #tpu.memory_space<vmem>>, vector<1x16xf32>,
      %broadcast_in_dim3A_88 = arith.constant 0.000000e+00 : f32
      %broadcast_in_dim3A_89 = vector.broadcast %broadcast_in_dim3A_88 : f32 to vector<16xf32>
      %swap3A_90 = arith.index_cast %scan3A_61 : i32 to index
      %swap3A_91 = arith.constant 64 : index
      %swap3A_92 = tpu.vector_load %arg10[%swap3A_90, %swap3A_91] {strides = array<i32>} : memref<80x128xf32, #tpu.memory_space<vmem>>, vector<1x16xf32>,
      %swap3A_93 = vector.shape_cast %swap3A_92 : vector<1x16xf32> to vector<16xf32>
      %swap3A_94 = vector.shape_cast %broadcast_in_dim3A_89 : vector<16xf32> to vector<1x16xf32>
      tpu.vector_store %arg10[%swap3A_90, %swap3A_91], %swap3A_94 {strides = array<i32>} : memref<80x128xf32, #tpu.memory_space<vmem>>, vector<1x16xf32>,
      %broadcast_in_dim3A_95 = arith.constant 0.000000e+00 : f32
      %broadcast_in_dim3A_96 = vector.broadcast %broadcast_in_dim3A_95 : f32 to vector<16xf32>
      %swap3A_97 = arith.index_cast %scan3A_61 : i32 to index
      %swap3A_98 = arith.constant 80 : index
      %swap3A_99 = tpu.vector_load %arg10[%swap3A_97, %swap3A_98] {strides = array<i32>} : memref<80x128xf32, #tpu.memory_space<vmem>>, vector<1x16xf32>,
      %swap3A_100 = vector.shape_cast %swap3A_99 : vector<1x16xf32> to vector<16xf32>
      %swap3A_101 = vector.shape_cast %broadcast_in_dim3A_96 : vector<16xf32> to vector<1x16xf32>
      tpu.vector_store %arg10[%swap3A_97, %swap3A_98], %swap3A_101 {strides = array<i32>} : memref<80x128xf32, #tpu.memory_space<vmem>>, vector<1x16xf32>,
      %broadcast_in_dim3A_102 = arith.constant 0.000000e+00 : f32
      %broadcast_in_dim3A_103 = vector.broadcast %broadcast_in_dim3A_102 : f32 to vector<16xf32>
      %swap3A_104 = arith.index_cast %scan3A_61 : i32 to index
      %swap3A_105 = arith.constant 96 : index
      %swap3A_106 = tpu.vector_load %arg10[%swap3A_104, %swap3A_105] {strides = array<i32>} : memref<80x128xf32, #tpu.memory_space<vmem>>, vector<1x16xf32>,
      %swap3A_107 = vector.shape_cast %swap3A_106 : vector<1x16xf32> to vector<16xf32>
      %swap3A_108 = vector.shape_cast %broadcast_in_dim3A_103 : vector<16xf32> to vector<1x16xf32>
      tpu.vector_store %arg10[%swap3A_104, %swap3A_105], %swap3A_108 {strides = array<i32>} : memref<80x128xf32, #tpu.memory_space<vmem>>, vector<1x16xf32>,
      %broadcast_in_dim3A_109 = arith.constant 0.000000e+00 : f32
      %broadcast_in_dim3A_110 = vector.broadcast %broadcast_in_dim3A_109 : f32 to vector<16xf32>
      %swap3A_111 = arith.index_cast %scan3A_61 : i32 to index
      %swap3A_112 = arith.constant 112 : index
      %swap3A_113 = tpu.vector_load %arg10[%swap3A_111, %swap3A_112] {strides = array<i32>} : memref<80x128xf32, #tpu.memory_space<vmem>>, vector<1x16xf32>,
      %swap3A_114 = vector.shape_cast %swap3A_113 : vector<1x16xf32> to vector<16xf32>
      %swap3A_115 = vector.shape_cast %broadcast_in_dim3A_110 : vector<16xf32> to vector<1x16xf32>
      tpu.vector_store %arg10[%swap3A_111, %swap3A_112], %swap3A_115 {strides = array<i32>} : memref<80x128xf32, #tpu.memory_space<vmem>>, vector<1x16xf32>,
    }
    %scan3A_4 = arith.constant 80 : i32
    %mul3A = arith.constant 624 : i32
    %mul3A_5 = arith.muli %arg1, %mul3A : i32
    %add3A = arith.constant 0 : i32
    %add3A_6 = arith.addi %mul3A_5, %add3A : i32
    "tpu.region"() ({
      %run_scoped3A = tpu.sem_alloc : memref<!tpu.dma_semaphore, #tpu.memory_space<semaphore_mem>>
      %dma_start3A_61 = arith.constant 0 : i32
      %dma_start3A_62 = arith.constant 0 : i32
      %dma_start3A_63 = tpu.memref_slice %arg10[%dma_start3A_61, %dma_start3A_62] : memref<80x128xf32, #tpu.memory_space<vmem>> -> memref<80x128xf32, #tpu.memory_space<vmem>>
      %dma_start3A_64 = arith.constant 0 : i32
      %dma_start3A_65 = tpu.memref_slice %arg16[%add3A_6, %dma_start3A_64] : memref<10000x128xf32, #tpu.memory_space<vmem_shared>> -> memref<80x128xf32, #tpu.memory_space<vmem_shared>>
      %dma_start3A_66 = arith.constant 0 : i32
      %dma_start3A_67 = tpu.memref_slice %arg16[%add3A_6, %dma_start3A_66] : memref<10000x128xf32, #tpu.memory_space<vmem_shared>> -> memref<80x128xf32, #tpu.memory_space<vmem_shared>>
      %dma_start3A_68 = arith.constant 0 : i32
      %dma_start3A_69 = arith.constant 0 : i32
      %dma_start3A_70 = tpu.memref_slice %arg10[%dma_start3A_68, %dma_start3A_69] : memref<80x128xf32, #tpu.memory_space<vmem>> -> memref<80x128xf32, #tpu.memory_space<vmem>>
      tpu.enqueue_dma source(%dma_start3A_70 : memref<80x128xf32, #tpu.memory_space<vmem>>) target(%dma_start3A_67 : memref<80x128xf32, #tpu.memory_space<vmem_shared>>) target_semaphore(%run_scoped3A : memref<!tpu.dma_semaphore, #tpu.memory_space<semaphore_mem>>)
      %dma_wait3A_71 = arith.constant 0 : i32
      %dma_wait3A_72 = arith.constant 0 : i32
      %dma_wait3A_73 = tpu.memref_slice %arg10[%dma_wait3A_71, %dma_wait3A_72] : memref<80x128xf32, #tpu.memory_space<vmem>> -> memref<80x128xf32, #tpu.memory_space<vmem>>
      %dma_wait3A_74 = arith.constant 0 : i32
      %dma_wait3A_75 = tpu.memref_slice %arg16[%add3A_6, %dma_wait3A_74] : memref<10000x128xf32, #tpu.memory_space<vmem_shared>> -> memref<80x128xf32, #tpu.memory_space<vmem_shared>>
      %dma_wait3A_76 = arith.constant 0 : i32
      %dma_wait3A_77 = tpu.memref_slice %arg16[%add3A_6, %dma_wait3A_76] : memref<10000x128xf32, #tpu.memory_space<vmem_shared>> -> memref<80x128xf32, #tpu.memory_space<vmem_shared>>
      %dma_wait3A_78 = arith.constant 0 : i32
      %dma_wait3A_79 = arith.constant 0 : i32
      %dma_wait3A_80 = tpu.memref_slice %arg10[%dma_wait3A_78, %dma_wait3A_79] : memref<80x128xf32, #tpu.memory_space<vmem>> -> memref<80x128xf32, #tpu.memory_space<vmem>>
      tpu.wait_dma2 semaphore(%run_scoped3A : memref<!tpu.dma_semaphore, #tpu.memory_space<semaphore_mem>>) src(%dma_wait3A_80 : memref<80x128xf32, #tpu.memory_space<vmem>>) dst(%dma_wait3A_77 : memref<80x128xf32, #tpu.memory_space<vmem_shared>>)
      tpu.yield
    }) : () -> ()
    %mul3A_7 = arith.constant 624 : i32
    %mul3A_8 = arith.muli %arg1, %mul3A_7 : i32
    %add3A_9 = arith.constant 80 : i32
    %add3A_10 = arith.addi %mul3A_8, %add3A_9 : i32
    "tpu.region"() ({
      %run_scoped3A = tpu.sem_alloc : memref<!tpu.dma_semaphore, #tpu.memory_space<semaphore_mem>>
      %dma_start3A_61 = arith.constant 0 : i32
      %dma_start3A_62 = arith.constant 0 : i32
      %dma_start3A_63 = tpu.memref_slice %arg10[%dma_start3A_61, %dma_start3A_62] : memref<80x128xf32, #tpu.memory_space<vmem>> -> memref<80x128xf32, #tpu.memory_space<vmem>>
      %dma_start3A_64 = arith.constant 0 : i32
      %dma_start3A_65 = tpu.memref_slice %arg16[%add3A_10, %dma_start3A_64] : memref<10000x128xf32, #tpu.memory_space<vmem_shared>> -> memref<80x128xf32, #tpu.memory_space<vmem_shared>>
      %dma_start3A_66 = arith.constant 0 : i32
      %dma_start3A_67 = tpu.memref_slice %arg16[%add3A_10, %dma_start3A_66] : memref<10000x128xf32, #tpu.memory_space<vmem_shared>> -> memref<80x128xf32, #tpu.memory_space<vmem_shared>>
      %dma_start3A_68 = arith.constant 0 : i32
      %dma_start3A_69 = arith.constant 0 : i32
      %dma_start3A_70 = tpu.memref_slice %arg10[%dma_start3A_68, %dma_start3A_69] : memref<80x128xf32, #tpu.memory_space<vmem>> -> memref<80x128xf32, #tpu.memory_space<vmem>>
      tpu.enqueue_dma source(%dma_start3A_70 : memref<80x128xf32, #tpu.memory_space<vmem>>) target(%dma_start3A_67 : memref<80x128xf32, #tpu.memory_space<vmem_shared>>) target_semaphore(%run_scoped3A : memref<!tpu.dma_semaphore, #tpu.memory_space<semaphore_mem>>)
      %dma_wait3A_71 = arith.constant 0 : i32
      %dma_wait3A_72 = arith.constant 0 : i32
      %dma_wait3A_73 = tpu.memref_slice %arg10[%dma_wait3A_71, %dma_wait3A_72] : memref<80x128xf32, #tpu.memory_space<vmem>> -> memref<80x128xf32, #tpu.memory_space<vmem>>
      %dma_wait3A_74 = arith.constant 0 : i32
      %dma_wait3A_75 = tpu.memref_slice %arg16[%add3A_10, %dma_wait3A_74] : memref<10000x128xf32, #tpu.memory_space<vmem_shared>> -> memref<80x128xf32, #tpu.memory_space<vmem_shared>>
      %dma_wait3A_76 = arith.constant 0 : i32
      %dma_wait3A_77 = tpu.memref_slice %arg16[%add3A_10, %dma_wait3A_76] : memref<10000x128xf32, #tpu.memory_space<vmem_shared>> -> memref<80x128xf32, #tpu.memory_space<vmem_shared>>
      %dma_wait3A_78 = arith.constant 0 : i32
      %dma_wait3A_79 = arith.constant 0 : i32
      %dma_wait3A_80 = tpu.memref_slice %arg10[%dma_wait3A_78, %dma_wait3A_79] : memref<80x128xf32, #tpu.memory_space<vmem>> -> memref<80x128xf32, #tpu.memory_space<vmem>>
      tpu.wait_dma2 semaphore(%run_scoped3A : memref<!tpu.dma_semaphore, #tpu.memory_space<semaphore_mem>>) src(%dma_wait3A_80 : memref<80x128xf32, #tpu.memory_space<vmem>>) dst(%dma_wait3A_77 : memref<80x128xf32, #tpu.memory_space<vmem_shared>>)
      tpu.yield
    }) : () -> ()
    %mul3A_11 = arith.constant 624 : i32
    %mul3A_12 = arith.muli %arg1, %mul3A_11 : i32
    %add3A_13 = arith.constant 160 : i32
    %add3A_14 = arith.addi %mul3A_12, %add3A_13 : i32
    "tpu.region"() ({
      %run_scoped3A = tpu.sem_alloc : memref<!tpu.dma_semaphore, #tpu.memory_space<semaphore_mem>>
      %dma_start3A_61 = arith.constant 0 : i32
      %dma_start3A_62 = arith.constant 0 : i32
      %dma_start3A_63 = tpu.memref_slice %arg10[%dma_start3A_61, %dma_start3A_62] : memref<80x128xf32, #tpu.memory_space<vmem>> -> memref<80x128xf32, #tpu.memory_space<vmem>>
      %dma_start3A_64 = arith.constant 0 : i32
      %dma_start3A_65 = tpu.memref_slice %arg16[%add3A_14, %dma_start3A_64] : memref<10000x128xf32, #tpu.memory_space<vmem_shared>> -> memref<80x128xf32, #tpu.memory_space<vmem_shared>>
      %dma_start3A_66 = arith.constant 0 : i32
      %dma_start3A_67 = tpu.memref_slice %arg16[%add3A_14, %dma_start3A_66] : memref<10000x128xf32, #tpu.memory_space<vmem_shared>> -> memref<80x128xf32, #tpu.memory_space<vmem_shared>>
      %dma_start3A_68 = arith.constant 0 : i32
      %dma_start3A_69 = arith.constant 0 : i32
      %dma_start3A_70 = tpu.memref_slice %arg10[%dma_start3A_68, %dma_start3A_69] : memref<80x128xf32, #tpu.memory_space<vmem>> -> memref<80x128xf32, #tpu.memory_space<vmem>>
      tpu.enqueue_dma source(%dma_start3A_70 : memref<80x128xf32, #tpu.memory_space<vmem>>) target(%dma_start3A_67 : memref<80x128xf32, #tpu.memory_space<vmem_shared>>) target_semaphore(%run_scoped3A : memref<!tpu.dma_semaphore, #tpu.memory_space<semaphore_mem>>)
      %dma_wait3A_71 = arith.constant 0 : i32
      %dma_wait3A_72 = arith.constant 0 : i32
      %dma_wait3A_73 = tpu.memref_slice %arg10[%dma_wait3A_71, %dma_wait3A_72] : memref<80x128xf32, #tpu.memory_space<vmem>> -> memref<80x128xf32, #tpu.memory_space<vmem>>
      %dma_wait3A_74 = arith.constant 0 : i32
      %dma_wait3A_75 = tpu.memref_slice %arg16[%add3A_14, %dma_wait3A_74] : memref<10000x128xf32, #tpu.memory_space<vmem_shared>> -> memref<80x128xf32, #tpu.memory_space<vmem_shared>>
      %dma_wait3A_76 = arith.constant 0 : i32
      %dma_wait3A_77 = tpu.memref_slice %arg16[%add3A_14, %dma_wait3A_76] : memref<10000x128xf32, #tpu.memory_space<vmem_shared>> -> memref<80x128xf32, #tpu.memory_space<vmem_shared>>
      %dma_wait3A_78 = arith.constant 0 : i32
      %dma_wait3A_79 = arith.constant 0 : i32
      %dma_wait3A_80 = tpu.memref_slice %arg10[%dma_wait3A_78, %dma_wait3A_79] : memref<80x128xf32, #tpu.memory_space<vmem>> -> memref<80x128xf32, #tpu.memory_space<vmem>>
      tpu.wait_dma2 semaphore(%run_scoped3A : memref<!tpu.dma_semaphore, #tpu.memory_space<semaphore_mem>>) src(%dma_wait3A_80 : memref<80x128xf32, #tpu.memory_space<vmem>>) dst(%dma_wait3A_77 : memref<80x128xf32, #tpu.memory_space<vmem_shared>>)
      tpu.yield
    }) : () -> ()
    %mul3A_15 = arith.constant 624 : i32
    %mul3A_16 = arith.muli %arg1, %mul3A_15 : i32
    %add3A_17 = arith.constant 240 : i32
    %add3A_18 = arith.addi %mul3A_16, %add3A_17 : i32
    "tpu.region"() ({
      %run_scoped3A = tpu.sem_alloc : memref<!tpu.dma_semaphore, #tpu.memory_space<semaphore_mem>>
      %dma_start3A_61 = arith.constant 0 : i32
      %dma_start3A_62 = arith.constant 0 : i32
      %dma_start3A_63 = tpu.memref_slice %arg10[%dma_start3A_61, %dma_start3A_62] : memref<80x128xf32, #tpu.memory_space<vmem>> -> memref<80x128xf32, #tpu.memory_space<vmem>>
      %dma_start3A_64 = arith.constant 0 : i32
      %dma_start3A_65 = tpu.memref_slice %arg16[%add3A_18, %dma_start3A_64] : memref<10000x128xf32, #tpu.memory_space<vmem_shared>> -> memref<80x128xf32, #tpu.memory_space<vmem_shared>>
      %dma_start3A_66 = arith.constant 0 : i32
      %dma_start3A_67 = tpu.memref_slice %arg16[%add3A_18, %dma_start3A_66] : memref<10000x128xf32, #tpu.memory_space<vmem_shared>> -> memref<80x128xf32, #tpu.memory_space<vmem_shared>>
      %dma_start3A_68 = arith.constant 0 : i32
      %dma_start3A_69 = arith.constant 0 : i32
      %dma_start3A_70 = tpu.memref_slice %arg10[%dma_start3A_68, %dma_start3A_69] : memref<80x128xf32, #tpu.memory_space<vmem>> -> memref<80x128xf32, #tpu.memory_space<vmem>>
      tpu.enqueue_dma source(%dma_start3A_70 : memref<80x128xf32, #tpu.memory_space<vmem>>) target(%dma_start3A_67 : memref<80x128xf32, #tpu.memory_space<vmem_shared>>) target_semaphore(%run_scoped3A : memref<!tpu.dma_semaphore, #tpu.memory_space<semaphore_mem>>)
      %dma_wait3A_71 = arith.constant 0 : i32
      %dma_wait3A_72 = arith.constant 0 : i32
      %dma_wait3A_73 = tpu.memref_slice %arg10[%dma_wait3A_71, %dma_wait3A_72] : memref<80x128xf32, #tpu.memory_space<vmem>> -> memref<80x128xf32, #tpu.memory_space<vmem>>
      %dma_wait3A_74 = arith.constant 0 : i32
      %dma_wait3A_75 = tpu.memref_slice %arg16[%add3A_18, %dma_wait3A_74] : memref<10000x128xf32, #tpu.memory_space<vmem_shared>> -> memref<80x128xf32, #tpu.memory_space<vmem_shared>>
      %dma_wait3A_76 = arith.constant 0 : i32
      %dma_wait3A_77 = tpu.memref_slice %arg16[%add3A_18, %dma_wait3A_76] : memref<10000x128xf32, #tpu.memory_space<vmem_shared>> -> memref<80x128xf32, #tpu.memory_space<vmem_shared>>
      %dma_wait3A_78 = arith.constant 0 : i32
      %dma_wait3A_79 = arith.constant 0 : i32
      %dma_wait3A_80 = tpu.memref_slice %arg10[%dma_wait3A_78, %dma_wait3A_79] : memref<80x128xf32, #tpu.memory_space<vmem>> -> memref<80x128xf32, #tpu.memory_space<vmem>>
      tpu.wait_dma2 semaphore(%run_scoped3A : memref<!tpu.dma_semaphore, #tpu.memory_space<semaphore_mem>>) src(%dma_wait3A_80 : memref<80x128xf32, #tpu.memory_space<vmem>>) dst(%dma_wait3A_77 : memref<80x128xf32, #tpu.memory_space<vmem_shared>>)
      tpu.yield
    }) : () -> ()
    %mul3A_19 = arith.constant 624 : i32
    %mul3A_20 = arith.muli %arg1, %mul3A_19 : i32
    %add3A_21 = arith.constant 320 : i32
    %add3A_22 = arith.addi %mul3A_20, %add3A_21 : i32
    "tpu.region"() ({
      %run_scoped3A = tpu.sem_alloc : memref<!tpu.dma_semaphore, #tpu.memory_space<semaphore_mem>>
      %dma_start3A_61 = arith.constant 0 : i32
      %dma_start3A_62 = arith.constant 0 : i32
      %dma_start3A_63 = tpu.memref_slice %arg10[%dma_start3A_61, %dma_start3A_62] : memref<80x128xf32, #tpu.memory_space<vmem>> -> memref<80x128xf32, #tpu.memory_space<vmem>>
      %dma_start3A_64 = arith.constant 0 : i32
      %dma_start3A_65 = tpu.memref_slice %arg16[%add3A_22, %dma_start3A_64] : memref<10000x128xf32, #tpu.memory_space<vmem_shared>> -> memref<80x128xf32, #tpu.memory_space<vmem_shared>>
      %dma_start3A_66 = arith.constant 0 : i32
      %dma_start3A_67 = tpu.memref_slice %arg16[%add3A_22, %dma_start3A_66] : memref<10000x128xf32, #tpu.memory_space<vmem_shared>> -> memref<80x128xf32, #tpu.memory_space<vmem_shared>>
      %dma_start3A_68 = arith.constant 0 : i32
      %dma_start3A_69 = arith.constant 0 : i32
      %dma_start3A_70 = tpu.memref_slice %arg10[%dma_start3A_68, %dma_start3A_69] : memref<80x128xf32, #tpu.memory_space<vmem>> -> memref<80x128xf32, #tpu.memory_space<vmem>>
      tpu.enqueue_dma source(%dma_start3A_70 : memref<80x128xf32, #tpu.memory_space<vmem>>) target(%dma_start3A_67 : memref<80x128xf32, #tpu.memory_space<vmem_shared>>) target_semaphore(%run_scoped3A : memref<!tpu.dma_semaphore, #tpu.memory_space<semaphore_mem>>)
      %dma_wait3A_71 = arith.constant 0 : i32
      %dma_wait3A_72 = arith.constant 0 : i32
      %dma_wait3A_73 = tpu.memref_slice %arg10[%dma_wait3A_71, %dma_wait3A_72] : memref<80x128xf32, #tpu.memory_space<vmem>> -> memref<80x128xf32, #tpu.memory_space<vmem>>
      %dma_wait3A_74 = arith.constant 0 : i32
      %dma_wait3A_75 = tpu.memref_slice %arg16[%add3A_22, %dma_wait3A_74] : memref<10000x128xf32, #tpu.memory_space<vmem_shared>> -> memref<80x128xf32, #tpu.memory_space<vmem_shared>>
      %dma_wait3A_76 = arith.constant 0 : i32
      %dma_wait3A_77 = tpu.memref_slice %arg16[%add3A_22, %dma_wait3A_76] : memref<10000x128xf32, #tpu.memory_space<vmem_shared>> -> memref<80x128xf32, #tpu.memory_space<vmem_shared>>
      %dma_wait3A_78 = arith.constant 0 : i32
      %dma_wait3A_79 = arith.constant 0 : i32
      %dma_wait3A_80 = tpu.memref_slice %arg10[%dma_wait3A_78, %dma_wait3A_79] : memref<80x128xf32, #tpu.memory_space<vmem>> -> memref<80x128xf32, #tpu.memory_space<vmem>>
      tpu.wait_dma2 semaphore(%run_scoped3A : memref<!tpu.dma_semaphore, #tpu.memory_space<semaphore_mem>>) src(%dma_wait3A_80 : memref<80x128xf32, #tpu.memory_space<vmem>>) dst(%dma_wait3A_77 : memref<80x128xf32, #tpu.memory_space<vmem_shared>>)
      tpu.yield
    }) : () -> ()
    %mul3A_23 = arith.constant 624 : i32
    %mul3A_24 = arith.muli %arg1, %mul3A_23 : i32
    %add3A_25 = arith.constant 400 : i32
    %add3A_26 = arith.addi %mul3A_24, %add3A_25 : i32
    "tpu.region"() ({
      %run_scoped3A = tpu.sem_alloc : memref<!tpu.dma_semaphore, #tpu.memory_space<semaphore_mem>>
      %dma_start3A_61 = arith.constant 0 : i32
      %dma_start3A_62 = arith.constant 0 : i32
      %dma_start3A_63 = tpu.memref_slice %arg10[%dma_start3A_61, %dma_start3A_62] : memref<80x128xf32, #tpu.memory_space<vmem>> -> memref<80x128xf32, #tpu.memory_space<vmem>>
      %dma_start3A_64 = arith.constant 0 : i32
      %dma_start3A_65 = tpu.memref_slice %arg16[%add3A_26, %dma_start3A_64] : memref<10000x128xf32, #tpu.memory_space<vmem_shared>> -> memref<80x128xf32, #tpu.memory_space<vmem_shared>>
      %dma_start3A_66 = arith.constant 0 : i32
      %dma_start3A_67 = tpu.memref_slice %arg16[%add3A_26, %dma_start3A_66] : memref<10000x128xf32, #tpu.memory_space<vmem_shared>> -> memref<80x128xf32, #tpu.memory_space<vmem_shared>>
      %dma_start3A_68 = arith.constant 0 : i32
      %dma_start3A_69 = arith.constant 0 : i32
      %dma_start3A_70 = tpu.memref_slice %arg10[%dma_start3A_68, %dma_start3A_69] : memref<80x128xf32, #tpu.memory_space<vmem>> -> memref<80x128xf32, #tpu.memory_space<vmem>>
      tpu.enqueue_dma source(%dma_start3A_70 : memref<80x128xf32, #tpu.memory_space<vmem>>) target(%dma_start3A_67 : memref<80x128xf32, #tpu.memory_space<vmem_shared>>) target_semaphore(%run_scoped3A : memref<!tpu.dma_semaphore, #tpu.memory_space<semaphore_mem>>)
      %dma_wait3A_71 = arith.constant 0 : i32
      %dma_wait3A_72 = arith.constant 0 : i32
      %dma_wait3A_73 = tpu.memref_slice %arg10[%dma_wait3A_71, %dma_wait3A_72] : memref<80x128xf32, #tpu.memory_space<vmem>> -> memref<80x128xf32, #tpu.memory_space<vmem>>
      %dma_wait3A_74 = arith.constant 0 : i32
      %dma_wait3A_75 = tpu.memref_slice %arg16[%add3A_26, %dma_wait3A_74] : memref<10000x128xf32, #tpu.memory_space<vmem_shared>> -> memref<80x128xf32, #tpu.memory_space<vmem_shared>>
      %dma_wait3A_76 = arith.constant 0 : i32
      %dma_wait3A_77 = tpu.memref_slice %arg16[%add3A_26, %dma_wait3A_76] : memref<10000x128xf32, #tpu.memory_space<vmem_shared>> -> memref<80x128xf32, #tpu.memory_space<vmem_shared>>
      %dma_wait3A_78 = arith.constant 0 : i32
      %dma_wait3A_79 = arith.constant 0 : i32
      %dma_wait3A_80 = tpu.memref_slice %arg10[%dma_wait3A_78, %dma_wait3A_79] : memref<80x128xf32, #tpu.memory_space<vmem>> -> memref<80x128xf32, #tpu.memory_space<vmem>>
      tpu.wait_dma2 semaphore(%run_scoped3A : memref<!tpu.dma_semaphore, #tpu.memory_space<semaphore_mem>>) src(%dma_wait3A_80 : memref<80x128xf32, #tpu.memory_space<vmem>>) dst(%dma_wait3A_77 : memref<80x128xf32, #tpu.memory_space<vmem_shared>>)
      tpu.yield
    }) : () -> ()
    %mul3A_27 = arith.constant 624 : i32
    %mul3A_28 = arith.muli %arg1, %mul3A_27 : i32
    %add3A_29 = arith.constant 480 : i32
    %add3A_30 = arith.addi %mul3A_28, %add3A_29 : i32
    "tpu.region"() ({
      %run_scoped3A = tpu.sem_alloc : memref<!tpu.dma_semaphore, #tpu.memory_space<semaphore_mem>>
      %dma_start3A_61 = arith.constant 0 : i32
      %dma_start3A_62 = arith.constant 0 : i32
      %dma_start3A_63 = tpu.memref_slice %arg10[%dma_start3A_61, %dma_start3A_62] : memref<80x128xf32, #tpu.memory_space<vmem>> -> memref<80x128xf32, #tpu.memory_space<vmem>>
      %dma_start3A_64 = arith.constant 0 : i32
      %dma_start3A_65 = tpu.memref_slice %arg16[%add3A_30, %dma_start3A_64] : memref<10000x128xf32, #tpu.memory_space<vmem_shared>> -> memref<80x128xf32, #tpu.memory_space<vmem_shared>>
      %dma_start3A_66 = arith.constant 0 : i32
      %dma_start3A_67 = tpu.memref_slice %arg16[%add3A_30, %dma_start3A_66] : memref<10000x128xf32, #tpu.memory_space<vmem_shared>> -> memref<80x128xf32, #tpu.memory_space<vmem_shared>>
      %dma_start3A_68 = arith.constant 0 : i32
      %dma_start3A_69 = arith.constant 0 : i32
      %dma_start3A_70 = tpu.memref_slice %arg10[%dma_start3A_68, %dma_start3A_69] : memref<80x128xf32, #tpu.memory_space<vmem>> -> memref<80x128xf32, #tpu.memory_space<vmem>>
      tpu.enqueue_dma source(%dma_start3A_70 : memref<80x128xf32, #tpu.memory_space<vmem>>) target(%dma_start3A_67 : memref<80x128xf32, #tpu.memory_space<vmem_shared>>) target_semaphore(%run_scoped3A : memref<!tpu.dma_semaphore, #tpu.memory_space<semaphore_mem>>)
      %dma_wait3A_71 = arith.constant 0 : i32
      %dma_wait3A_72 = arith.constant 0 : i32
      %dma_wait3A_73 = tpu.memref_slice %arg10[%dma_wait3A_71, %dma_wait3A_72] : memref<80x128xf32, #tpu.memory_space<vmem>> -> memref<80x128xf32, #tpu.memory_space<vmem>>
      %dma_wait3A_74 = arith.constant 0 : i32
      %dma_wait3A_75 = tpu.memref_slice %arg16[%add3A_30, %dma_wait3A_74] : memref<10000x128xf32, #tpu.memory_space<vmem_shared>> -> memref<80x128xf32, #tpu.memory_space<vmem_shared>>
      %dma_wait3A_76 = arith.constant 0 : i32
      %dma_wait3A_77 = tpu.memref_slice %arg16[%add3A_30, %dma_wait3A_76] : memref<10000x128xf32, #tpu.memory_space<vmem_shared>> -> memref<80x128xf32, #tpu.memory_space<vmem_shared>>
      %dma_wait3A_78 = arith.constant 0 : i32
      %dma_wait3A_79 = arith.constant 0 : i32
      %dma_wait3A_80 = tpu.memref_slice %arg10[%dma_wait3A_78, %dma_wait3A_79] : memref<80x128xf32, #tpu.memory_space<vmem>> -> memref<80x128xf32, #tpu.memory_space<vmem>>
      tpu.wait_dma2 semaphore(%run_scoped3A : memref<!tpu.dma_semaphore, #tpu.memory_space<semaphore_mem>>) src(%dma_wait3A_80 : memref<80x128xf32, #tpu.memory_space<vmem>>) dst(%dma_wait3A_77 : memref<80x128xf32, #tpu.memory_space<vmem_shared>>)
      tpu.yield
    }) : () -> ()
    %mul3A_31 = arith.constant 624 : i32
    %mul3A_32 = arith.muli %arg1, %mul3A_31 : i32
    %add3A_33 = arith.constant 560 : i32
    %add3A_34 = arith.addi %mul3A_32, %add3A_33 : i32
    "tpu.region"() ({
      %run_scoped3A = tpu.sem_alloc : memref<!tpu.dma_semaphore, #tpu.memory_space<semaphore_mem>>
      %dma_start3A_61 = arith.constant 0 : i32
      %dma_start3A_62 = arith.constant 0 : i32
      %dma_start3A_63 = tpu.memref_slice %arg10[%dma_start3A_61, %dma_start3A_62] : memref<80x128xf32, #tpu.memory_space<vmem>> -> memref<80x128xf32, #tpu.memory_space<vmem>>
      %dma_start3A_64 = arith.constant 0 : i32
      %dma_start3A_65 = tpu.memref_slice %arg16[%add3A_34, %dma_start3A_64] : memref<10000x128xf32, #tpu.memory_space<vmem_shared>> -> memref<80x128xf32, #tpu.memory_space<vmem_shared>>
      %dma_start3A_66 = arith.constant 0 : i32
      %dma_start3A_67 = tpu.memref_slice %arg16[%add3A_34, %dma_start3A_66] : memref<10000x128xf32, #tpu.memory_space<vmem_shared>> -> memref<80x128xf32, #tpu.memory_space<vmem_shared>>
      %dma_start3A_68 = arith.constant 0 : i32
      %dma_start3A_69 = arith.constant 0 : i32
      %dma_start3A_70 = tpu.memref_slice %arg10[%dma_start3A_68, %dma_start3A_69] : memref<80x128xf32, #tpu.memory_space<vmem>> -> memref<80x128xf32, #tpu.memory_space<vmem>>
      tpu.enqueue_dma source(%dma_start3A_70 : memref<80x128xf32, #tpu.memory_space<vmem>>) target(%dma_start3A_67 : memref<80x128xf32, #tpu.memory_space<vmem_shared>>) target_semaphore(%run_scoped3A : memref<!tpu.dma_semaphore, #tpu.memory_space<semaphore_mem>>)
      %dma_wait3A_71 = arith.constant 0 : i32
      %dma_wait3A_72 = arith.constant 0 : i32
      %dma_wait3A_73 = tpu.memref_slice %arg10[%dma_wait3A_71, %dma_wait3A_72] : memref<80x128xf32, #tpu.memory_space<vmem>> -> memref<80x128xf32, #tpu.memory_space<vmem>>
      %dma_wait3A_74 = arith.constant 0 : i32
      %dma_wait3A_75 = tpu.memref_slice %arg16[%add3A_34, %dma_wait3A_74] : memref<10000x128xf32, #tpu.memory_space<vmem_shared>> -> memref<80x128xf32, #tpu.memory_space<vmem_shared>>
      %dma_wait3A_76 = arith.constant 0 : i32
      %dma_wait3A_77 = tpu.memref_slice %arg16[%add3A_34, %dma_wait3A_76] : memref<10000x128xf32, #tpu.memory_space<vmem_shared>> -> memref<80x128xf32, #tpu.memory_space<vmem_shared>>
      %dma_wait3A_78 = arith.constant 0 : i32
      %dma_wait3A_79 = arith.constant 0 : i32
      %dma_wait3A_80 = tpu.memref_slice %arg10[%dma_wait3A_78, %dma_wait3A_79] : memref<80x128xf32, #tpu.memory_space<vmem>> -> memref<80x128xf32, #tpu.memory_space<vmem>>
      tpu.wait_dma2 semaphore(%run_scoped3A : memref<!tpu.dma_semaphore, #tpu.memory_space<semaphore_mem>>) src(%dma_wait3A_80 : memref<80x128xf32, #tpu.memory_space<vmem>>) dst(%dma_wait3A_77 : memref<80x128xf32, #tpu.memory_space<vmem_shared>>)
      tpu.yield
    }) : () -> ()
    %barrier3A = arith.constant 0 : index
    tpu.barrier barrier_id(%barrier3A)
    %mul3A_35 = arith.constant 16 : i32
    %mul3A_36 = arith.muli %arg0, %mul3A_35 : i32
    %add3A_37 = arith.addi %mul3A_36, %arg1 : i32
    %mul3A_38 = arith.constant 10000 : i32
    %mul3A_39 = arith.muli %add3A_37, %mul3A_38 : i32
    %scan3A_40 = arith.constant 0 : i32
    %scan3A_41 = arith.constant 0 : i32
    %scan3A_42 = arith.constant 62 : i32
    %scan3A_43 = arith.addi %scan3A_41, %scan3A_42 : i32
    %scan3A_44 = arith.constant 1 : i32
    scf.for %scan3A_61 = %scan3A_41 to %scan3A_43 step %scan3A_44  : i32 {
      %mul3A_62 = arith.constant 2 : i32
      %mul3A_63 = arith.muli %mul3A_62, %scan3A_61 : i32
      %gt3A = arith.constant 0 : i32
      %gt3A_64 = arith.cmpi sgt, %scan3A_61, %gt3A : i32
      %convert_element_type3A = arith.extui %gt3A_64 : i1 to i32
      %cond3A = arith.constant 0 : i32
      %cond3A_65 = arith.cmpi ne, %convert_element_type3A, %cond3A : i32
      scf.if %cond3A_65 {
        %dma_wait3A_97 = arith.constant 0 : i32
        %dma_wait3A_98 = arith.constant 0 : i32
        %dma_wait3A_99 = tpu.memref_slice %arg16[%dma_wait3A_97, %dma_wait3A_98] : memref<10000x128xf32, #tpu.memory_space<vmem_shared>> -> memref<10000x128xf32, #tpu.memory_space<vmem_shared>>
        tpu.wait_indirect_dma semaphore(%arg14 : memref<!tpu.dma_semaphore, #tpu.memory_space<semaphore_mem>>) src(%arg10 : memref<80x128xf32, #tpu.memory_space<vmem>>) dst(%dma_wait3A_99 : memref<10000x128xf32, #tpu.memory_space<vmem_shared>>)
      } else {
      }
      %mul3A_66 = arith.constant 80 : i32
      %mul3A_67 = arith.muli %mul3A_63, %mul3A_66 : i32
      %add3A_68 = arith.addi %mul3A_39, %mul3A_67 : i32
      "tpu.region"() ({
        %run_scoped3A = tpu.sem_alloc : memref<!tpu.dma_semaphore, #tpu.memory_space<semaphore_mem>>
        %dma_start3A_97 = tpu.memref_slice %arg3[%add3A_68] : memref<320000xi32, #tpu.memory_space<hbm>> -> memref<80xi32, #tpu.memory_space<hbm>>
        %dma_start3A_98 = tpu.memref_slice %arg3[%add3A_68] : memref<320000xi32, #tpu.memory_space<hbm>> -> memref<80xi32, #tpu.memory_space<hbm>>
        tpu.enqueue_dma source(%dma_start3A_98 : memref<80xi32, #tpu.memory_space<hbm>>) target(%arg6 : memref<80xi32, #tpu.memory_space<vmem>>) target_semaphore(%run_scoped3A : memref<!tpu.dma_semaphore, #tpu.memory_space<semaphore_mem>>)
        %dma_wait3A_99 = tpu.memref_slice %arg3[%add3A_68] : memref<320000xi32, #tpu.memory_space<hbm>> -> memref<80xi32, #tpu.memory_space<hbm>>
        %dma_wait3A_100 = tpu.memref_slice %arg3[%add3A_68] : memref<320000xi32, #tpu.memory_space<hbm>> -> memref<80xi32, #tpu.memory_space<hbm>>
        tpu.wait_dma2 semaphore(%run_scoped3A : memref<!tpu.dma_semaphore, #tpu.memory_space<semaphore_mem>>) src(%dma_wait3A_100 : memref<80xi32, #tpu.memory_space<hbm>>) dst(%arg6 : memref<80xi32, #tpu.memory_space<vmem>>)
        tpu.yield
      }) : () -> ()
      "tpu.region"() ({
        %run_scoped3A = tpu.sem_alloc : memref<!tpu.dma_semaphore, #tpu.memory_space<semaphore_mem>>
        %dma_start3A_97 = tpu.memref_slice %arg4[%add3A_68] : memref<320000xi32, #tpu.memory_space<hbm>> -> memref<80xi32, #tpu.memory_space<hbm>>
        %dma_start3A_98 = tpu.memref_slice %arg4[%add3A_68] : memref<320000xi32, #tpu.memory_space<hbm>> -> memref<80xi32, #tpu.memory_space<hbm>>
        tpu.enqueue_dma source(%dma_start3A_98 : memref<80xi32, #tpu.memory_space<hbm>>) target(%arg7 : memref<80xi32, #tpu.memory_space<vmem>>) target_semaphore(%run_scoped3A : memref<!tpu.dma_semaphore, #tpu.memory_space<semaphore_mem>>)
        %dma_wait3A_99 = tpu.memref_slice %arg4[%add3A_68] : memref<320000xi32, #tpu.memory_space<hbm>> -> memref<80xi32, #tpu.memory_space<hbm>>
        %dma_wait3A_100 = tpu.memref_slice %arg4[%add3A_68] : memref<320000xi32, #tpu.memory_space<hbm>> -> memref<80xi32, #tpu.memory_space<hbm>>
        tpu.wait_dma2 semaphore(%run_scoped3A : memref<!tpu.dma_semaphore, #tpu.memory_space<semaphore_mem>>) src(%dma_wait3A_100 : memref<80xi32, #tpu.memory_space<hbm>>) dst(%arg7 : memref<80xi32, #tpu.memory_space<vmem>>)
        tpu.yield
      }) : () -> ()
      %dma_start3A_69 = arith.constant 0 : i32
      %dma_start3A_70 = arith.constant 0 : i32
      %dma_start3A_71 = tpu.memref_slice %arg2[%dma_start3A_69, %dma_start3A_70] : memref<10000x128xf32, #tpu.memory_space<hbm>> -> memref<10000x128xf32, #tpu.memory_space<hbm>>
      tpu.enqueue_indirect_dma source(%dma_start3A_71 : memref<10000x128xf32, #tpu.memory_space<hbm>>) target(%arg10 : memref<80x128xf32, #tpu.memory_space<vmem>>) offsets(%arg6 : memref<80xi32, #tpu.memory_space<vmem>>) semaphore(%arg12 : memref<!tpu.dma_semaphore, #tpu.memory_space<semaphore_mem>>)
      %gt3A_72 = arith.constant 0 : i32
      %gt3A_73 = arith.cmpi sgt, %scan3A_61, %gt3A_72 : i32
      %convert_element_type3A_74 = arith.extui %gt3A_73 : i1 to i32
      %cond3A_75 = arith.constant 0 : i32
      %cond3A_76 = arith.cmpi ne, %convert_element_type3A_74, %cond3A_75 : i32
      scf.if %cond3A_76 {
        %dma_wait3A_97 = arith.constant 0 : i32
        %dma_wait3A_98 = arith.constant 0 : i32
        %dma_wait3A_99 = tpu.memref_slice %arg16[%dma_wait3A_97, %dma_wait3A_98] : memref<10000x128xf32, #tpu.memory_space<vmem_shared>> -> memref<10000x128xf32, #tpu.memory_space<vmem_shared>>
        tpu.wait_indirect_dma semaphore(%arg15 : memref<!tpu.dma_semaphore, #tpu.memory_space<semaphore_mem>>) src(%arg11 : memref<80x128xf32, #tpu.memory_space<vmem>>) dst(%dma_wait3A_99 : memref<10000x128xf32, #tpu.memory_space<vmem_shared>>)
      } else {
      }
      %add3A_77 = arith.constant 1 : i32
      %add3A_78 = arith.addi %mul3A_63, %add3A_77 : i32
      %mul3A_79 = arith.constant 80 : i32
      %mul3A_80 = arith.muli %add3A_78, %mul3A_79 : i32
      %add3A_81 = arith.addi %mul3A_39, %mul3A_80 : i32
      "tpu.region"() ({
        %run_scoped3A = tpu.sem_alloc : memref<!tpu.dma_semaphore, #tpu.memory_space<semaphore_mem>>
        %dma_start3A_97 = tpu.memref_slice %arg3[%add3A_81] : memref<320000xi32, #tpu.memory_space<hbm>> -> memref<80xi32, #tpu.memory_space<hbm>>
        %dma_start3A_98 = tpu.memref_slice %arg3[%add3A_81] : memref<320000xi32, #tpu.memory_space<hbm>> -> memref<80xi32, #tpu.memory_space<hbm>>
        tpu.enqueue_dma source(%dma_start3A_98 : memref<80xi32, #tpu.memory_space<hbm>>) target(%arg8 : memref<80xi32, #tpu.memory_space<vmem>>) target_semaphore(%run_scoped3A : memref<!tpu.dma_semaphore, #tpu.memory_space<semaphore_mem>>)
        %dma_wait3A_99 = tpu.memref_slice %arg3[%add3A_81] : memref<320000xi32, #tpu.memory_space<hbm>> -> memref<80xi32, #tpu.memory_space<hbm>>
        %dma_wait3A_100 = tpu.memref_slice %arg3[%add3A_81] : memref<320000xi32, #tpu.memory_space<hbm>> -> memref<80xi32, #tpu.memory_space<hbm>>
        tpu.wait_dma2 semaphore(%run_scoped3A : memref<!tpu.dma_semaphore, #tpu.memory_space<semaphore_mem>>) src(%dma_wait3A_100 : memref<80xi32, #tpu.memory_space<hbm>>) dst(%arg8 : memref<80xi32, #tpu.memory_space<vmem>>)
        tpu.yield
      }) : () -> ()
      "tpu.region"() ({
        %run_scoped3A = tpu.sem_alloc : memref<!tpu.dma_semaphore, #tpu.memory_space<semaphore_mem>>
        %dma_start3A_97 = tpu.memref_slice %arg4[%add3A_81] : memref<320000xi32, #tpu.memory_space<hbm>> -> memref<80xi32, #tpu.memory_space<hbm>>
        %dma_start3A_98 = tpu.memref_slice %arg4[%add3A_81] : memref<320000xi32, #tpu.memory_space<hbm>> -> memref<80xi32, #tpu.memory_space<hbm>>
        tpu.enqueue_dma source(%dma_start3A_98 : memref<80xi32, #tpu.memory_space<hbm>>) target(%arg9 : memref<80xi32, #tpu.memory_space<vmem>>) target_semaphore(%run_scoped3A : memref<!tpu.dma_semaphore, #tpu.memory_space<semaphore_mem>>)
        %dma_wait3A_99 = tpu.memref_slice %arg4[%add3A_81] : memref<320000xi32, #tpu.memory_space<hbm>> -> memref<80xi32, #tpu.memory_space<hbm>>
        %dma_wait3A_100 = tpu.memref_slice %arg4[%add3A_81] : memref<320000xi32, #tpu.memory_space<hbm>> -> memref<80xi32, #tpu.memory_space<hbm>>
        tpu.wait_dma2 semaphore(%run_scoped3A : memref<!tpu.dma_semaphore, #tpu.memory_space<semaphore_mem>>) src(%dma_wait3A_100 : memref<80xi32, #tpu.memory_space<hbm>>) dst(%arg9 : memref<80xi32, #tpu.memory_space<vmem>>)
        tpu.yield
      }) : () -> ()
      %dma_start3A_82 = arith.constant 0 : i32
      %dma_start3A_83 = arith.constant 0 : i32
      %dma_start3A_84 = tpu.memref_slice %arg2[%dma_start3A_82, %dma_start3A_83] : memref<10000x128xf32, #tpu.memory_space<hbm>> -> memref<10000x128xf32, #tpu.memory_space<hbm>>
      tpu.enqueue_indirect_dma source(%dma_start3A_84 : memref<10000x128xf32, #tpu.memory_space<hbm>>) target(%arg11 : memref<80x128xf32, #tpu.memory_space<vmem>>) offsets(%arg8 : memref<80xi32, #tpu.memory_space<vmem>>) semaphore(%arg13 : memref<!tpu.dma_semaphore, #tpu.memory_space<semaphore_mem>>)
      %dma_wait3A_85 = arith.constant 0 : i32
      %dma_wait3A_86 = arith.constant 0 : i32
      %dma_wait3A_87 = tpu.memref_slice %arg2[%dma_wait3A_85, %dma_wait3A_86] : memref<10000x128xf32, #tpu.memory_space<hbm>> -> memref<10000x128xf32, #tpu.memory_space<hbm>>
      tpu.wait_indirect_dma semaphore(%arg12 : memref<!tpu.dma_semaphore, #tpu.memory_space<semaphore_mem>>) src(%dma_wait3A_87 : memref<10000x128xf32, #tpu.memory_space<hbm>>) dst(%arg10 : memref<80x128xf32, #tpu.memory_space<vmem>>)
      %dma_start3A_88 = arith.constant 0 : i32
      %dma_start3A_89 = arith.constant 0 : i32
      %dma_start3A_90 = tpu.memref_slice %arg16[%dma_start3A_88, %dma_start3A_89] : memref<10000x128xf32, #tpu.memory_space<vmem_shared>> -> memref<10000x128xf32, #tpu.memory_space<vmem_shared>>
      tpu.enqueue_indirect_dma source(%arg10 : memref<80x128xf32, #tpu.memory_space<vmem>>) target(%dma_start3A_90 : memref<10000x128xf32, #tpu.memory_space<vmem_shared>>) offsets(%arg7 : memref<80xi32, #tpu.memory_space<vmem>>) semaphore(%arg14 : memref<!tpu.dma_semaphore, #tpu.memory_space<semaphore_mem>>) {add = true}
      %dma_wait3A_91 = arith.constant 0 : i32
      %dma_wait3A_92 = arith.constant 0 : i32
      %dma_wait3A_93 = tpu.memref_slice %arg2[%dma_wait3A_91, %dma_wait3A_92] : memref<10000x128xf32, #tpu.memory_space<hbm>> -> memref<10000x128xf32, #tpu.memory_space<hbm>>
      tpu.wait_indirect_dma semaphore(%arg13 : memref<!tpu.dma_semaphore, #tpu.memory_space<semaphore_mem>>) src(%dma_wait3A_93 : memref<10000x128xf32, #tpu.memory_space<hbm>>) dst(%arg11 : memref<80x128xf32, #tpu.memory_space<vmem>>)
      %dma_start3A_94 = arith.constant 0 : i32
      %dma_start3A_95 = arith.constant 0 : i32
      %dma_start3A_96 = tpu.memref_slice %arg16[%dma_start3A_94, %dma_start3A_95] : memref<10000x128xf32, #tpu.memory_space<vmem_shared>> -> memref<10000x128xf32, #tpu.memory_space<vmem_shared>>
      tpu.enqueue_indirect_dma source(%arg11 : memref<80x128xf32, #tpu.memory_space<vmem>>) target(%dma_start3A_96 : memref<10000x128xf32, #tpu.memory_space<vmem_shared>>) offsets(%arg9 : memref<80xi32, #tpu.memory_space<vmem>>) semaphore(%arg15 : memref<!tpu.dma_semaphore, #tpu.memory_space<semaphore_mem>>) {add = true}
    }
    %scan3A_45 = arith.constant 62 : i32
    %dma_wait3A = arith.constant 0 : i32
    %dma_wait3A_46 = arith.constant 0 : i32
    %dma_wait3A_47 = tpu.memref_slice %arg16[%dma_wait3A, %dma_wait3A_46] : memref<10000x128xf32, #tpu.memory_space<vmem_shared>> -> memref<10000x128xf32, #tpu.memory_space<vmem_shared>>
    tpu.wait_indirect_dma semaphore(%arg14 : memref<!tpu.dma_semaphore, #tpu.memory_space<semaphore_mem>>) src(%arg10 : memref<80x128xf32, #tpu.memory_space<vmem>>) dst(%dma_wait3A_47 : memref<10000x128xf32, #tpu.memory_space<vmem_shared>>)
    %dma_wait3A_48 = arith.constant 0 : i32
    %dma_wait3A_49 = arith.constant 0 : i32
    %dma_wait3A_50 = tpu.memref_slice %arg16[%dma_wait3A_48, %dma_wait3A_49] : memref<10000x128xf32, #tpu.memory_space<vmem_shared>> -> memref<10000x128xf32, #tpu.memory_space<vmem_shared>>
    tpu.wait_indirect_dma semaphore(%arg15 : memref<!tpu.dma_semaphore, #tpu.memory_space<semaphore_mem>>) src(%arg11 : memref<80x128xf32, #tpu.memory_space<vmem>>) dst(%dma_wait3A_50 : memref<10000x128xf32, #tpu.memory_space<vmem_shared>>)
    %add3A_51 = arith.constant 9920 : i32
    %add3A_52 = arith.addi %mul3A_39, %add3A_51 : i32
    "tpu.region"() ({
      %run_scoped3A = tpu.sem_alloc : memref<!tpu.dma_semaphore, #tpu.memory_space<semaphore_mem>>
      %dma_start3A_61 = tpu.memref_slice %arg3[%add3A_52] : memref<320000xi32, #tpu.memory_space<hbm>> -> memref<80xi32, #tpu.memory_space<hbm>>
      %dma_start3A_62 = tpu.memref_slice %arg3[%add3A_52] : memref<320000xi32, #tpu.memory_space<hbm>> -> memref<80xi32, #tpu.memory_space<hbm>>
      tpu.enqueue_dma source(%dma_start3A_62 : memref<80xi32, #tpu.memory_space<hbm>>) target(%arg6 : memref<80xi32, #tpu.memory_space<vmem>>) target_semaphore(%run_scoped3A : memref<!tpu.dma_semaphore, #tpu.memory_space<semaphore_mem>>)
      %dma_wait3A_63 = tpu.memref_slice %arg3[%add3A_52] : memref<320000xi32, #tpu.memory_space<hbm>> -> memref<80xi32, #tpu.memory_space<hbm>>
      %dma_wait3A_64 = tpu.memref_slice %arg3[%add3A_52] : memref<320000xi32, #tpu.memory_space<hbm>> -> memref<80xi32, #tpu.memory_space<hbm>>
      tpu.wait_dma2 semaphore(%run_scoped3A : memref<!tpu.dma_semaphore, #tpu.memory_space<semaphore_mem>>) src(%dma_wait3A_64 : memref<80xi32, #tpu.memory_space<hbm>>) dst(%arg6 : memref<80xi32, #tpu.memory_space<vmem>>)
      tpu.yield
    }) : () -> ()
    "tpu.region"() ({
      %run_scoped3A = tpu.sem_alloc : memref<!tpu.dma_semaphore, #tpu.memory_space<semaphore_mem>>
      %dma_start3A_61 = tpu.memref_slice %arg4[%add3A_52] : memref<320000xi32, #tpu.memory_space<hbm>> -> memref<80xi32, #tpu.memory_space<hbm>>
      %dma_start3A_62 = tpu.memref_slice %arg4[%add3A_52] : memref<320000xi32, #tpu.memory_space<hbm>> -> memref<80xi32, #tpu.memory_space<hbm>>
      tpu.enqueue_dma source(%dma_start3A_62 : memref<80xi32, #tpu.memory_space<hbm>>) target(%arg7 : memref<80xi32, #tpu.memory_space<vmem>>) target_semaphore(%run_scoped3A : memref<!tpu.dma_semaphore, #tpu.memory_space<semaphore_mem>>)
      %dma_wait3A_63 = tpu.memref_slice %arg4[%add3A_52] : memref<320000xi32, #tpu.memory_space<hbm>> -> memref<80xi32, #tpu.memory_space<hbm>>
      %dma_wait3A_64 = tpu.memref_slice %arg4[%add3A_52] : memref<320000xi32, #tpu.memory_space<hbm>> -> memref<80xi32, #tpu.memory_space<hbm>>
      tpu.wait_dma2 semaphore(%run_scoped3A : memref<!tpu.dma_semaphore, #tpu.memory_space<semaphore_mem>>) src(%dma_wait3A_64 : memref<80xi32, #tpu.memory_space<hbm>>) dst(%arg7 : memref<80xi32, #tpu.memory_space<vmem>>)
      tpu.yield
    }) : () -> ()
    %dma_start3A = arith.constant 0 : i32
    %dma_start3A_53 = arith.constant 0 : i32
    %dma_start3A_54 = tpu.memref_slice %arg2[%dma_start3A, %dma_start3A_53] : memref<10000x128xf32, #tpu.memory_space<hbm>> -> memref<10000x128xf32, #tpu.memory_space<hbm>>
    tpu.enqueue_indirect_dma source(%dma_start3A_54 : memref<10000x128xf32, #tpu.memory_space<hbm>>) target(%arg10 : memref<80x128xf32, #tpu.memory_space<vmem>>) offsets(%arg6 : memref<80xi32, #tpu.memory_space<vmem>>) semaphore(%arg12 : memref<!tpu.dma_semaphore, #tpu.memory_space<semaphore_mem>>)
    %dma_wait3A_55 = arith.constant 0 : i32
    %dma_wait3A_56 = arith.constant 0 : i32
    %dma_wait3A_57 = tpu.memref_slice %arg2[%dma_wait3A_55, %dma_wait3A_56] : memref<10000x128xf32, #tpu.memory_space<hbm>> -> memref<10000x128xf32, #tpu.memory_space<hbm>>
    tpu.wait_indirect_dma semaphore(%arg12 : memref<!tpu.dma_semaphore, #tpu.memory_space<semaphore_mem>>) src(%dma_wait3A_57 : memref<10000x128xf32, #tpu.memory_space<hbm>>) dst(%arg10 : memref<80x128xf32, #tpu.memory_space<vmem>>)
    "tpu.region"() ({
      %run_scoped3A = tpu.sem_alloc : memref<!tpu.dma_semaphore, #tpu.memory_space<semaphore_mem>>
      %dma_start3A_61 = arith.constant 0 : i32
      %dma_start3A_62 = arith.constant 0 : i32
      %dma_start3A_63 = tpu.memref_slice %arg16[%dma_start3A_61, %dma_start3A_62] : memref<10000x128xf32, #tpu.memory_space<vmem_shared>> -> memref<10000x128xf32, #tpu.memory_space<vmem_shared>>
      tpu.enqueue_indirect_dma source(%arg10 : memref<80x128xf32, #tpu.memory_space<vmem>>) target(%dma_start3A_63 : memref<10000x128xf32, #tpu.memory_space<vmem_shared>>) offsets(%arg7 : memref<80xi32, #tpu.memory_space<vmem>>) semaphore(%run_scoped3A : memref<!tpu.dma_semaphore, #tpu.memory_space<semaphore_mem>>) {add = true}
      %dma_wait3A_64 = arith.constant 0 : i32
      %dma_wait3A_65 = arith.constant 0 : i32
      %dma_wait3A_66 = tpu.memref_slice %arg16[%dma_wait3A_64, %dma_wait3A_65] : memref<10000x128xf32, #tpu.memory_space<vmem_shared>> -> memref<10000x128xf32, #tpu.memory_space<vmem_shared>>
      tpu.wait_indirect_dma semaphore(%run_scoped3A : memref<!tpu.dma_semaphore, #tpu.memory_space<semaphore_mem>>) src(%arg10 : memref<80x128xf32, #tpu.memory_space<vmem>>) dst(%dma_wait3A_66 : memref<10000x128xf32, #tpu.memory_space<vmem_shared>>)
      tpu.yield
    }) : () -> ()
    %barrier3A_58 = arith.constant 0 : index
    tpu.barrier barrier_id(%barrier3A_58)
    %mul3A_59 = arith.constant 624 : i32
    %mul3A_60 = arith.muli %arg1, %mul3A_59 : i32
    "tpu.region"() ({
      %run_scoped3A = tpu.sem_alloc : memref<!tpu.dma_semaphore, #tpu.memory_space<semaphore_mem>>
      %dma_start3A_61 = arith.constant 0 : i32
      %dma_start3A_62 = tpu.memref_slice %arg5[%arg0, %mul3A_60, %dma_start3A_61] : memref<2x10000x128xf32, #tpu.memory_space<hbm>> -> memref<1x640x128xf32, #tpu.memory_space<hbm>>
      %dma_start3A_63 = tpu.memref_squeeze %dma_start3A_62 : memref<1x640x128xf32, #tpu.memory_space<hbm>> -> memref<640x128xf32, #tpu.memory_space<hbm>>
      %dma_start3A_64 = arith.constant 0 : i32
      %dma_start3A_65 = tpu.memref_slice %arg16[%mul3A_60, %dma_start3A_64] : memref<10000x128xf32, #tpu.memory_space<vmem_shared>> -> memref<640x128xf32, #tpu.memory_space<vmem_shared>>
      tpu.enqueue_dma source(%dma_start3A_65 : memref<640x128xf32, #tpu.memory_space<vmem_shared>>) target(%dma_start3A_63 : memref<640x128xf32, #tpu.memory_space<hbm>>) target_semaphore(%run_scoped3A : memref<!tpu.dma_semaphore, #tpu.memory_space<semaphore_mem>>)
      %dma_wait3A_66 = arith.constant 0 : i32
      %dma_wait3A_67 = tpu.memref_slice %arg5[%arg0, %mul3A_60, %dma_wait3A_66] : memref<2x10000x128xf32, #tpu.memory_space<hbm>> -> memref<1x640x128xf32, #tpu.memory_space<hbm>>
      %dma_wait3A_68 = tpu.memref_squeeze %dma_wait3A_67 : memref<1x640x128xf32, #tpu.memory_space<hbm>> -> memref<640x128xf32, #tpu.memory_space<hbm>>
      %dma_wait3A_69 = arith.constant 0 : i32
      %dma_wait3A_70 = tpu.memref_slice %arg16[%mul3A_60, %dma_wait3A_69] : memref<10000x128xf32, #tpu.memory_space<vmem_shared>> -> memref<640x128xf32, #tpu.memory_space<vmem_shared>>
      tpu.wait_dma2 semaphore(%run_scoped3A : memref<!tpu.dma_semaphore, #tpu.memory_space<semaphore_mem>>) src(%dma_wait3A_70 : memref<640x128xf32, #tpu.memory_space<vmem_shared>>) dst(%dma_wait3A_68 : memref<640x128xf32, #tpu.memory_space<hbm>>)
      tpu.yield
    }) : () -> ()
    return
  }
}

#map = affine_map<(d0, d1) -> (0, 0)>
#map1 = affine_map<(d0, d1) -> (0)>
#map2 = affine_map<(d0, d1) -> (0, 0, 0)>
module attributes {stable_mosaic.version = 14 : i64} {
  func.func @_spmm_body(%arg0: i32, %arg1: i32, %arg2: memref<10000x128xf32, #tpu.memory_space<hbm>>, %arg3: memref<320000xi32, #tpu.memory_space<hbm>>, %arg4: memref<320000xi32, #tpu.memory_space<hbm>>, %arg5: memref<2x10000x128xf32, #tpu.memory_space<hbm>>, %arg6: memref<80xi32, #tpu.memory_space<vmem>>, %arg7: memref<80xi32, #tpu.memory_space<vmem>>, %arg8: memref<80xi32, #tpu.memory_space<vmem>>, %arg9: memref<80xi32, #tpu.memory_space<vmem>>, %arg10: memref<80x128xf32, #tpu.memory_space<vmem>>, %arg11: memref<80x128xf32, #tpu.memory_space<vmem>>, %arg12: memref<!tpu.dma_semaphore, #tpu.memory_space<semaphore_mem>>, %arg13: memref<!tpu.dma_semaphore, #tpu.memory_space<semaphore_mem>>, %arg14: memref<!tpu.dma_semaphore, #tpu.memory_space<semaphore_mem>>, %arg15: memref<!tpu.dma_semaphore, #tpu.memory_space<semaphore_mem>>, %arg16: memref<10000x128xf32, #tpu.memory_space<vmem_shared>>) attributes {dimension_semantics = [#tpu.dimension_semantics<core_parallel>, #tpu.dimension_semantics<subcore_parallel>], iteration_bounds = array<i64: 2, 16>, scalar_prefetch = 0 : i64, scratch_operands = 11 : i64, tpu.core_type = #tpu.core_type<sc_vector_subcore>, window_params = [{transform_indices = #map}, {transform_indices = #map1}, {transform_indices = #map1}, {transform_indices = #map2}]} {
    %scan3A = arith.constant 0 : i32
    %scan3A_0 = arith.constant 0 : i32
    %scan3A_1 = arith.constant 80 : i32
    %scan3A_2 = arith.addi %scan3A_0, %scan3A_1 : i32
    %scan3A_3 = arith.constant 1 : i32
    scf.for %scan3A_61 = %scan3A_0 to %scan3A_2 step %scan3A_3  : i32 {
      %broadcast_in_dim3A = arith.constant 0.000000e+00 : f32
      %broadcast_in_dim3A_62 = vector.broadcast %broadcast_in_dim3A : f32 to vector<16xf32>
      %swap3A = arith.index_cast %scan3A_61 : i32 to index
      %swap3A_63 = arith.constant 0 : index
      %swap3A_64 = tpu.vector_load %arg10[%swap3A, %swap3A_63] {strides = array<i32>} : memref<80x128xf32, #tpu.memory_space<vmem>>, vector<1x16xf32>,
      %swap3A_65 = vector.shape_cast %swap3A_64 : vector<1x16xf32> to vector<16xf32>
      %swap3A_66 = vector.shape_cast %broadcast_in_dim3A_62 : vector<16xf32> to vector<1x16xf32>
      tpu.vector_store %arg10[%swap3A, %swap3A_63], %swap3A_66 {strides = array<i32>} : memref<80x128xf32, #tpu.memory_space<vmem>>, vector<1x16xf32>,
      %broadcast_in_dim3A_67 = arith.constant 0.000000e+00 : f32
      %broadcast_in_dim3A_68 = vector.broadcast %broadcast_in_dim3A_67 : f32 to vector<16xf32>
      %swap3A_69 = arith.index_cast %scan3A_61 : i32 to index
      %swap3A_70 = arith.constant 16 : index
      %swap3A_71 = tpu.vector_load %arg10[%swap3A_69, %swap3A_70] {strides = array<i32>} : memref<80x128xf32, #tpu.memory_space<vmem>>, vector<1x16xf32>,
      %swap3A_72 = vector.shape_cast %swap3A_71 : vector<1x16xf32> to vector<16xf32>
      %swap3A_73 = vector.shape_cast %broadcast_in_dim3A_68 : vector<16xf32> to vector<1x16xf32>
      tpu.vector_store %arg10[%swap3A_69, %swap3A_70], %swap3A_73 {strides = array<i32>} : memref<80x128xf32, #tpu.memory_space<vmem>>, vector<1x16xf32>,
      %broadcast_in_dim3A_74 = arith.constant 0.000000e+00 : f32
      %broadcast_in_dim3A_75 = vector.broadcast %broadcast_in_dim3A_74 : f32 to vector<16xf32>
      %swap3A_76 = arith.index_cast %scan3A_61 : i32 to index
      %swap3A_77 = arith.constant 32 : index
      %swap3A_78 = tpu.vector_load %arg10[%swap3A_76, %swap3A_77] {strides = array<i32>} : memref<80x128xf32, #tpu.memory_space<vmem>>, vector<1x16xf32>,
      %swap3A_79 = vector.shape_cast %swap3A_78 : vector<1x16xf32> to vector<16xf32>
      %swap3A_80 = vector.shape_cast %broadcast_in_dim3A_75 : vector<16xf32> to vector<1x16xf32>
      tpu.vector_store %arg10[%swap3A_76, %swap3A_77], %swap3A_80 {strides = array<i32>} : memref<80x128xf32, #tpu.memory_space<vmem>>, vector<1x16xf32>,
      %broadcast_in_dim3A_81 = arith.constant 0.000000e+00 : f32
      %broadcast_in_dim3A_82 = vector.broadcast %broadcast_in_dim3A_81 : f32 to vector<16xf32>
      %swap3A_83 = arith.index_cast %scan3A_61 : i32 to index
      %swap3A_84 = arith.constant 48 : index
      %swap3A_85 = tpu.vector_load %arg10[%swap3A_83, %swap3A_84] {strides = array<i32>} : memref<80x128xf32, #tpu.memory_space<vmem>>, vector<1x16xf32>,
      %swap3A_86 = vector.shape_cast %swap3A_85 : vector<1x16xf32> to vector<16xf32>
      %swap3A_87 = vector.shape_cast %broadcast_in_dim3A_82 : vector<16xf32> to vector<1x16xf32>
      tpu.vector_store %arg10[%swap3A_83, %swap3A_84], %swap3A_87 {strides = array<i32>} : memref<80x128xf32, #tpu.memory_space<vmem>>, vector<1x16xf32>,
      %broadcast_in_dim3A_88 = arith.constant 0.000000e+00 : f32
      %broadcast_in_dim3A_89 = vector.broadcast %broadcast_in_dim3A_88 : f32 to vector<16xf32>
      %swap3A_90 = arith.index_cast %scan3A_61 : i32 to index
      %swap3A_91 = arith.constant 64 : index
      %swap3A_92 = tpu.vector_load %arg10[%swap3A_90, %swap3A_91] {strides = array<i32>} : memref<80x128xf32, #tpu.memory_space<vmem>>, vector<1x16xf32>,
      %swap3A_93 = vector.shape_cast %swap3A_92 : vector<1x16xf32> to vector<16xf32>
      %swap3A_94 = vector.shape_cast %broadcast_in_dim3A_89 : vector<16xf32> to vector<1x16xf32>
      tpu.vector_store %arg10[%swap3A_90, %swap3A_91], %swap3A_94 {strides = array<i32>} : memref<80x128xf32, #tpu.memory_space<vmem>>, vector<1x16xf32>,
      %broadcast_in_dim3A_95 = arith.constant 0.000000e+00 : f32
      %broadcast_in_dim3A_96 = vector.broadcast %broadcast_in_dim3A_95 : f32 to vector<16xf32>
      %swap3A_97 = arith.index_cast %scan3A_61 : i32 to index
      %swap3A_98 = arith.constant 80 : index
      %swap3A_99 = tpu.vector_load %arg10[%swap3A_97, %swap3A_98] {strides = array<i32>} : memref<80x128xf32, #tpu.memory_space<vmem>>, vector<1x16xf32>,
      %swap3A_100 = vector.shape_cast %swap3A_99 : vector<1x16xf32> to vector<16xf32>
      %swap3A_101 = vector.shape_cast %broadcast_in_dim3A_96 : vector<16xf32> to vector<1x16xf32>
      tpu.vector_store %arg10[%swap3A_97, %swap3A_98], %swap3A_101 {strides = array<i32>} : memref<80x128xf32, #tpu.memory_space<vmem>>, vector<1x16xf32>,
      %broadcast_in_dim3A_102 = arith.constant 0.000000e+00 : f32
      %broadcast_in_dim3A_103 = vector.broadcast %broadcast_in_dim3A_102 : f32 to vector<16xf32>
      %swap3A_104 = arith.index_cast %scan3A_61 : i32 to index
      %swap3A_105 = arith.constant 96 : index
      %swap3A_106 = tpu.vector_load %arg10[%swap3A_104, %swap3A_105] {strides = array<i32>} : memref<80x128xf32, #tpu.memory_space<vmem>>, vector<1x16xf32>,
      %swap3A_107 = vector.shape_cast %swap3A_106 : vector<1x16xf32> to vector<16xf32>
      %swap3A_108 = vector.shape_cast %broadcast_in_dim3A_103 : vector<16xf32> to vector<1x16xf32>
      tpu.vector_store %arg10[%swap3A_104, %swap3A_105], %swap3A_108 {strides = array<i32>} : memref<80x128xf32, #tpu.memory_space<vmem>>, vector<1x16xf32>,
      %broadcast_in_dim3A_109 = arith.constant 0.000000e+00 : f32
      %broadcast_in_dim3A_110 = vector.broadcast %broadcast_in_dim3A_109 : f32 to vector<16xf32>
      %swap3A_111 = arith.index_cast %scan3A_61 : i32 to index
      %swap3A_112 = arith.constant 112 : index
      %swap3A_113 = tpu.vector_load %arg10[%swap3A_111, %swap3A_112] {strides = array<i32>} : memref<80x128xf32, #tpu.memory_space<vmem>>, vector<1x16xf32>,
      %swap3A_114 = vector.shape_cast %swap3A_113 : vector<1x16xf32> to vector<16xf32>
      %swap3A_115 = vector.shape_cast %broadcast_in_dim3A_110 : vector<16xf32> to vector<1x16xf32>
      tpu.vector_store %arg10[%swap3A_111, %swap3A_112], %swap3A_115 {strides = array<i32>} : memref<80x128xf32, #tpu.memory_space<vmem>>, vector<1x16xf32>,
    }
    %scan3A_4 = arith.constant 80 : i32
    %mul3A = arith.constant 624 : i32
    %mul3A_5 = arith.muli %arg1, %mul3A : i32
    %add3A = arith.constant 0 : i32
    %add3A_6 = arith.addi %mul3A_5, %add3A : i32
    "tpu.region"() ({
      %run_scoped3A = tpu.sem_alloc : memref<!tpu.dma_semaphore, #tpu.memory_space<semaphore_mem>>
      %dma_start3A_61 = arith.constant 0 : i32
      %dma_start3A_62 = arith.constant 0 : i32
      %dma_start3A_63 = tpu.memref_slice %arg10[%dma_start3A_61, %dma_start3A_62] : memref<80x128xf32, #tpu.memory_space<vmem>> -> memref<80x128xf32, #tpu.memory_space<vmem>>
      %dma_start3A_64 = arith.constant 0 : i32
      %dma_start3A_65 = tpu.memref_slice %arg16[%add3A_6, %dma_start3A_64] : memref<10000x128xf32, #tpu.memory_space<vmem_shared>> -> memref<80x128xf32, #tpu.memory_space<vmem_shared>>
      %dma_start3A_66 = arith.constant 0 : i32
      %dma_start3A_67 = tpu.memref_slice %arg16[%add3A_6, %dma_start3A_66] : memref<10000x128xf32, #tpu.memory_space<vmem_shared>> -> memref<80x128xf32, #tpu.memory_space<vmem_shared>>
      %dma_start3A_68 = arith.constant 0 : i32
      %dma_start3A_69 = arith.constant 0 : i32
      %dma_start3A_70 = tpu.memref_slice %arg10[%dma_start3A_68, %dma_start3A_69] : memref<80x128xf32, #tpu.memory_space<vmem>> -> memref<80x128xf32, #tpu.memory_space<vmem>>
      tpu.enqueue_dma source(%dma_start3A_70 : memref<80x128xf32, #tpu.memory_space<vmem>>) target(%dma_start3A_67 : memref<80x128xf32, #tpu.memory_space<vmem_shared>>) target_semaphore(%run_scoped3A : memref<!tpu.dma_semaphore, #tpu.memory_space<semaphore_mem>>)
      %dma_wait3A_71 = arith.constant 0 : i32
      %dma_wait3A_72 = arith.constant 0 : i32
      %dma_wait3A_73 = tpu.memref_slice %arg10[%dma_wait3A_71, %dma_wait3A_72] : memref<80x128xf32, #tpu.memory_space<vmem>> -> memref<80x128xf32, #tpu.memory_space<vmem>>
      %dma_wait3A_74 = arith.constant 0 : i32
      %dma_wait3A_75 = tpu.memref_slice %arg16[%add3A_6, %dma_wait3A_74] : memref<10000x128xf32, #tpu.memory_space<vmem_shared>> -> memref<80x128xf32, #tpu.memory_space<vmem_shared>>
      %dma_wait3A_76 = arith.constant 0 : i32
      %dma_wait3A_77 = tpu.memref_slice %arg16[%add3A_6, %dma_wait3A_76] : memref<10000x128xf32, #tpu.memory_space<vmem_shared>> -> memref<80x128xf32, #tpu.memory_space<vmem_shared>>
      %dma_wait3A_78 = arith.constant 0 : i32
      %dma_wait3A_79 = arith.constant 0 : i32
      %dma_wait3A_80 = tpu.memref_slice %arg10[%dma_wait3A_78, %dma_wait3A_79] : memref<80x128xf32, #tpu.memory_space<vmem>> -> memref<80x128xf32, #tpu.memory_space<vmem>>
      tpu.wait_dma2 semaphore(%run_scoped3A : memref<!tpu.dma_semaphore, #tpu.memory_space<semaphore_mem>>) src(%dma_wait3A_80 : memref<80x128xf32, #tpu.memory_space<vmem>>) dst(%dma_wait3A_77 : memref<80x128xf32, #tpu.memory_space<vmem_shared>>)
      tpu.yield
    }) : () -> ()
    %mul3A_7 = arith.constant 624 : i32
    %mul3A_8 = arith.muli %arg1, %mul3A_7 : i32
    %add3A_9 = arith.constant 80 : i32
    %add3A_10 = arith.addi %mul3A_8, %add3A_9 : i32
    "tpu.region"() ({
      %run_scoped3A = tpu.sem_alloc : memref<!tpu.dma_semaphore, #tpu.memory_space<semaphore_mem>>
      %dma_start3A_61 = arith.constant 0 : i32
      %dma_start3A_62 = arith.constant 0 : i32
      %dma_start3A_63 = tpu.memref_slice %arg10[%dma_start3A_61, %dma_start3A_62] : memref<80x128xf32, #tpu.memory_space<vmem>> -> memref<80x128xf32, #tpu.memory_space<vmem>>
      %dma_start3A_64 = arith.constant 0 : i32
      %dma_start3A_65 = tpu.memref_slice %arg16[%add3A_10, %dma_start3A_64] : memref<10000x128xf32, #tpu.memory_space<vmem_shared>> -> memref<80x128xf32, #tpu.memory_space<vmem_shared>>
      %dma_start3A_66 = arith.constant 0 : i32
      %dma_start3A_67 = tpu.memref_slice %arg16[%add3A_10, %dma_start3A_66] : memref<10000x128xf32, #tpu.memory_space<vmem_shared>> -> memref<80x128xf32, #tpu.memory_space<vmem_shared>>
      %dma_start3A_68 = arith.constant 0 : i32
      %dma_start3A_69 = arith.constant 0 : i32
      %dma_start3A_70 = tpu.memref_slice %arg10[%dma_start3A_68, %dma_start3A_69] : memref<80x128xf32, #tpu.memory_space<vmem>> -> memref<80x128xf32, #tpu.memory_space<vmem>>
      tpu.enqueue_dma source(%dma_start3A_70 : memref<80x128xf32, #tpu.memory_space<vmem>>) target(%dma_start3A_67 : memref<80x128xf32, #tpu.memory_space<vmem_shared>>) target_semaphore(%run_scoped3A : memref<!tpu.dma_semaphore, #tpu.memory_space<semaphore_mem>>)
      %dma_wait3A_71 = arith.constant 0 : i32
      %dma_wait3A_72 = arith.constant 0 : i32
      %dma_wait3A_73 = tpu.memref_slice %arg10[%dma_wait3A_71, %dma_wait3A_72] : memref<80x128xf32, #tpu.memory_space<vmem>> -> memref<80x128xf32, #tpu.memory_space<vmem>>
      %dma_wait3A_74 = arith.constant 0 : i32
      %dma_wait3A_75 = tpu.memref_slice %arg16[%add3A_10, %dma_wait3A_74] : memref<10000x128xf32, #tpu.memory_space<vmem_shared>> -> memref<80x128xf32, #tpu.memory_space<vmem_shared>>
      %dma_wait3A_76 = arith.constant 0 : i32
      %dma_wait3A_77 = tpu.memref_slice %arg16[%add3A_10, %dma_wait3A_76] : memref<10000x128xf32, #tpu.memory_space<vmem_shared>> -> memref<80x128xf32, #tpu.memory_space<vmem_shared>>
      %dma_wait3A_78 = arith.constant 0 : i32
      %dma_wait3A_79 = arith.constant 0 : i32
      %dma_wait3A_80 = tpu.memref_slice %arg10[%dma_wait3A_78, %dma_wait3A_79] : memref<80x128xf32, #tpu.memory_space<vmem>> -> memref<80x128xf32, #tpu.memory_space<vmem>>
      tpu.wait_dma2 semaphore(%run_scoped3A : memref<!tpu.dma_semaphore, #tpu.memory_space<semaphore_mem>>) src(%dma_wait3A_80 : memref<80x128xf32, #tpu.memory_space<vmem>>) dst(%dma_wait3A_77 : memref<80x128xf32, #tpu.memory_space<vmem_shared>>)
      tpu.yield
    }) : () -> ()
    %mul3A_11 = arith.constant 624 : i32
    %mul3A_12 = arith.muli %arg1, %mul3A_11 : i32
    %add3A_13 = arith.constant 160 : i32
    %add3A_14 = arith.addi %mul3A_12, %add3A_13 : i32
    "tpu.region"() ({
      %run_scoped3A = tpu.sem_alloc : memref<!tpu.dma_semaphore, #tpu.memory_space<semaphore_mem>>
      %dma_start3A_61 = arith.constant 0 : i32
      %dma_start3A_62 = arith.constant 0 : i32
      %dma_start3A_63 = tpu.memref_slice %arg10[%dma_start3A_61, %dma_start3A_62] : memref<80x128xf32, #tpu.memory_space<vmem>> -> memref<80x128xf32, #tpu.memory_space<vmem>>
      %dma_start3A_64 = arith.constant 0 : i32
      %dma_start3A_65 = tpu.memref_slice %arg16[%add3A_14, %dma_start3A_64] : memref<10000x128xf32, #tpu.memory_space<vmem_shared>> -> memref<80x128xf32, #tpu.memory_space<vmem_shared>>
      %dma_start3A_66 = arith.constant 0 : i32
      %dma_start3A_67 = tpu.memref_slice %arg16[%add3A_14, %dma_start3A_66] : memref<10000x128xf32, #tpu.memory_space<vmem_shared>> -> memref<80x128xf32, #tpu.memory_space<vmem_shared>>
      %dma_start3A_68 = arith.constant 0 : i32
      %dma_start3A_69 = arith.constant 0 : i32
      %dma_start3A_70 = tpu.memref_slice %arg10[%dma_start3A_68, %dma_start3A_69] : memref<80x128xf32, #tpu.memory_space<vmem>> -> memref<80x128xf32, #tpu.memory_space<vmem>>
      tpu.enqueue_dma source(%dma_start3A_70 : memref<80x128xf32, #tpu.memory_space<vmem>>) target(%dma_start3A_67 : memref<80x128xf32, #tpu.memory_space<vmem_shared>>) target_semaphore(%run_scoped3A : memref<!tpu.dma_semaphore, #tpu.memory_space<semaphore_mem>>)
      %dma_wait3A_71 = arith.constant 0 : i32
      %dma_wait3A_72 = arith.constant 0 : i32
      %dma_wait3A_73 = tpu.memref_slice %arg10[%dma_wait3A_71, %dma_wait3A_72] : memref<80x128xf32, #tpu.memory_space<vmem>> -> memref<80x128xf32, #tpu.memory_space<vmem>>
      %dma_wait3A_74 = arith.constant 0 : i32
      %dma_wait3A_75 = tpu.memref_slice %arg16[%add3A_14, %dma_wait3A_74] : memref<10000x128xf32, #tpu.memory_space<vmem_shared>> -> memref<80x128xf32, #tpu.memory_space<vmem_shared>>
      %dma_wait3A_76 = arith.constant 0 : i32
      %dma_wait3A_77 = tpu.memref_slice %arg16[%add3A_14, %dma_wait3A_76] : memref<10000x128xf32, #tpu.memory_space<vmem_shared>> -> memref<80x128xf32, #tpu.memory_space<vmem_shared>>
      %dma_wait3A_78 = arith.constant 0 : i32
      %dma_wait3A_79 = arith.constant 0 : i32
      %dma_wait3A_80 = tpu.memref_slice %arg10[%dma_wait3A_78, %dma_wait3A_79] : memref<80x128xf32, #tpu.memory_space<vmem>> -> memref<80x128xf32, #tpu.memory_space<vmem>>
      tpu.wait_dma2 semaphore(%run_scoped3A : memref<!tpu.dma_semaphore, #tpu.memory_space<semaphore_mem>>) src(%dma_wait3A_80 : memref<80x128xf32, #tpu.memory_space<vmem>>) dst(%dma_wait3A_77 : memref<80x128xf32, #tpu.memory_space<vmem_shared>>)
      tpu.yield
    }) : () -> ()
    %mul3A_15 = arith.constant 624 : i32
    %mul3A_16 = arith.muli %arg1, %mul3A_15 : i32
    %add3A_17 = arith.constant 240 : i32
    %add3A_18 = arith.addi %mul3A_16, %add3A_17 : i32
    "tpu.region"() ({
      %run_scoped3A = tpu.sem_alloc : memref<!tpu.dma_semaphore, #tpu.memory_space<semaphore_mem>>
      %dma_start3A_61 = arith.constant 0 : i32
      %dma_start3A_62 = arith.constant 0 : i32
      %dma_start3A_63 = tpu.memref_slice %arg10[%dma_start3A_61, %dma_start3A_62] : memref<80x128xf32, #tpu.memory_space<vmem>> -> memref<80x128xf32, #tpu.memory_space<vmem>>
      %dma_start3A_64 = arith.constant 0 : i32
      %dma_start3A_65 = tpu.memref_slice %arg16[%add3A_18, %dma_start3A_64] : memref<10000x128xf32, #tpu.memory_space<vmem_shared>> -> memref<80x128xf32, #tpu.memory_space<vmem_shared>>
      %dma_start3A_66 = arith.constant 0 : i32
      %dma_start3A_67 = tpu.memref_slice %arg16[%add3A_18, %dma_start3A_66] : memref<10000x128xf32, #tpu.memory_space<vmem_shared>> -> memref<80x128xf32, #tpu.memory_space<vmem_shared>>
      %dma_start3A_68 = arith.constant 0 : i32
      %dma_start3A_69 = arith.constant 0 : i32
      %dma_start3A_70 = tpu.memref_slice %arg10[%dma_start3A_68, %dma_start3A_69] : memref<80x128xf32, #tpu.memory_space<vmem>> -> memref<80x128xf32, #tpu.memory_space<vmem>>
      tpu.enqueue_dma source(%dma_start3A_70 : memref<80x128xf32, #tpu.memory_space<vmem>>) target(%dma_start3A_67 : memref<80x128xf32, #tpu.memory_space<vmem_shared>>) target_semaphore(%run_scoped3A : memref<!tpu.dma_semaphore, #tpu.memory_space<semaphore_mem>>)
      %dma_wait3A_71 = arith.constant 0 : i32
      %dma_wait3A_72 = arith.constant 0 : i32
      %dma_wait3A_73 = tpu.memref_slice %arg10[%dma_wait3A_71, %dma_wait3A_72] : memref<80x128xf32, #tpu.memory_space<vmem>> -> memref<80x128xf32, #tpu.memory_space<vmem>>
      %dma_wait3A_74 = arith.constant 0 : i32
      %dma_wait3A_75 = tpu.memref_slice %arg16[%add3A_18, %dma_wait3A_74] : memref<10000x128xf32, #tpu.memory_space<vmem_shared>> -> memref<80x128xf32, #tpu.memory_space<vmem_shared>>
      %dma_wait3A_76 = arith.constant 0 : i32
      %dma_wait3A_77 = tpu.memref_slice %arg16[%add3A_18, %dma_wait3A_76] : memref<10000x128xf32, #tpu.memory_space<vmem_shared>> -> memref<80x128xf32, #tpu.memory_space<vmem_shared>>
      %dma_wait3A_78 = arith.constant 0 : i32
      %dma_wait3A_79 = arith.constant 0 : i32
      %dma_wait3A_80 = tpu.memref_slice %arg10[%dma_wait3A_78, %dma_wait3A_79] : memref<80x128xf32, #tpu.memory_space<vmem>> -> memref<80x128xf32, #tpu.memory_space<vmem>>
      tpu.wait_dma2 semaphore(%run_scoped3A : memref<!tpu.dma_semaphore, #tpu.memory_space<semaphore_mem>>) src(%dma_wait3A_80 : memref<80x128xf32, #tpu.memory_space<vmem>>) dst(%dma_wait3A_77 : memref<80x128xf32, #tpu.memory_space<vmem_shared>>)
      tpu.yield
    }) : () -> ()
    %mul3A_19 = arith.constant 624 : i32
    %mul3A_20 = arith.muli %arg1, %mul3A_19 : i32
    %add3A_21 = arith.constant 320 : i32
    %add3A_22 = arith.addi %mul3A_20, %add3A_21 : i32
    "tpu.region"() ({
      %run_scoped3A = tpu.sem_alloc : memref<!tpu.dma_semaphore, #tpu.memory_space<semaphore_mem>>
      %dma_start3A_61 = arith.constant 0 : i32
      %dma_start3A_62 = arith.constant 0 : i32
      %dma_start3A_63 = tpu.memref_slice %arg10[%dma_start3A_61, %dma_start3A_62] : memref<80x128xf32, #tpu.memory_space<vmem>> -> memref<80x128xf32, #tpu.memory_space<vmem>>
      %dma_start3A_64 = arith.constant 0 : i32
      %dma_start3A_65 = tpu.memref_slice %arg16[%add3A_22, %dma_start3A_64] : memref<10000x128xf32, #tpu.memory_space<vmem_shared>> -> memref<80x128xf32, #tpu.memory_space<vmem_shared>>
      %dma_start3A_66 = arith.constant 0 : i32
      %dma_start3A_67 = tpu.memref_slice %arg16[%add3A_22, %dma_start3A_66] : memref<10000x128xf32, #tpu.memory_space<vmem_shared>> -> memref<80x128xf32, #tpu.memory_space<vmem_shared>>
      %dma_start3A_68 = arith.constant 0 : i32
      %dma_start3A_69 = arith.constant 0 : i32
      %dma_start3A_70 = tpu.memref_slice %arg10[%dma_start3A_68, %dma_start3A_69] : memref<80x128xf32, #tpu.memory_space<vmem>> -> memref<80x128xf32, #tpu.memory_space<vmem>>
      tpu.enqueue_dma source(%dma_start3A_70 : memref<80x128xf32, #tpu.memory_space<vmem>>) target(%dma_start3A_67 : memref<80x128xf32, #tpu.memory_space<vmem_shared>>) target_semaphore(%run_scoped3A : memref<!tpu.dma_semaphore, #tpu.memory_space<semaphore_mem>>)
      %dma_wait3A_71 = arith.constant 0 : i32
      %dma_wait3A_72 = arith.constant 0 : i32
      %dma_wait3A_73 = tpu.memref_slice %arg10[%dma_wait3A_71, %dma_wait3A_72] : memref<80x128xf32, #tpu.memory_space<vmem>> -> memref<80x128xf32, #tpu.memory_space<vmem>>
      %dma_wait3A_74 = arith.constant 0 : i32
      %dma_wait3A_75 = tpu.memref_slice %arg16[%add3A_22, %dma_wait3A_74] : memref<10000x128xf32, #tpu.memory_space<vmem_shared>> -> memref<80x128xf32, #tpu.memory_space<vmem_shared>>
      %dma_wait3A_76 = arith.constant 0 : i32
      %dma_wait3A_77 = tpu.memref_slice %arg16[%add3A_22, %dma_wait3A_76] : memref<10000x128xf32, #tpu.memory_space<vmem_shared>> -> memref<80x128xf32, #tpu.memory_space<vmem_shared>>
      %dma_wait3A_78 = arith.constant 0 : i32
      %dma_wait3A_79 = arith.constant 0 : i32
      %dma_wait3A_80 = tpu.memref_slice %arg10[%dma_wait3A_78, %dma_wait3A_79] : memref<80x128xf32, #tpu.memory_space<vmem>> -> memref<80x128xf32, #tpu.memory_space<vmem>>
      tpu.wait_dma2 semaphore(%run_scoped3A : memref<!tpu.dma_semaphore, #tpu.memory_space<semaphore_mem>>) src(%dma_wait3A_80 : memref<80x128xf32, #tpu.memory_space<vmem>>) dst(%dma_wait3A_77 : memref<80x128xf32, #tpu.memory_space<vmem_shared>>)
      tpu.yield
    }) : () -> ()
    %mul3A_23 = arith.constant 624 : i32
    %mul3A_24 = arith.muli %arg1, %mul3A_23 : i32
    %add3A_25 = arith.constant 400 : i32
    %add3A_26 = arith.addi %mul3A_24, %add3A_25 : i32
    "tpu.region"() ({
      %run_scoped3A = tpu.sem_alloc : memref<!tpu.dma_semaphore, #tpu.memory_space<semaphore_mem>>
      %dma_start3A_61 = arith.constant 0 : i32
      %dma_start3A_62 = arith.constant 0 : i32
      %dma_start3A_63 = tpu.memref_slice %arg10[%dma_start3A_61, %dma_start3A_62] : memref<80x128xf32, #tpu.memory_space<vmem>> -> memref<80x128xf32, #tpu.memory_space<vmem>>
      %dma_start3A_64 = arith.constant 0 : i32
      %dma_start3A_65 = tpu.memref_slice %arg16[%add3A_26, %dma_start3A_64] : memref<10000x128xf32, #tpu.memory_space<vmem_shared>> -> memref<80x128xf32, #tpu.memory_space<vmem_shared>>
      %dma_start3A_66 = arith.constant 0 : i32
      %dma_start3A_67 = tpu.memref_slice %arg16[%add3A_26, %dma_start3A_66] : memref<10000x128xf32, #tpu.memory_space<vmem_shared>> -> memref<80x128xf32, #tpu.memory_space<vmem_shared>>
      %dma_start3A_68 = arith.constant 0 : i32
      %dma_start3A_69 = arith.constant 0 : i32
      %dma_start3A_70 = tpu.memref_slice %arg10[%dma_start3A_68, %dma_start3A_69] : memref<80x128xf32, #tpu.memory_space<vmem>> -> memref<80x128xf32, #tpu.memory_space<vmem>>
      tpu.enqueue_dma source(%dma_start3A_70 : memref<80x128xf32, #tpu.memory_space<vmem>>) target(%dma_start3A_67 : memref<80x128xf32, #tpu.memory_space<vmem_shared>>) target_semaphore(%run_scoped3A : memref<!tpu.dma_semaphore, #tpu.memory_space<semaphore_mem>>)
      %dma_wait3A_71 = arith.constant 0 : i32
      %dma_wait3A_72 = arith.constant 0 : i32
      %dma_wait3A_73 = tpu.memref_slice %arg10[%dma_wait3A_71, %dma_wait3A_72] : memref<80x128xf32, #tpu.memory_space<vmem>> -> memref<80x128xf32, #tpu.memory_space<vmem>>
      %dma_wait3A_74 = arith.constant 0 : i32
      %dma_wait3A_75 = tpu.memref_slice %arg16[%add3A_26, %dma_wait3A_74] : memref<10000x128xf32, #tpu.memory_space<vmem_shared>> -> memref<80x128xf32, #tpu.memory_space<vmem_shared>>
      %dma_wait3A_76 = arith.constant 0 : i32
      %dma_wait3A_77 = tpu.memref_slice %arg16[%add3A_26, %dma_wait3A_76] : memref<10000x128xf32, #tpu.memory_space<vmem_shared>> -> memref<80x128xf32, #tpu.memory_space<vmem_shared>>
      %dma_wait3A_78 = arith.constant 0 : i32
      %dma_wait3A_79 = arith.constant 0 : i32
      %dma_wait3A_80 = tpu.memref_slice %arg10[%dma_wait3A_78, %dma_wait3A_79] : memref<80x128xf32, #tpu.memory_space<vmem>> -> memref<80x128xf32, #tpu.memory_space<vmem>>
      tpu.wait_dma2 semaphore(%run_scoped3A : memref<!tpu.dma_semaphore, #tpu.memory_space<semaphore_mem>>) src(%dma_wait3A_80 : memref<80x128xf32, #tpu.memory_space<vmem>>) dst(%dma_wait3A_77 : memref<80x128xf32, #tpu.memory_space<vmem_shared>>)
      tpu.yield
    }) : () -> ()
    %mul3A_27 = arith.constant 624 : i32
    %mul3A_28 = arith.muli %arg1, %mul3A_27 : i32
    %add3A_29 = arith.constant 480 : i32
    %add3A_30 = arith.addi %mul3A_28, %add3A_29 : i32
    "tpu.region"() ({
      %run_scoped3A = tpu.sem_alloc : memref<!tpu.dma_semaphore, #tpu.memory_space<semaphore_mem>>
      %dma_start3A_61 = arith.constant 0 : i32
      %dma_start3A_62 = arith.constant 0 : i32
      %dma_start3A_63 = tpu.memref_slice %arg10[%dma_start3A_61, %dma_start3A_62] : memref<80x128xf32, #tpu.memory_space<vmem>> -> memref<80x128xf32, #tpu.memory_space<vmem>>
      %dma_start3A_64 = arith.constant 0 : i32
      %dma_start3A_65 = tpu.memref_slice %arg16[%add3A_30, %dma_start3A_64] : memref<10000x128xf32, #tpu.memory_space<vmem_shared>> -> memref<80x128xf32, #tpu.memory_space<vmem_shared>>
      %dma_start3A_66 = arith.constant 0 : i32
      %dma_start3A_67 = tpu.memref_slice %arg16[%add3A_30, %dma_start3A_66] : memref<10000x128xf32, #tpu.memory_space<vmem_shared>> -> memref<80x128xf32, #tpu.memory_space<vmem_shared>>
      %dma_start3A_68 = arith.constant 0 : i32
      %dma_start3A_69 = arith.constant 0 : i32
      %dma_start3A_70 = tpu.memref_slice %arg10[%dma_start3A_68, %dma_start3A_69] : memref<80x128xf32, #tpu.memory_space<vmem>> -> memref<80x128xf32, #tpu.memory_space<vmem>>
      tpu.enqueue_dma source(%dma_start3A_70 : memref<80x128xf32, #tpu.memory_space<vmem>>) target(%dma_start3A_67 : memref<80x128xf32, #tpu.memory_space<vmem_shared>>) target_semaphore(%run_scoped3A : memref<!tpu.dma_semaphore, #tpu.memory_space<semaphore_mem>>)
      %dma_wait3A_71 = arith.constant 0 : i32
      %dma_wait3A_72 = arith.constant 0 : i32
      %dma_wait3A_73 = tpu.memref_slice %arg10[%dma_wait3A_71, %dma_wait3A_72] : memref<80x128xf32, #tpu.memory_space<vmem>> -> memref<80x128xf32, #tpu.memory_space<vmem>>
      %dma_wait3A_74 = arith.constant 0 : i32
      %dma_wait3A_75 = tpu.memref_slice %arg16[%add3A_30, %dma_wait3A_74] : memref<10000x128xf32, #tpu.memory_space<vmem_shared>> -> memref<80x128xf32, #tpu.memory_space<vmem_shared>>
      %dma_wait3A_76 = arith.constant 0 : i32
      %dma_wait3A_77 = tpu.memref_slice %arg16[%add3A_30, %dma_wait3A_76] : memref<10000x128xf32, #tpu.memory_space<vmem_shared>> -> memref<80x128xf32, #tpu.memory_space<vmem_shared>>
      %dma_wait3A_78 = arith.constant 0 : i32
      %dma_wait3A_79 = arith.constant 0 : i32
      %dma_wait3A_80 = tpu.memref_slice %arg10[%dma_wait3A_78, %dma_wait3A_79] : memref<80x128xf32, #tpu.memory_space<vmem>> -> memref<80x128xf32, #tpu.memory_space<vmem>>
      tpu.wait_dma2 semaphore(%run_scoped3A : memref<!tpu.dma_semaphore, #tpu.memory_space<semaphore_mem>>) src(%dma_wait3A_80 : memref<80x128xf32, #tpu.memory_space<vmem>>) dst(%dma_wait3A_77 : memref<80x128xf32, #tpu.memory_space<vmem_shared>>)
      tpu.yield
    }) : () -> ()
    %mul3A_31 = arith.constant 624 : i32
    %mul3A_32 = arith.muli %arg1, %mul3A_31 : i32
    %add3A_33 = arith.constant 560 : i32
    %add3A_34 = arith.addi %mul3A_32, %add3A_33 : i32
    "tpu.region"() ({
      %run_scoped3A = tpu.sem_alloc : memref<!tpu.dma_semaphore, #tpu.memory_space<semaphore_mem>>
      %dma_start3A_61 = arith.constant 0 : i32
      %dma_start3A_62 = arith.constant 0 : i32
      %dma_start3A_63 = tpu.memref_slice %arg10[%dma_start3A_61, %dma_start3A_62] : memref<80x128xf32, #tpu.memory_space<vmem>> -> memref<80x128xf32, #tpu.memory_space<vmem>>
      %dma_start3A_64 = arith.constant 0 : i32
      %dma_start3A_65 = tpu.memref_slice %arg16[%add3A_34, %dma_start3A_64] : memref<10000x128xf32, #tpu.memory_space<vmem_shared>> -> memref<80x128xf32, #tpu.memory_space<vmem_shared>>
      %dma_start3A_66 = arith.constant 0 : i32
      %dma_start3A_67 = tpu.memref_slice %arg16[%add3A_34, %dma_start3A_66] : memref<10000x128xf32, #tpu.memory_space<vmem_shared>> -> memref<80x128xf32, #tpu.memory_space<vmem_shared>>
      %dma_start3A_68 = arith.constant 0 : i32
      %dma_start3A_69 = arith.constant 0 : i32
      %dma_start3A_70 = tpu.memref_slice %arg10[%dma_start3A_68, %dma_start3A_69] : memref<80x128xf32, #tpu.memory_space<vmem>> -> memref<80x128xf32, #tpu.memory_space<vmem>>
      tpu.enqueue_dma source(%dma_start3A_70 : memref<80x128xf32, #tpu.memory_space<vmem>>) target(%dma_start3A_67 : memref<80x128xf32, #tpu.memory_space<vmem_shared>>) target_semaphore(%run_scoped3A : memref<!tpu.dma_semaphore, #tpu.memory_space<semaphore_mem>>)
      %dma_wait3A_71 = arith.constant 0 : i32
      %dma_wait3A_72 = arith.constant 0 : i32
      %dma_wait3A_73 = tpu.memref_slice %arg10[%dma_wait3A_71, %dma_wait3A_72] : memref<80x128xf32, #tpu.memory_space<vmem>> -> memref<80x128xf32, #tpu.memory_space<vmem>>
      %dma_wait3A_74 = arith.constant 0 : i32
      %dma_wait3A_75 = tpu.memref_slice %arg16[%add3A_34, %dma_wait3A_74] : memref<10000x128xf32, #tpu.memory_space<vmem_shared>> -> memref<80x128xf32, #tpu.memory_space<vmem_shared>>
      %dma_wait3A_76 = arith.constant 0 : i32
      %dma_wait3A_77 = tpu.memref_slice %arg16[%add3A_34, %dma_wait3A_76] : memref<10000x128xf32, #tpu.memory_space<vmem_shared>> -> memref<80x128xf32, #tpu.memory_space<vmem_shared>>
      %dma_wait3A_78 = arith.constant 0 : i32
      %dma_wait3A_79 = arith.constant 0 : i32
      %dma_wait3A_80 = tpu.memref_slice %arg10[%dma_wait3A_78, %dma_wait3A_79] : memref<80x128xf32, #tpu.memory_space<vmem>> -> memref<80x128xf32, #tpu.memory_space<vmem>>
      tpu.wait_dma2 semaphore(%run_scoped3A : memref<!tpu.dma_semaphore, #tpu.memory_space<semaphore_mem>>) src(%dma_wait3A_80 : memref<80x128xf32, #tpu.memory_space<vmem>>) dst(%dma_wait3A_77 : memref<80x128xf32, #tpu.memory_space<vmem_shared>>)
      tpu.yield
    }) : () -> ()
    %barrier3A = arith.constant 0 : index
    tpu.barrier barrier_id(%barrier3A)
    %mul3A_35 = arith.constant 16 : i32
    %mul3A_36 = arith.muli %arg0, %mul3A_35 : i32
    %add3A_37 = arith.addi %mul3A_36, %arg1 : i32
    %mul3A_38 = arith.constant 10000 : i32
    %mul3A_39 = arith.muli %add3A_37, %mul3A_38 : i32
    %scan3A_40 = arith.constant 0 : i32
    %scan3A_41 = arith.constant 0 : i32
    %scan3A_42 = arith.constant 62 : i32
    %scan3A_43 = arith.addi %scan3A_41, %scan3A_42 : i32
    %scan3A_44 = arith.constant 1 : i32
    scf.for %scan3A_61 = %scan3A_41 to %scan3A_43 step %scan3A_44  : i32 {
      %mul3A_62 = arith.constant 2 : i32
      %mul3A_63 = arith.muli %mul3A_62, %scan3A_61 : i32
      %gt3A = arith.constant 0 : i32
      %gt3A_64 = arith.cmpi sgt, %scan3A_61, %gt3A : i32
      %convert_element_type3A = arith.extui %gt3A_64 : i1 to i32
      %cond3A = arith.constant 0 : i32
      %cond3A_65 = arith.cmpi ne, %convert_element_type3A, %cond3A : i32
      scf.if %cond3A_65 {
        %dma_wait3A_97 = arith.constant 0 : i32
        %dma_wait3A_98 = arith.constant 0 : i32
        %dma_wait3A_99 = tpu.memref_slice %arg16[%dma_wait3A_97, %dma_wait3A_98] : memref<10000x128xf32, #tpu.memory_space<vmem_shared>> -> memref<10000x128xf32, #tpu.memory_space<vmem_shared>>
        tpu.wait_indirect_dma semaphore(%arg14 : memref<!tpu.dma_semaphore, #tpu.memory_space<semaphore_mem>>) src(%arg10 : memref<80x128xf32, #tpu.memory_space<vmem>>) dst(%dma_wait3A_99 : memref<10000x128xf32, #tpu.memory_space<vmem_shared>>)
      } else {
      }
      %mul3A_66 = arith.constant 80 : i32
      %mul3A_67 = arith.muli %mul3A_63, %mul3A_66 : i32
      %add3A_68 = arith.addi %mul3A_39, %mul3A_67 : i32
      "tpu.region"() ({
        %run_scoped3A = tpu.sem_alloc : memref<!tpu.dma_semaphore, #tpu.memory_space<semaphore_mem>>
        %dma_start3A_97 = tpu.memref_slice %arg3[%add3A_68] : memref<320000xi32, #tpu.memory_space<hbm>> -> memref<80xi32, #tpu.memory_space<hbm>>
        %dma_start3A_98 = tpu.memref_slice %arg3[%add3A_68] : memref<320000xi32, #tpu.memory_space<hbm>> -> memref<80xi32, #tpu.memory_space<hbm>>
        tpu.enqueue_dma source(%dma_start3A_98 : memref<80xi32, #tpu.memory_space<hbm>>) target(%arg6 : memref<80xi32, #tpu.memory_space<vmem>>) target_semaphore(%run_scoped3A : memref<!tpu.dma_semaphore, #tpu.memory_space<semaphore_mem>>)
        %dma_wait3A_99 = tpu.memref_slice %arg3[%add3A_68] : memref<320000xi32, #tpu.memory_space<hbm>> -> memref<80xi32, #tpu.memory_space<hbm>>
        %dma_wait3A_100 = tpu.memref_slice %arg3[%add3A_68] : memref<320000xi32, #tpu.memory_space<hbm>> -> memref<80xi32, #tpu.memory_space<hbm>>
        tpu.wait_dma2 semaphore(%run_scoped3A : memref<!tpu.dma_semaphore, #tpu.memory_space<semaphore_mem>>) src(%dma_wait3A_100 : memref<80xi32, #tpu.memory_space<hbm>>) dst(%arg6 : memref<80xi32, #tpu.memory_space<vmem>>)
        tpu.yield
      }) : () -> ()
      "tpu.region"() ({
        %run_scoped3A = tpu.sem_alloc : memref<!tpu.dma_semaphore, #tpu.memory_space<semaphore_mem>>
        %dma_start3A_97 = tpu.memref_slice %arg4[%add3A_68] : memref<320000xi32, #tpu.memory_space<hbm>> -> memref<80xi32, #tpu.memory_space<hbm>>
        %dma_start3A_98 = tpu.memref_slice %arg4[%add3A_68] : memref<320000xi32, #tpu.memory_space<hbm>> -> memref<80xi32, #tpu.memory_space<hbm>>
        tpu.enqueue_dma source(%dma_start3A_98 : memref<80xi32, #tpu.memory_space<hbm>>) target(%arg7 : memref<80xi32, #tpu.memory_space<vmem>>) target_semaphore(%run_scoped3A : memref<!tpu.dma_semaphore, #tpu.memory_space<semaphore_mem>>)
        %dma_wait3A_99 = tpu.memref_slice %arg4[%add3A_68] : memref<320000xi32, #tpu.memory_space<hbm>> -> memref<80xi32, #tpu.memory_space<hbm>>
        %dma_wait3A_100 = tpu.memref_slice %arg4[%add3A_68] : memref<320000xi32, #tpu.memory_space<hbm>> -> memref<80xi32, #tpu.memory_space<hbm>>
        tpu.wait_dma2 semaphore(%run_scoped3A : memref<!tpu.dma_semaphore, #tpu.memory_space<semaphore_mem>>) src(%dma_wait3A_100 : memref<80xi32, #tpu.memory_space<hbm>>) dst(%arg7 : memref<80xi32, #tpu.memory_space<vmem>>)
        tpu.yield
      }) : () -> ()
      %dma_start3A_69 = arith.constant 0 : i32
      %dma_start3A_70 = arith.constant 0 : i32
      %dma_start3A_71 = tpu.memref_slice %arg2[%dma_start3A_69, %dma_start3A_70] : memref<10000x128xf32, #tpu.memory_space<hbm>> -> memref<10000x128xf32, #tpu.memory_space<hbm>>
      tpu.enqueue_indirect_dma source(%dma_start3A_71 : memref<10000x128xf32, #tpu.memory_space<hbm>>) target(%arg10 : memref<80x128xf32, #tpu.memory_space<vmem>>) offsets(%arg6 : memref<80xi32, #tpu.memory_space<vmem>>) semaphore(%arg12 : memref<!tpu.dma_semaphore, #tpu.memory_space<semaphore_mem>>)
      %gt3A_72 = arith.constant 0 : i32
      %gt3A_73 = arith.cmpi sgt, %scan3A_61, %gt3A_72 : i32
      %convert_element_type3A_74 = arith.extui %gt3A_73 : i1 to i32
      %cond3A_75 = arith.constant 0 : i32
      %cond3A_76 = arith.cmpi ne, %convert_element_type3A_74, %cond3A_75 : i32
      scf.if %cond3A_76 {
        %dma_wait3A_97 = arith.constant 0 : i32
        %dma_wait3A_98 = arith.constant 0 : i32
        %dma_wait3A_99 = tpu.memref_slice %arg16[%dma_wait3A_97, %dma_wait3A_98] : memref<10000x128xf32, #tpu.memory_space<vmem_shared>> -> memref<10000x128xf32, #tpu.memory_space<vmem_shared>>
        tpu.wait_indirect_dma semaphore(%arg15 : memref<!tpu.dma_semaphore, #tpu.memory_space<semaphore_mem>>) src(%arg11 : memref<80x128xf32, #tpu.memory_space<vmem>>) dst(%dma_wait3A_99 : memref<10000x128xf32, #tpu.memory_space<vmem_shared>>)
      } else {
      }
      %add3A_77 = arith.constant 1 : i32
      %add3A_78 = arith.addi %mul3A_63, %add3A_77 : i32
      %mul3A_79 = arith.constant 80 : i32
      %mul3A_80 = arith.muli %add3A_78, %mul3A_79 : i32
      %add3A_81 = arith.addi %mul3A_39, %mul3A_80 : i32
      "tpu.region"() ({
        %run_scoped3A = tpu.sem_alloc : memref<!tpu.dma_semaphore, #tpu.memory_space<semaphore_mem>>
        %dma_start3A_97 = tpu.memref_slice %arg3[%add3A_81] : memref<320000xi32, #tpu.memory_space<hbm>> -> memref<80xi32, #tpu.memory_space<hbm>>
        %dma_start3A_98 = tpu.memref_slice %arg3[%add3A_81] : memref<320000xi32, #tpu.memory_space<hbm>> -> memref<80xi32, #tpu.memory_space<hbm>>
        tpu.enqueue_dma source(%dma_start3A_98 : memref<80xi32, #tpu.memory_space<hbm>>) target(%arg8 : memref<80xi32, #tpu.memory_space<vmem>>) target_semaphore(%run_scoped3A : memref<!tpu.dma_semaphore, #tpu.memory_space<semaphore_mem>>)
        %dma_wait3A_99 = tpu.memref_slice %arg3[%add3A_81] : memref<320000xi32, #tpu.memory_space<hbm>> -> memref<80xi32, #tpu.memory_space<hbm>>
        %dma_wait3A_100 = tpu.memref_slice %arg3[%add3A_81] : memref<320000xi32, #tpu.memory_space<hbm>> -> memref<80xi32, #tpu.memory_space<hbm>>
        tpu.wait_dma2 semaphore(%run_scoped3A : memref<!tpu.dma_semaphore, #tpu.memory_space<semaphore_mem>>) src(%dma_wait3A_100 : memref<80xi32, #tpu.memory_space<hbm>>) dst(%arg8 : memref<80xi32, #tpu.memory_space<vmem>>)
        tpu.yield
      }) : () -> ()
      "tpu.region"() ({
        %run_scoped3A = tpu.sem_alloc : memref<!tpu.dma_semaphore, #tpu.memory_space<semaphore_mem>>
        %dma_start3A_97 = tpu.memref_slice %arg4[%add3A_81] : memref<320000xi32, #tpu.memory_space<hbm>> -> memref<80xi32, #tpu.memory_space<hbm>>
        %dma_start3A_98 = tpu.memref_slice %arg4[%add3A_81] : memref<320000xi32, #tpu.memory_space<hbm>> -> memref<80xi32, #tpu.memory_space<hbm>>
        tpu.enqueue_dma source(%dma_start3A_98 : memref<80xi32, #tpu.memory_space<hbm>>) target(%arg9 : memref<80xi32, #tpu.memory_space<vmem>>) target_semaphore(%run_scoped3A : memref<!tpu.dma_semaphore, #tpu.memory_space<semaphore_mem>>)
        %dma_wait3A_99 = tpu.memref_slice %arg4[%add3A_81] : memref<320000xi32, #tpu.memory_space<hbm>> -> memref<80xi32, #tpu.memory_space<hbm>>
        %dma_wait3A_100 = tpu.memref_slice %arg4[%add3A_81] : memref<320000xi32, #tpu.memory_space<hbm>> -> memref<80xi32, #tpu.memory_space<hbm>>
        tpu.wait_dma2 semaphore(%run_scoped3A : memref<!tpu.dma_semaphore, #tpu.memory_space<semaphore_mem>>) src(%dma_wait3A_100 : memref<80xi32, #tpu.memory_space<hbm>>) dst(%arg9 : memref<80xi32, #tpu.memory_space<vmem>>)
        tpu.yield
      }) : () -> ()
      %dma_start3A_82 = arith.constant 0 : i32
      %dma_start3A_83 = arith.constant 0 : i32
      %dma_start3A_84 = tpu.memref_slice %arg2[%dma_start3A_82, %dma_start3A_83] : memref<10000x128xf32, #tpu.memory_space<hbm>> -> memref<10000x128xf32, #tpu.memory_space<hbm>>
      tpu.enqueue_indirect_dma source(%dma_start3A_84 : memref<10000x128xf32, #tpu.memory_space<hbm>>) target(%arg11 : memref<80x128xf32, #tpu.memory_space<vmem>>) offsets(%arg8 : memref<80xi32, #tpu.memory_space<vmem>>) semaphore(%arg13 : memref<!tpu.dma_semaphore, #tpu.memory_space<semaphore_mem>>)
      %dma_wait3A_85 = arith.constant 0 : i32
      %dma_wait3A_86 = arith.constant 0 : i32
      %dma_wait3A_87 = tpu.memref_slice %arg2[%dma_wait3A_85, %dma_wait3A_86] : memref<10000x128xf32, #tpu.memory_space<hbm>> -> memref<10000x128xf32, #tpu.memory_space<hbm>>
      tpu.wait_indirect_dma semaphore(%arg12 : memref<!tpu.dma_semaphore, #tpu.memory_space<semaphore_mem>>) src(%dma_wait3A_87 : memref<10000x128xf32, #tpu.memory_space<hbm>>) dst(%arg10 : memref<80x128xf32, #tpu.memory_space<vmem>>)
      %dma_start3A_88 = arith.constant 0 : i32
      %dma_start3A_89 = arith.constant 0 : i32
      %dma_start3A_90 = tpu.memref_slice %arg16[%dma_start3A_88, %dma_start3A_89] : memref<10000x128xf32, #tpu.memory_space<vmem_shared>> -> memref<10000x128xf32, #tpu.memory_space<vmem_shared>>
      tpu.enqueue_indirect_dma source(%arg10 : memref<80x128xf32, #tpu.memory_space<vmem>>) target(%dma_start3A_90 : memref<10000x128xf32, #tpu.memory_space<vmem_shared>>) offsets(%arg7 : memref<80xi32, #tpu.memory_space<vmem>>) semaphore(%arg14 : memref<!tpu.dma_semaphore, #tpu.memory_space<semaphore_mem>>) {add = true}
      %dma_wait3A_91 = arith.constant 0 : i32
      %dma_wait3A_92 = arith.constant 0 : i32
      %dma_wait3A_93 = tpu.memref_slice %arg2[%dma_wait3A_91, %dma_wait3A_92] : memref<10000x128xf32, #tpu.memory_space<hbm>> -> memref<10000x128xf32, #tpu.memory_space<hbm>>
      tpu.wait_indirect_dma semaphore(%arg13 : memref<!tpu.dma_semaphore, #tpu.memory_space<semaphore_mem>>) src(%dma_wait3A_93 : memref<10000x128xf32, #tpu.memory_space<hbm>>) dst(%arg11 : memref<80x128xf32, #tpu.memory_space<vmem>>)
      %dma_start3A_94 = arith.constant 0 : i32
      %dma_start3A_95 = arith.constant 0 : i32
      %dma_start3A_96 = tpu.memref_slice %arg16[%dma_start3A_94, %dma_start3A_95] : memref<10000x128xf32, #tpu.memory_space<vmem_shared>> -> memref<10000x128xf32, #tpu.memory_space<vmem_shared>>
      tpu.enqueue_indirect_dma source(%arg11 : memref<80x128xf32, #tpu.memory_space<vmem>>) target(%dma_start3A_96 : memref<10000x128xf32, #tpu.memory_space<vmem_shared>>) offsets(%arg9 : memref<80xi32, #tpu.memory_space<vmem>>) semaphore(%arg15 : memref<!tpu.dma_semaphore, #tpu.memory_space<semaphore_mem>>) {add = true}
    }
    %scan3A_45 = arith.constant 62 : i32
    %dma_wait3A = arith.constant 0 : i32
    %dma_wait3A_46 = arith.constant 0 : i32
    %dma_wait3A_47 = tpu.memref_slice %arg16[%dma_wait3A, %dma_wait3A_46] : memref<10000x128xf32, #tpu.memory_space<vmem_shared>> -> memref<10000x128xf32, #tpu.memory_space<vmem_shared>>
    tpu.wait_indirect_dma semaphore(%arg14 : memref<!tpu.dma_semaphore, #tpu.memory_space<semaphore_mem>>) src(%arg10 : memref<80x128xf32, #tpu.memory_space<vmem>>) dst(%dma_wait3A_47 : memref<10000x128xf32, #tpu.memory_space<vmem_shared>>)
    %dma_wait3A_48 = arith.constant 0 : i32
    %dma_wait3A_49 = arith.constant 0 : i32
    %dma_wait3A_50 = tpu.memref_slice %arg16[%dma_wait3A_48, %dma_wait3A_49] : memref<10000x128xf32, #tpu.memory_space<vmem_shared>> -> memref<10000x128xf32, #tpu.memory_space<vmem_shared>>
    tpu.wait_indirect_dma semaphore(%arg15 : memref<!tpu.dma_semaphore, #tpu.memory_space<semaphore_mem>>) src(%arg11 : memref<80x128xf32, #tpu.memory_space<vmem>>) dst(%dma_wait3A_50 : memref<10000x128xf32, #tpu.memory_space<vmem_shared>>)
    %add3A_51 = arith.constant 9920 : i32
    %add3A_52 = arith.addi %mul3A_39, %add3A_51 : i32
    "tpu.region"() ({
      %run_scoped3A = tpu.sem_alloc : memref<!tpu.dma_semaphore, #tpu.memory_space<semaphore_mem>>
      %dma_start3A_61 = tpu.memref_slice %arg3[%add3A_52] : memref<320000xi32, #tpu.memory_space<hbm>> -> memref<80xi32, #tpu.memory_space<hbm>>
      %dma_start3A_62 = tpu.memref_slice %arg3[%add3A_52] : memref<320000xi32, #tpu.memory_space<hbm>> -> memref<80xi32, #tpu.memory_space<hbm>>
      tpu.enqueue_dma source(%dma_start3A_62 : memref<80xi32, #tpu.memory_space<hbm>>) target(%arg6 : memref<80xi32, #tpu.memory_space<vmem>>) target_semaphore(%run_scoped3A : memref<!tpu.dma_semaphore, #tpu.memory_space<semaphore_mem>>)
      %dma_wait3A_63 = tpu.memref_slice %arg3[%add3A_52] : memref<320000xi32, #tpu.memory_space<hbm>> -> memref<80xi32, #tpu.memory_space<hbm>>
      %dma_wait3A_64 = tpu.memref_slice %arg3[%add3A_52] : memref<320000xi32, #tpu.memory_space<hbm>> -> memref<80xi32, #tpu.memory_space<hbm>>
      tpu.wait_dma2 semaphore(%run_scoped3A : memref<!tpu.dma_semaphore, #tpu.memory_space<semaphore_mem>>) src(%dma_wait3A_64 : memref<80xi32, #tpu.memory_space<hbm>>) dst(%arg6 : memref<80xi32, #tpu.memory_space<vmem>>)
      tpu.yield
    }) : () -> ()
    "tpu.region"() ({
      %run_scoped3A = tpu.sem_alloc : memref<!tpu.dma_semaphore, #tpu.memory_space<semaphore_mem>>
      %dma_start3A_61 = tpu.memref_slice %arg4[%add3A_52] : memref<320000xi32, #tpu.memory_space<hbm>> -> memref<80xi32, #tpu.memory_space<hbm>>
      %dma_start3A_62 = tpu.memref_slice %arg4[%add3A_52] : memref<320000xi32, #tpu.memory_space<hbm>> -> memref<80xi32, #tpu.memory_space<hbm>>
      tpu.enqueue_dma source(%dma_start3A_62 : memref<80xi32, #tpu.memory_space<hbm>>) target(%arg7 : memref<80xi32, #tpu.memory_space<vmem>>) target_semaphore(%run_scoped3A : memref<!tpu.dma_semaphore, #tpu.memory_space<semaphore_mem>>)
      %dma_wait3A_63 = tpu.memref_slice %arg4[%add3A_52] : memref<320000xi32, #tpu.memory_space<hbm>> -> memref<80xi32, #tpu.memory_space<hbm>>
      %dma_wait3A_64 = tpu.memref_slice %arg4[%add3A_52] : memref<320000xi32, #tpu.memory_space<hbm>> -> memref<80xi32, #tpu.memory_space<hbm>>
      tpu.wait_dma2 semaphore(%run_scoped3A : memref<!tpu.dma_semaphore, #tpu.memory_space<semaphore_mem>>) src(%dma_wait3A_64 : memref<80xi32, #tpu.memory_space<hbm>>) dst(%arg7 : memref<80xi32, #tpu.memory_space<vmem>>)
      tpu.yield
    }) : () -> ()
    %dma_start3A = arith.constant 0 : i32
    %dma_start3A_53 = arith.constant 0 : i32
    %dma_start3A_54 = tpu.memref_slice %arg2[%dma_start3A, %dma_start3A_53] : memref<10000x128xf32, #tpu.memory_space<hbm>> -> memref<10000x128xf32, #tpu.memory_space<hbm>>
    tpu.enqueue_indirect_dma source(%dma_start3A_54 : memref<10000x128xf32, #tpu.memory_space<hbm>>) target(%arg10 : memref<80x128xf32, #tpu.memory_space<vmem>>) offsets(%arg6 : memref<80xi32, #tpu.memory_space<vmem>>) semaphore(%arg12 : memref<!tpu.dma_semaphore, #tpu.memory_space<semaphore_mem>>)
    %dma_wait3A_55 = arith.constant 0 : i32
    %dma_wait3A_56 = arith.constant 0 : i32
    %dma_wait3A_57 = tpu.memref_slice %arg2[%dma_wait3A_55, %dma_wait3A_56] : memref<10000x128xf32, #tpu.memory_space<hbm>> -> memref<10000x128xf32, #tpu.memory_space<hbm>>
    tpu.wait_indirect_dma semaphore(%arg12 : memref<!tpu.dma_semaphore, #tpu.memory_space<semaphore_mem>>) src(%dma_wait3A_57 : memref<10000x128xf32, #tpu.memory_space<hbm>>) dst(%arg10 : memref<80x128xf32, #tpu.memory_space<vmem>>)
    "tpu.region"() ({
      %run_scoped3A = tpu.sem_alloc : memref<!tpu.dma_semaphore, #tpu.memory_space<semaphore_mem>>
      %dma_start3A_61 = arith.constant 0 : i32
      %dma_start3A_62 = arith.constant 0 : i32
      %dma_start3A_63 = tpu.memref_slice %arg16[%dma_start3A_61, %dma_start3A_62] : memref<10000x128xf32, #tpu.memory_space<vmem_shared>> -> memref<10000x128xf32, #tpu.memory_space<vmem_shared>>
      tpu.enqueue_indirect_dma source(%arg10 : memref<80x128xf32, #tpu.memory_space<vmem>>) target(%dma_start3A_63 : memref<10000x128xf32, #tpu.memory_space<vmem_shared>>) offsets(%arg7 : memref<80xi32, #tpu.memory_space<vmem>>) semaphore(%run_scoped3A : memref<!tpu.dma_semaphore, #tpu.memory_space<semaphore_mem>>) {add = true}
      %dma_wait3A_64 = arith.constant 0 : i32
      %dma_wait3A_65 = arith.constant 0 : i32
      %dma_wait3A_66 = tpu.memref_slice %arg16[%dma_wait3A_64, %dma_wait3A_65] : memref<10000x128xf32, #tpu.memory_space<vmem_shared>> -> memref<10000x128xf32, #tpu.memory_space<vmem_shared>>
      tpu.wait_indirect_dma semaphore(%run_scoped3A : memref<!tpu.dma_semaphore, #tpu.memory_space<semaphore_mem>>) src(%arg10 : memref<80x128xf32, #tpu.memory_space<vmem>>) dst(%dma_wait3A_66 : memref<10000x128xf32, #tpu.memory_space<vmem_shared>>)
      tpu.yield
    }) : () -> ()
    %barrier3A_58 = arith.constant 0 : index
    tpu.barrier barrier_id(%barrier3A_58)
    %mul3A_59 = arith.constant 624 : i32
    %mul3A_60 = arith.muli %arg1, %mul3A_59 : i32
    "tpu.region"() ({
      %run_scoped3A = tpu.sem_alloc : memref<!tpu.dma_semaphore, #tpu.memory_space<semaphore_mem>>
      %dma_start3A_61 = arith.constant 0 : i32
      %dma_start3A_62 = tpu.memref_slice %arg5[%arg0, %mul3A_60, %dma_start3A_61] : memref<2x10000x128xf32, #tpu.memory_space<hbm>> -> memref<1x640x128xf32, #tpu.memory_space<hbm>>
      %dma_start3A_63 = tpu.memref_squeeze %dma_start3A_62 : memref<1x640x128xf32, #tpu.memory_space<hbm>> -> memref<640x128xf32, #tpu.memory_space<hbm>>
      %dma_start3A_64 = arith.constant 0 : i32
      %dma_start3A_65 = tpu.memref_slice %arg16[%mul3A_60, %dma_start3A_64] : memref<10000x128xf32, #tpu.memory_space<vmem_shared>> -> memref<640x128xf32, #tpu.memory_space<vmem_shared>>
      tpu.enqueue_dma source(%dma_start3A_65 : memref<640x128xf32, #tpu.memory_space<vmem_shared>>) target(%dma_start3A_63 : memref<640x128xf32, #tpu.memory_space<hbm>>) target_semaphore(%run_scoped3A : memref<!tpu.dma_semaphore, #tpu.memory_space<semaphore_mem>>)
      %dma_wait3A_66 = arith.constant 0 : i32
      %dma_wait3A_67 = tpu.memref_slice %arg5[%arg0, %mul3A_60, %dma_wait3A_66] : memref<2x10000x128xf32, #tpu.memory_space<hbm>> -> memref<1x640x128xf32, #tpu.memory_space<hbm>>
      %dma_wait3A_68 = tpu.memref_squeeze %dma_wait3A_67 : memref<1x640x128xf32, #tpu.memory_space<hbm>> -> memref<640x128xf32, #tpu.memory_space<hbm>>
      %dma_wait3A_69 = arith.constant 0 : i32
      %dma_wait3A_70 = tpu.memref_slice %arg16[%mul3A_60, %dma_wait3A_69] : memref<10000x128xf32, #tpu.memory_space<vmem_shared>> -> memref<640x128xf32, #tpu.memory_space<vmem_shared>>
      tpu.wait_dma2 semaphore(%run_scoped3A : memref<!tpu.dma_semaphore, #tpu.memory_space<semaphore_mem>>) src(%dma_wait3A_70 : memref<640x128xf32, #tpu.memory_space<vmem_shared>>) dst(%dma_wait3A_68 : memref<640x128xf32, #tpu.memory_space<hbm>>)
      tpu.yield
    }) : () -> ()
    return
  }
}

module attributes {stable_mosaic.version = 14 : i64} {
  func.func @_bn_body(%arg0: i32, %arg1: memref<1000x128xf32, #tpu.memory_space<vmem>>, %arg2: memref<1x128xf32, #tpu.memory_space<vmem>>, %arg3: memref<1x128xf32, #tpu.memory_space<vmem>>, %arg4: memref<1000x128xf32, #tpu.memory_space<vmem>>) attributes {dimension_semantics = [#tpu.dimension_semantics<arbitrary>], iteration_bounds = array<i64: 10>, scalar_prefetch = 0 : i64, scratch_operands = 0 : i64, tpu.core_type = #tpu.core_type<tc>, window_params = [{transform_indices = @transform_0, window_bounds = array<i64: 1000, 128>}, {pipeline_mode = #tpu.pipeline_mode<synchronous>, transform_indices = @transform_1, window_bounds = array<i64: 1, 128>}, {pipeline_mode = #tpu.pipeline_mode<synchronous>, transform_indices = @transform_2, window_bounds = array<i64: 1, 128>}, {transform_indices = @transform_3, window_bounds = array<i64: 1000, 128>}]} {
    %get3A = arith.constant 0 : index
    %get3A_0 = arith.constant 0 : index
    %get3A_1 = vector.load %arg1[%get3A, %get3A_0] : memref<1000x128xf32, #tpu.memory_space<vmem>>, vector<1000x128xf32>
    %get3A_2 = arith.constant 0 : index
    %get3A_3 = arith.constant 0 : index
    %get3A_4 = vector.load %arg2[%get3A_2, %get3A_3] : memref<1x128xf32, #tpu.memory_space<vmem>>, vector<1x128xf32>
    %mul3A = vector.broadcast %get3A_4 : vector<1x128xf32> to vector<1000x128xf32>
    %mul3A_5 = arith.mulf %get3A_1, %mul3A : vector<1000x128xf32>
    %get3A_6 = arith.constant 0 : index
    %get3A_7 = arith.constant 0 : index
    %get3A_8 = vector.load %arg3[%get3A_6, %get3A_7] : memref<1x128xf32, #tpu.memory_space<vmem>>, vector<1x128xf32>
    %add3A = vector.broadcast %get3A_8 : vector<1x128xf32> to vector<1000x128xf32>
    %add3A_9 = arith.addf %mul3A_5, %add3A : vector<1000x128xf32>
    %swap3A = arith.constant 0 : index
    %swap3A_10 = arith.constant 0 : index
    %swap3A_11 = vector.load %arg4[%swap3A, %swap3A_10] : memref<1000x128xf32, #tpu.memory_space<vmem>>, vector<1000x128xf32>
    tpu.vector_store %arg4[%swap3A, %swap3A_10], %add3A_9 {strides = array<i32>} : memref<1000x128xf32, #tpu.memory_space<vmem>>, vector<1000x128xf32>,
    return
  }
  func.func @transform_0(%arg0: i32) -> (i32, i32) {
    %c0_i32 = arith.constant 0 : i32
    %c0_i32_0 = arith.constant 0 : i32
    return %arg0, %c0_i32 : i32, i32
  }
  func.func @transform_1(%arg0: i32) -> (i32, i32) {
    %c0_i32 = arith.constant 0 : i32
    %c0_i32_0 = arith.constant 0 : i32
    %c0_i32_1 = arith.constant 0 : i32
    return %c0_i32, %c0_i32_0 : i32, i32
  }
  func.func @transform_2(%arg0: i32) -> (i32, i32) {
    %c0_i32 = arith.constant 0 : i32
    %c0_i32_0 = arith.constant 0 : i32
    %c0_i32_1 = arith.constant 0 : i32
    return %c0_i32, %c0_i32_0 : i32, i32
  }
  func.func @transform_3(%arg0: i32) -> (i32, i32) {
    %c0_i32 = arith.constant 0 : i32
    %c0_i32_0 = arith.constant 0 : i32
    return %arg0, %c0_i32 : i32, i32
  }
}

module attributes {stable_mosaic.version = 14 : i64} {
  func.func @_dense_body(%arg0: i32, %arg1: memref<2x1000x128xf32, #tpu.memory_space<vmem>>, %arg2: memref<1000x128xf32, #tpu.memory_space<vmem>>, %arg3: memref<1000x1xf32, #tpu.memory_space<vmem>>, %arg4: memref<128x128xf32, #tpu.memory_space<vmem>>, %arg5: memref<1x128xf32, #tpu.memory_space<vmem>>, %arg6: memref<128x128xf32, #tpu.memory_space<vmem>>, %arg7: memref<1000x128xf32, #tpu.memory_space<vmem>>) attributes {dimension_semantics = [#tpu.dimension_semantics<arbitrary>], iteration_bounds = array<i64: 10>, scalar_prefetch = 0 : i64, scratch_operands = 0 : i64, tpu.core_type = #tpu.core_type<tc>, window_params = [{transform_indices = @transform_0, window_bounds = array<i64: 2, 1000, 128>}, {transform_indices = @transform_1, window_bounds = array<i64: 1000, 128>}, {transform_indices = @transform_2, window_bounds = array<i64: 1000, 1>}, {pipeline_mode = #tpu.pipeline_mode<synchronous>, transform_indices = @transform_3, window_bounds = array<i64: 128, 128>}, {pipeline_mode = #tpu.pipeline_mode<synchronous>, transform_indices = @transform_4, window_bounds = array<i64: 1, 128>}, {pipeline_mode = #tpu.pipeline_mode<synchronous>, transform_indices = @transform_5, window_bounds = array<i64: 128, 128>}, {transform_indices = @transform_6, window_bounds = array<i64: 1000, 128>}]} {
    %get3A = arith.constant 0 : index
    %get3A_0 = arith.constant 0 : index
    %get3A_1 = arith.constant 0 : index
    %get3A_2 = vector.load %arg1[%get3A, %get3A_0, %get3A_1] : memref<2x1000x128xf32, #tpu.memory_space<vmem>>, vector<1x1000x128xf32>
    %get3A_3 = vector.shape_cast %get3A_2 : vector<1x1000x128xf32> to vector<1000x128xf32>
    %get3A_4 = arith.constant 1 : index
    %get3A_5 = arith.constant 0 : index
    %get3A_6 = arith.constant 0 : index
    %get3A_7 = vector.load %arg1[%get3A_4, %get3A_5, %get3A_6] : memref<2x1000x128xf32, #tpu.memory_space<vmem>>, vector<1x1000x128xf32>
    %get3A_8 = vector.shape_cast %get3A_7 : vector<1x1000x128xf32> to vector<1000x128xf32>
    %add3A = arith.addf %get3A_3, %get3A_8 : vector<1000x128xf32>
    %get3A_9 = arith.constant 0 : index
    %get3A_10 = arith.constant 0 : index
    %get3A_11 = vector.load %arg3[%get3A_9, %get3A_10] : memref<1000x1xf32, #tpu.memory_space<vmem>>, vector<1000x1xf32>
    %mul3A = vector.broadcast %get3A_11 : vector<1000x1xf32> to vector<1000x128xf32>
    %mul3A_12 = arith.mulf %add3A, %mul3A : vector<1000x128xf32>
    %get3A_13 = arith.constant 0 : index
    %get3A_14 = arith.constant 0 : index
    %get3A_15 = vector.load %arg4[%get3A_13, %get3A_14] : memref<128x128xf32, #tpu.memory_space<vmem>>, vector<128x128xf32>
    %dot_general3A = arith.constant dense<0.000000e+00> : vector<1000x128xf32>
    %dot_general3A_16 = tpu.matmul %mul3A_12, %get3A_15, %dot_general3A {dimension_numbers = #tpu.dot_dimension_numbers<[1], [0], [0], [1], [0, 0, 1, 1], [], []>, transpose_lhs_hint = false} : vector<1000x128xf32>, vector<128x128xf32>, vector<1000x128xf32> -> vector<1000x128xf32>
    %get3A_17 = arith.constant 0 : index
    %get3A_18 = arith.constant 0 : index
    %get3A_19 = vector.load %arg2[%get3A_17, %get3A_18] : memref<1000x128xf32, #tpu.memory_space<vmem>>, vector<1000x128xf32>
    %get3A_20 = arith.constant 0 : index
    %get3A_21 = arith.constant 0 : index
    %get3A_22 = vector.load %arg6[%get3A_20, %get3A_21] : memref<128x128xf32, #tpu.memory_space<vmem>>, vector<128x128xf32>
    %dot_general3A_23 = arith.constant dense<0.000000e+00> : vector<1000x128xf32>
    %dot_general3A_24 = tpu.matmul %get3A_19, %get3A_22, %dot_general3A_23 {dimension_numbers = #tpu.dot_dimension_numbers<[1], [0], [0], [1], [0, 0, 1, 1], [], []>, transpose_lhs_hint = false} : vector<1000x128xf32>, vector<128x128xf32>, vector<1000x128xf32> -> vector<1000x128xf32>
    %add3A_25 = arith.addf %dot_general3A_16, %dot_general3A_24 : vector<1000x128xf32>
    %get3A_26 = arith.constant 0 : index
    %get3A_27 = arith.constant 0 : index
    %get3A_28 = vector.load %arg5[%get3A_26, %get3A_27] : memref<1x128xf32, #tpu.memory_space<vmem>>, vector<1x128xf32>
    %add3A_29 = vector.broadcast %get3A_28 : vector<1x128xf32> to vector<1000x128xf32>
    %add3A_30 = arith.addf %add3A_25, %add3A_29 : vector<1000x128xf32>
    %max3A = arith.constant 0.000000e+00 : f32
    %max3A_31 = vector.broadcast %max3A : f32 to vector<1000x128xf32>
    %max3A_32 = arith.maximumf %add3A_30, %max3A_31 : vector<1000x128xf32>
    %swap3A = arith.constant 0 : index
    %swap3A_33 = arith.constant 0 : index
    %swap3A_34 = vector.load %arg7[%swap3A, %swap3A_33] : memref<1000x128xf32, #tpu.memory_space<vmem>>, vector<1000x128xf32>
    tpu.vector_store %arg7[%swap3A, %swap3A_33], %max3A_32 {strides = array<i32>} : memref<1000x128xf32, #tpu.memory_space<vmem>>, vector<1000x128xf32>,
    return
  }
  func.func @transform_0(%arg0: i32) -> (i32, i32, i32) {
    %c0_i32 = arith.constant 0 : i32
    %c0_i32_0 = arith.constant 0 : i32
    %c0_i32_1 = arith.constant 0 : i32
    return %c0_i32, %arg0, %c0_i32_0 : i32, i32, i32
  }
  func.func @transform_1(%arg0: i32) -> (i32, i32) {
    %c0_i32 = arith.constant 0 : i32
    %c0_i32_0 = arith.constant 0 : i32
    return %arg0, %c0_i32 : i32, i32
  }
  func.func @transform_2(%arg0: i32) -> (i32, i32) {
    %c0_i32 = arith.constant 0 : i32
    %c0_i32_0 = arith.constant 0 : i32
    return %arg0, %c0_i32 : i32, i32
  }
  func.func @transform_3(%arg0: i32) -> (i32, i32) {
    %c0_i32 = arith.constant 0 : i32
    %c0_i32_0 = arith.constant 0 : i32
    %c0_i32_1 = arith.constant 0 : i32
    return %c0_i32, %c0_i32_0 : i32, i32
  }
  func.func @transform_4(%arg0: i32) -> (i32, i32) {
    %c0_i32 = arith.constant 0 : i32
    %c0_i32_0 = arith.constant 0 : i32
    %c0_i32_1 = arith.constant 0 : i32
    return %c0_i32, %c0_i32_0 : i32, i32
  }
  func.func @transform_5(%arg0: i32) -> (i32, i32) {
    %c0_i32 = arith.constant 0 : i32
    %c0_i32_0 = arith.constant 0 : i32
    %c0_i32_1 = arith.constant 0 : i32
    return %c0_i32, %c0_i32_0 : i32, i32
  }
  func.func @transform_6(%arg0: i32) -> (i32, i32) {
    %c0_i32 = arith.constant 0 : i32
    %c0_i32_0 = arith.constant 0 : i32
    return %arg0, %c0_i32 : i32, i32
  }
}

module attributes {stable_mosaic.version = 14 : i64} {
  func.func @_pool_body(%arg0: i32, %arg1: memref<1000x128xf32, #tpu.memory_space<vmem>>, %arg2: memref<1x1x1000xi32, #tpu.memory_space<vmem>>, %arg3: memref<1000x1xi32, #tpu.memory_space<vmem>>, %arg4: memref<1x256xf32, #tpu.memory_space<vmem>>, %arg5: memref<1x256xf32, #tpu.memory_space<vmem>>, %arg6: memref<256x64xf32, #tpu.memory_space<vmem>>, %arg7: memref<1x64xf32, #tpu.memory_space<vmem>>, %arg8: memref<64x32xf32, #tpu.memory_space<vmem>>, %arg9: memref<1x32xf32, #tpu.memory_space<vmem>>, %arg10: memref<32x2xf32, #tpu.memory_space<vmem>>, %arg11: memref<1x2xf32, #tpu.memory_space<vmem>>, %arg12: memref<64x2xf32, #tpu.memory_space<vmem>>, %arg13: memref<64x128xf32, #tpu.memory_space<vmem>>, %arg14: memref<64x128xf32, #tpu.memory_space<vmem>>, %arg15: memref<64x1xf32, #tpu.memory_space<vmem>>) attributes {dimension_semantics = [#tpu.dimension_semantics<arbitrary>], iteration_bounds = array<i64: 10>, scalar_prefetch = 0 : i64, scratch_operands = 3 : i64, tpu.core_type = #tpu.core_type<tc>, window_params = [{transform_indices = @transform_0, window_bounds = array<i64: 1000, 128>}, {transform_indices = @transform_1, window_bounds = array<i64: 1, 1, 1000>}, {transform_indices = @transform_2, window_bounds = array<i64: 1000, 1>}, {pipeline_mode = #tpu.pipeline_mode<synchronous>, transform_indices = @transform_3, window_bounds = array<i64: 1, 256>}, {pipeline_mode = #tpu.pipeline_mode<synchronous>, transform_indices = @transform_4, window_bounds = array<i64: 1, 256>}, {pipeline_mode = #tpu.pipeline_mode<synchronous>, transform_indices = @transform_5, window_bounds = array<i64: 256, 64>}, {pipeline_mode = #tpu.pipeline_mode<synchronous>, transform_indices = @transform_6, window_bounds = array<i64: 1, 64>}, {pipeline_mode = #tpu.pipeline_mode<synchronous>, transform_indices = @transform_7, window_bounds = array<i64: 64, 32>}, {pipeline_mode = #tpu.pipeline_mode<synchronous>, transform_indices = @transform_8, window_bounds = array<i64: 1, 32>}, {pipeline_mode = #tpu.pipeline_mode<synchronous>, transform_indices = @transform_9, window_bounds = array<i64: 32, 2>}, {pipeline_mode = #tpu.pipeline_mode<synchronous>, transform_indices = @transform_10, window_bounds = array<i64: 1, 2>}, {pipeline_mode = #tpu.pipeline_mode<synchronous>, transform_indices = @transform_11, window_bounds = array<i64: 64, 2>}]} {
    %eq3A = arith.constant 0 : i32
    %eq3A_0 = arith.cmpi eq, %arg0, %eq3A : i32
    %convert_element_type3A = arith.extui %eq3A_0 : i1 to i32
    %cond3A = arith.constant 0 : i32
    %cond3A_1 = arith.cmpi ne, %convert_element_type3A, %cond3A : i32
    scf.if %cond3A_1 {
      %broadcast_in_dim3A_55 = arith.constant 0.000000e+00 : f32
      %broadcast_in_dim3A_56 = vector.broadcast %broadcast_in_dim3A_55 : f32 to vector<64x128xf32>
      %swap3A_57 = arith.constant 0 : index
      %swap3A_58 = arith.constant 0 : index
      %swap3A_59 = vector.load %arg13[%swap3A_57, %swap3A_58] : memref<64x128xf32, #tpu.memory_space<vmem>>, vector<64x128xf32>
      tpu.vector_store %arg13[%swap3A_57, %swap3A_58], %broadcast_in_dim3A_56 {strides = array<i32>} : memref<64x128xf32, #tpu.memory_space<vmem>>, vector<64x128xf32>,
      %broadcast_in_dim3A_60 = arith.constant 0xFF800000 : f32
      %broadcast_in_dim3A_61 = vector.broadcast %broadcast_in_dim3A_60 : f32 to vector<64x128xf32>
      %swap3A_62 = arith.constant 0 : index
      %swap3A_63 = arith.constant 0 : index
      %swap3A_64 = vector.load %arg14[%swap3A_62, %swap3A_63] : memref<64x128xf32, #tpu.memory_space<vmem>>, vector<64x128xf32>
      tpu.vector_store %arg14[%swap3A_62, %swap3A_63], %broadcast_in_dim3A_61 {strides = array<i32>} : memref<64x128xf32, #tpu.memory_space<vmem>>, vector<64x128xf32>,
      %broadcast_in_dim3A_65 = arith.constant 0.000000e+00 : f32
      %broadcast_in_dim3A_66 = vector.broadcast %broadcast_in_dim3A_65 : f32 to vector<64x1xf32>
      %swap3A_67 = arith.constant 0 : index
      %swap3A_68 = arith.constant 0 : index
      %swap3A_69 = vector.load %arg15[%swap3A_67, %swap3A_68] : memref<64x1xf32, #tpu.memory_space<vmem>>, vector<64x1xf32>
      tpu.vector_store %arg15[%swap3A_67, %swap3A_68], %broadcast_in_dim3A_66 {strides = array<i32>} : memref<64x1xf32, #tpu.memory_space<vmem>>, vector<64x1xf32>,
    } else {
    }
    %get3A = arith.constant 0 : index
    %get3A_2 = arith.constant 0 : index
    %get3A_3 = vector.load %arg1[%get3A, %get3A_2] : memref<1000x128xf32, #tpu.memory_space<vmem>>, vector<1000x128xf32>
    %get3A_4 = arith.constant 0 : index
    %get3A_5 = arith.constant 0 : index
    %get3A_6 = arith.constant 0 : index
    %get3A_7 = vector.load %arg2[%get3A_4, %get3A_5, %get3A_6] : memref<1x1x1000xi32, #tpu.memory_space<vmem>>, vector<1x1x1000xi32>
    %get3A_8 = vector.shape_cast %get3A_7 : vector<1x1x1000xi32> to vector<1x1000xi32>
    %iota3A = tpu.iota {dimensions = array<i32: 0>} : vector<64x1xi32>
    %eq3A_9 = vector.broadcast %get3A_8 : vector<1x1000xi32> to vector<64x1000xi32>
    %eq3A_10 = vector.broadcast %iota3A : vector<64x1xi32> to vector<64x1000xi32>
    %eq3A_11 = arith.cmpi eq, %eq3A_9, %eq3A_10 : vector<64x1000xi32>
    %jit3A = arith.constant 1.000000e+00 : f32
    %jit3A_12 = arith.constant 0.000000e+00 : f32
    %broadcast_in_dim3A = vector.broadcast %jit3A : f32 to vector<64x1000xf32>
    %broadcast_in_dim3A_13 = vector.broadcast %jit3A_12 : f32 to vector<64x1000xf32>
    %select_n3A = arith.select %eq3A_11, %broadcast_in_dim3A, %broadcast_in_dim3A_13 : vector<64x1000xi1>, vector<64x1000xf32>
    %get3A_14 = arith.constant 0 : index
    %get3A_15 = arith.constant 0 : index
    %get3A_16 = vector.load %arg13[%get3A_14, %get3A_15] : memref<64x128xf32, #tpu.memory_space<vmem>>, vector<64x128xf32>
    %dot_general3A = arith.constant dense<0.000000e+00> : vector<64x128xf32>
    %dot_general3A_17 = tpu.matmul %select_n3A, %get3A_3, %dot_general3A {dimension_numbers = #tpu.dot_dimension_numbers<[1], [0], [0], [1], [0, 0, 1, 1], [], []>, transpose_lhs_hint = false} : vector<64x1000xf32>, vector<1000x128xf32>, vector<64x128xf32> -> vector<64x128xf32>
    %add3A = arith.addf %get3A_16, %dot_general3A_17 : vector<64x128xf32>
    %swap3A = arith.constant 0 : index
    %swap3A_18 = arith.constant 0 : index
    %swap3A_19 = vector.load %arg13[%swap3A, %swap3A_18] : memref<64x128xf32, #tpu.memory_space<vmem>>, vector<64x128xf32>
    tpu.vector_store %arg13[%swap3A, %swap3A_18], %add3A {strides = array<i32>} : memref<64x128xf32, #tpu.memory_space<vmem>>, vector<64x128xf32>,
    %get3A_20 = arith.constant 0 : index
    %get3A_21 = arith.constant 0 : index
    %get3A_22 = vector.load %arg15[%get3A_20, %get3A_21] : memref<64x1xf32, #tpu.memory_space<vmem>>, vector<64x1xf32>
    %reduce_sum3A = arith.constant dense<0.000000e+00> : vector<64xf32>
    %reduce_sum3A_23 = vector.multi_reduction <add>, %select_n3A, %reduce_sum3A [1] : vector<64x1000xf32> to vector<64xf32>
    %broadcast_in_dim3A_24 = vector.shape_cast %reduce_sum3A_23 : vector<64xf32> to vector<64x1xf32>
    %add3A_25 = arith.addf %get3A_22, %broadcast_in_dim3A_24 : vector<64x1xf32>
    %swap3A_26 = arith.constant 0 : index
    %swap3A_27 = arith.constant 0 : index
    %swap3A_28 = vector.load %arg15[%swap3A_26, %swap3A_27] : memref<64x1xf32, #tpu.memory_space<vmem>>, vector<64x1xf32>
    tpu.vector_store %arg15[%swap3A_26, %swap3A_27], %add3A_25 {strides = array<i32>} : memref<64x1xf32, #tpu.memory_space<vmem>>, vector<64x1xf32>,
    %get3A_29 = arith.constant 0 : index
    %get3A_30 = arith.constant 0 : index
    %get3A_31 = vector.load %arg3[%get3A_29, %get3A_30] : memref<1000x1xi32, #tpu.memory_space<vmem>>, vector<1000x1xi32>
    %reduce_min3A = vector.shape_cast %get3A_8 : vector<1x1000xi32> to vector<1x1x1000xi32>
    %reduce_min3A_32 = arith.constant dense<2147483647> : vector<1xi32>
    %reduce_min3A_33 = vector.multi_reduction <minsi>, %reduce_min3A, %reduce_min3A_32 [1, 2] : vector<1x1x1000xi32> to vector<1xi32>
    %reduce_min3A_34 = vector.shape_cast %reduce_min3A_33 : vector<1xi32> to vector<1x1x1xi32>
    %reduce_min3A_35 = vector.extract %reduce_min3A_34[0, 0, 0] : i32 from vector<1x1x1xi32>
    %reduce_max3A = vector.shape_cast %get3A_8 : vector<1x1000xi32> to vector<1x1x1000xi32>
    %reduce_max3A_36 = arith.constant dense<-2147483648> : vector<1xi32>
    %reduce_max3A_37 = vector.multi_reduction <maxsi>, %reduce_max3A, %reduce_max3A_36 [1, 2] : vector<1x1x1000xi32> to vector<1xi32>
    %reduce_max3A_38 = vector.shape_cast %reduce_max3A_37 : vector<1xi32> to vector<1x1x1xi32>
    %reduce_max3A_39 = vector.extract %reduce_max3A_38[0, 0, 0] : i32 from vector<1x1x1xi32>
    %add3A_40 = arith.constant 1 : i32
    %add3A_41 = arith.addi %reduce_max3A_39, %add3A_40 : i32
    %while3A = arith.constant 0 : i32
    %while3A_42 = arith.subi %add3A_41, %reduce_min3A_35 : i32
    %while3A_43 = arith.addi %reduce_min3A_35, %while3A_42 : i32
    %while3A_44 = arith.constant 1 : i32
    %while3A_45 = arith.divsi %while3A_42, %while3A_44 : i32
    %while3A_46 = arith.muli %while3A_45, %while3A_44 : i32
    %while3A_47 = arith.addi %reduce_min3A_35, %while3A_46 : i32
    %while3A_48 = arith.constant 1 : i32
    scf.for %while3A_55 = %reduce_min3A_35 to %while3A_47 step %while3A_48  : i32 {
      %eq3A_56 = vector.broadcast %while3A_55 : i32 to vector<1000x1xi32>
      %eq3A_57 = arith.cmpi eq, %get3A_31, %eq3A_56 : vector<1000x1xi32>
      %jit3A_58 = arith.constant 0xFF800000 : f32
      %broadcast_in_dim3A_59 = vector.shape_cast %eq3A_57 : vector<1000x1xi1> to vector<1000x1xi1>
      %broadcast_in_dim3A_60 = vector.broadcast %broadcast_in_dim3A_59 : vector<1000x1xi1> to vector<1000x128xi1>
      %broadcast_in_dim3A_61 = vector.broadcast %jit3A_58 : f32 to vector<1000x128xf32>
      %select_n3A_62 = arith.select %broadcast_in_dim3A_60, %get3A_3, %broadcast_in_dim3A_61 : vector<1000x128xi1>, vector<1000x128xf32>
      %reduce_max3A_63 = arith.constant dense<0xFF800000> : vector<128xf32>
      %reduce_max3A_64 = vector.multi_reduction <maximumf>, %select_n3A_62, %reduce_max3A_63 [0] : vector<1000x128xf32> to vector<128xf32>
      %broadcast_in_dim3A_65 = vector.shape_cast %reduce_max3A_64 : vector<128xf32> to vector<1x128xf32>
      %get3A_66 = arith.index_cast %while3A_55 : i32 to index
      %get3A_67 = arith.constant 0 : index
      %get3A_68 = vector.load %arg14[%get3A_66, %get3A_67] : memref<64x128xf32, #tpu.memory_space<vmem>>, vector<1x128xf32>
      %max3A = arith.maximumf %get3A_68, %broadcast_in_dim3A_65 : vector<1x128xf32>
      %swap3A_69 = arith.index_cast %while3A_55 : i32 to index
      %swap3A_70 = arith.constant 0 : index
      %swap3A_71 = vector.load %arg14[%swap3A_69, %swap3A_70] : memref<64x128xf32, #tpu.memory_space<vmem>>, vector<1x128xf32>
      tpu.vector_store %arg14[%swap3A_69, %swap3A_70], %max3A {strides = array<i32>} : memref<64x128xf32, #tpu.memory_space<vmem>>, vector<1x128xf32>,
    }
    %while3A_49 = arith.constant 1 : i32
    scf.for %while3A_55 = %while3A_47 to %while3A_43 step %while3A_49  : i32 {
      %eq3A_56 = vector.broadcast %while3A_55 : i32 to vector<1000x1xi32>
      %eq3A_57 = arith.cmpi eq, %get3A_31, %eq3A_56 : vector<1000x1xi32>
      %jit3A_58 = arith.constant 0xFF800000 : f32
      %broadcast_in_dim3A_59 = vector.shape_cast %eq3A_57 : vector<1000x1xi1> to vector<1000x1xi1>
      %broadcast_in_dim3A_60 = vector.broadcast %broadcast_in_dim3A_59 : vector<1000x1xi1> to vector<1000x128xi1>
      %broadcast_in_dim3A_61 = vector.broadcast %jit3A_58 : f32 to vector<1000x128xf32>
      %select_n3A_62 = arith.select %broadcast_in_dim3A_60, %get3A_3, %broadcast_in_dim3A_61 : vector<1000x128xi1>, vector<1000x128xf32>
      %reduce_max3A_63 = arith.constant dense<0xFF800000> : vector<128xf32>
      %reduce_max3A_64 = vector.multi_reduction <maximumf>, %select_n3A_62, %reduce_max3A_63 [0] : vector<1000x128xf32> to vector<128xf32>
      %broadcast_in_dim3A_65 = vector.shape_cast %reduce_max3A_64 : vector<128xf32> to vector<1x128xf32>
      %get3A_66 = arith.index_cast %while3A_55 : i32 to index
      %get3A_67 = arith.constant 0 : index
      %get3A_68 = vector.load %arg14[%get3A_66, %get3A_67] : memref<64x128xf32, #tpu.memory_space<vmem>>, vector<1x128xf32>
      %max3A = arith.maximumf %get3A_68, %broadcast_in_dim3A_65 : vector<1x128xf32>
      %swap3A_69 = arith.index_cast %while3A_55 : i32 to index
      %swap3A_70 = arith.constant 0 : index
      %swap3A_71 = vector.load %arg14[%swap3A_69, %swap3A_70] : memref<64x128xf32, #tpu.memory_space<vmem>>, vector<1x128xf32>
      tpu.vector_store %arg14[%swap3A_69, %swap3A_70], %max3A {strides = array<i32>} : memref<64x128xf32, #tpu.memory_space<vmem>>, vector<1x128xf32>,
    }
    %eq3A_50 = arith.constant 9 : i32
    %eq3A_51 = arith.cmpi eq, %arg0, %eq3A_50 : i32
    %convert_element_type3A_52 = arith.extui %eq3A_51 : i1 to i32
    %cond3A_53 = arith.constant 0 : i32
    %cond3A_54 = arith.cmpi ne, %convert_element_type3A_52, %cond3A_53 : i32
    scf.if %cond3A_54 {
      %get3A_55 = arith.constant 0 : index
      %get3A_56 = arith.constant 0 : index
      %get3A_57 = vector.load %arg15[%get3A_55, %get3A_56] : memref<64x1xf32, #tpu.memory_space<vmem>>, vector<64x1xf32>
      %get3A_58 = arith.constant 0 : index
      %get3A_59 = arith.constant 0 : index
      %get3A_60 = vector.load %arg13[%get3A_58, %get3A_59] : memref<64x128xf32, #tpu.memory_space<vmem>>, vector<64x128xf32>
      %max3A = arith.constant 1.000000e+00 : f32
      %max3A_61 = vector.broadcast %max3A : f32 to vector<64x1xf32>
      %max3A_62 = arith.maximumf %get3A_57, %max3A_61 : vector<64x1xf32>
      %div3A = vector.broadcast %max3A_62 : vector<64x1xf32> to vector<64x128xf32>
      %div3A_63 = arith.divf %get3A_60, %div3A : vector<64x128xf32>
      %get3A_64 = arith.constant 0 : index
      %get3A_65 = arith.constant 0 : index
      %get3A_66 = vector.load %arg14[%get3A_64, %get3A_65] : memref<64x128xf32, #tpu.memory_space<vmem>>, vector<64x128xf32>
      %eq3A_67 = arith.constant 0xFF800000 : f32
      %eq3A_68 = vector.broadcast %eq3A_67 : f32 to vector<64x128xf32>
      %eq3A_69 = arith.cmpf oeq, %get3A_66, %eq3A_68 : vector<64x128xf32>
      %jit3A_70 = arith.constant 0.000000e+00 : f32
      %broadcast_in_dim3A_71 = vector.broadcast %jit3A_70 : f32 to vector<64x128xf32>
      %select_n3A_72 = arith.select %eq3A_69, %broadcast_in_dim3A_71, %get3A_66 : vector<64x128xi1>, vector<64x128xf32>
      %concatenate3A = tpu.concatenate %div3A_63, %select_n3A_72 in 1 : vector<64x128xf32>, vector<64x128xf32> -> vector<64x256xf32>
      %get3A_73 = arith.constant 0 : index
      %get3A_74 = arith.constant 0 : index
      %get3A_75 = vector.load %arg4[%get3A_73, %get3A_74] : memref<1x256xf32, #tpu.memory_space<vmem>>, vector<1x256xf32>
      %mul3A = arith.constant 0.999994993 : f32
      %mul3A_76 = vector.broadcast %mul3A : f32 to vector<1x256xf32>
      %mul3A_77 = arith.mulf %get3A_75, %mul3A_76 : vector<1x256xf32>
      %mul3A_78 = vector.broadcast %mul3A_77 : vector<1x256xf32> to vector<64x256xf32>
      %mul3A_79 = arith.mulf %concatenate3A, %mul3A_78 : vector<64x256xf32>
      %get3A_80 = arith.constant 0 : index
      %get3A_81 = arith.constant 0 : index
      %get3A_82 = vector.load %arg5[%get3A_80, %get3A_81] : memref<1x256xf32, #tpu.memory_space<vmem>>, vector<1x256xf32>
      %add3A_83 = vector.broadcast %get3A_82 : vector<1x256xf32> to vector<64x256xf32>
      %add3A_84 = arith.addf %mul3A_79, %add3A_83 : vector<64x256xf32>
      %get3A_85 = arith.constant 0 : index
      %get3A_86 = arith.constant 0 : index
      %get3A_87 = vector.load %arg6[%get3A_85, %get3A_86] : memref<256x64xf32, #tpu.memory_space<vmem>>, vector<256x64xf32>
      %dot_general3A_88 = arith.constant dense<0.000000e+00> : vector<64x64xf32>
      %dot_general3A_89 = tpu.matmul %add3A_84, %get3A_87, %dot_general3A_88 {dimension_numbers = #tpu.dot_dimension_numbers<[1], [0], [0], [1], [0, 0, 1, 1], [], []>, transpose_lhs_hint = false} : vector<64x256xf32>, vector<256x64xf32>, vector<64x64xf32> -> vector<64x64xf32>
      %get3A_90 = arith.constant 0 : index
      %get3A_91 = arith.constant 0 : index
      %get3A_92 = vector.load %arg7[%get3A_90, %get3A_91] : memref<1x64xf32, #tpu.memory_space<vmem>>, vector<1x64xf32>
      %add3A_93 = vector.broadcast %get3A_92 : vector<1x64xf32> to vector<64x64xf32>
      %add3A_94 = arith.addf %dot_general3A_89, %add3A_93 : vector<64x64xf32>
      %max3A_95 = arith.constant 0.000000e+00 : f32
      %max3A_96 = vector.broadcast %max3A_95 : f32 to vector<64x64xf32>
      %max3A_97 = arith.maximumf %add3A_94, %max3A_96 : vector<64x64xf32>
      %get3A_98 = arith.constant 0 : index
      %get3A_99 = arith.constant 0 : index
      %get3A_100 = vector.load %arg8[%get3A_98, %get3A_99] : memref<64x32xf32, #tpu.memory_space<vmem>>, vector<64x32xf32>
      %dot_general3A_101 = arith.constant dense<0.000000e+00> : vector<64x32xf32>
      %dot_general3A_102 = tpu.matmul %max3A_97, %get3A_100, %dot_general3A_101 {dimension_numbers = #tpu.dot_dimension_numbers<[1], [0], [0], [1], [0, 0, 1, 1], [], []>, transpose_lhs_hint = false} : vector<64x64xf32>, vector<64x32xf32>, vector<64x32xf32> -> vector<64x32xf32>
      %get3A_103 = arith.constant 0 : index
      %get3A_104 = arith.constant 0 : index
      %get3A_105 = vector.load %arg9[%get3A_103, %get3A_104] : memref<1x32xf32, #tpu.memory_space<vmem>>, vector<1x32xf32>
      %add3A_106 = vector.broadcast %get3A_105 : vector<1x32xf32> to vector<64x32xf32>
      %add3A_107 = arith.addf %dot_general3A_102, %add3A_106 : vector<64x32xf32>
      %max3A_108 = arith.constant 0.000000e+00 : f32
      %max3A_109 = vector.broadcast %max3A_108 : f32 to vector<64x32xf32>
      %max3A_110 = arith.maximumf %add3A_107, %max3A_109 : vector<64x32xf32>
      %get3A_111 = arith.constant 0 : index
      %get3A_112 = arith.constant 0 : index
      %get3A_113 = vector.load %arg10[%get3A_111, %get3A_112] : memref<32x2xf32, #tpu.memory_space<vmem>>, vector<32x2xf32>
      %dot_general3A_114 = arith.constant dense<0.000000e+00> : vector<64x2xf32>
      %dot_general3A_115 = tpu.matmul %max3A_110, %get3A_113, %dot_general3A_114 {dimension_numbers = #tpu.dot_dimension_numbers<[1], [0], [0], [1], [0, 0, 1, 1], [], []>, transpose_lhs_hint = false} : vector<64x32xf32>, vector<32x2xf32>, vector<64x2xf32> -> vector<64x2xf32>
      %get3A_116 = arith.constant 0 : index
      %get3A_117 = arith.constant 0 : index
      %get3A_118 = vector.load %arg11[%get3A_116, %get3A_117] : memref<1x2xf32, #tpu.memory_space<vmem>>, vector<1x2xf32>
      %add3A_119 = vector.broadcast %get3A_118 : vector<1x2xf32> to vector<64x2xf32>
      %add3A_120 = arith.addf %dot_general3A_115, %add3A_119 : vector<64x2xf32>
      %mul3A_121 = arith.constant 5.000000e-01 : f32
      %mul3A_122 = vector.broadcast %mul3A_121 : f32 to vector<64x2xf32>
      %mul3A_123 = arith.mulf %add3A_120, %mul3A_122 : vector<64x2xf32>
      %swap3A_124 = arith.constant 0 : index
      %swap3A_125 = arith.constant 0 : index
      %swap3A_126 = vector.load %arg12[%swap3A_124, %swap3A_125] : memref<64x2xf32, #tpu.memory_space<vmem>>, vector<64x2xf32>
      tpu.vector_store %arg12[%swap3A_124, %swap3A_125], %mul3A_123 {strides = array<i32>} : memref<64x2xf32, #tpu.memory_space<vmem>>, vector<64x2xf32>,
    } else {
    }
    return
  }
  func.func @transform_0(%arg0: i32) -> (i32, i32) {
    %c0_i32 = arith.constant 0 : i32
    %c0_i32_0 = arith.constant 0 : i32
    return %arg0, %c0_i32 : i32, i32
  }
  func.func @transform_1(%arg0: i32) -> (i32, i32, i32) {
    %c0_i32 = arith.constant 0 : i32
    %c0_i32_0 = arith.constant 0 : i32
    %c0_i32_1 = arith.constant 0 : i32
    return %arg0, %c0_i32, %c0_i32_0 : i32, i32, i32
  }
  func.func @transform_2(%arg0: i32) -> (i32, i32) {
    %c0_i32 = arith.constant 0 : i32
    %c0_i32_0 = arith.constant 0 : i32
    return %arg0, %c0_i32 : i32, i32
  }
  func.func @transform_3(%arg0: i32) -> (i32, i32) {
    %c0_i32 = arith.constant 0 : i32
    %c0_i32_0 = arith.constant 0 : i32
    %c0_i32_1 = arith.constant 0 : i32
    return %c0_i32, %c0_i32_0 : i32, i32
  }
  func.func @transform_4(%arg0: i32) -> (i32, i32) {
    %c0_i32 = arith.constant 0 : i32
    %c0_i32_0 = arith.constant 0 : i32
    %c0_i32_1 = arith.constant 0 : i32
    return %c0_i32, %c0_i32_0 : i32, i32
  }
  func.func @transform_5(%arg0: i32) -> (i32, i32) {
    %c0_i32 = arith.constant 0 : i32
    %c0_i32_0 = arith.constant 0 : i32
    %c0_i32_1 = arith.constant 0 : i32
    return %c0_i32, %c0_i32_0 : i32, i32
  }
  func.func @transform_6(%arg0: i32) -> (i32, i32) {
    %c0_i32 = arith.constant 0 : i32
    %c0_i32_0 = arith.constant 0 : i32
    %c0_i32_1 = arith.constant 0 : i32
    return %c0_i32, %c0_i32_0 : i32, i32
  }
  func.func @transform_7(%arg0: i32) -> (i32, i32) {
    %c0_i32 = arith.constant 0 : i32
    %c0_i32_0 = arith.constant 0 : i32
    %c0_i32_1 = arith.constant 0 : i32
    return %c0_i32, %c0_i32_0 : i32, i32
  }
  func.func @transform_8(%arg0: i32) -> (i32, i32) {
    %c0_i32 = arith.constant 0 : i32
    %c0_i32_0 = arith.constant 0 : i32
    %c0_i32_1 = arith.constant 0 : i32
    return %c0_i32, %c0_i32_0 : i32, i32
  }
  func.func @transform_9(%arg0: i32) -> (i32, i32) {
    %c0_i32 = arith.constant 0 : i32
    %c0_i32_0 = arith.constant 0 : i32
    %c0_i32_1 = arith.constant 0 : i32
    return %c0_i32, %c0_i32_0 : i32, i32
  }
  func.func @transform_10(%arg0: i32) -> (i32, i32) {
    %c0_i32 = arith.constant 0 : i32
    %c0_i32_0 = arith.constant 0 : i32
    %c0_i32_1 = arith.constant 0 : i32
    return %c0_i32, %c0_i32_0 : i32, i32
  }
  func.func @transform_11(%arg0: i32) -> (i32, i32) {
    %c0_i32 = arith.constant 0 : i32
    %c0_i32_0 = arith.constant 0 : i32
    %c0_i32_1 = arith.constant 0 : i32
    return %c0_i32, %c0_i32_0 : i32, i32
  }
}

</mosaic_0001>

<sc_bundles>
// kernel: kernel.13.cloned.1.call-start
scs
__scs_entry_jumppad:
0x0: {  	(pc) =	sbr.rel $0x88, $3  }
0x1: {  	(tag) =	ssettag $0x0;
	lr =	simm.s32 $0x1  }
0x2: {  	[smem:$0x3F88] =	sst lr;
	_ =	strace $0xD0000000  }
0x3: {  	_ = 	snop  }
0x4: {  	_ = 	snop  }
0x5: {  	_ = 	snop  }
0x6: {  	_ = 	snop  }
0x7: {  	_ = 	snop  }
__scs_overlays_trampoline_lowered:
0x8: {  	[smem:$0x3F97] =	sst s0  }
0x9: {  	[smem:$0x3F98] =	sst s1  }
0xa: {  	[smem:$0x3F99] =	sst s2  }
0xb: {  	[smem:$0x3F9A] =	sst s3  }
0xc: {  	[smem:$0x3F9B] =	sst s4  }
0xd: {  	[smem:$0x3F9C] =	sst s5  }
0xe: {  	[smem:$0x3F9D] =	sst s6  }
0xf: {  	[smem:$0x3F9E] =	sst s7  }
0x10: {  	[smem:$0x3F9F] =	sst s8  }
0x11: {  	[smem:$0x3FA0] =	sst s9;
	s0 =	simm.s32 @!p0 $0x0  }
0x12: {  	s1 =	sld [smem:$0x3F86];
	s0 =	simm.s32 @p0 $0x1  }
0x13: {  	[smem:$0x3FA1] =	sst s0;
	s0 =	simm.s32 @!p1 $0x0  }
0x14: {  	s2 =	sld [smem:$0x3F85];
	s0 =	simm.s32 @p1 $0x1  }
0x15: {  	[smem:$0x3FA2] =	sst s0;
	s0 =	simm.s32 @!p2 $0x0  }
0x16: {  	s3 =	sld [smem:$0x3FDB];
	s0 =	simm.s32 @p2 $0x1  }
0x17: {  	s4 =	simm.s32 $0x1BF5;
	[smem:$0x3FA4] =	sst s0  }
0x18: {  	s0 =	sld [smem:$0x3F87];
	_ =	swait.ge [sflag:s4], $0x0  }
0x19: {  	s7 =	sld [smem:$0x3F88]  }
0x1a: {  	s8 =	sadd.s32 $0xFFFFE003, lr  }
0x1b: {  	s9 =	sadd.s32 $0xFFFFFEF7, lr;
	s5 =	simm.s32 $0xFFFFFFFF;
	p2 =	slt.u32 s8, $0xFFFFF086  }
0x1c: {  	p1 =	slt.u32 s9, $0xF7A;
	s5 =	simm.s32 @!p2 $0x0  }
0x1d: {  	s5 =	simm.s32 @p1 $0x1;
	p0 =	seq.s32 s7, s2  }
0x1e: {  	s7 =	smul.u32 @!p0 $0xF7A, s2;
	p2 =	seq.s32 @!p0 s5, $0x0  }
0x1f: {  	s9 =	smul.u32 $0xF7A, s1;
	s8 =	simm.s32 @!p0 $0x1BF5;
	p2 =	por !p2, p0  }
0x20: {  	[sflag:s8] =	ssyncset.s32 @!p0 $0xFFFFF086;
	s6 =	sadd.s32 @!p0 s3, s7;
	s7 =	simm.s32 @!p0 $0x108  }
0x21: {  	s3 =	sadd.s32 s3, s9;
	s6 =	sadd.s32 @!p0 $0x88, s6;
	s7 =	simm.s32 @p2 $0x1082  }
0x22: {  	[simem:s7], [sflag:s8] =	dma.local @!p0 [hbm:s6], $0xF7A  }
0x23: {  	s9 =	sor.u32 $0xD0000000, s2;
	s6 =	simm.s32 $0x108;
	_ =	swait.ge @!p0 [sflag:s8], $0x0  }
0x24: {  	s3 =	sadd.s32 $0x88, s3;
	s6 =	simm.s32 @!p1 $0x1082;
	[sflag:s4] =	ssyncset.s32 $0xFFFFF086  }
0x25: {  	[simem:s6], [sflag:s4] =	dma.local [hbm:s3], $0xF7A  }
0x26: {  	[smem:$0x3F88] =	sst s1;
	(tag) =	ssettag s2;
	_ =	strace s9  }
0x27: {  	s1 =	sld [smem:$0x3F98]  }
0x28: {  	s2 =	sld [smem:$0x3F99]  }
0x29: {  	s4 =	sld [smem:$0x3F9B]  }
0x2a: {  	p0 =	seq.s32 s5, $0x0;
	s5 =	sld [smem:$0x3F9C]  }
0x2b: {  	s6 =	sld [smem:$0x3F9D]  }
0x2c: {  	s7 =	sld [smem:$0x3F9E]  }
0x2d: {  	s3 =	simm.s32 $0x108;
	s8 =	sld [smem:$0x3F9F]  }
0x2e: {  	s3 =	simm.s32 @!p0 $0x1082;
	s9 =	sld [smem:$0x3FA0]  }
0x2f: {  	lr =	sadd.s32 s0, s3;
	s0 =	sld [smem:$0x3F97]  }
0x30: {  	s3 =	sld [smem:$0x3F9A]  }
0x31: {  	[smem:$0x3FA3] =	sst s10  }
0x32: {  	s10 =	sld [smem:$0x3FA1];
	_ =	sdelay $0x3  }
0x33: {  	p0 =	seq.s32 s10, $0x1;
	s10 =	sld [smem:$0x3FA3];
	_ =	sdelay $0x3  }
0x34: {  	[smem:$0x3FA3] =	sst s10  }
0x35: {  	s10 =	sld [smem:$0x3FA2];
	_ =	sdelay $0x3  }
0x36: {  	p1 =	seq.s32 s10, $0x1;
	s10 =	sld [smem:$0x3FA3];
	_ =	sdelay $0x3  }
0x37: {  	[smem:$0x3FA3] =	sst s10  }
0x38: {  	s10 =	sld [smem:$0x3FA4]  }
0x39: {  	_ = 	snop;
	(pc) =	sbr.ind lr, $3  }
0x3a: {  	_ = 	snop  }
0x3b: {  	_ = 	snop  }
0x3c: {  	p2 =	seq.s32 s10, $0x1;
	s10 =	sld [smem:$0x3FA3]  }
0x3d: {  	_ =	shalt  }
0x3e: {  	_ =	shalt  }
0x3f: {  	_ =	shalt  }
0x40: {  	_ =	shalt  }
0x41: {  	_ =	shalt  }
0x42: {  	_ =	shalt  }
0x43: {  	_ =	shalt  }
0x44: {  	_ =	shalt  }
0x45: {  	_ =	shalt  }
0x46: {  	_ =	shalt  }
0x47: {  	_ =	shalt  }
0x48: {  	_ =	shalt  }
0x49: {  	_ =	shalt  }
0x4a: {  	_ =	shalt  }
0x4b: {  	_ =	shalt  }
0x4c: {  	_ =	shalt  }
0x4d: {  	_ =	shalt  }
0x4e: {  	_ =	shalt  }
0x4f: {  	_ =	shalt  }
0x50: {  	_ =	shalt  }
0x51: {  	_ =	shalt  }
0x52: {  	_ =	shalt  }
0x53: {  	_ =	shalt  }
0x54: {  	_ =	shalt  }
0x55: {  	_ =	shalt  }
0x56: {  	_ =	shalt  }
0x57: {  	_ =	shalt  }
0x58: {  	_ =	shalt  }
0x59: {  	_ =	shalt  }
0x5a: {  	_ =	shalt  }
0x5b: {  	_ =	shalt  }
0x5c: {  	_ =	shalt  }
0x5d: {  	_ =	shalt  }
0x5e: {  	_ =	shalt  }
0x5f: {  	_ =	shalt  }
0x60: {  	_ =	shalt  }
0x61: {  	_ =	shalt  }
0x62: {  	_ =	shalt  }
0x63: {  	_ =	shalt  }
0x64: {  	_ =	shalt  }
0x65: {  	_ =	shalt  }
0x66: {  	_ =	shalt  }
0x67: {  	_ =	shalt  }
0x68: {  	_ =	shalt  }
0x69: {  	_ =	shalt  }
0x6a: {  	_ =	shalt  }
0x6b: {  	_ =	shalt  }
0x6c: {  	_ =	shalt  }
0x6d: {  	_ =	shalt  }
0x6e: {  	_ =	shalt  }
0x6f: {  	_ =	shalt  }
0x70: {  	_ =	shalt  }
0x71: {  	_ =	shalt  }
0x72: {  	_ =	shalt  }
0x73: {  	_ =	shalt  }
0x74: {  	_ =	shalt  }
0x75: {  	_ =	shalt  }
0x76: {  	_ =	shalt  }
0x77: {  	_ =	shalt  }
0x78: {  	_ =	shalt  }
0x79: {  	_ =	shalt  }
0x7a: {  	_ =	shalt  }
0x7b: {  	_ =	shalt  }
0x7c: {  	_ =	shalt  }
0x7d: {  	_ =	shalt  }
0x7e: {  	_ =	shalt  }
0x7f: {  	_ =	shalt  }
0x80: {  	_ =	shalt  }
0x81: {  	_ =	shalt  }
0x82: {  	_ =	shalt  }
0x83: {  	_ =	shalt  }
0x84: {  	_ =	shalt  }
0x85: {  	_ =	shalt  }
0x86: {  	_ =	shalt  }
0x87: {  	_ =	shalt  }
.Lfunc_end0:
.L_simem_size_0:
called_computation_lowered:
.L_overlay_start_0:
0x88: {  	s2 =	sld [smem:$0x3FD9]  }
0x89: {  	s3 =	sld [smem:$0x3FFE];
	_ =	sdelay $0x1  }
0x8a: {  	s1 =	srdreg.scid  }
0x8b: {  	s0 =	sand.u32 $0x1, s1  }
0x8c: {  	s16 =	sshll.u32 s0, $0xA;
	s2 =	sadd.s32 s3, s2  }
0x8d: {  	s2 =	sadd.s32 s2, s16  }
0x8e: {  	[smem:$0x3FAF] =	sst s2  }
0x8f: {  	_ = 	snop  }
0x90: {  	(tm) =	ssettm $0x1  }
0x91: {  	s17 =	sld [smem:$0x3FFB];
	_ =	sdelay $0x3  }
0x92: {  	_ =	strace s17  }
0x93: {  	s2 =	sld [smem:$0x3FFC];
	_ =	sdelay $0x3  }
0x94: {  	_ =	strace s2  }
0x95: {  	s2 =	sld [smem:$0x3FFD];
	_ =	sdelay $0x3  }
0x96: {  	_ =	strace s2  }
0x97: {  	_ =	strace $0x8FFFFFFF  }
0x98: {  	s18 =	sld [smem:$0x3FDB];
	_ =	sdelay $0x1  }
0x99: {  	s19 =	simm.s32 $_scs_section_size  }
0x9a: {  	s4 =	simm.s32 $_size__tile_overlayer_lowered;
	s5 =	simm.s32 $_tile_overlayer_lowered  }
0x9b: {  	s22 =	simm.s32 $0x1BFF;
	s21 =	sshll.u32 s5, $0x1;
	s2 =	sadd.s32 s19, s18  }
0x9c: {  	s6 =	simm.s32 $0x0;
	s20 =	sshll.u32 s4, $0x1;
	s4 =	sadd.s32 s21, s2  }
0x9d: {  	[timem:s6], [sflag:s22] =	dma.local [hbm:s4], s20  }
0x9e: {  	_ =	swait.ge [sflag:s22], s20  }
0x9f: {  	s3 =	ssub.s32 $0x0, s20;
	[sflag:s22] =	ssyncset.done $0x0  }
0xa0: {  	[sflag:s22] =	ssyncadd.s32 s3;
	_ =	sdelay $0x1  }
0xa1: {  	s23 =	simm.s32 $0x1B8B  }
0xa2: {  	_ =	swait.ge [sflag:s23], $0x1  }
0xa3: {  	[sflag:s23] =	ssyncset.done $0x0  }
0xa4: {  	s25 =	simm.s32 $0x1B8E;
	s24 =	sld [smem:$0x3FFE];
	[sflag:s23] =	ssyncadd.s32 $0xFFFFFFFF  }
0xa5: {  	s26 =	simm.s32 $execute0_lowered;
	[smem:$0x3FD2] =	sst s25  }
0xa6: {  	s4 =	sshll.u32 s26, $0x1;
	_ =	strace $0x80000046;
	[dreg:$0x1] =	wrdreg $0xFFFFFFFF  }
0xa7: {  	s28 =	simm.s32 $_size_execute0_lowered;
	s2 =	sadd.s32 s2, s4;
	[dreg:$0x0] =	wrdreg $0x0  }
0xa8: {  	s4 =	sshll.u32 s28, $0x1;
	[dreg:$0x2] =	wrdreg s2  }
0xa9: {  	[dreg:$0x3] =	wrdreg s4  }
0xaa: {  	[dreg:$0x4] =	wrdreg $0xC0  }
0xab: {  	_ =	task [dreg:s6], $0x5FFFF  }
0xac: {  	[dreg:$0x1] =	wrdreg $0xFFFFFFFF  }
0xad: {  	[dreg:$0x0] =	wrdreg $0x60  }
0xae: {  	[dreg:$0x2] =	wrdreg s24  }
0xaf: {  	[dreg:$0x3] =	wrdreg $0x68000  }
0xb0: {  	[dreg:$0x4] =	wrdreg $0x9  }
0xb1: {  	_ =	task.clear_ibuf [dreg:s6], $0x5FFFF;
	_ =	strace $0x90000046  }
0xb2: {  	s29 =	simm.s32 $0x9;
	_ =	strace $0x80000048  }
0xb3: {  	_ =	swait.ge [sflag:s29], $0x1  }
0xb4: {  	[sflag:s29] =	ssyncadd.s32 $0xFFFFFFFF  }
0xb5: {  	_ =	strace $0x90000048  }
0xb6: {  	_ =	sfence  }
0xb7: {  	s30 =	sld [smem:$0x0];
	_ =	sdelay $0x2  }
0xb8: {  	s31 =	sshll.u32 s1, $0xD;
	s1 =	sshrl.u32 s1, $0x2  }
0xb9: {  	s3 =	sand.u32 $0x4000, s31;
	s1 =	sadd.s32 s1, s30  }
0xba: {  	s0 =	sor.u32 s3, s0;
	s1 =	sshll.u32 s1, $0x11  }
0xbb: {  	s0 =	sor.u32 s1, s0  }
0xbc: {  	s0 =	sadd.s32 $0x8F2B, s0  }
0xbd: {  	[sflag:s0] =	ssyncadd.remote.s32 $0x1  }
0xbe: {  	_ =	sfence.sel $0xFFFF  }
0xbf: {  	[dreg:$0x0] =	wrdreg $0xFFFFFFFF;
	(pc) =	sbr.abs _section_cstart, $3  }
0xc0: {  	[dreg:$0x1] =	wrdreg $0xFFFFFFFF  }
0xc1: {  	_ =	task.clear_ibuf [dreg:s6], $0x2FFFF;
	_ =	strace $0x9FFFFFFF  }
0xc2: {  	(tm) =	ssettm $0x7FFFFFFF  }
0xc3: {  	_ =	shalt  }
tec
execute0_lowered:
.L_overlay_start_1:
0x0: {  	(tag) =	ssettag $0x1  }
0x1: {  	s0 =	srdreg.scid;
	s5 =	rddreg [dreg:$0x0]  }
0x2: {  	s2 =	rddreg [dreg:$0x1];
	s3 =	simm.s32 $0x0;
	s15 =	simm.s32 $0x2800  }
0x3: {  	s16 =	simm.s32 $0x2;
	s17 =	simm.s32 $0x80;
	s4 =	sand.u32 $0x1, s0  }
0x4: {  	s18 =	simm.s32 $0x1;
	s0 =	stileid.u32;
	s7 =	smul.u32 $0x138800, s4  }
0x5: {  	[smem:$0x7FF] =	sst s3;
	s1 =	sshll.u32 s4, $0x4;
	s8 =	smul.u32 $0x13800, s0  }
0x6: {  	s9 =	smul.u32 $0x4E000, s0;
	s29 =	ssub.s32 $0x2, s4;
	s19 =	sshll.u32 s0, $0x6  }
0x7: {  	s1 =	sor.u32 s0, s1;
	s31 =	sshrl.u32 s29, $0x1;
	s19 =	sor.u32 $0x1C02, s19  }
0x8: {  	s6 =	smul.u32 $0x500, s1;
	s1 =	rddreg [dreg:$0x2];
	_ =	strace $0x80000047  }
0x9: {  	s28 =	sadd.s32 s8, s7;
	s30 =	sshrl.u32 s9, $0x2;
	s14 =	ssub.s32 s29, s31  }
0xa: {  	s4 =	sadd.s32 s30, s2;
	s14 =	smax.u32 s14, $0x1;
	s12 =	sadd.s32 s6, s5  }
0xb: {  	s6 =	sshrl.u32 s28, $0x3;
	s7 =	sadd.s32 $0x7800, s4;
	s8 =	sadd.s32 $0xA000, s4  }
0xc: {  	s9 =	sadd.s32 $0xC800, s4;
	s10 =	sadd.s32 $0xF000, s4;
	s11 =	sadd.s32 $0x11800, s4  }
0xd: {  	s20 =	sshrl.u32 s4, $0x3;
	s13 =	sadd.s32 s6, s5;
	s5 =	sadd.s32 $0x2800, s4  }
0xe: {  	v0 =	vimm.f32 $0.0e+00;
	v1 =	vimm.f32 $1.000000000e+00;
	s6 =	sadd.s32 $0x5000, s4;
	s12 =	sadd.s32 $0x19600, s12;
	s13 =	sadd.s32 $0x23600, s13  }
.LBB2_1:
0xf: {  	s21 =	simm.s32 $0x0;
	s22 =	simm.s32 $0x200  }
.LBB2_2:
0x10: {  	p0 =	sne.s32 s22, $0x9E00;
	[tilespmem:s21+$0x2870] =	vst v0  }
0x11: {  	[tilespmem:s21+$0x2800] =	vst v0  }
0x12: {  	[tilespmem:s21+$0x2810] =	vst v0  }
.Ltmp0:
0x13: {  	[tilespmem:s21+$0x2820] =	vst v0;
	(pc) =	sbr.rel @p0 .LBB2_2-.Ltmp0, $4  }
0x14: {  	[tilespmem:s21+$0x2830] =	vst v0  }
0x15: {  	[tilespmem:s21+$0x2840] =	vst v0  }
0x16: {  	[tilespmem:s21+$0x2850] =	vst v0  }
0x17: {  	[tilespmem:s21+$0x2860] =	vst v0;
	s21 =	sshra.s32 s22, $0x2;
	s22 =	sadd.s32 $0x200, s22  }
0x18: {  	[tilespmem:s21+$0x2870] =	vst v0  }
0x19: {  	[tilespmem:s21+$0x2800] =	vst v0  }
0x1a: {  	[tilespmem:s21+$0x2810] =	vst v0  }
0x1b: {  	[tilespmem:s21+$0x2820] =	vst v0  }
0x1c: {  	[tilespmem:s21+$0x2830] =	vst v0  }
0x1d: {  	[tilespmem:s21+$0x2840] =	vst v0  }
0x1e: {  	[tilespmem:s21+$0x2850] =	vst v0  }
0x1f: {  	[tilespmem:s21+$0x2860] =	vst v0  }
0x20: {  	[spmem:s4] =	stream.linear.scatter [tilespmem:s15], [sflag:$0x2], $0x2800, $0x38;
	[tilespmem:$0x1A0C0] =	vst v63  }
0x21: {  	_ =	swait.ge [sflag:s16], $0x2800  }
0x22: {  	[sflag:s16] =	ssyncset.done $0x0  }
0x23: {  	[sflag:s16] =	ssyncadd.s32 $0xFFFFD800  }
0x24: {  	[spmem:s5] =	stream.linear.scatter [tilespmem:s15], [sflag:$0x2], $0x2800, $0x38;
	[tilespmem:$0x1A0C0] =	vst v63  }
0x25: {  	_ =	swait.ge [sflag:s16], $0x2800  }
0x26: {  	[sflag:s16] =	ssyncset.done $0x0  }
0x27: {  	[sflag:s16] =	ssyncadd.s32 $0xFFFFD800  }
0x28: {  	[spmem:s6] =	stream.linear.scatter [tilespmem:s15], [sflag:$0x2], $0x2800, $0x38;
	[tilespmem:$0x1A0C0] =	vst v63  }
0x29: {  	_ =	swait.ge [sflag:s16], $0x2800  }
0x2a: {  	[sflag:s16] =	ssyncset.done $0x0  }
0x2b: {  	[sflag:s16] =	ssyncadd.s32 $0xFFFFD800  }
0x2c: {  	[spmem:s7] =	stream.linear.scatter [tilespmem:s15], [sflag:$0x2], $0x2800, $0x38;
	[tilespmem:$0x1A0C0] =	vst v63  }
0x2d: {  	_ =	swait.ge [sflag:s16], $0x2800  }
0x2e: {  	[sflag:s16] =	ssyncset.done $0x0  }
0x2f: {  	[sflag:s16] =	ssyncadd.s32 $0xFFFFD800  }
0x30: {  	[spmem:s8] =	stream.linear.scatter [tilespmem:s15], [sflag:$0x2], $0x2800, $0x38;
	[tilespmem:$0x1A0C0] =	vst v63  }
0x31: {  	_ =	swait.ge [sflag:s16], $0x2800  }
0x32: {  	[sflag:s16] =	ssyncset.done $0x0  }
0x33: {  	[sflag:s16] =	ssyncadd.s32 $0xFFFFD800  }
0x34: {  	[spmem:s9] =	stream.linear.scatter [tilespmem:s15], [sflag:$0x2], $0x2800, $0x38;
	[tilespmem:$0x1A0C0] =	vst v63  }
0x35: {  	_ =	swait.ge [sflag:s16], $0x2800  }
0x36: {  	[sflag:s16] =	ssyncset.done $0x0  }
0x37: {  	[sflag:s16] =	ssyncadd.s32 $0xFFFFD800  }
0x38: {  	[spmem:s10] =	stream.linear.scatter [tilespmem:s15], [sflag:$0x2], $0x2800, $0x38;
	[tilespmem:$0x1A0C0] =	vst v63  }
0x39: {  	_ =	swait.ge [sflag:s16], $0x2800  }
0x3a: {  	[sflag:s16] =	ssyncset.done $0x0  }
0x3b: {  	[sflag:s16] =	ssyncadd.s32 $0xFFFFD800  }
0x3c: {  	[spmem:s11] =	stream.linear.scatter [tilespmem:s15], [sflag:$0x2], $0x2800, $0x38;
	[tilespmem:$0x1A0C0] =	vst v63  }
0x3d: {  	_ =	swait.ge [sflag:s16], $0x2800  }
0x3e: {  	[sflag:s16] =	ssyncset.done $0x0  }
0x3f: {  	s21 =	simm.s32 $0x0;
	s22 =	simm.s32 $0x200;
	[sflag:s16] =	ssyncadd.s32 $0xFFFFD800  }
.LBB2_4:
0x40: {  	p0 =	sne.s32 s22, $0xFE00;
	[tilespmem:s21+$0x2870] =	vst v1  }
0x41: {  	[tilespmem:s21+$0x2800] =	vst v1  }
0x42: {  	[tilespmem:s21+$0x2810] =	vst v1  }
.Ltmp1:
0x43: {  	[tilespmem:s21+$0x2820] =	vst v1;
	(pc) =	sbr.rel @p0 .LBB2_4-.Ltmp1, $4  }
0x44: {  	[tilespmem:s21+$0x2830] =	vst v1  }
0x45: {  	[tilespmem:s21+$0x2840] =	vst v1  }
0x46: {  	[tilespmem:s21+$0x2850] =	vst v1  }
0x47: {  	[tilespmem:s21+$0x2860] =	vst v1;
	s21 =	sshra.s32 s22, $0x2;
	s22 =	sadd.s32 $0x200, s22  }
0x48: {  	[tilespmem:s21+$0x2870] =	vst v1  }
0x49: {  	[tilespmem:s21+$0x2800] =	vst v1  }
0x4a: {  	[tilespmem:s21+$0x2810] =	vst v1  }
0x4b: {  	[tilespmem:s21+$0x2820] =	vst v1  }
0x4c: {  	[tilespmem:s21+$0x2830] =	vst v1  }
0x4d: {  	[tilespmem:s21+$0x2840] =	vst v1  }
0x4e: {  	[tilespmem:s21+$0x2850] =	vst v1  }
0x4f: {  	[tilespmem:s21+$0x2860] =	vst v1;
	s21 =	simm.s32 $0x0  }
0x50: {  	[tilespmem:s21], [sflag:$0x2] =	stream.linear.gather [hbm4b:s12+s21], $0x2800, $0x38;
	[tilespmem:$0x1A0C0] =	vst v63  }
0x51: {  	_ =	swait.ge [sflag:s16], $0x2800  }
0x52: {  	[sflag:s16] =	ssyncset.done $0x0  }
0x53: {  	p0 =	por $0x1, $0x1;
	[sflag:s16] =	ssyncadd.s32 $0xFFFFD800  }
0x54: {  	s23 =	simm.s32 @!p0 $0x1;
	[bflag:$0x0] =	sbarrier.arrive $0xFFFF  }
0x55: {  	[spmem:s2] =	stream.indirect.scatter.add.f32 [tilespmem:s15], [sflag:$0x1], $0x80, s21, s17, $0xb8;
	[tilespmem:$0x1A0C0] =	vst v63  }
0x56: {  	_ =	swait.ge @!p0 [sflag:s23], $0x4000  }
0x57: {  	s22 =	simm.s32 $0x1;
	[sflag:s23] =	ssyncset.done @!p0 $0x0  }
.LBB2_6:
0x58: {  	[sflag:s23] =	ssyncadd.s32 @!p0 $0xFFFFC000  }
0x59: {  	s21 =	sadd.s32 $0x80, s21;
	s23 =	smov.u32 s22;
	s22 =	sadd.s32 $0x1, s22  }
0x5a: {  	p1 =	sne.s32 s22, $0x50  }
0x5b: {  	[spmem:s2] =	stream.indirect.scatter.add.f32 [tilespmem:s15], [sflag:$0x1], $0x80, s21, s17, $0xb8;
	[tilespmem:$0x1A0C0] =	vst v63  }
.Ltmp2:
0x5c: {  	_ = 	snop;
	(pc) =	sbr.rel @p1 .LBB2_6-.Ltmp2, $4  }
0x5d: {  	p0 =	slt.u32 s23, $0x8  }
0x5e: {  	s23 =	simm.s32 @!p0 $0x1  }
0x5f: {  	_ =	swait.ge @!p0 [sflag:s23], $0x4000  }
0x60: {  	[sflag:s23] =	ssyncset.done @!p0 $0x0  }
0x61: {  	[sflag:s23] =	ssyncadd.s32 @!p0 $0xFFFFC000  }
0x62: {  	_ =	swait.ge [sflag:s18], $0x4000  }
0x63: {  	[sflag:s18] =	ssyncset.done $0x0  }
0x64: {  	[sflag:s18] =	ssyncadd.s32 $0xFFFFC000  }
0x65: {  	_ =	swait.ge [sflag:s18], $0x4000  }
0x66: {  	[sflag:s18] =	ssyncset.done $0x0  }
0x67: {  	[sflag:s18] =	ssyncadd.s32 $0xFFFFC000  }
0x68: {  	_ =	swait.ge [sflag:s18], $0x4000  }
0x69: {  	[sflag:s18] =	ssyncset.done $0x0  }
0x6a: {  	[sflag:s18] =	ssyncadd.s32 $0xFFFFC000  }
0x6b: {  	_ =	swait.ge [sflag:s18], $0x4000  }
0x6c: {  	[sflag:s18] =	ssyncset.done $0x0  }
0x6d: {  	[sflag:s18] =	ssyncadd.s32 $0xFFFFC000  }
0x6e: {  	_ =	swait.ge [sflag:s18], $0x4000  }
0x6f: {  	[sflag:s18] =	ssyncset.done $0x0  }
0x70: {  	[sflag:s18] =	ssyncadd.s32 $0xFFFFC000  }
0x71: {  	_ =	swait.ge [sflag:s18], $0x4000  }
0x72: {  	[sflag:s18] =	ssyncset.done $0x0  }
0x73: {  	[sflag:s18] =	ssyncadd.s32 $0xFFFFC000  }
0x74: {  	_ =	swait.ge [sflag:s18], $0x4000  }
0x75: {  	[sflag:s18] =	ssyncset.done $0x0  }
0x76: {  	[sflag:s18] =	ssyncadd.s32 $0xFFFFC000  }
0x77: {  	_ =	swait.ge [sflag:s18], $0x4000  }
0x78: {  	s3 =	sadd.s32 $0x1, s3;
	[sflag:s18] =	ssyncset.done $0x0  }
0x79: {  	p0 =	sne.s32 s3, s14;
	[sflag:s18] =	ssyncadd.s32 $0xFFFFC000  }
.Ltmp3:
0x7a: {  	[bflag:$0x0] =	sbarrier.arrive $0xFFFF;
	(pc) =	sbr.rel @p0 .LBB2_1-.Ltmp3, $4  }
0x7b: {  	[hbm:s13], [sflag:s19] =	dma.local [spmem:s20], $0x2800  }
0x7c: {  	_ =	swait.ge [sflag:s16], $0x2800  }
0x7d: {  	[sflag:s16] =	ssyncset.done $0x0  }
0x7e: {  	[sflag:s16] =	ssyncadd.s32 $0xFFFFD800  }
0x7f: {  	_ =	sfence.sel $0x180000  }
0x80: {  	[bflag:$0x0] =	sbarrier.arrive $0xFFFF  }
0x81: {  	p0 =	sne.s32 s0, $0x0;
	_ =	strace $0x90000047  }
0x82: {  	s0 =	sadd.s32 @!p0 $0x100000, s1;
	[bflag:$0x2] =	sbarrier.arrive $0xFFFF  }
0x83: {  	[sflag:s0] =	ssyncadd.tile.s32 @!p0 $0x1;
	_ =	shalt  }
.Lfunc_end2:
_tile_overlayer_lowered:
.L_overlay_start_2:
0x84: {  	(tag) =	ssettag $0x2  }
0x85: {  	s0 =	rddreg [dreg:$0x0];
	s2 =	stileid.u32  }
0x86: {  	s1 =	rddreg [dreg:$0x1];
	p0 =	sne.s32 s2, $0x0  }
0x87: {  	s3 =	rddreg [dreg:$0x2];
	[bflag:$0x3] =	sbarrier.arrive $0xFFFF;
	s2 =	simm.s32 @!p0 $0x1C02  }
0x88: {  	[timem:s3], [sflag:s2] =	dma.local @!p0 [hbm:s0], s1  }
0x89: {  	s0 =	simm.s32 @!p0 $0x2  }
0x8a: {  	_ =	swait.ge @!p0 [sflag:s0], s1  }
0x8b: {  	s1 =	ssub.s32 @!p0 $0x0, s1;
	[sflag:s0] =	ssyncset.done @!p0 $0x0  }
0x8c: {  	[sflag:s0] =	ssyncadd.s32 @!p0 s1  }
0x8d: {  	[bflag:$0x3] =	sbarrier.arrive $0xFFFF  }
0x8e: {  	_ =	shalt  }

// kernel: kernel.16.cloned.1.call-start
scs
__scs_entry_jumppad:
0x0: {  	(pc) =	sbr.rel $0x88, $3  }
0x1: {  	(tag) =	ssettag $0x0;
	lr =	simm.s32 $0x1  }
0x2: {  	[smem:$0x3F88] =	sst lr;
	_ =	strace $0xD0000000  }
0x3: {  	_ = 	snop  }
0x4: {  	_ = 	snop  }
0x5: {  	_ = 	snop  }
0x6: {  	_ = 	snop  }
0x7: {  	_ = 	snop  }
__scs_overlays_trampoline_lowered:
0x8: {  	[smem:$0x3F97] =	sst s0  }
0x9: {  	[smem:$0x3F98] =	sst s1  }
0xa: {  	[smem:$0x3F99] =	sst s2  }
0xb: {  	[smem:$0x3F9A] =	sst s3  }
0xc: {  	[smem:$0x3F9B] =	sst s4  }
0xd: {  	[smem:$0x3F9C] =	sst s5  }
0xe: {  	[smem:$0x3F9D] =	sst s6  }
0xf: {  	[smem:$0x3F9E] =	sst s7  }
0x10: {  	[smem:$0x3F9F] =	sst s8  }
0x11: {  	[smem:$0x3FA0] =	sst s9;
	s0 =	simm.s32 @!p0 $0x0  }
0x12: {  	s1 =	sld [smem:$0x3F86];
	s0 =	simm.s32 @p0 $0x1  }
0x13: {  	[smem:$0x3FA1] =	sst s0;
	s0 =	simm.s32 @!p1 $0x0  }
0x14: {  	s2 =	sld [smem:$0x3F85];
	s0 =	simm.s32 @p1 $0x1  }
0x15: {  	[smem:$0x3FA2] =	sst s0;
	s0 =	simm.s32 @!p2 $0x0  }
0x16: {  	s3 =	sld [smem:$0x3FDB];
	s0 =	simm.s32 @p2 $0x1  }
0x17: {  	s4 =	simm.s32 $0x1BF5;
	[smem:$0x3FA4] =	sst s0  }
0x18: {  	s0 =	sld [smem:$0x3F87];
	_ =	swait.ge [sflag:s4], $0x0  }
0x19: {  	s7 =	sld [smem:$0x3F88]  }
0x1a: {  	s8 =	sadd.s32 $0xFFFFE003, lr  }
0x1b: {  	s9 =	sadd.s32 $0xFFFFFEF7, lr;
	s5 =	simm.s32 $0xFFFFFFFF;
	p2 =	slt.u32 s8, $0xFFFFF086  }
0x1c: {  	p1 =	slt.u32 s9, $0xF7A;
	s5 =	simm.s32 @!p2 $0x0  }
0x1d: {  	s5 =	simm.s32 @p1 $0x1;
	p0 =	seq.s32 s7, s2  }
0x1e: {  	s7 =	smul.u32 @!p0 $0xF7A, s2;
	p2 =	seq.s32 @!p0 s5, $0x0  }
0x1f: {  	s9 =	smul.u32 $0xF7A, s1;
	s8 =	simm.s32 @!p0 $0x1BF5;
	p2 =	por !p2, p0  }
0x20: {  	[sflag:s8] =	ssyncset.s32 @!p0 $0xFFFFF086;
	s6 =	sadd.s32 @!p0 s3, s7;
	s7 =	simm.s32 @!p0 $0x108  }
0x21: {  	s3 =	sadd.s32 s3, s9;
	s6 =	sadd.s32 @!p0 $0x88, s6;
	s7 =	simm.s32 @p2 $0x1082  }
0x22: {  	[simem:s7], [sflag:s8] =	dma.local @!p0 [hbm:s6], $0xF7A  }
0x23: {  	s9 =	sor.u32 $0xD0000000, s2;
	s6 =	simm.s32 $0x108;
	_ =	swait.ge @!p0 [sflag:s8], $0x0  }
0x24: {  	s3 =	sadd.s32 $0x88, s3;
	s6 =	simm.s32 @!p1 $0x1082;
	[sflag:s4] =	ssyncset.s32 $0xFFFFF086  }
0x25: {  	[simem:s6], [sflag:s4] =	dma.local [hbm:s3], $0xF7A  }
0x26: {  	[smem:$0x3F88] =	sst s1;
	(tag) =	ssettag s2;
	_ =	strace s9  }
0x27: {  	s1 =	sld [smem:$0x3F98]  }
0x28: {  	s2 =	sld [smem:$0x3F99]  }
0x29: {  	s4 =	sld [smem:$0x3F9B]  }
0x2a: {  	p0 =	seq.s32 s5, $0x0;
	s5 =	sld [smem:$0x3F9C]  }
0x2b: {  	s6 =	sld [smem:$0x3F9D]  }
0x2c: {  	s7 =	sld [smem:$0x3F9E]  }
0x2d: {  	s3 =	simm.s32 $0x108;
	s8 =	sld [smem:$0x3F9F]  }
0x2e: {  	s3 =	simm.s32 @!p0 $0x1082;
	s9 =	sld [smem:$0x3FA0]  }
0x2f: {  	lr =	sadd.s32 s0, s3;
	s0 =	sld [smem:$0x3F97]  }
0x30: {  	s3 =	sld [smem:$0x3F9A]  }
0x31: {  	[smem:$0x3FA3] =	sst s10  }
0x32: {  	s10 =	sld [smem:$0x3FA1];
	_ =	sdelay $0x3  }
0x33: {  	p0 =	seq.s32 s10, $0x1;
	s10 =	sld [smem:$0x3FA3];
	_ =	sdelay $0x3  }
0x34: {  	[smem:$0x3FA3] =	sst s10  }
0x35: {  	s10 =	sld [smem:$0x3FA2];
	_ =	sdelay $0x3  }
0x36: {  	p1 =	seq.s32 s10, $0x1;
	s10 =	sld [smem:$0x3FA3];
	_ =	sdelay $0x3  }
0x37: {  	[smem:$0x3FA3] =	sst s10  }
0x38: {  	s10 =	sld [smem:$0x3FA4]  }
0x39: {  	_ = 	snop;
	(pc) =	sbr.ind lr, $3  }
0x3a: {  	_ = 	snop  }
0x3b: {  	_ = 	snop  }
0x3c: {  	p2 =	seq.s32 s10, $0x1;
	s10 =	sld [smem:$0x3FA3]  }
0x3d: {  	_ =	shalt  }
0x3e: {  	_ =	shalt  }
0x3f: {  	_ =	shalt  }
0x40: {  	_ =	shalt  }
0x41: {  	_ =	shalt  }
0x42: {  	_ =	shalt  }
0x43: {  	_ =	shalt  }
0x44: {  	_ =	shalt  }
0x45: {  	_ =	shalt  }
0x46: {  	_ =	shalt  }
0x47: {  	_ =	shalt  }
0x48: {  	_ =	shalt  }
0x49: {  	_ =	shalt  }
0x4a: {  	_ =	shalt  }
0x4b: {  	_ =	shalt  }
0x4c: {  	_ =	shalt  }
0x4d: {  	_ =	shalt  }
0x4e: {  	_ =	shalt  }
0x4f: {  	_ =	shalt  }
0x50: {  	_ =	shalt  }
0x51: {  	_ =	shalt  }
0x52: {  	_ =	shalt  }
0x53: {  	_ =	shalt  }
0x54: {  	_ =	shalt  }
0x55: {  	_ =	shalt  }
0x56: {  	_ =	shalt  }
0x57: {  	_ =	shalt  }
0x58: {  	_ =	shalt  }
0x59: {  	_ =	shalt  }
0x5a: {  	_ =	shalt  }
0x5b: {  	_ =	shalt  }
0x5c: {  	_ =	shalt  }
0x5d: {  	_ =	shalt  }
0x5e: {  	_ =	shalt  }
0x5f: {  	_ =	shalt  }
0x60: {  	_ =	shalt  }
0x61: {  	_ =	shalt  }
0x62: {  	_ =	shalt  }
0x63: {  	_ =	shalt  }
0x64: {  	_ =	shalt  }
0x65: {  	_ =	shalt  }
0x66: {  	_ =	shalt  }
0x67: {  	_ =	shalt  }
0x68: {  	_ =	shalt  }
0x69: {  	_ =	shalt  }
0x6a: {  	_ =	shalt  }
0x6b: {  	_ =	shalt  }
0x6c: {  	_ =	shalt  }
0x6d: {  	_ =	shalt  }
0x6e: {  	_ =	shalt  }
0x6f: {  	_ =	shalt  }
0x70: {  	_ =	shalt  }
0x71: {  	_ =	shalt  }
0x72: {  	_ =	shalt  }
0x73: {  	_ =	shalt  }
0x74: {  	_ =	shalt  }
0x75: {  	_ =	shalt  }
0x76: {  	_ =	shalt  }
0x77: {  	_ =	shalt  }
0x78: {  	_ =	shalt  }
0x79: {  	_ =	shalt  }
0x7a: {  	_ =	shalt  }
0x7b: {  	_ =	shalt  }
0x7c: {  	_ =	shalt  }
0x7d: {  	_ =	shalt  }
0x7e: {  	_ =	shalt  }
0x7f: {  	_ =	shalt  }
0x80: {  	_ =	shalt  }
0x81: {  	_ =	shalt  }
0x82: {  	_ =	shalt  }
0x83: {  	_ =	shalt  }
0x84: {  	_ =	shalt  }
0x85: {  	_ =	shalt  }
0x86: {  	_ =	shalt  }
0x87: {  	_ =	shalt  }
.Lfunc_end0:
.L_simem_size_0:
called_computation.1_lowered:
.L_overlay_start_0:
0x88: {  	s2 =	sld [smem:$0x3FD9]  }
0x89: {  	s3 =	sld [smem:$0x3FFE];
	_ =	sdelay $0x1  }
0x8a: {  	s1 =	srdreg.scid  }
0x8b: {  	s0 =	sand.u32 $0x1, s1  }
0x8c: {  	s17 =	sshll.u32 s0, $0xA;
	s2 =	sadd.s32 s3, s2  }
0x8d: {  	s2 =	sadd.s32 s2, s17  }
0x8e: {  	[smem:$0x3FAF] =	sst s2  }
0x8f: {  	_ = 	snop  }
0x90: {  	(tm) =	ssettm $0x1  }
0x91: {  	s18 =	sld [smem:$0x3FFB];
	_ =	sdelay $0x3  }
0x92: {  	_ =	strace s18  }
0x93: {  	s2 =	sld [smem:$0x3FFC];
	_ =	sdelay $0x3  }
0x94: {  	_ =	strace s2  }
0x95: {  	s2 =	sld [smem:$0x3FFD];
	_ =	sdelay $0x3  }
0x96: {  	_ =	strace s2  }
0x97: {  	_ =	strace $0x8FFFFFFF  }
0x98: {  	s19 =	sld [smem:$0x3FDB];
	_ =	sdelay $0x1  }
0x99: {  	s20 =	simm.s32 $_scs_section_size  }
0x9a: {  	s4 =	simm.s32 $_size__tile_overlayer_lowered;
	s5 =	simm.s32 $_tile_overlayer_lowered  }
0x9b: {  	s6 =	simm.s32 $0x1BFF;
	s21 =	sshll.u32 s5, $0x1;
	s3 =	sadd.s32 s20, s19  }
0x9c: {  	s22 =	simm.s32 $0x0;
	s4 =	sshll.u32 s4, $0x1;
	s5 =	sadd.s32 s21, s3  }
0x9d: {  	[timem:s22], [sflag:s6] =	dma.local [hbm:s5], s4  }
0x9e: {  	_ =	swait.ge [sflag:s6], s4  }
0x9f: {  	s4 =	ssub.s32 $0x0, s4;
	[sflag:s6] =	ssyncset.done $0x0  }
0xa0: {  	[sflag:s6] =	ssyncadd.s32 s4;
	_ =	sdelay $0x1  }
0xa1: {  	s23 =	simm.s32 $0x1B8B  }
0xa2: {  	_ =	swait.ge [sflag:s23], $0x1  }
0xa3: {  	[sflag:s23] =	ssyncset.done $0x0  }
0xa4: {  	[sflag:s23] =	ssyncadd.s32 $0xFFFFFFFF  }
0xa5: {  	s4 =	sld [smem:$0x0]  }
0xa6: {  	s5 =	sand.u32 $0xFFFFFFFE, s1  }
0xa7: {  	p0 =	sne.s32 s1, s5  }
0xa8: {  	s5 =	sshll.u32 @p0 s5, $0xE  }
0xa9: {  	s5 =	sadd.s32 @p0 $0x11B8D, s5;
	s6 =	sshll.u32 @p0 s4, $0x11  }
0xaa: {  	s5 =	sor.u32 @p0 s6, s5  }
0xab: {  	[sflag:s5] =	ssyncadd.remote.s32 @p0 $0x1;
	_ =	sdelay $0x1  }
0xac: {  	s5 =	simm.s32 @p0 $0x1B8D  }
0xad: {  	_ =	swait.eq @p0 [sflag:s5], $0x1  }
0xae: {  	[sflag:s5] =	ssyncadd.s32 @p0 $0xFFFFFFFF  }
0xaf: {  	s6 =	sshll.u32 @!p0 s1, $0xE  }
0xb0: {  	s6 =	sor.u32 @!p0 $0x4000, s6;
	s5 =	simm.s32 @!p0 $0x1B8D  }
0xb1: {  	s4 =	sshll.u32 @!p0 s4, $0x11;
	s6 =	sadd.s32 @!p0 $0x11B8D, s6;
	_ =	swait.eq @!p0 [sflag:s5], $0x1  }
0xb2: {  	s4 =	sor.u32 @!p0 s4, s6;
	[sflag:s5] =	ssyncadd.s32 @!p0 $0xFFFFFFFF  }
0xb3: {  	s25 =	simm.s32 $0x1B8E;
	s24 =	sld [smem:$0x3FFE];
	[sflag:s4] =	ssyncadd.remote.s32 @!p0 $0x1  }
0xb4: {  	s26 =	simm.s32 $execute0_lowered;
	[smem:$0x3FD2] =	sst s25  }
0xb5: {  	s5 =	sshll.u32 s26, $0x1;
	_ =	strace $0x80000049;
	[dreg:$0x1] =	wrdreg $0xFFFFFFFF  }
0xb6: {  	s28 =	simm.s32 $_size_execute0_lowered;
	s3 =	sadd.s32 s3, s5;
	[dreg:$0x0] =	wrdreg $0x0  }
0xb7: {  	s5 =	sshll.u32 s28, $0x1;
	[dreg:$0x2] =	wrdreg s3  }
0xb8: {  	[dreg:$0x3] =	wrdreg s5  }
0xb9: {  	[dreg:$0x4] =	wrdreg $0xC0  }
0xba: {  	_ =	task [dreg:s22], $0x5FFFF  }
0xbb: {  	[dreg:$0x1] =	wrdreg $0xFFFFFFFF  }
0xbc: {  	[dreg:$0x0] =	wrdreg $0x60  }
0xbd: {  	[dreg:$0x2] =	wrdreg s24  }
0xbe: {  	[dreg:$0x3] =	wrdreg $0x52000  }
0xbf: {  	[dreg:$0x4] =	wrdreg $0xA  }
0xc0: {  	_ =	task.clear_ibuf [dreg:s22], $0x5FFFF;
	_ =	strace $0x90000049  }
0xc1: {  	s29 =	simm.s32 $0xA;
	_ =	strace $0x8000004B  }
0xc2: {  	_ =	swait.ge [sflag:s29], $0x1  }
0xc3: {  	[sflag:s29] =	ssyncadd.s32 $0xFFFFFFFF  }
0xc4: {  	_ =	strace $0x9000004B  }
0xc5: {  	_ =	sfence  }
0xc6: {  	s30 =	sld [smem:$0x0];
	_ =	sdelay $0x2  }
0xc7: {  	s31 =	sshll.u32 s1, $0xD;
	s1 =	sshrl.u32 s1, $0x2  }
0xc8: {  	s4 =	sand.u32 $0x4000, s31;
	s1 =	sadd.s32 s1, s30  }
0xc9: {  	s0 =	sor.u32 s4, s0;
	s1 =	sshll.u32 s1, $0x11  }
0xca: {  	s0 =	sor.u32 s1, s0  }
0xcb: {  	s0 =	sadd.s32 $0x8F2B, s0  }
0xcc: {  	[sflag:s0] =	ssyncadd.remote.s32 $0x1  }
0xcd: {  	_ =	sfence.sel $0xFFFF  }
0xce: {  	[dreg:$0x0] =	wrdreg $0xFFFFFFFF;
	(pc) =	sbr.abs _section_cstart, $3  }
0xcf: {  	[dreg:$0x1] =	wrdreg $0xFFFFFFFF  }
0xd0: {  	_ =	task.clear_ibuf [dreg:s22], $0x2FFFF;
	_ =	strace $0x9FFFFFFF  }
0xd1: {  	(tm) =	ssettm $0x7FFFFFFF  }
tec
execute0_lowered:
.L_overlay_start_1:
0x0: {  	(tag) =	ssettag $0x1  }
0x1: {  	s0 =	rddreg [dreg:$0x0];
	s1 =	srdreg.scid  }
0x2: {  	s2 =	rddreg [dreg:$0x1];
	s11 =	stileid.u32  }
0x3: {  	s3 =	simm.s32 $0x0;
	s28 =	simm.s32 $0x5;
	s29 =	simm.s32 $0x80  }
0x4: {  	s30 =	simm.s32 $0x50;
	s1 =	sand.u32 $0x1, s1;
	s6 =	smul.u32 $0x13800, s11  }
0x5: {  	[smem:$0x7FF] =	sst s3;
	s4 =	sadd.s32 $0x71800, s0;
	s8 =	smul.u32 $0x4E000, s11  }
0x6: {  	s31 =	simm.s32 $0x100;
	s5 =	smul.u32 $0x138800, s1;
	_ =	strace $0x8000004A  }
0x7: {  	s22 =	ssub.s32 $0x2, s1;
	s10 =	sshll.u32 s1, $0x4;
	s1 =	smul.u32 $0x27100, s1  }
0x8: {  	s9 =	sshrl.u32 s22, $0x1;
	s8 =	sshrl.u32 s8, $0x2;
	s6 =	sadd.s32 s6, s5  }
0x9: {  	s23 =	sor.u32 s11, s10;
	s5 =	sadd.s32 $0x5A00, s0;
	s7 =	sshrl.u32 s6, $0x3  }
0xa: {  	s6 =	sadd.s32 $0xF800, s0;
	s0 =	sadd.s32 s7, s0;
	s7 =	sadd.s32 s8, s2  }
0xb: {  	s11 =	smul.u32 $0x2710, s11;
	s9 =	ssub.s32 s22, s9;
	s24 =	sadd.s32 $0x2800, s7  }
0xc: {  	s18 =	smax.u32 s9, $0x1;
	s25 =	sadd.s32 $0x5000, s7;
	[dreg:$0x3] =	wrdreg s24  }
0xd: {  	s17 =	sadd.s32 s11, s1;
	s26 =	sadd.s32 $0x7800, s7;
	[dreg:$0x4] =	wrdreg s25  }
0xe: {  	s1 =	simm.s32 $0x2A00;
	s12 =	sadd.s32 $0xA000, s7;
	[dreg:$0x5] =	wrdreg s26  }
0xf: {  	s9 =	simm.s32 $0x2;
	s13 =	sadd.s32 $0xC800, s7;
	[dreg:$0x6] =	wrdreg s12  }
0x10: {  	s8 =	smul.u32 $0x2710, s23;
	s14 =	sadd.s32 $0xF000, s7;
	[dreg:$0x7] =	wrdreg s13  }
0x11: {  	s11 =	simm.s32 $0x4;
	s15 =	sadd.s32 $0x11800, s7;
	[dreg:$0x8] =	wrdreg s14  }
0x12: {  	s0 =	sadd.s32 $0x98A00, s0;
	s8 =	sshrl.u32 s8, $0x3;
	[dreg:$0x9] =	wrdreg s15  }
0x13: {  	[dreg:$0xc] =	wrdreg s0;
	s25 =	sadd.s32 $0xF0, s17;
	s0 =	simm.s32 $0x180  }
0x14: {  	s16 =	sadd.s32 $0x4D8, s8;
	s19 =	sadd.s32 s5, s8;
	s20 =	sadd.s32 s6, s8  }
0x15: {  	s24 =	sadd.s32 $0xA, s8;
	s26 =	sshrl.u32 s25, $0x3;
	s25 =	sadd.s32 $0xA0, s17  }
0x16: {  	s8 =	simm.s32 $0x1;
	s12 =	sadd.s32 s5, s16;
	s10 =	sadd.s32 s6, s16  }
0x17: {  	s21 =	sadd.s32 s5, s24;
	s22 =	sadd.s32 s6, s24;
	s23 =	sadd.s32 s26, s6  }
0x18: {  	s24 =	sadd.s32 s26, s5;
	s26 =	simm.s32 $0x200;
	[dreg:$0xa] =	wrdreg s12  }
0x19: {  	v0 =	vimm.f32 $0.0e+00;
	[dreg:$0xb] =	wrdreg s10;
	s10 =	simm.s32 $0x3;
	s12 =	simm.s32 $0x0  }
.LBB2_1:
0x1a: {  	s13 =	simm.s32 $0x0;
	s14 =	simm.s32 $0x200  }
.LBB2_2:
0x1b: {  	p0 =	sne.s32 s14, $0x9E00;
	[tilespmem:s13+$0x270] =	vst v0  }
0x1c: {  	[tilespmem:s13+$0x200] =	vst v0  }
0x1d: {  	[tilespmem:s13+$0x210] =	vst v0  }
.Ltmp0:
0x1e: {  	[tilespmem:s13+$0x220] =	vst v0;
	(pc) =	sbr.rel @p0 .LBB2_2-.Ltmp0, $4  }
0x1f: {  	[tilespmem:s13+$0x230] =	vst v0  }
0x20: {  	[tilespmem:s13+$0x240] =	vst v0  }
0x21: {  	[tilespmem:s13+$0x250] =	vst v0  }
0x22: {  	[tilespmem:s13+$0x260] =	vst v0;
	s13 =	sshra.s32 s14, $0x2;
	s14 =	sadd.s32 $0x200, s14  }
0x23: {  	[tilespmem:s13+$0x270] =	vst v0  }
0x24: {  	[tilespmem:s13+$0x200] =	vst v0  }
0x25: {  	[tilespmem:s13+$0x210] =	vst v0  }
0x26: {  	[tilespmem:s13+$0x220] =	vst v0  }
0x27: {  	[tilespmem:s13+$0x230] =	vst v0  }
0x28: {  	[tilespmem:s13+$0x240] =	vst v0  }
0x29: {  	[tilespmem:s13+$0x250] =	vst v0  }
0x2a: {  	[tilespmem:s13+$0x260] =	vst v0  }
0x2b: {  	[spmem:s7] =	stream.linear.scatter [tilespmem:s26], [sflag:$0x5], $0x2800, $0x38;
	[tilespmem:$0x18A80] =	vst v63  }
0x2c: {  	_ =	swait.ge [sflag:s28], $0x2800  }
0x2d: {  	[sflag:s28] =	ssyncset.done $0x0  }
0x2e: {  	s15 =	rddreg [dreg:$0x3];
	[sflag:s28] =	ssyncadd.s32 $0xFFFFD800  }
0x2f: {  	[spmem:s15] =	stream.linear.scatter [tilespmem:s26], [sflag:$0x5], $0x2800, $0x38;
	[tilespmem:$0x18A80] =	vst v63  }
0x30: {  	_ =	swait.ge [sflag:s28], $0x2800  }
0x31: {  	[sflag:s28] =	ssyncset.done $0x0  }
0x32: {  	s16 =	rddreg [dreg:$0x4];
	[sflag:s28] =	ssyncadd.s32 $0xFFFFD800  }
0x33: {  	[spmem:s16] =	stream.linear.scatter [tilespmem:s26], [sflag:$0x5], $0x2800, $0x38;
	[tilespmem:$0x18A80] =	vst v63  }
0x34: {  	_ =	swait.ge [sflag:s28], $0x2800  }
0x35: {  	[sflag:s28] =	ssyncset.done $0x0  }
0x36: {  	s17 =	rddreg [dreg:$0x5];
	[sflag:s28] =	ssyncadd.s32 $0xFFFFD800  }
0x37: {  	[spmem:s17] =	stream.linear.scatter [tilespmem:s26], [sflag:$0x5], $0x2800, $0x38;
	[tilespmem:$0x18A80] =	vst v63  }
0x38: {  	_ =	swait.ge [sflag:s28], $0x2800  }
0x39: {  	[sflag:s28] =	ssyncset.done $0x0  }
0x3a: {  	s14 =	rddreg [dreg:$0x6];
	[sflag:s28] =	ssyncadd.s32 $0xFFFFD800  }
0x3b: {  	[spmem:s14] =	stream.linear.scatter [tilespmem:s26], [sflag:$0x5], $0x2800, $0x38;
	[tilespmem:$0x18A80] =	vst v63  }
0x3c: {  	_ =	swait.ge [sflag:s28], $0x2800  }
0x3d: {  	[sflag:s28] =	ssyncset.done $0x0  }
0x3e: {  	s15 =	rddreg [dreg:$0x7];
	[sflag:s28] =	ssyncadd.s32 $0xFFFFD800  }
0x3f: {  	[spmem:s15] =	stream.linear.scatter [tilespmem:s26], [sflag:$0x5], $0x2800, $0x38;
	[tilespmem:$0x18A80] =	vst v63  }
0x40: {  	_ =	swait.ge [sflag:s28], $0x2800  }
0x41: {  	[sflag:s28] =	ssyncset.done $0x0  }
0x42: {  	s16 =	rddreg [dreg:$0x8];
	[sflag:s28] =	ssyncadd.s32 $0xFFFFD800  }
0x43: {  	[spmem:s16] =	stream.linear.scatter [tilespmem:s26], [sflag:$0x5], $0x2800, $0x38;
	[tilespmem:$0x18A80] =	vst v63  }
0x44: {  	_ =	swait.ge [sflag:s28], $0x2800  }
0x45: {  	[sflag:s28] =	ssyncset.done $0x0  }
0x46: {  	s17 =	rddreg [dreg:$0x9];
	[sflag:s28] =	ssyncadd.s32 $0xFFFFD800  }
0x47: {  	[spmem:s17] =	stream.linear.scatter [tilespmem:s26], [sflag:$0x5], $0x2800, $0x38;
	[tilespmem:$0x18A80] =	vst v63  }
0x48: {  	_ =	swait.ge [sflag:s28], $0x2800  }
0x49: {  	[sflag:s28] =	ssyncset.done $0x0  }
0x4a: {  	[sflag:s28] =	ssyncadd.s32 $0xFFFFD800  }
0x4b: {  	s14 =	simm.s32 $0x0;
	[bflag:$0x0] =	sbarrier.arrive $0xFFFF  }
0x4c: {  	[tilespmem:s14], [sflag:$0x5] =	stream.linear.gather [hbm4b:s19+s14], $0x50, $0x38;
	[tilespmem:$0x18A80] =	vst v63  }
0x4d: {  	_ =	swait.ge [sflag:s28], $0x50  }
0x4e: {  	[sflag:s28] =	ssyncset.done $0x0  }
0x4f: {  	[sflag:s28] =	ssyncadd.s32 $0xFFFFFFB0  }
0x50: {  	[tilespmem:s29], [sflag:$0x5] =	stream.linear.gather [hbm4b:s20+s14], $0x50, $0x38;
	[tilespmem:$0x18A80] =	vst v63  }
0x51: {  	_ =	swait.ge [sflag:s28], $0x50  }
0x52: {  	[sflag:s28] =	ssyncset.done $0x0  }
0x53: {  	[sflag:s28] =	ssyncadd.s32 $0xFFFFFFB0  }
0x54: {  	[tilespmem:s26], [sflag:$0x1] =	stream.indirect.gather [hbm4b:s4+s30], $0x80, s14, s30, $0xb8;
	[tilespmem:$0x18A80] =	vst v63  }
0x55: {  	_ = 	snop  }
0x56: {  	[tilespmem:s31], [sflag:$0x5] =	stream.linear.gather [hbm4b:s21+s14], $0x50, $0x38;
	[tilespmem:$0x18A80] =	vst v63  }
0x57: {  	_ =	swait.ge [sflag:s28], $0x50  }
0x58: {  	[sflag:s28] =	ssyncset.done $0x0  }
0x59: {  	[sflag:s28] =	ssyncadd.s32 $0xFFFFFFB0  }
0x5a: {  	[tilespmem:s0], [sflag:$0x5] =	stream.linear.gather [hbm4b:s22+s14], $0x50, $0x38;
	[tilespmem:$0x18A80] =	vst v63  }
0x5b: {  	_ =	swait.ge [sflag:s28], $0x50  }
0x5c: {  	[sflag:s28] =	ssyncset.done $0x0  }
0x5d: {  	[sflag:s28] =	ssyncadd.s32 $0xFFFFFFB0  }
0x5e: {  	[tilespmem:s1], [sflag:$0x2] =	stream.indirect.gather [hbm4b:s4+s30], $0x80, s31, s30, $0xb8;
	[tilespmem:$0x18A80] =	vst v63  }
0x5f: {  	_ =	swait.ge [sflag:s8], $0x2800  }
0x60: {  	[sflag:s8] =	ssyncset.done $0x0  }
0x61: {  	[sflag:s8] =	ssyncadd.s32 $0xFFFFD800  }
0x62: {  	[spmem:s2] =	stream.indirect.scatter.add.f32 [tilespmem:s26], [sflag:$0x3], $0x80, s29, s30, $0xb8;
	[tilespmem:$0x18A80] =	vst v63  }
0x63: {  	_ =	swait.ge [sflag:s9], $0x2800  }
0x64: {  	[sflag:s9] =	ssyncset.done $0x0  }
0x65: {  	[sflag:s9] =	ssyncadd.s32 $0xFFFFD800  }
0x66: {  	[spmem:s2] =	stream.indirect.scatter.add.f32 [tilespmem:s1], [sflag:$0x4], $0x80, s0, s30, $0xb8;
	[tilespmem:$0x18A80] =	vst v63  }
0x67: {  	_ =	swait.ge [sflag:s10], $0x2800  }
0x68: {  	s15 =	sshrl.u32 s25, $0x3;
	[sflag:s10] =	ssyncset.done $0x0  }
0x69: {  	s14 =	sadd.s32 s5, s15;
	[sflag:s10] =	ssyncadd.s32 $0xFFFFD800  }
0x6a: {  	[tilespmem:s3], [sflag:$0x5] =	stream.linear.gather [hbm4b:s14+s3], $0x50, $0x38;
	[tilespmem:$0x18A80] =	vst v63  }
0x6b: {  	_ =	swait.ge [sflag:s28], $0x50  }
0x6c: {  	[sflag:s28] =	ssyncset.done $0x0  }
0x6d: {  	s13 =	sadd.s32 s6, s15;
	[sflag:s28] =	ssyncadd.s32 $0xFFFFFFB0  }
0x6e: {  	[tilespmem:s29], [sflag:$0x5] =	stream.linear.gather [hbm4b:s13+s3], $0x50, $0x38;
	[tilespmem:$0x18A80] =	vst v63  }
0x6f: {  	_ =	swait.ge [sflag:s28], $0x50  }
0x70: {  	[sflag:s28] =	ssyncset.done $0x0  }
0x71: {  	[sflag:s28] =	ssyncadd.s32 $0xFFFFFFB0  }
0x72: {  	[tilespmem:s26], [sflag:$0x1] =	stream.indirect.gather [hbm4b:s4+s30], $0x80, s3, s30, $0xb8;
	[tilespmem:$0x18A80] =	vst v63  }
0x73: {  	_ =	swait.ge [sflag:s11], $0x2800  }
0x74: {  	[sflag:s11] =	ssyncset.done $0x0  }
0x75: {  	s16 =	sadd.s32 $0x0, s24;
	[sflag:s11] =	ssyncadd.s32 $0xFFFFD800  }
0x76: {  	[tilespmem:s31], [sflag:$0x5] =	stream.linear.gather [hbm4b:s16+s3], $0x50, $0x38;
	[tilespmem:$0x18A80] =	vst v63  }
0x77: {  	_ =	swait.ge [sflag:s28], $0x50  }
0x78: {  	[sflag:s28] =	ssyncset.done $0x0  }
0x79: {  	s17 =	sadd.s32 $0x0, s23;
	[sflag:s28] =	ssyncadd.s32 $0xFFFFFFB0  }
0x7a: {  	[tilespmem:s0], [sflag:$0x5] =	stream.linear.gather [hbm4b:s17+s3], $0x50, $0x38;
	[tilespmem:$0x18A80] =	vst v63  }
0x7b: {  	_ =	swait.ge [sflag:s28], $0x50  }
0x7c: {  	[sflag:s28] =	ssyncset.done $0x0  }
0x7d: {  	[sflag:s28] =	ssyncadd.s32 $0xFFFFFFB0  }
0x7e: {  	[tilespmem:s1], [sflag:$0x2] =	stream.indirect.gather [hbm4b:s4+s30], $0x80, s31, s30, $0xb8;
	[tilespmem:$0x18A80] =	vst v63  }
0x7f: {  	_ =	swait.ge [sflag:s8], $0x2800  }
0x80: {  	[sflag:s8] =	ssyncset.done $0x0  }
0x81: {  	[sflag:s8] =	ssyncadd.s32 $0xFFFFD800  }
0x82: {  	[spmem:s2] =	stream.indirect.scatter.add.f32 [tilespmem:s26], [sflag:$0x3], $0x80, s29, s30, $0xb8;
	[tilespmem:$0x18A80] =	vst v63  }
0x83: {  	_ =	swait.ge [sflag:s9], $0x2800  }
0x84: {  	[sflag:s9] =	ssyncset.done $0x0  }
0x85: {  	s14 =	sadd.s32 $0xA0, s25;
	s13 =	simm.s32 $0x14;
	[sflag:s9] =	ssyncadd.s32 $0xFFFFD800  }
.LBB2_4:
0x86: {  	[spmem:s2] =	stream.indirect.scatter.add.f32 [tilespmem:s1], [sflag:$0x4], $0x80, s0, s30, $0xb8;
	[tilespmem:$0x18A80] =	vst v63  }
0x87: {  	s15 =	smov.u32 s13  }
0x88: {  	p0 =	sne.s32 s13, $0x4B0;
	s13 =	sadd.s32 $0x14, s13;
	_ =	swait.ge [sflag:s10], $0x2800  }
0x89: {  	s16 =	sshrl.u32 s14, $0x3;
	[sflag:s10] =	ssyncset.done $0x0  }
0x8a: {  	s17 =	sadd.s32 s5, s16;
	[sflag:s10] =	ssyncadd.s32 $0xFFFFD800  }
0x8b: {  	[tilespmem:s3], [sflag:$0x5] =	stream.linear.gather [hbm4b:s17+s3], $0x50, $0x38;
	[tilespmem:$0x18A80] =	vst v63  }
0x8c: {  	_ =	swait.ge [sflag:s28], $0x50  }
0x8d: {  	[sflag:s28] =	ssyncset.done $0x0  }
0x8e: {  	s16 =	sadd.s32 s6, s16;
	[sflag:s28] =	ssyncadd.s32 $0xFFFFFFB0  }
0x8f: {  	[tilespmem:s29], [sflag:$0x5] =	stream.linear.gather [hbm4b:s16+s3], $0x50, $0x38;
	[tilespmem:$0x18A80] =	vst v63  }
0x90: {  	_ =	swait.ge [sflag:s28], $0x50  }
0x91: {  	[sflag:s28] =	ssyncset.done $0x0  }
0x92: {  	[sflag:s28] =	ssyncadd.s32 $0xFFFFFFB0  }
0x93: {  	[tilespmem:s26], [sflag:$0x1] =	stream.indirect.gather [hbm4b:s4+s30], $0x80, s3, s30, $0xb8;
	[tilespmem:$0x18A80] =	vst v63  }
0x94: {  	_ =	swait.ge [sflag:s11], $0x2800  }
0x95: {  	[sflag:s11] =	ssyncset.done $0x0  }
0x96: {  	s16 =	sadd.s32 s15, s24;
	[sflag:s11] =	ssyncadd.s32 $0xFFFFD800  }
0x97: {  	[tilespmem:s31], [sflag:$0x5] =	stream.linear.gather [hbm4b:s16+s3], $0x50, $0x38;
	[tilespmem:$0x18A80] =	vst v63  }
0x98: {  	_ =	swait.ge [sflag:s28], $0x50  }
0x99: {  	[sflag:s28] =	ssyncset.done $0x0  }
0x9a: {  	s15 =	sadd.s32 s15, s23;
	[sflag:s28] =	ssyncadd.s32 $0xFFFFFFB0  }
0x9b: {  	[tilespmem:s0], [sflag:$0x5] =	stream.linear.gather [hbm4b:s15+s3], $0x50, $0x38;
	[tilespmem:$0x18A80] =	vst v63  }
0x9c: {  	_ =	swait.ge [sflag:s28], $0x50  }
0x9d: {  	[sflag:s28] =	ssyncset.done $0x0  }
0x9e: {  	[sflag:s28] =	ssyncadd.s32 $0xFFFFFFB0  }
0x9f: {  	[tilespmem:s1], [sflag:$0x2] =	stream.indirect.gather [hbm4b:s4+s30], $0x80, s31, s30, $0xb8;
	[tilespmem:$0x18A80] =	vst v63  }
0xa0: {  	_ =	swait.ge [sflag:s8], $0x2800  }
0xa1: {  	[sflag:s8] =	ssyncset.done $0x0  }
.Ltmp1:
0xa2: {  	[sflag:s8] =	ssyncadd.s32 $0xFFFFD800;
	(pc) =	sbr.rel @p0 .LBB2_4-.Ltmp1, $4  }
0xa3: {  	[spmem:s2] =	stream.indirect.scatter.add.f32 [tilespmem:s26], [sflag:$0x3], $0x80, s29, s30, $0xb8;
	[tilespmem:$0x18A80] =	vst v63  }
0xa4: {  	_ =	swait.ge [sflag:s9], $0x2800  }
0xa5: {  	[sflag:s9] =	ssyncset.done $0x0  }
0xa6: {  	s14 =	sadd.s32 $0xA0, s14;
	[sflag:s9] =	ssyncadd.s32 $0xFFFFD800  }
0xa7: {  	[spmem:s2] =	stream.indirect.scatter.add.f32 [tilespmem:s1], [sflag:$0x4], $0x80, s0, s30, $0xb8;
	[tilespmem:$0x18A80] =	vst v63  }
0xa8: {  	_ =	swait.ge [sflag:s10], $0x2800  }
0xa9: {  	[sflag:s10] =	ssyncset.done $0x0  }
0xaa: {  	[sflag:s10] =	ssyncadd.s32 $0xFFFFD800  }
0xab: {  	_ =	swait.ge [sflag:s11], $0x2800  }
0xac: {  	[sflag:s11] =	ssyncset.done $0x0  }
0xad: {  	s13 =	rddreg [dreg:$0xa];
	[sflag:s11] =	ssyncadd.s32 $0xFFFFD800  }
0xae: {  	[tilespmem:s3], [sflag:$0x5] =	stream.linear.gather [hbm4b:s13+s3], $0x50, $0x38;
	[tilespmem:$0x18A80] =	vst v63  }
0xaf: {  	_ =	swait.ge [sflag:s28], $0x50  }
0xb0: {  	[sflag:s28] =	ssyncset.done $0x0  }
0xb1: {  	s16 =	rddreg [dreg:$0xb];
	[sflag:s28] =	ssyncadd.s32 $0xFFFFFFB0  }
0xb2: {  	[tilespmem:s29], [sflag:$0x5] =	stream.linear.gather [hbm4b:s16+s3], $0x50, $0x38;
	[tilespmem:$0x18A80] =	vst v63  }
0xb3: {  	_ =	swait.ge [sflag:s28], $0x50  }
0xb4: {  	[sflag:s28] =	ssyncset.done $0x0  }
0xb5: {  	[sflag:s28] =	ssyncadd.s32 $0xFFFFFFB0  }
0xb6: {  	[tilespmem:s26], [sflag:$0x1] =	stream.indirect.gather [hbm4b:s4+s30], $0x80, s3, s30, $0xb8;
	[tilespmem:$0x18A80] =	vst v63  }
0xb7: {  	_ =	swait.ge [sflag:s8], $0x2800  }
0xb8: {  	[sflag:s8] =	ssyncset.done $0x0  }
0xb9: {  	[sflag:s8] =	ssyncadd.s32 $0xFFFFD800  }
0xba: {  	[spmem:s2] =	stream.indirect.scatter.add.f32 [tilespmem:s26], [sflag:$0x5], $0x80, s29, s30, $0xb8;
	[tilespmem:$0x18A80] =	vst v63  }
0xbb: {  	_ =	swait.ge [sflag:s28], $0x2800  }
0xbc: {  	s17 =	stileid.u32;
	[sflag:s28] =	ssyncset.done $0x0  }
0xbd: {  	s14 =	sshrl.u32 s7, $0x3;
	s12 =	sadd.s32 $0x1, s12;
	[sflag:s28] =	ssyncadd.s32 $0xFFFFD800  }
0xbe: {  	p0 =	sne.s32 s12, s18;
	s13 =	sshll.u32 s17, $0x6;
	[bflag:$0x0] =	sbarrier.arrive $0xFFFF  }
.Ltmp2:
0xbf: {  	s13 =	sor.u32 $0x1C05, s13;
	s15 =	rddreg [dreg:$0xc];
	(pc) =	sbr.rel @p0 .LBB2_1-.Ltmp2, $4  }
0xc0: {  	[hbm:s15], [sflag:s13] =	dma.local [spmem:s14], $0x2800  }
0xc1: {  	_ =	swait.ge [sflag:s28], $0x2800  }
0xc2: {  	[sflag:s28] =	ssyncset.done $0x0  }
0xc3: {  	[sflag:s28] =	ssyncadd.s32 $0xFFFFD800  }
0xc4: {  	_ =	sfence.sel $0x180000  }
0xc5: {  	[bflag:$0x0] =	sbarrier.arrive $0xFFFF  }
0xc6: {  	_ =	strace $0x9000004A  }
0xc7: {  	s0 =	stileid.u32;
	[bflag:$0x2] =	sbarrier.arrive $0xFFFF  }
0xc8: {  	p0 =	sne.s32 s0, $0x0;
	s0 =	rddreg [dreg:$0x2]  }
0xc9: {  	s0 =	sadd.s32 @!p0 $0x100000, s0  }
0xca: {  	[sflag:s0] =	ssyncadd.tile.s32 @!p0 $0x1;
	_ =	shalt  }
.Lfunc_end2:
_tile_overlayer_lowered:
.L_overlay_start_2:
0xcb: {  	(tag) =	ssettag $0x2  }
0xcc: {  	s0 =	rddreg [dreg:$0x0];
	s2 =	stileid.u32  }
0xcd: {  	s1 =	rddreg [dreg:$0x1];
	p0 =	sne.s32 s2, $0x0  }
0xce: {  	s3 =	rddreg [dreg:$0x2];
	[bflag:$0x3] =	sbarrier.arrive $0xFFFF;
	s2 =	simm.s32 @!p0 $0x1C05  }
0xcf: {  	[timem:s3], [sflag:s2] =	dma.local @!p0 [hbm:s0], s1  }
0xd0: {  	s0 =	simm.s32 @!p0 $0x5  }
0xd1: {  	_ =	swait.ge @!p0 [sflag:s0], s1  }
0xd2: {  	s1 =	ssub.s32 @!p0 $0x0, s1;
	[sflag:s0] =	ssyncset.done @!p0 $0x0  }
0xd3: {  	[sflag:s0] =	ssyncadd.s32 @!p0 s1  }
0xd4: {  	[bflag:$0x3] =	sbarrier.arrive $0xFFFF  }
0xd5: {  	_ =	shalt  }

// kernel: kernel.19.cloned.1.call-start
scs
__scs_entry_jumppad:
0x0: {  	(pc) =	sbr.rel $0x88, $3  }
0x1: {  	(tag) =	ssettag $0x0;
	lr =	simm.s32 $0x1  }
0x2: {  	[smem:$0x3F88] =	sst lr;
	_ =	strace $0xD0000000  }
0x3: {  	_ = 	snop  }
0x4: {  	_ = 	snop  }
0x5: {  	_ = 	snop  }
0x6: {  	_ = 	snop  }
0x7: {  	_ = 	snop  }
__scs_overlays_trampoline_lowered:
0x8: {  	[smem:$0x3F97] =	sst s0  }
0x9: {  	[smem:$0x3F98] =	sst s1  }
0xa: {  	[smem:$0x3F99] =	sst s2  }
0xb: {  	[smem:$0x3F9A] =	sst s3  }
0xc: {  	[smem:$0x3F9B] =	sst s4  }
0xd: {  	[smem:$0x3F9C] =	sst s5  }
0xe: {  	[smem:$0x3F9D] =	sst s6  }
0xf: {  	[smem:$0x3F9E] =	sst s7  }
0x10: {  	[smem:$0x3F9F] =	sst s8  }
0x11: {  	[smem:$0x3FA0] =	sst s9;
	s0 =	simm.s32 @!p0 $0x0  }
0x12: {  	s1 =	sld [smem:$0x3F86];
	s0 =	simm.s32 @p0 $0x1  }
0x13: {  	[smem:$0x3FA1] =	sst s0;
	s0 =	simm.s32 @!p1 $0x0  }
0x14: {  	s2 =	sld [smem:$0x3F85];
	s0 =	simm.s32 @p1 $0x1  }
0x15: {  	[smem:$0x3FA2] =	sst s0;
	s0 =	simm.s32 @!p2 $0x0  }
0x16: {  	s3 =	sld [smem:$0x3FDB];
	s0 =	simm.s32 @p2 $0x1  }
0x17: {  	s4 =	simm.s32 $0x1BF5;
	[smem:$0x3FA4] =	sst s0  }
0x18: {  	s0 =	sld [smem:$0x3F87];
	_ =	swait.ge [sflag:s4], $0x0  }
0x19: {  	s7 =	sld [smem:$0x3F88]  }
0x1a: {  	s8 =	sadd.s32 $0xFFFFE003, lr  }
0x1b: {  	s9 =	sadd.s32 $0xFFFFFEF7, lr;
	s5 =	simm.s32 $0xFFFFFFFF;
	p2 =	slt.u32 s8, $0xFFFFF086  }
0x1c: {  	p1 =	slt.u32 s9, $0xF7A;
	s5 =	simm.s32 @!p2 $0x0  }
0x1d: {  	s5 =	simm.s32 @p1 $0x1;
	p0 =	seq.s32 s7, s2  }
0x1e: {  	s7 =	smul.u32 @!p0 $0xF7A, s2;
	p2 =	seq.s32 @!p0 s5, $0x0  }
0x1f: {  	s9 =	smul.u32 $0xF7A, s1;
	s8 =	simm.s32 @!p0 $0x1BF5;
	p2 =	por !p2, p0  }
0x20: {  	[sflag:s8] =	ssyncset.s32 @!p0 $0xFFFFF086;
	s6 =	sadd.s32 @!p0 s3, s7;
	s7 =	simm.s32 @!p0 $0x108  }
0x21: {  	s3 =	sadd.s32 s3, s9;
	s6 =	sadd.s32 @!p0 $0x88, s6;
	s7 =	simm.s32 @p2 $0x1082  }
0x22: {  	[simem:s7], [sflag:s8] =	dma.local @!p0 [hbm:s6], $0xF7A  }
0x23: {  	s9 =	sor.u32 $0xD0000000, s2;
	s6 =	simm.s32 $0x108;
	_ =	swait.ge @!p0 [sflag:s8], $0x0  }
0x24: {  	s3 =	sadd.s32 $0x88, s3;
	s6 =	simm.s32 @!p1 $0x1082;
	[sflag:s4] =	ssyncset.s32 $0xFFFFF086  }
0x25: {  	[simem:s6], [sflag:s4] =	dma.local [hbm:s3], $0xF7A  }
0x26: {  	[smem:$0x3F88] =	sst s1;
	(tag) =	ssettag s2;
	_ =	strace s9  }
0x27: {  	s1 =	sld [smem:$0x3F98]  }
0x28: {  	s2 =	sld [smem:$0x3F99]  }
0x29: {  	s4 =	sld [smem:$0x3F9B]  }
0x2a: {  	p0 =	seq.s32 s5, $0x0;
	s5 =	sld [smem:$0x3F9C]  }
0x2b: {  	s6 =	sld [smem:$0x3F9D]  }
0x2c: {  	s7 =	sld [smem:$0x3F9E]  }
0x2d: {  	s3 =	simm.s32 $0x108;
	s8 =	sld [smem:$0x3F9F]  }
0x2e: {  	s3 =	simm.s32 @!p0 $0x1082;
	s9 =	sld [smem:$0x3FA0]  }
0x2f: {  	lr =	sadd.s32 s0, s3;
	s0 =	sld [smem:$0x3F97]  }
0x30: {  	s3 =	sld [smem:$0x3F9A]  }
0x31: {  	[smem:$0x3FA3] =	sst s10  }
0x32: {  	s10 =	sld [smem:$0x3FA1];
	_ =	sdelay $0x3  }
0x33: {  	p0 =	seq.s32 s10, $0x1;
	s10 =	sld [smem:$0x3FA3];
	_ =	sdelay $0x3  }
0x34: {  	[smem:$0x3FA3] =	sst s10  }
0x35: {  	s10 =	sld [smem:$0x3FA2];
	_ =	sdelay $0x3  }
0x36: {  	p1 =	seq.s32 s10, $0x1;
	s10 =	sld [smem:$0x3FA3];
	_ =	sdelay $0x3  }
0x37: {  	[smem:$0x3FA3] =	sst s10  }
0x38: {  	s10 =	sld [smem:$0x3FA4]  }
0x39: {  	_ = 	snop;
	(pc) =	sbr.ind lr, $3  }
0x3a: {  	_ = 	snop  }
0x3b: {  	_ = 	snop  }
0x3c: {  	p2 =	seq.s32 s10, $0x1;
	s10 =	sld [smem:$0x3FA3]  }
0x3d: {  	_ =	shalt  }
0x3e: {  	_ =	shalt  }
0x3f: {  	_ =	shalt  }
0x40: {  	_ =	shalt  }
0x41: {  	_ =	shalt  }
0x42: {  	_ =	shalt  }
0x43: {  	_ =	shalt  }
0x44: {  	_ =	shalt  }
0x45: {  	_ =	shalt  }
0x46: {  	_ =	shalt  }
0x47: {  	_ =	shalt  }
0x48: {  	_ =	shalt  }
0x49: {  	_ =	shalt  }
0x4a: {  	_ =	shalt  }
0x4b: {  	_ =	shalt  }
0x4c: {  	_ =	shalt  }
0x4d: {  	_ =	shalt  }
0x4e: {  	_ =	shalt  }
0x4f: {  	_ =	shalt  }
0x50: {  	_ =	shalt  }
0x51: {  	_ =	shalt  }
0x52: {  	_ =	shalt  }
0x53: {  	_ =	shalt  }
0x54: {  	_ =	shalt  }
0x55: {  	_ =	shalt  }
0x56: {  	_ =	shalt  }
0x57: {  	_ =	shalt  }
0x58: {  	_ =	shalt  }
0x59: {  	_ =	shalt  }
0x5a: {  	_ =	shalt  }
0x5b: {  	_ =	shalt  }
0x5c: {  	_ =	shalt  }
0x5d: {  	_ =	shalt  }
0x5e: {  	_ =	shalt  }
0x5f: {  	_ =	shalt  }
0x60: {  	_ =	shalt  }
0x61: {  	_ =	shalt  }
0x62: {  	_ =	shalt  }
0x63: {  	_ =	shalt  }
0x64: {  	_ =	shalt  }
0x65: {  	_ =	shalt  }
0x66: {  	_ =	shalt  }
0x67: {  	_ =	shalt  }
0x68: {  	_ =	shalt  }
0x69: {  	_ =	shalt  }
0x6a: {  	_ =	shalt  }
0x6b: {  	_ =	shalt  }
0x6c: {  	_ =	shalt  }
0x6d: {  	_ =	shalt  }
0x6e: {  	_ =	shalt  }
0x6f: {  	_ =	shalt  }
0x70: {  	_ =	shalt  }
0x71: {  	_ =	shalt  }
0x72: {  	_ =	shalt  }
0x73: {  	_ =	shalt  }
0x74: {  	_ =	shalt  }
0x75: {  	_ =	shalt  }
0x76: {  	_ =	shalt  }
0x77: {  	_ =	shalt  }
0x78: {  	_ =	shalt  }
0x79: {  	_ =	shalt  }
0x7a: {  	_ =	shalt  }
0x7b: {  	_ =	shalt  }
0x7c: {  	_ =	shalt  }
0x7d: {  	_ =	shalt  }
0x7e: {  	_ =	shalt  }
0x7f: {  	_ =	shalt  }
0x80: {  	_ =	shalt  }
0x81: {  	_ =	shalt  }
0x82: {  	_ =	shalt  }
0x83: {  	_ =	shalt  }
0x84: {  	_ =	shalt  }
0x85: {  	_ =	shalt  }
0x86: {  	_ =	shalt  }
0x87: {  	_ =	shalt  }
.Lfunc_end0:
.L_simem_size_0:
called_computation.2_lowered:
.L_overlay_start_0:
0x88: {  	s2 =	sld [smem:$0x3FD9]  }
0x89: {  	s3 =	sld [smem:$0x3FFE];
	_ =	sdelay $0x1  }
0x8a: {  	s1 =	srdreg.scid  }
0x8b: {  	s0 =	sand.u32 $0x1, s1  }
0x8c: {  	s16 =	sshll.u32 s0, $0xA;
	s2 =	sadd.s32 s3, s2  }
0x8d: {  	s2 =	sadd.s32 s2, s16  }
0x8e: {  	[smem:$0x3FAF] =	sst s2  }
0x8f: {  	_ = 	snop  }
0x90: {  	(tm) =	ssettm $0x1  }
0x91: {  	s17 =	sld [smem:$0x3FFB];
	_ =	sdelay $0x3  }
0x92: {  	_ =	strace s17  }
0x93: {  	s2 =	sld [smem:$0x3FFC];
	_ =	sdelay $0x3  }
0x94: {  	_ =	strace s2  }
0x95: {  	s2 =	sld [smem:$0x3FFD];
	_ =	sdelay $0x3  }
0x96: {  	_ =	strace s2  }
0x97: {  	_ =	strace $0x8FFFFFFF  }
0x98: {  	s18 =	sld [smem:$0x3FDB];
	_ =	sdelay $0x1  }
0x99: {  	s19 =	simm.s32 $_scs_section_size  }
0x9a: {  	s4 =	simm.s32 $_size__tile_overlayer_lowered;
	s5 =	simm.s32 $_tile_overlayer_lowered  }
0x9b: {  	s22 =	simm.s32 $0x1BFF;
	s21 =	sshll.u32 s5, $0x1;
	s2 =	sadd.s32 s19, s18  }
0x9c: {  	s6 =	simm.s32 $0x0;
	s20 =	sshll.u32 s4, $0x1;
	s4 =	sadd.s32 s21, s2  }
0x9d: {  	[timem:s6], [sflag:s22] =	dma.local [hbm:s4], s20  }
0x9e: {  	_ =	swait.ge [sflag:s22], s20  }
0x9f: {  	s3 =	ssub.s32 $0x0, s20;
	[sflag:s22] =	ssyncset.done $0x0  }
0xa0: {  	[sflag:s22] =	ssyncadd.s32 s3;
	_ =	sdelay $0x1  }
0xa1: {  	s23 =	simm.s32 $0x1B8B  }
0xa2: {  	_ =	swait.ge [sflag:s23], $0x1  }
0xa3: {  	[sflag:s23] =	ssyncset.done $0x0  }
0xa4: {  	s25 =	simm.s32 $0x1B8E;
	s24 =	sld [smem:$0x3FFE];
	[sflag:s23] =	ssyncadd.s32 $0xFFFFFFFF  }
0xa5: {  	s26 =	simm.s32 $execute0_lowered;
	[smem:$0x3FD2] =	sst s25  }
0xa6: {  	s4 =	sshll.u32 s26, $0x1;
	_ =	strace $0x8000004C;
	[dreg:$0x1] =	wrdreg $0xFFFFFFFF  }
0xa7: {  	s28 =	simm.s32 $_size_execute0_lowered;
	s2 =	sadd.s32 s2, s4;
	[dreg:$0x0] =	wrdreg $0x0  }
0xa8: {  	s4 =	sshll.u32 s28, $0x1;
	[dreg:$0x2] =	wrdreg s2  }
0xa9: {  	[dreg:$0x3] =	wrdreg s4  }
0xaa: {  	[dreg:$0x4] =	wrdreg $0xC0  }
0xab: {  	_ =	task [dreg:s6], $0x5FFFF  }
0xac: {  	[dreg:$0x1] =	wrdreg $0xFFFFFFFF  }
0xad: {  	[dreg:$0x0] =	wrdreg $0x60  }
0xae: {  	[dreg:$0x2] =	wrdreg s24  }
0xaf: {  	[dreg:$0x3] =	wrdreg $0x52000  }
0xb0: {  	[dreg:$0x4] =	wrdreg $0x9  }
0xb1: {  	_ =	task.clear_ibuf [dreg:s6], $0x5FFFF;
	_ =	strace $0x9000004C  }
0xb2: {  	s29 =	simm.s32 $0x9;
	_ =	strace $0x8000004E  }
0xb3: {  	_ =	swait.ge [sflag:s29], $0x1  }
0xb4: {  	[sflag:s29] =	ssyncadd.s32 $0xFFFFFFFF  }
0xb5: {  	_ =	strace $0x9000004E  }
0xb6: {  	_ =	sfence  }
0xb7: {  	s30 =	sld [smem:$0x0];
	_ =	sdelay $0x2  }
0xb8: {  	s31 =	sshll.u32 s1, $0xD;
	s1 =	sshrl.u32 s1, $0x2  }
0xb9: {  	s3 =	sand.u32 $0x4000, s31;
	s1 =	sadd.s32 s1, s30  }
0xba: {  	s0 =	sor.u32 s3, s0;
	s1 =	sshll.u32 s1, $0x11  }
0xbb: {  	s0 =	sor.u32 s1, s0  }
0xbc: {  	s0 =	sadd.s32 $0x8F2B, s0  }
0xbd: {  	[sflag:s0] =	ssyncadd.remote.s32 $0x1  }
0xbe: {  	_ =	sfence.sel $0xFFFF  }
0xbf: {  	[dreg:$0x0] =	wrdreg $0xFFFFFFFF;
	(pc) =	sbr.abs _section_cstart, $3  }
0xc0: {  	[dreg:$0x1] =	wrdreg $0xFFFFFFFF  }
0xc1: {  	_ =	task.clear_ibuf [dreg:s6], $0x2FFFF;
	_ =	strace $0x9FFFFFFF  }
0xc2: {  	(tm) =	ssettm $0x7FFFFFFF  }
0xc3: {  	_ =	shalt  }
tec
execute0_lowered:
.L_overlay_start_1:
0x0: {  	(tag) =	ssettag $0x1  }
0x1: {  	s0 =	rddreg [dreg:$0x0];
	s1 =	srdreg.scid  }
0x2: {  	s2 =	rddreg [dreg:$0x1];
	s11 =	stileid.u32  }
0x3: {  	s3 =	simm.s32 $0x0;
	s28 =	simm.s32 $0x5;
	s29 =	simm.s32 $0x80  }
0x4: {  	s30 =	simm.s32 $0x50;
	s1 =	sand.u32 $0x1, s1;
	s6 =	smul.u32 $0x13800, s11  }
0x5: {  	[smem:$0x7FF] =	sst s3;
	s4 =	sadd.s32 $0x19600, s0;
	s8 =	smul.u32 $0x4E000, s11  }
0x6: {  	s31 =	simm.s32 $0x100;
	s5 =	smul.u32 $0x138800, s1;
	_ =	strace $0x8000004D  }
0x7: {  	s22 =	ssub.s32 $0x2, s1;
	s10 =	sshll.u32 s1, $0x4;
	s1 =	smul.u32 $0x27100, s1  }
0x8: {  	s9 =	sshrl.u32 s22, $0x1;
	s8 =	sshrl.u32 s8, $0x2;
	s6 =	sadd.s32 s6, s5  }
0x9: {  	s23 =	sor.u32 s11, s10;
	s5 =	sadd.s32 $0x5A00, s0;
	s7 =	sshrl.u32 s6, $0x3  }
0xa: {  	s6 =	sadd.s32 $0xF800, s0;
	s0 =	sadd.s32 s7, s0;
	s7 =	sadd.s32 s8, s2  }
0xb: {  	s11 =	smul.u32 $0x2710, s11;
	s9 =	ssub.s32 s22, s9;
	s24 =	sadd.s32 $0x2800, s7  }
0xc: {  	s18 =	smax.u32 s9, $0x1;
	s25 =	sadd.s32 $0x5000, s7;
	[dreg:$0x3] =	wrdreg s24  }
0xd: {  	s17 =	sadd.s32 s11, s1;
	s26 =	sadd.s32 $0x7800, s7;
	[dreg:$0x4] =	wrdreg s25  }
0xe: {  	s1 =	simm.s32 $0x2A00;
	s12 =	sadd.s32 $0xA000, s7;
	[dreg:$0x5] =	wrdreg s26  }
0xf: {  	s9 =	simm.s32 $0x2;
	s13 =	sadd.s32 $0xC800, s7;
	[dreg:$0x6] =	wrdreg s12  }
0x10: {  	s8 =	smul.u32 $0x2710, s23;
	s14 =	sadd.s32 $0xF000, s7;
	[dreg:$0x7] =	wrdreg s13  }
0x11: {  	s11 =	simm.s32 $0x4;
	s15 =	sadd.s32 $0x11800, s7;
	[dreg:$0x8] =	wrdreg s14  }
0x12: {  	s0 =	sadd.s32 $0x40800, s0;
	s8 =	sshrl.u32 s8, $0x3;
	[dreg:$0x9] =	wrdreg s15  }
0x13: {  	[dreg:$0xc] =	wrdreg s0;
	s25 =	sadd.s32 $0xF0, s17;
	s0 =	simm.s32 $0x180  }
0x14: {  	s16 =	sadd.s32 $0x4D8, s8;
	s19 =	sadd.s32 s5, s8;
	s20 =	sadd.s32 s6, s8  }
0x15: {  	s24 =	sadd.s32 $0xA, s8;
	s26 =	sshrl.u32 s25, $0x3;
	s25 =	sadd.s32 $0xA0, s17  }
0x16: {  	s8 =	simm.s32 $0x1;
	s12 =	sadd.s32 s5, s16;
	s10 =	sadd.s32 s6, s16  }
0x17: {  	s21 =	sadd.s32 s5, s24;
	s22 =	sadd.s32 s6, s24;
	s23 =	sadd.s32 s26, s6  }
0x18: {  	s24 =	sadd.s32 s26, s5;
	s26 =	simm.s32 $0x200;
	[dreg:$0xa] =	wrdreg s12  }
0x19: {  	v0 =	vimm.f32 $0.0e+00;
	[dreg:$0xb] =	wrdreg s10;
	s10 =	simm.s32 $0x3;
	s12 =	simm.s32 $0x0  }
.LBB2_1:
0x1a: {  	s13 =	simm.s32 $0x0;
	s14 =	simm.s32 $0x200  }
.LBB2_2:
0x1b: {  	p0 =	sne.s32 s14, $0x9E00;
	[tilespmem:s13+$0x270] =	vst v0  }
0x1c: {  	[tilespmem:s13+$0x200] =	vst v0  }
0x1d: {  	[tilespmem:s13+$0x210] =	vst v0  }
.Ltmp0:
0x1e: {  	[tilespmem:s13+$0x220] =	vst v0;
	(pc) =	sbr.rel @p0 .LBB2_2-.Ltmp0, $4  }
0x1f: {  	[tilespmem:s13+$0x230] =	vst v0  }
0x20: {  	[tilespmem:s13+$0x240] =	vst v0  }
0x21: {  	[tilespmem:s13+$0x250] =	vst v0  }
0x22: {  	[tilespmem:s13+$0x260] =	vst v0;
	s13 =	sshra.s32 s14, $0x2;
	s14 =	sadd.s32 $0x200, s14  }
0x23: {  	[tilespmem:s13+$0x270] =	vst v0  }
0x24: {  	[tilespmem:s13+$0x200] =	vst v0  }
0x25: {  	[tilespmem:s13+$0x210] =	vst v0  }
0x26: {  	[tilespmem:s13+$0x220] =	vst v0  }
0x27: {  	[tilespmem:s13+$0x230] =	vst v0  }
0x28: {  	[tilespmem:s13+$0x240] =	vst v0  }
0x29: {  	[tilespmem:s13+$0x250] =	vst v0  }
0x2a: {  	[tilespmem:s13+$0x260] =	vst v0  }
0x2b: {  	[spmem:s7] =	stream.linear.scatter [tilespmem:s26], [sflag:$0x5], $0x2800, $0x38;
	[tilespmem:$0x18A80] =	vst v63  }
0x2c: {  	_ =	swait.ge [sflag:s28], $0x2800  }
0x2d: {  	[sflag:s28] =	ssyncset.done $0x0  }
0x2e: {  	s15 =	rddreg [dreg:$0x3];
	[sflag:s28] =	ssyncadd.s32 $0xFFFFD800  }
0x2f: {  	[spmem:s15] =	stream.linear.scatter [tilespmem:s26], [sflag:$0x5], $0x2800, $0x38;
	[tilespmem:$0x18A80] =	vst v63  }
0x30: {  	_ =	swait.ge [sflag:s28], $0x2800  }
0x31: {  	[sflag:s28] =	ssyncset.done $0x0  }
0x32: {  	s16 =	rddreg [dreg:$0x4];
	[sflag:s28] =	ssyncadd.s32 $0xFFFFD800  }
0x33: {  	[spmem:s16] =	stream.linear.scatter [tilespmem:s26], [sflag:$0x5], $0x2800, $0x38;
	[tilespmem:$0x18A80] =	vst v63  }
0x34: {  	_ =	swait.ge [sflag:s28], $0x2800  }
0x35: {  	[sflag:s28] =	ssyncset.done $0x0  }
0x36: {  	s17 =	rddreg [dreg:$0x5];
	[sflag:s28] =	ssyncadd.s32 $0xFFFFD800  }
0x37: {  	[spmem:s17] =	stream.linear.scatter [tilespmem:s26], [sflag:$0x5], $0x2800, $0x38;
	[tilespmem:$0x18A80] =	vst v63  }
0x38: {  	_ =	swait.ge [sflag:s28], $0x2800  }
0x39: {  	[sflag:s28] =	ssyncset.done $0x0  }
0x3a: {  	s14 =	rddreg [dreg:$0x6];
	[sflag:s28] =	ssyncadd.s32 $0xFFFFD800  }
0x3b: {  	[spmem:s14] =	stream.linear.scatter [tilespmem:s26], [sflag:$0x5], $0x2800, $0x38;
	[tilespmem:$0x18A80] =	vst v63  }
0x3c: {  	_ =	swait.ge [sflag:s28], $0x2800  }
0x3d: {  	[sflag:s28] =	ssyncset.done $0x0  }
0x3e: {  	s15 =	rddreg [dreg:$0x7];
	[sflag:s28] =	ssyncadd.s32 $0xFFFFD800  }
0x3f: {  	[spmem:s15] =	stream.linear.scatter [tilespmem:s26], [sflag:$0x5], $0x2800, $0x38;
	[tilespmem:$0x18A80] =	vst v63  }
0x40: {  	_ =	swait.ge [sflag:s28], $0x2800  }
0x41: {  	[sflag:s28] =	ssyncset.done $0x0  }
0x42: {  	s16 =	rddreg [dreg:$0x8];
	[sflag:s28] =	ssyncadd.s32 $0xFFFFD800  }
0x43: {  	[spmem:s16] =	stream.linear.scatter [tilespmem:s26], [sflag:$0x5], $0x2800, $0x38;
	[tilespmem:$0x18A80] =	vst v63  }
0x44: {  	_ =	swait.ge [sflag:s28], $0x2800  }
0x45: {  	[sflag:s28] =	ssyncset.done $0x0  }
0x46: {  	s17 =	rddreg [dreg:$0x9];
	[sflag:s28] =	ssyncadd.s32 $0xFFFFD800  }
0x47: {  	[spmem:s17] =	stream.linear.scatter [tilespmem:s26], [sflag:$0x5], $0x2800, $0x38;
	[tilespmem:$0x18A80] =	vst v63  }
0x48: {  	_ =	swait.ge [sflag:s28], $0x2800  }
0x49: {  	[sflag:s28] =	ssyncset.done $0x0  }
0x4a: {  	[sflag:s28] =	ssyncadd.s32 $0xFFFFD800  }
0x4b: {  	s14 =	simm.s32 $0x0;
	[bflag:$0x0] =	sbarrier.arrive $0xFFFF  }
0x4c: {  	[tilespmem:s14], [sflag:$0x5] =	stream.linear.gather [hbm4b:s19+s14], $0x50, $0x38;
	[tilespmem:$0x18A80] =	vst v63  }
0x4d: {  	_ =	swait.ge [sflag:s28], $0x50  }
0x4e: {  	[sflag:s28] =	ssyncset.done $0x0  }
0x4f: {  	[sflag:s28] =	ssyncadd.s32 $0xFFFFFFB0  }
0x50: {  	[tilespmem:s29], [sflag:$0x5] =	stream.linear.gather [hbm4b:s20+s14], $0x50, $0x38;
	[tilespmem:$0x18A80] =	vst v63  }
0x51: {  	_ =	swait.ge [sflag:s28], $0x50  }
0x52: {  	[sflag:s28] =	ssyncset.done $0x0  }
0x53: {  	[sflag:s28] =	ssyncadd.s32 $0xFFFFFFB0  }
0x54: {  	[tilespmem:s26], [sflag:$0x1] =	stream.indirect.gather [hbm4b:s4+s30], $0x80, s14, s30, $0xb8;
	[tilespmem:$0x18A80] =	vst v63  }
0x55: {  	_ = 	snop  }
0x56: {  	[tilespmem:s31], [sflag:$0x5] =	stream.linear.gather [hbm4b:s21+s14], $0x50, $0x38;
	[tilespmem:$0x18A80] =	vst v63  }
0x57: {  	_ =	swait.ge [sflag:s28], $0x50  }
0x58: {  	[sflag:s28] =	ssyncset.done $0x0  }
0x59: {  	[sflag:s28] =	ssyncadd.s32 $0xFFFFFFB0  }
0x5a: {  	[tilespmem:s0], [sflag:$0x5] =	stream.linear.gather [hbm4b:s22+s14], $0x50, $0x38;
	[tilespmem:$0x18A80] =	vst v63  }
0x5b: {  	_ =	swait.ge [sflag:s28], $0x50  }
0x5c: {  	[sflag:s28] =	ssyncset.done $0x0  }
0x5d: {  	[sflag:s28] =	ssyncadd.s32 $0xFFFFFFB0  }
0x5e: {  	[tilespmem:s1], [sflag:$0x2] =	stream.indirect.gather [hbm4b:s4+s30], $0x80, s31, s30, $0xb8;
	[tilespmem:$0x18A80] =	vst v63  }
0x5f: {  	_ =	swait.ge [sflag:s8], $0x2800  }
0x60: {  	[sflag:s8] =	ssyncset.done $0x0  }
0x61: {  	[sflag:s8] =	ssyncadd.s32 $0xFFFFD800  }
0x62: {  	[spmem:s2] =	stream.indirect.scatter.add.f32 [tilespmem:s26], [sflag:$0x3], $0x80, s29, s30, $0xb8;
	[tilespmem:$0x18A80] =	vst v63  }
0x63: {  	_ =	swait.ge [sflag:s9], $0x2800  }
0x64: {  	[sflag:s9] =	ssyncset.done $0x0  }
0x65: {  	[sflag:s9] =	ssyncadd.s32 $0xFFFFD800  }
0x66: {  	[spmem:s2] =	stream.indirect.scatter.add.f32 [tilespmem:s1], [sflag:$0x4], $0x80, s0, s30, $0xb8;
	[tilespmem:$0x18A80] =	vst v63  }
0x67: {  	_ =	swait.ge [sflag:s10], $0x2800  }
0x68: {  	s15 =	sshrl.u32 s25, $0x3;
	[sflag:s10] =	ssyncset.done $0x0  }
0x69: {  	s14 =	sadd.s32 s5, s15;
	[sflag:s10] =	ssyncadd.s32 $0xFFFFD800  }
0x6a: {  	[tilespmem:s3], [sflag:$0x5] =	stream.linear.gather [hbm4b:s14+s3], $0x50, $0x38;
	[tilespmem:$0x18A80] =	vst v63  }
0x6b: {  	_ =	swait.ge [sflag:s28], $0x50  }
0x6c: {  	[sflag:s28] =	ssyncset.done $0x0  }
0x6d: {  	s13 =	sadd.s32 s6, s15;
	[sflag:s28] =	ssyncadd.s32 $0xFFFFFFB0  }
0x6e: {  	[tilespmem:s29], [sflag:$0x5] =	stream.linear.gather [hbm4b:s13+s3], $0x50, $0x38;
	[tilespmem:$0x18A80] =	vst v63  }
0x6f: {  	_ =	swait.ge [sflag:s28], $0x50  }
0x70: {  	[sflag:s28] =	ssyncset.done $0x0  }
0x71: {  	[sflag:s28] =	ssyncadd.s32 $0xFFFFFFB0  }
0x72: {  	[tilespmem:s26], [sflag:$0x1] =	stream.indirect.gather [hbm4b:s4+s30], $0x80, s3, s30, $0xb8;
	[tilespmem:$0x18A80] =	vst v63  }
0x73: {  	_ =	swait.ge [sflag:s11], $0x2800  }
0x74: {  	[sflag:s11] =	ssyncset.done $0x0  }
0x75: {  	s16 =	sadd.s32 $0x0, s24;
	[sflag:s11] =	ssyncadd.s32 $0xFFFFD800  }
0x76: {  	[tilespmem:s31], [sflag:$0x5] =	stream.linear.gather [hbm4b:s16+s3], $0x50, $0x38;
	[tilespmem:$0x18A80] =	vst v63  }
0x77: {  	_ =	swait.ge [sflag:s28], $0x50  }
0x78: {  	[sflag:s28] =	ssyncset.done $0x0  }
0x79: {  	s17 =	sadd.s32 $0x0, s23;
	[sflag:s28] =	ssyncadd.s32 $0xFFFFFFB0  }
0x7a: {  	[tilespmem:s0], [sflag:$0x5] =	stream.linear.gather [hbm4b:s17+s3], $0x50, $0x38;
	[tilespmem:$0x18A80] =	vst v63  }
0x7b: {  	_ =	swait.ge [sflag:s28], $0x50  }
0x7c: {  	[sflag:s28] =	ssyncset.done $0x0  }
0x7d: {  	[sflag:s28] =	ssyncadd.s32 $0xFFFFFFB0  }
0x7e: {  	[tilespmem:s1], [sflag:$0x2] =	stream.indirect.gather [hbm4b:s4+s30], $0x80, s31, s30, $0xb8;
	[tilespmem:$0x18A80] =	vst v63  }
0x7f: {  	_ =	swait.ge [sflag:s8], $0x2800  }
0x80: {  	[sflag:s8] =	ssyncset.done $0x0  }
0x81: {  	[sflag:s8] =	ssyncadd.s32 $0xFFFFD800  }
0x82: {  	[spmem:s2] =	stream.indirect.scatter.add.f32 [tilespmem:s26], [sflag:$0x3], $0x80, s29, s30, $0xb8;
	[tilespmem:$0x18A80] =	vst v63  }
0x83: {  	_ =	swait.ge [sflag:s9], $0x2800  }
0x84: {  	[sflag:s9] =	ssyncset.done $0x0  }
0x85: {  	s14 =	sadd.s32 $0xA0, s25;
	s13 =	simm.s32 $0x14;
	[sflag:s9] =	ssyncadd.s32 $0xFFFFD800  }
.LBB2_4:
0x86: {  	[spmem:s2] =	stream.indirect.scatter.add.f32 [tilespmem:s1], [sflag:$0x4], $0x80, s0, s30, $0xb8;
	[tilespmem:$0x18A80] =	vst v63  }
0x87: {  	s15 =	smov.u32 s13  }
0x88: {  	p0 =	sne.s32 s13, $0x4B0;
	s13 =	sadd.s32 $0x14, s13;
	_ =	swait.ge [sflag:s10], $0x2800  }
0x89: {  	s16 =	sshrl.u32 s14, $0x3;
	[sflag:s10] =	ssyncset.done $0x0  }
0x8a: {  	s17 =	sadd.s32 s5, s16;
	[sflag:s10] =	ssyncadd.s32 $0xFFFFD800  }
0x8b: {  	[tilespmem:s3], [sflag:$0x5] =	stream.linear.gather [hbm4b:s17+s3], $0x50, $0x38;
	[tilespmem:$0x18A80] =	vst v63  }
0x8c: {  	_ =	swait.ge [sflag:s28], $0x50  }
0x8d: {  	[sflag:s28] =	ssyncset.done $0x0  }
0x8e: {  	s16 =	sadd.s32 s6, s16;
	[sflag:s28] =	ssyncadd.s32 $0xFFFFFFB0  }
0x8f: {  	[tilespmem:s29], [sflag:$0x5] =	stream.linear.gather [hbm4b:s16+s3], $0x50, $0x38;
	[tilespmem:$0x18A80] =	vst v63  }
0x90: {  	_ =	swait.ge [sflag:s28], $0x50  }
0x91: {  	[sflag:s28] =	ssyncset.done $0x0  }
0x92: {  	[sflag:s28] =	ssyncadd.s32 $0xFFFFFFB0  }
0x93: {  	[tilespmem:s26], [sflag:$0x1] =	stream.indirect.gather [hbm4b:s4+s30], $0x80, s3, s30, $0xb8;
	[tilespmem:$0x18A80] =	vst v63  }
0x94: {  	_ =	swait.ge [sflag:s11], $0x2800  }
0x95: {  	[sflag:s11] =	ssyncset.done $0x0  }
0x96: {  	s16 =	sadd.s32 s15, s24;
	[sflag:s11] =	ssyncadd.s32 $0xFFFFD800  }
0x97: {  	[tilespmem:s31], [sflag:$0x5] =	stream.linear.gather [hbm4b:s16+s3], $0x50, $0x38;
	[tilespmem:$0x18A80] =	vst v63  }
0x98: {  	_ =	swait.ge [sflag:s28], $0x50  }
0x99: {  	[sflag:s28] =	ssyncset.done $0x0  }
0x9a: {  	s15 =	sadd.s32 s15, s23;
	[sflag:s28] =	ssyncadd.s32 $0xFFFFFFB0  }
0x9b: {  	[tilespmem:s0], [sflag:$0x5] =	stream.linear.gather [hbm4b:s15+s3], $0x50, $0x38;
	[tilespmem:$0x18A80] =	vst v63  }
0x9c: {  	_ =	swait.ge [sflag:s28], $0x50  }
0x9d: {  	[sflag:s28] =	ssyncset.done $0x0  }
0x9e: {  	[sflag:s28] =	ssyncadd.s32 $0xFFFFFFB0  }
0x9f: {  	[tilespmem:s1], [sflag:$0x2] =	stream.indirect.gather [hbm4b:s4+s30], $0x80, s31, s30, $0xb8;
	[tilespmem:$0x18A80] =	vst v63  }
0xa0: {  	_ =	swait.ge [sflag:s8], $0x2800  }
0xa1: {  	[sflag:s8] =	ssyncset.done $0x0  }
.Ltmp1:
0xa2: {  	[sflag:s8] =	ssyncadd.s32 $0xFFFFD800;
	(pc) =	sbr.rel @p0 .LBB2_4-.Ltmp1, $4  }
0xa3: {  	[spmem:s2] =	stream.indirect.scatter.add.f32 [tilespmem:s26], [sflag:$0x3], $0x80, s29, s30, $0xb8;
	[tilespmem:$0x18A80] =	vst v63  }
0xa4: {  	_ =	swait.ge [sflag:s9], $0x2800  }
0xa5: {  	[sflag:s9] =	ssyncset.done $0x0  }
0xa6: {  	s14 =	sadd.s32 $0xA0, s14;
	[sflag:s9] =	ssyncadd.s32 $0xFFFFD800  }
0xa7: {  	[spmem:s2] =	stream.indirect.scatter.add.f32 [tilespmem:s1], [sflag:$0x4], $0x80, s0, s30, $0xb8;
	[tilespmem:$0x18A80] =	vst v63  }
0xa8: {  	_ =	swait.ge [sflag:s10], $0x2800  }
0xa9: {  	[sflag:s10] =	ssyncset.done $0x0  }
0xaa: {  	[sflag:s10] =	ssyncadd.s32 $0xFFFFD800  }
0xab: {  	_ =	swait.ge [sflag:s11], $0x2800  }
0xac: {  	[sflag:s11] =	ssyncset.done $0x0  }
0xad: {  	s13 =	rddreg [dreg:$0xa];
	[sflag:s11] =	ssyncadd.s32 $0xFFFFD800  }
0xae: {  	[tilespmem:s3], [sflag:$0x5] =	stream.linear.gather [hbm4b:s13+s3], $0x50, $0x38;
	[tilespmem:$0x18A80] =	vst v63  }
0xaf: {  	_ =	swait.ge [sflag:s28], $0x50  }
0xb0: {  	[sflag:s28] =	ssyncset.done $0x0  }
0xb1: {  	s16 =	rddreg [dreg:$0xb];
	[sflag:s28] =	ssyncadd.s32 $0xFFFFFFB0  }
0xb2: {  	[tilespmem:s29], [sflag:$0x5] =	stream.linear.gather [hbm4b:s16+s3], $0x50, $0x38;
	[tilespmem:$0x18A80] =	vst v63  }
0xb3: {  	_ =	swait.ge [sflag:s28], $0x50  }
0xb4: {  	[sflag:s28] =	ssyncset.done $0x0  }
0xb5: {  	[sflag:s28] =	ssyncadd.s32 $0xFFFFFFB0  }
0xb6: {  	[tilespmem:s26], [sflag:$0x1] =	stream.indirect.gather [hbm4b:s4+s30], $0x80, s3, s30, $0xb8;
	[tilespmem:$0x18A80] =	vst v63  }
0xb7: {  	_ =	swait.ge [sflag:s8], $0x2800  }
0xb8: {  	[sflag:s8] =	ssyncset.done $0x0  }
0xb9: {  	[sflag:s8] =	ssyncadd.s32 $0xFFFFD800  }
0xba: {  	[spmem:s2] =	stream.indirect.scatter.add.f32 [tilespmem:s26], [sflag:$0x5], $0x80, s29, s30, $0xb8;
	[tilespmem:$0x18A80] =	vst v63  }
0xbb: {  	_ =	swait.ge [sflag:s28], $0x2800  }
0xbc: {  	s17 =	stileid.u32;
	[sflag:s28] =	ssyncset.done $0x0  }
0xbd: {  	s14 =	sshrl.u32 s7, $0x3;
	s12 =	sadd.s32 $0x1, s12;
	[sflag:s28] =	ssyncadd.s32 $0xFFFFD800  }
0xbe: {  	p0 =	sne.s32 s12, s18;
	s13 =	sshll.u32 s17, $0x6;
	[bflag:$0x0] =	sbarrier.arrive $0xFFFF  }
.Ltmp2:
0xbf: {  	s13 =	sor.u32 $0x1C05, s13;
	s15 =	rddreg [dreg:$0xc];
	(pc) =	sbr.rel @p0 .LBB2_1-.Ltmp2, $4  }
0xc0: {  	[hbm:s15], [sflag:s13] =	dma.local [spmem:s14], $0x2800  }
0xc1: {  	_ =	swait.ge [sflag:s28], $0x2800  }
0xc2: {  	[sflag:s28] =	ssyncset.done $0x0  }
0xc3: {  	[sflag:s28] =	ssyncadd.s32 $0xFFFFD800  }
0xc4: {  	_ =	sfence.sel $0x180000  }
0xc5: {  	[bflag:$0x0] =	sbarrier.arrive $0xFFFF  }
0xc6: {  	_ =	strace $0x9000004D  }
0xc7: {  	s0 =	stileid.u32;
	[bflag:$0x2] =	sbarrier.arrive $0xFFFF  }
0xc8: {  	p0 =	sne.s32 s0, $0x0;
	s0 =	rddreg [dreg:$0x2]  }
0xc9: {  	s0 =	sadd.s32 @!p0 $0x100000, s0  }
0xca: {  	[sflag:s0] =	ssyncadd.tile.s32 @!p0 $0x1;
	_ =	shalt  }
.Lfunc_end2:
_tile_overlayer_lowered:
.L_overlay_start_2:
0xcb: {  	(tag) =	ssettag $0x2  }
0xcc: {  	s0 =	rddreg [dreg:$0x0];
	s2 =	stileid.u32  }
0xcd: {  	s1 =	rddreg [dreg:$0x1];
	p0 =	sne.s32 s2, $0x0  }
0xce: {  	s3 =	rddreg [dreg:$0x2];
	[bflag:$0x3] =	sbarrier.arrive $0xFFFF;
	s2 =	simm.s32 @!p0 $0x1C05  }
0xcf: {  	[timem:s3], [sflag:s2] =	dma.local @!p0 [hbm:s0], s1  }
0xd0: {  	s0 =	simm.s32 @!p0 $0x5  }
0xd1: {  	_ =	swait.ge @!p0 [sflag:s0], s1  }
0xd2: {  	s1 =	ssub.s32 @!p0 $0x0, s1;
	[sflag:s0] =	ssyncset.done @!p0 $0x0  }
0xd3: {  	[sflag:s0] =	ssyncadd.s32 @!p0 s1  }
0xd4: {  	[bflag:$0x3] =	sbarrier.arrive $0xFFFF  }
0xd5: {  	_ =	shalt  }

// kernel: kernel.22.cloned.1.call-start
scs
__scs_entry_jumppad:
0x0: {  	(pc) =	sbr.rel $0x88, $3  }
0x1: {  	(tag) =	ssettag $0x0;
	lr =	simm.s32 $0x1  }
0x2: {  	[smem:$0x3F88] =	sst lr;
	_ =	strace $0xD0000000  }
0x3: {  	_ = 	snop  }
0x4: {  	_ = 	snop  }
0x5: {  	_ = 	snop  }
0x6: {  	_ = 	snop  }
0x7: {  	_ = 	snop  }
__scs_overlays_trampoline_lowered:
0x8: {  	[smem:$0x3F97] =	sst s0  }
0x9: {  	[smem:$0x3F98] =	sst s1  }
0xa: {  	[smem:$0x3F99] =	sst s2  }
0xb: {  	[smem:$0x3F9A] =	sst s3  }
0xc: {  	[smem:$0x3F9B] =	sst s4  }
0xd: {  	[smem:$0x3F9C] =	sst s5  }
0xe: {  	[smem:$0x3F9D] =	sst s6  }
0xf: {  	[smem:$0x3F9E] =	sst s7  }
0x10: {  	[smem:$0x3F9F] =	sst s8  }
0x11: {  	[smem:$0x3FA0] =	sst s9;
	s0 =	simm.s32 @!p0 $0x0  }
0x12: {  	s1 =	sld [smem:$0x3F86];
	s0 =	simm.s32 @p0 $0x1  }
0x13: {  	[smem:$0x3FA1] =	sst s0;
	s0 =	simm.s32 @!p1 $0x0  }
0x14: {  	s2 =	sld [smem:$0x3F85];
	s0 =	simm.s32 @p1 $0x1  }
0x15: {  	[smem:$0x3FA2] =	sst s0;
	s0 =	simm.s32 @!p2 $0x0  }
0x16: {  	s3 =	sld [smem:$0x3FDB];
	s0 =	simm.s32 @p2 $0x1  }
0x17: {  	s4 =	simm.s32 $0x1BF5;
	[smem:$0x3FA4] =	sst s0  }
0x18: {  	s0 =	sld [smem:$0x3F87];
	_ =	swait.ge [sflag:s4], $0x0  }
0x19: {  	s7 =	sld [smem:$0x3F88]  }
0x1a: {  	s8 =	sadd.s32 $0xFFFFE003, lr  }
0x1b: {  	s9 =	sadd.s32 $0xFFFFFEF7, lr;
	s5 =	simm.s32 $0xFFFFFFFF;
	p2 =	slt.u32 s8, $0xFFFFF086  }
0x1c: {  	p1 =	slt.u32 s9, $0xF7A;
	s5 =	simm.s32 @!p2 $0x0  }
0x1d: {  	s5 =	simm.s32 @p1 $0x1;
	p0 =	seq.s32 s7, s2  }
0x1e: {  	s7 =	smul.u32 @!p0 $0xF7A, s2;
	p2 =	seq.s32 @!p0 s5, $0x0  }
0x1f: {  	s9 =	smul.u32 $0xF7A, s1;
	s8 =	simm.s32 @!p0 $0x1BF5;
	p2 =	por !p2, p0  }
0x20: {  	[sflag:s8] =	ssyncset.s32 @!p0 $0xFFFFF086;
	s6 =	sadd.s32 @!p0 s3, s7;
	s7 =	simm.s32 @!p0 $0x108  }
0x21: {  	s3 =	sadd.s32 s3, s9;
	s6 =	sadd.s32 @!p0 $0x88, s6;
	s7 =	simm.s32 @p2 $0x1082  }
0x22: {  	[simem:s7], [sflag:s8] =	dma.local @!p0 [hbm:s6], $0xF7A  }
0x23: {  	s9 =	sor.u32 $0xD0000000, s2;
	s6 =	simm.s32 $0x108;
	_ =	swait.ge @!p0 [sflag:s8], $0x0  }
0x24: {  	s3 =	sadd.s32 $0x88, s3;
	s6 =	simm.s32 @!p1 $0x1082;
	[sflag:s4] =	ssyncset.s32 $0xFFFFF086  }
0x25: {  	[simem:s6], [sflag:s4] =	dma.local [hbm:s3], $0xF7A  }
0x26: {  	[smem:$0x3F88] =	sst s1;
	(tag) =	ssettag s2;
	_ =	strace s9  }
0x27: {  	s1 =	sld [smem:$0x3F98]  }
0x28: {  	s2 =	sld [smem:$0x3F99]  }
0x29: {  	s4 =	sld [smem:$0x3F9B]  }
0x2a: {  	p0 =	seq.s32 s5, $0x0;
	s5 =	sld [smem:$0x3F9C]  }
0x2b: {  	s6 =	sld [smem:$0x3F9D]  }
0x2c: {  	s7 =	sld [smem:$0x3F9E]  }
0x2d: {  	s3 =	simm.s32 $0x108;
	s8 =	sld [smem:$0x3F9F]  }
0x2e: {  	s3 =	simm.s32 @!p0 $0x1082;
	s9 =	sld [smem:$0x3FA0]  }
0x2f: {  	lr =	sadd.s32 s0, s3;
	s0 =	sld [smem:$0x3F97]  }
0x30: {  	s3 =	sld [smem:$0x3F9A]  }
0x31: {  	[smem:$0x3FA3] =	sst s10  }
0x32: {  	s10 =	sld [smem:$0x3FA1];
	_ =	sdelay $0x3  }
0x33: {  	p0 =	seq.s32 s10, $0x1;
	s10 =	sld [smem:$0x3FA3];
	_ =	sdelay $0x3  }
0x34: {  	[smem:$0x3FA3] =	sst s10  }
0x35: {  	s10 =	sld [smem:$0x3FA2];
	_ =	sdelay $0x3  }
0x36: {  	p1 =	seq.s32 s10, $0x1;
	s10 =	sld [smem:$0x3FA3];
	_ =	sdelay $0x3  }
0x37: {  	[smem:$0x3FA3] =	sst s10  }
0x38: {  	s10 =	sld [smem:$0x3FA4]  }
0x39: {  	_ = 	snop;
	(pc) =	sbr.ind lr, $3  }
0x3a: {  	_ = 	snop  }
0x3b: {  	_ = 	snop  }
0x3c: {  	p2 =	seq.s32 s10, $0x1;
	s10 =	sld [smem:$0x3FA3]  }
0x3d: {  	_ =	shalt  }
0x3e: {  	_ =	shalt  }
0x3f: {  	_ =	shalt  }
0x40: {  	_ =	shalt  }
0x41: {  	_ =	shalt  }
0x42: {  	_ =	shalt  }
0x43: {  	_ =	shalt  }
0x44: {  	_ =	shalt  }
0x45: {  	_ =	shalt  }
0x46: {  	_ =	shalt  }
0x47: {  	_ =	shalt  }
0x48: {  	_ =	shalt  }
0x49: {  	_ =	shalt  }
0x4a: {  	_ =	shalt  }
0x4b: {  	_ =	shalt  }
0x4c: {  	_ =	shalt  }
0x4d: {  	_ =	shalt  }
0x4e: {  	_ =	shalt  }
0x4f: {  	_ =	shalt  }
0x50: {  	_ =	shalt  }
0x51: {  	_ =	shalt  }
0x52: {  	_ =	shalt  }
0x53: {  	_ =	shalt  }
0x54: {  	_ =	shalt  }
0x55: {  	_ =	shalt  }
0x56: {  	_ =	shalt  }
0x57: {  	_ =	shalt  }
0x58: {  	_ =	shalt  }
0x59: {  	_ =	shalt  }
0x5a: {  	_ =	shalt  }
0x5b: {  	_ =	shalt  }
0x5c: {  	_ =	shalt  }
0x5d: {  	_ =	shalt  }
0x5e: {  	_ =	shalt  }
0x5f: {  	_ =	shalt  }
0x60: {  	_ =	shalt  }
0x61: {  	_ =	shalt  }
0x62: {  	_ =	shalt  }
0x63: {  	_ =	shalt  }
0x64: {  	_ =	shalt  }
0x65: {  	_ =	shalt  }
0x66: {  	_ =	shalt  }
0x67: {  	_ =	shalt  }
0x68: {  	_ =	shalt  }
0x69: {  	_ =	shalt  }
0x6a: {  	_ =	shalt  }
0x6b: {  	_ =	shalt  }
0x6c: {  	_ =	shalt  }
0x6d: {  	_ =	shalt  }
0x6e: {  	_ =	shalt  }
0x6f: {  	_ =	shalt  }
0x70: {  	_ =	shalt  }
0x71: {  	_ =	shalt  }
0x72: {  	_ =	shalt  }
0x73: {  	_ =	shalt  }
0x74: {  	_ =	shalt  }
0x75: {  	_ =	shalt  }
0x76: {  	_ =	shalt  }
0x77: {  	_ =	shalt  }
0x78: {  	_ =	shalt  }
0x79: {  	_ =	shalt  }
0x7a: {  	_ =	shalt  }
0x7b: {  	_ =	shalt  }
0x7c: {  	_ =	shalt  }
0x7d: {  	_ =	shalt  }
0x7e: {  	_ =	shalt  }
0x7f: {  	_ =	shalt  }
0x80: {  	_ =	shalt  }
0x81: {  	_ =	shalt  }
0x82: {  	_ =	shalt  }
0x83: {  	_ =	shalt  }
0x84: {  	_ =	shalt  }
0x85: {  	_ =	shalt  }
0x86: {  	_ =	shalt  }
0x87: {  	_ =	shalt  }
.Lfunc_end0:
.L_simem_size_0:
called_computation.3_lowered:
.L_overlay_start_0:
0x88: {  	s2 =	sld [smem:$0x3FD9]  }
0x89: {  	s3 =	sld [smem:$0x3FFE];
	_ =	sdelay $0x1  }
0x8a: {  	s1 =	srdreg.scid  }
0x8b: {  	s0 =	sand.u32 $0x1, s1  }
0x8c: {  	s16 =	sshll.u32 s0, $0xA;
	s2 =	sadd.s32 s3, s2  }
0x8d: {  	s2 =	sadd.s32 s2, s16  }
0x8e: {  	[smem:$0x3FAF] =	sst s2  }
0x8f: {  	_ = 	snop  }
0x90: {  	(tm) =	ssettm $0x1  }
0x91: {  	s17 =	sld [smem:$0x3FFB];
	_ =	sdelay $0x3  }
0x92: {  	_ =	strace s17  }
0x93: {  	s2 =	sld [smem:$0x3FFC];
	_ =	sdelay $0x3  }
0x94: {  	_ =	strace s2  }
0x95: {  	s2 =	sld [smem:$0x3FFD];
	_ =	sdelay $0x3  }
0x96: {  	_ =	strace s2  }
0x97: {  	_ =	strace $0x8FFFFFFF  }
0x98: {  	s18 =	sld [smem:$0x3FDB];
	_ =	sdelay $0x1  }
0x99: {  	s19 =	simm.s32 $_scs_section_size  }
0x9a: {  	s4 =	simm.s32 $_size__tile_overlayer_lowered;
	s5 =	simm.s32 $_tile_overlayer_lowered  }
0x9b: {  	s22 =	simm.s32 $0x1BFF;
	s21 =	sshll.u32 s5, $0x1;
	s2 =	sadd.s32 s19, s18  }
0x9c: {  	s6 =	simm.s32 $0x0;
	s20 =	sshll.u32 s4, $0x1;
	s4 =	sadd.s32 s21, s2  }
0x9d: {  	[timem:s6], [sflag:s22] =	dma.local [hbm:s4], s20  }
0x9e: {  	_ =	swait.ge [sflag:s22], s20  }
0x9f: {  	s3 =	ssub.s32 $0x0, s20;
	[sflag:s22] =	ssyncset.done $0x0  }
0xa0: {  	[sflag:s22] =	ssyncadd.s32 s3;
	_ =	sdelay $0x1  }
0xa1: {  	s23 =	simm.s32 $0x1B8B  }
0xa2: {  	_ =	swait.ge [sflag:s23], $0x1  }
0xa3: {  	[sflag:s23] =	ssyncset.done $0x0  }
0xa4: {  	s25 =	simm.s32 $0x1B8E;
	s24 =	sld [smem:$0x3FFE];
	[sflag:s23] =	ssyncadd.s32 $0xFFFFFFFF  }
0xa5: {  	s26 =	simm.s32 $execute0_lowered;
	[smem:$0x3FD2] =	sst s25  }
0xa6: {  	s4 =	sshll.u32 s26, $0x1;
	_ =	strace $0x8000004F;
	[dreg:$0x1] =	wrdreg $0xFFFFFFFF  }
0xa7: {  	s28 =	simm.s32 $_size_execute0_lowered;
	s2 =	sadd.s32 s2, s4;
	[dreg:$0x0] =	wrdreg $0x0  }
0xa8: {  	s4 =	sshll.u32 s28, $0x1;
	[dreg:$0x2] =	wrdreg s2  }
0xa9: {  	[dreg:$0x3] =	wrdreg s4  }
0xaa: {  	[dreg:$0x4] =	wrdreg $0xC0  }
0xab: {  	_ =	task [dreg:s6], $0x5FFFF  }
0xac: {  	[dreg:$0x1] =	wrdreg $0xFFFFFFFF  }
0xad: {  	[dreg:$0x0] =	wrdreg $0x60  }
0xae: {  	[dreg:$0x2] =	wrdreg s24  }
0xaf: {  	[dreg:$0x3] =	wrdreg $0x52000  }
0xb0: {  	[dreg:$0x4] =	wrdreg $0x9  }
0xb1: {  	_ =	task.clear_ibuf [dreg:s6], $0x5FFFF;
	_ =	strace $0x9000004F  }
0xb2: {  	s29 =	simm.s32 $0x9;
	_ =	strace $0x80000051  }
0xb3: {  	_ =	swait.ge [sflag:s29], $0x1  }
0xb4: {  	[sflag:s29] =	ssyncadd.s32 $0xFFFFFFFF  }
0xb5: {  	_ =	strace $0x90000051  }
0xb6: {  	_ =	sfence  }
0xb7: {  	s30 =	sld [smem:$0x0];
	_ =	sdelay $0x2  }
0xb8: {  	s31 =	sshll.u32 s1, $0xD;
	s1 =	sshrl.u32 s1, $0x2  }
0xb9: {  	s3 =	sand.u32 $0x4000, s31;
	s1 =	sadd.s32 s1, s30  }
0xba: {  	s0 =	sor.u32 s3, s0;
	s1 =	sshll.u32 s1, $0x11  }
0xbb: {  	s0 =	sor.u32 s1, s0  }
0xbc: {  	s0 =	sadd.s32 $0x8F2B, s0  }
0xbd: {  	[sflag:s0] =	ssyncadd.remote.s32 $0x1  }
0xbe: {  	_ =	sfence.sel $0xFFFF  }
0xbf: {  	[dreg:$0x0] =	wrdreg $0xFFFFFFFF;
	(pc) =	sbr.abs _section_cstart, $3  }
0xc0: {  	[dreg:$0x1] =	wrdreg $0xFFFFFFFF  }
0xc1: {  	_ =	task.clear_ibuf [dreg:s6], $0x2FFFF;
	_ =	strace $0x9FFFFFFF  }
0xc2: {  	(tm) =	ssettm $0x7FFFFFFF  }
0xc3: {  	_ =	shalt  }
tec
execute0_lowered:
.L_overlay_start_1:
0x0: {  	(tag) =	ssettag $0x1  }
0x1: {  	s0 =	rddreg [dreg:$0x0];
	s1 =	srdreg.scid  }
0x2: {  	s2 =	rddreg [dreg:$0x1];
	s11 =	stileid.u32  }
0x3: {  	s3 =	simm.s32 $0x0;
	s28 =	simm.s32 $0x5;
	s29 =	simm.s32 $0x80  }
0x4: {  	s30 =	simm.s32 $0x50;
	s1 =	sand.u32 $0x1, s1;
	s6 =	smul.u32 $0x13800, s11  }
0x5: {  	[smem:$0x7FF] =	sst s3;
	s4 =	sadd.s32 $0x19600, s0;
	s8 =	smul.u32 $0x4E000, s11  }
0x6: {  	s31 =	simm.s32 $0x100;
	s5 =	smul.u32 $0x138800, s1;
	_ =	strace $0x80000050  }
0x7: {  	s22 =	ssub.s32 $0x2, s1;
	s10 =	sshll.u32 s1, $0x4;
	s1 =	smul.u32 $0x27100, s1  }
0x8: {  	s9 =	sshrl.u32 s22, $0x1;
	s8 =	sshrl.u32 s8, $0x2;
	s6 =	sadd.s32 s6, s5  }
0x9: {  	s23 =	sor.u32 s11, s10;
	s5 =	sadd.s32 $0x5A00, s0;
	s7 =	sshrl.u32 s6, $0x3  }
0xa: {  	s6 =	sadd.s32 $0xF800, s0;
	s0 =	sadd.s32 s7, s0;
	s7 =	sadd.s32 s8, s2  }
0xb: {  	s11 =	smul.u32 $0x2710, s11;
	s9 =	ssub.s32 s22, s9;
	s24 =	sadd.s32 $0x2800, s7  }
0xc: {  	s18 =	smax.u32 s9, $0x1;
	s25 =	sadd.s32 $0x5000, s7;
	[dreg:$0x3] =	wrdreg s24  }
0xd: {  	s17 =	sadd.s32 s11, s1;
	s26 =	sadd.s32 $0x7800, s7;
	[dreg:$0x4] =	wrdreg s25  }
0xe: {  	s1 =	simm.s32 $0x2A00;
	s12 =	sadd.s32 $0xA000, s7;
	[dreg:$0x5] =	wrdreg s26  }
0xf: {  	s9 =	simm.s32 $0x2;
	s13 =	sadd.s32 $0xC800, s7;
	[dreg:$0x6] =	wrdreg s12  }
0x10: {  	s8 =	smul.u32 $0x2710, s23;
	s14 =	sadd.s32 $0xF000, s7;
	[dreg:$0x7] =	wrdreg s13  }
0x11: {  	s11 =	simm.s32 $0x4;
	s15 =	sadd.s32 $0x11800, s7;
	[dreg:$0x8] =	wrdreg s14  }
0x12: {  	s0 =	sadd.s32 $0x40800, s0;
	s8 =	sshrl.u32 s8, $0x3;
	[dreg:$0x9] =	wrdreg s15  }
0x13: {  	[dreg:$0xc] =	wrdreg s0;
	s25 =	sadd.s32 $0xF0, s17;
	s0 =	simm.s32 $0x180  }
0x14: {  	s16 =	sadd.s32 $0x4D8, s8;
	s19 =	sadd.s32 s5, s8;
	s20 =	sadd.s32 s6, s8  }
0x15: {  	s24 =	sadd.s32 $0xA, s8;
	s26 =	sshrl.u32 s25, $0x3;
	s25 =	sadd.s32 $0xA0, s17  }
0x16: {  	s8 =	simm.s32 $0x1;
	s12 =	sadd.s32 s5, s16;
	s10 =	sadd.s32 s6, s16  }
0x17: {  	s21 =	sadd.s32 s5, s24;
	s22 =	sadd.s32 s6, s24;
	s23 =	sadd.s32 s26, s6  }
0x18: {  	s24 =	sadd.s32 s26, s5;
	s26 =	simm.s32 $0x200;
	[dreg:$0xa] =	wrdreg s12  }
0x19: {  	v0 =	vimm.f32 $0.0e+00;
	[dreg:$0xb] =	wrdreg s10;
	s10 =	simm.s32 $0x3;
	s12 =	simm.s32 $0x0  }
.LBB2_1:
0x1a: {  	s13 =	simm.s32 $0x0;
	s14 =	simm.s32 $0x200  }
.LBB2_2:
0x1b: {  	p0 =	sne.s32 s14, $0x9E00;
	[tilespmem:s13+$0x270] =	vst v0  }
0x1c: {  	[tilespmem:s13+$0x200] =	vst v0  }
0x1d: {  	[tilespmem:s13+$0x210] =	vst v0  }
.Ltmp0:
0x1e: {  	[tilespmem:s13+$0x220] =	vst v0;
	(pc) =	sbr.rel @p0 .LBB2_2-.Ltmp0, $4  }
0x1f: {  	[tilespmem:s13+$0x230] =	vst v0  }
0x20: {  	[tilespmem:s13+$0x240] =	vst v0  }
0x21: {  	[tilespmem:s13+$0x250] =	vst v0  }
0x22: {  	[tilespmem:s13+$0x260] =	vst v0;
	s13 =	sshra.s32 s14, $0x2;
	s14 =	sadd.s32 $0x200, s14  }
0x23: {  	[tilespmem:s13+$0x270] =	vst v0  }
0x24: {  	[tilespmem:s13+$0x200] =	vst v0  }
0x25: {  	[tilespmem:s13+$0x210] =	vst v0  }
0x26: {  	[tilespmem:s13+$0x220] =	vst v0  }
0x27: {  	[tilespmem:s13+$0x230] =	vst v0  }
0x28: {  	[tilespmem:s13+$0x240] =	vst v0  }
0x29: {  	[tilespmem:s13+$0x250] =	vst v0  }
0x2a: {  	[tilespmem:s13+$0x260] =	vst v0  }
0x2b: {  	[spmem:s7] =	stream.linear.scatter [tilespmem:s26], [sflag:$0x5], $0x2800, $0x38;
	[tilespmem:$0x18A80] =	vst v63  }
0x2c: {  	_ =	swait.ge [sflag:s28], $0x2800  }
0x2d: {  	[sflag:s28] =	ssyncset.done $0x0  }
0x2e: {  	s15 =	rddreg [dreg:$0x3];
	[sflag:s28] =	ssyncadd.s32 $0xFFFFD800  }
0x2f: {  	[spmem:s15] =	stream.linear.scatter [tilespmem:s26], [sflag:$0x5], $0x2800, $0x38;
	[tilespmem:$0x18A80] =	vst v63  }
0x30: {  	_ =	swait.ge [sflag:s28], $0x2800  }
0x31: {  	[sflag:s28] =	ssyncset.done $0x0  }
0x32: {  	s16 =	rddreg [dreg:$0x4];
	[sflag:s28] =	ssyncadd.s32 $0xFFFFD800  }
0x33: {  	[spmem:s16] =	stream.linear.scatter [tilespmem:s26], [sflag:$0x5], $0x2800, $0x38;
	[tilespmem:$0x18A80] =	vst v63  }
0x34: {  	_ =	swait.ge [sflag:s28], $0x2800  }
0x35: {  	[sflag:s28] =	ssyncset.done $0x0  }
0x36: {  	s17 =	rddreg [dreg:$0x5];
	[sflag:s28] =	ssyncadd.s32 $0xFFFFD800  }
0x37: {  	[spmem:s17] =	stream.linear.scatter [tilespmem:s26], [sflag:$0x5], $0x2800, $0x38;
	[tilespmem:$0x18A80] =	vst v63  }
0x38: {  	_ =	swait.ge [sflag:s28], $0x2800  }
0x39: {  	[sflag:s28] =	ssyncset.done $0x0  }
0x3a: {  	s14 =	rddreg [dreg:$0x6];
	[sflag:s28] =	ssyncadd.s32 $0xFFFFD800  }
0x3b: {  	[spmem:s14] =	stream.linear.scatter [tilespmem:s26], [sflag:$0x5], $0x2800, $0x38;
	[tilespmem:$0x18A80] =	vst v63  }
0x3c: {  	_ =	swait.ge [sflag:s28], $0x2800  }
0x3d: {  	[sflag:s28] =	ssyncset.done $0x0  }
0x3e: {  	s15 =	rddreg [dreg:$0x7];
	[sflag:s28] =	ssyncadd.s32 $0xFFFFD800  }
0x3f: {  	[spmem:s15] =	stream.linear.scatter [tilespmem:s26], [sflag:$0x5], $0x2800, $0x38;
	[tilespmem:$0x18A80] =	vst v63  }
0x40: {  	_ =	swait.ge [sflag:s28], $0x2800  }
0x41: {  	[sflag:s28] =	ssyncset.done $0x0  }
0x42: {  	s16 =	rddreg [dreg:$0x8];
	[sflag:s28] =	ssyncadd.s32 $0xFFFFD800  }
0x43: {  	[spmem:s16] =	stream.linear.scatter [tilespmem:s26], [sflag:$0x5], $0x2800, $0x38;
	[tilespmem:$0x18A80] =	vst v63  }
0x44: {  	_ =	swait.ge [sflag:s28], $0x2800  }
0x45: {  	[sflag:s28] =	ssyncset.done $0x0  }
0x46: {  	s17 =	rddreg [dreg:$0x9];
	[sflag:s28] =	ssyncadd.s32 $0xFFFFD800  }
0x47: {  	[spmem:s17] =	stream.linear.scatter [tilespmem:s26], [sflag:$0x5], $0x2800, $0x38;
	[tilespmem:$0x18A80] =	vst v63  }
0x48: {  	_ =	swait.ge [sflag:s28], $0x2800  }
0x49: {  	[sflag:s28] =	ssyncset.done $0x0  }
0x4a: {  	[sflag:s28] =	ssyncadd.s32 $0xFFFFD800  }
0x4b: {  	s14 =	simm.s32 $0x0;
	[bflag:$0x0] =	sbarrier.arrive $0xFFFF  }
0x4c: {  	[tilespmem:s14], [sflag:$0x5] =	stream.linear.gather [hbm4b:s19+s14], $0x50, $0x38;
	[tilespmem:$0x18A80] =	vst v63  }
0x4d: {  	_ =	swait.ge [sflag:s28], $0x50  }
0x4e: {  	[sflag:s28] =	ssyncset.done $0x0  }
0x4f: {  	[sflag:s28] =	ssyncadd.s32 $0xFFFFFFB0  }
0x50: {  	[tilespmem:s29], [sflag:$0x5] =	stream.linear.gather [hbm4b:s20+s14], $0x50, $0x38;
	[tilespmem:$0x18A80] =	vst v63  }
0x51: {  	_ =	swait.ge [sflag:s28], $0x50  }
0x52: {  	[sflag:s28] =	ssyncset.done $0x0  }
0x53: {  	[sflag:s28] =	ssyncadd.s32 $0xFFFFFFB0  }
0x54: {  	[tilespmem:s26], [sflag:$0x1] =	stream.indirect.gather [hbm4b:s4+s30], $0x80, s14, s30, $0xb8;
	[tilespmem:$0x18A80] =	vst v63  }
0x55: {  	_ = 	snop  }
0x56: {  	[tilespmem:s31], [sflag:$0x5] =	stream.linear.gather [hbm4b:s21+s14], $0x50, $0x38;
	[tilespmem:$0x18A80] =	vst v63  }
0x57: {  	_ =	swait.ge [sflag:s28], $0x50  }
0x58: {  	[sflag:s28] =	ssyncset.done $0x0  }
0x59: {  	[sflag:s28] =	ssyncadd.s32 $0xFFFFFFB0  }
0x5a: {  	[tilespmem:s0], [sflag:$0x5] =	stream.linear.gather [hbm4b:s22+s14], $0x50, $0x38;
	[tilespmem:$0x18A80] =	vst v63  }
0x5b: {  	_ =	swait.ge [sflag:s28], $0x50  }
0x5c: {  	[sflag:s28] =	ssyncset.done $0x0  }
0x5d: {  	[sflag:s28] =	ssyncadd.s32 $0xFFFFFFB0  }
0x5e: {  	[tilespmem:s1], [sflag:$0x2] =	stream.indirect.gather [hbm4b:s4+s30], $0x80, s31, s30, $0xb8;
	[tilespmem:$0x18A80] =	vst v63  }
0x5f: {  	_ =	swait.ge [sflag:s8], $0x2800  }
0x60: {  	[sflag:s8] =	ssyncset.done $0x0  }
0x61: {  	[sflag:s8] =	ssyncadd.s32 $0xFFFFD800  }
0x62: {  	[spmem:s2] =	stream.indirect.scatter.add.f32 [tilespmem:s26], [sflag:$0x3], $0x80, s29, s30, $0xb8;
	[tilespmem:$0x18A80] =	vst v63  }
0x63: {  	_ =	swait.ge [sflag:s9], $0x2800  }
0x64: {  	[sflag:s9] =	ssyncset.done $0x0  }
0x65: {  	[sflag:s9] =	ssyncadd.s32 $0xFFFFD800  }
0x66: {  	[spmem:s2] =	stream.indirect.scatter.add.f32 [tilespmem:s1], [sflag:$0x4], $0x80, s0, s30, $0xb8;
	[tilespmem:$0x18A80] =	vst v63  }
0x67: {  	_ =	swait.ge [sflag:s10], $0x2800  }
0x68: {  	s15 =	sshrl.u32 s25, $0x3;
	[sflag:s10] =	ssyncset.done $0x0  }
0x69: {  	s14 =	sadd.s32 s5, s15;
	[sflag:s10] =	ssyncadd.s32 $0xFFFFD800  }
0x6a: {  	[tilespmem:s3], [sflag:$0x5] =	stream.linear.gather [hbm4b:s14+s3], $0x50, $0x38;
	[tilespmem:$0x18A80] =	vst v63  }
0x6b: {  	_ =	swait.ge [sflag:s28], $0x50  }
0x6c: {  	[sflag:s28] =	ssyncset.done $0x0  }
0x6d: {  	s13 =	sadd.s32 s6, s15;
	[sflag:s28] =	ssyncadd.s32 $0xFFFFFFB0  }
0x6e: {  	[tilespmem:s29], [sflag:$0x5] =	stream.linear.gather [hbm4b:s13+s3], $0x50, $0x38;
	[tilespmem:$0x18A80] =	vst v63  }
0x6f: {  	_ =	swait.ge [sflag:s28], $0x50  }
0x70: {  	[sflag:s28] =	ssyncset.done $0x0  }
0x71: {  	[sflag:s28] =	ssyncadd.s32 $0xFFFFFFB0  }
0x72: {  	[tilespmem:s26], [sflag:$0x1] =	stream.indirect.gather [hbm4b:s4+s30], $0x80, s3, s30, $0xb8;
	[tilespmem:$0x18A80] =	vst v63  }
0x73: {  	_ =	swait.ge [sflag:s11], $0x2800  }
0x74: {  	[sflag:s11] =	ssyncset.done $0x0  }
0x75: {  	s16 =	sadd.s32 $0x0, s24;
	[sflag:s11] =	ssyncadd.s32 $0xFFFFD800  }
0x76: {  	[tilespmem:s31], [sflag:$0x5] =	stream.linear.gather [hbm4b:s16+s3], $0x50, $0x38;
	[tilespmem:$0x18A80] =	vst v63  }
0x77: {  	_ =	swait.ge [sflag:s28], $0x50  }
0x78: {  	[sflag:s28] =	ssyncset.done $0x0  }
0x79: {  	s17 =	sadd.s32 $0x0, s23;
	[sflag:s28] =	ssyncadd.s32 $0xFFFFFFB0  }
0x7a: {  	[tilespmem:s0], [sflag:$0x5] =	stream.linear.gather [hbm4b:s17+s3], $0x50, $0x38;
	[tilespmem:$0x18A80] =	vst v63  }
0x7b: {  	_ =	swait.ge [sflag:s28], $0x50  }
0x7c: {  	[sflag:s28] =	ssyncset.done $0x0  }
0x7d: {  	[sflag:s28] =	ssyncadd.s32 $0xFFFFFFB0  }
0x7e: {  	[tilespmem:s1], [sflag:$0x2] =	stream.indirect.gather [hbm4b:s4+s30], $0x80, s31, s30, $0xb8;
	[tilespmem:$0x18A80] =	vst v63  }
0x7f: {  	_ =	swait.ge [sflag:s8], $0x2800  }
0x80: {  	[sflag:s8] =	ssyncset.done $0x0  }
0x81: {  	[sflag:s8] =	ssyncadd.s32 $0xFFFFD800  }
0x82: {  	[spmem:s2] =	stream.indirect.scatter.add.f32 [tilespmem:s26], [sflag:$0x3], $0x80, s29, s30, $0xb8;
	[tilespmem:$0x18A80] =	vst v63  }
0x83: {  	_ =	swait.ge [sflag:s9], $0x2800  }
0x84: {  	[sflag:s9] =	ssyncset.done $0x0  }
0x85: {  	s14 =	sadd.s32 $0xA0, s25;
	s13 =	simm.s32 $0x14;
	[sflag:s9] =	ssyncadd.s32 $0xFFFFD800  }
.LBB2_4:
0x86: {  	[spmem:s2] =	stream.indirect.scatter.add.f32 [tilespmem:s1], [sflag:$0x4], $0x80, s0, s30, $0xb8;
	[tilespmem:$0x18A80] =	vst v63  }
0x87: {  	s15 =	smov.u32 s13  }
0x88: {  	p0 =	sne.s32 s13, $0x4B0;
	s13 =	sadd.s32 $0x14, s13;
	_ =	swait.ge [sflag:s10], $0x2800  }
0x89: {  	s16 =	sshrl.u32 s14, $0x3;
	[sflag:s10] =	ssyncset.done $0x0  }
0x8a: {  	s17 =	sadd.s32 s5, s16;
	[sflag:s10] =	ssyncadd.s32 $0xFFFFD800  }
0x8b: {  	[tilespmem:s3], [sflag:$0x5] =	stream.linear.gather [hbm4b:s17+s3], $0x50, $0x38;
	[tilespmem:$0x18A80] =	vst v63  }
0x8c: {  	_ =	swait.ge [sflag:s28], $0x50  }
0x8d: {  	[sflag:s28] =	ssyncset.done $0x0  }
0x8e: {  	s16 =	sadd.s32 s6, s16;
	[sflag:s28] =	ssyncadd.s32 $0xFFFFFFB0  }
0x8f: {  	[tilespmem:s29], [sflag:$0x5] =	stream.linear.gather [hbm4b:s16+s3], $0x50, $0x38;
	[tilespmem:$0x18A80] =	vst v63  }
0x90: {  	_ =	swait.ge [sflag:s28], $0x50  }
0x91: {  	[sflag:s28] =	ssyncset.done $0x0  }
0x92: {  	[sflag:s28] =	ssyncadd.s32 $0xFFFFFFB0  }
0x93: {  	[tilespmem:s26], [sflag:$0x1] =	stream.indirect.gather [hbm4b:s4+s30], $0x80, s3, s30, $0xb8;
	[tilespmem:$0x18A80] =	vst v63  }
0x94: {  	_ =	swait.ge [sflag:s11], $0x2800  }
0x95: {  	[sflag:s11] =	ssyncset.done $0x0  }
0x96: {  	s16 =	sadd.s32 s15, s24;
	[sflag:s11] =	ssyncadd.s32 $0xFFFFD800  }
0x97: {  	[tilespmem:s31], [sflag:$0x5] =	stream.linear.gather [hbm4b:s16+s3], $0x50, $0x38;
	[tilespmem:$0x18A80] =	vst v63  }
0x98: {  	_ =	swait.ge [sflag:s28], $0x50  }
0x99: {  	[sflag:s28] =	ssyncset.done $0x0  }
0x9a: {  	s15 =	sadd.s32 s15, s23;
	[sflag:s28] =	ssyncadd.s32 $0xFFFFFFB0  }
0x9b: {  	[tilespmem:s0], [sflag:$0x5] =	stream.linear.gather [hbm4b:s15+s3], $0x50, $0x38;
	[tilespmem:$0x18A80] =	vst v63  }
0x9c: {  	_ =	swait.ge [sflag:s28], $0x50  }
0x9d: {  	[sflag:s28] =	ssyncset.done $0x0  }
0x9e: {  	[sflag:s28] =	ssyncadd.s32 $0xFFFFFFB0  }
0x9f: {  	[tilespmem:s1], [sflag:$0x2] =	stream.indirect.gather [hbm4b:s4+s30], $0x80, s31, s30, $0xb8;
	[tilespmem:$0x18A80] =	vst v63  }
0xa0: {  	_ =	swait.ge [sflag:s8], $0x2800  }
0xa1: {  	[sflag:s8] =	ssyncset.done $0x0  }
.Ltmp1:
0xa2: {  	[sflag:s8] =	ssyncadd.s32 $0xFFFFD800;
	(pc) =	sbr.rel @p0 .LBB2_4-.Ltmp1, $4  }
0xa3: {  	[spmem:s2] =	stream.indirect.scatter.add.f32 [tilespmem:s26], [sflag:$0x3], $0x80, s29, s30, $0xb8;
	[tilespmem:$0x18A80] =	vst v63  }
0xa4: {  	_ =	swait.ge [sflag:s9], $0x2800  }
0xa5: {  	[sflag:s9] =	ssyncset.done $0x0  }
0xa6: {  	s14 =	sadd.s32 $0xA0, s14;
	[sflag:s9] =	ssyncadd.s32 $0xFFFFD800  }
0xa7: {  	[spmem:s2] =	stream.indirect.scatter.add.f32 [tilespmem:s1], [sflag:$0x4], $0x80, s0, s30, $0xb8;
	[tilespmem:$0x18A80] =	vst v63  }
0xa8: {  	_ =	swait.ge [sflag:s10], $0x2800  }
0xa9: {  	[sflag:s10] =	ssyncset.done $0x0  }
0xaa: {  	[sflag:s10] =	ssyncadd.s32 $0xFFFFD800  }
0xab: {  	_ =	swait.ge [sflag:s11], $0x2800  }
0xac: {  	[sflag:s11] =	ssyncset.done $0x0  }
0xad: {  	s13 =	rddreg [dreg:$0xa];
	[sflag:s11] =	ssyncadd.s32 $0xFFFFD800  }
0xae: {  	[tilespmem:s3], [sflag:$0x5] =	stream.linear.gather [hbm4b:s13+s3], $0x50, $0x38;
	[tilespmem:$0x18A80] =	vst v63  }
0xaf: {  	_ =	swait.ge [sflag:s28], $0x50  }
0xb0: {  	[sflag:s28] =	ssyncset.done $0x0  }
0xb1: {  	s16 =	rddreg [dreg:$0xb];
	[sflag:s28] =	ssyncadd.s32 $0xFFFFFFB0  }
0xb2: {  	[tilespmem:s29], [sflag:$0x5] =	stream.linear.gather [hbm4b:s16+s3], $0x50, $0x38;
	[tilespmem:$0x18A80] =	vst v63  }
0xb3: {  	_ =	swait.ge [sflag:s28], $0x50  }
0xb4: {  	[sflag:s28] =	ssyncset.done $0x0  }
0xb5: {  	[sflag:s28] =	ssyncadd.s32 $0xFFFFFFB0  }
0xb6: {  	[tilespmem:s26], [sflag:$0x1] =	stream.indirect.gather [hbm4b:s4+s30], $0x80, s3, s30, $0xb8;
	[tilespmem:$0x18A80] =	vst v63  }
0xb7: {  	_ =	swait.ge [sflag:s8], $0x2800  }
0xb8: {  	[sflag:s8] =	ssyncset.done $0x0  }
0xb9: {  	[sflag:s8] =	ssyncadd.s32 $0xFFFFD800  }
0xba: {  	[spmem:s2] =	stream.indirect.scatter.add.f32 [tilespmem:s26], [sflag:$0x5], $0x80, s29, s30, $0xb8;
	[tilespmem:$0x18A80] =	vst v63  }
0xbb: {  	_ =	swait.ge [sflag:s28], $0x2800  }
0xbc: {  	s17 =	stileid.u32;
	[sflag:s28] =	ssyncset.done $0x0  }
0xbd: {  	s14 =	sshrl.u32 s7, $0x3;
	s12 =	sadd.s32 $0x1, s12;
	[sflag:s28] =	ssyncadd.s32 $0xFFFFD800  }
0xbe: {  	p0 =	sne.s32 s12, s18;
	s13 =	sshll.u32 s17, $0x6;
	[bflag:$0x0] =	sbarrier.arrive $0xFFFF  }
.Ltmp2:
0xbf: {  	s13 =	sor.u32 $0x1C05, s13;
	s15 =	rddreg [dreg:$0xc];
	(pc) =	sbr.rel @p0 .LBB2_1-.Ltmp2, $4  }
0xc0: {  	[hbm:s15], [sflag:s13] =	dma.local [spmem:s14], $0x2800  }
0xc1: {  	_ =	swait.ge [sflag:s28], $0x2800  }
0xc2: {  	[sflag:s28] =	ssyncset.done $0x0  }
0xc3: {  	[sflag:s28] =	ssyncadd.s32 $0xFFFFD800  }
0xc4: {  	_ =	sfence.sel $0x180000  }
0xc5: {  	[bflag:$0x0] =	sbarrier.arrive $0xFFFF  }
0xc6: {  	_ =	strace $0x90000050  }
0xc7: {  	s0 =	stileid.u32;
	[bflag:$0x2] =	sbarrier.arrive $0xFFFF  }
0xc8: {  	p0 =	sne.s32 s0, $0x0;
	s0 =	rddreg [dreg:$0x2]  }
0xc9: {  	s0 =	sadd.s32 @!p0 $0x100000, s0  }
0xca: {  	[sflag:s0] =	ssyncadd.tile.s32 @!p0 $0x1;
	_ =	shalt  }
.Lfunc_end2:
_tile_overlayer_lowered:
.L_overlay_start_2:
0xcb: {  	(tag) =	ssettag $0x2  }
0xcc: {  	s0 =	rddreg [dreg:$0x0];
	s2 =	stileid.u32  }
0xcd: {  	s1 =	rddreg [dreg:$0x1];
	p0 =	sne.s32 s2, $0x0  }
0xce: {  	s3 =	rddreg [dreg:$0x2];
	[bflag:$0x3] =	sbarrier.arrive $0xFFFF;
	s2 =	simm.s32 @!p0 $0x1C05  }
0xcf: {  	[timem:s3], [sflag:s2] =	dma.local @!p0 [hbm:s0], s1  }
0xd0: {  	s0 =	simm.s32 @!p0 $0x5  }
0xd1: {  	_ =	swait.ge @!p0 [sflag:s0], s1  }
0xd2: {  	s1 =	ssub.s32 @!p0 $0x0, s1;
	[sflag:s0] =	ssyncset.done @!p0 $0x0  }
0xd3: {  	[sflag:s0] =	ssyncadd.s32 @!p0 s1  }
0xd4: {  	[bflag:$0x3] =	sbarrier.arrive $0xFFFF  }
0xd5: {  	_ =	shalt  }

// kernel: kernel.25.cloned.1.call-start
scs
__scs_entry_jumppad:
0x0: {  	(pc) =	sbr.rel $0x88, $3  }
0x1: {  	(tag) =	ssettag $0x0;
	lr =	simm.s32 $0x1  }
0x2: {  	[smem:$0x3F88] =	sst lr;
	_ =	strace $0xD0000000  }
0x3: {  	_ = 	snop  }
0x4: {  	_ = 	snop  }
0x5: {  	_ = 	snop  }
0x6: {  	_ = 	snop  }
0x7: {  	_ = 	snop  }
__scs_overlays_trampoline_lowered:
0x8: {  	[smem:$0x3F97] =	sst s0  }
0x9: {  	[smem:$0x3F98] =	sst s1  }
0xa: {  	[smem:$0x3F99] =	sst s2  }
0xb: {  	[smem:$0x3F9A] =	sst s3  }
0xc: {  	[smem:$0x3F9B] =	sst s4  }
0xd: {  	[smem:$0x3F9C] =	sst s5  }
0xe: {  	[smem:$0x3F9D] =	sst s6  }
0xf: {  	[smem:$0x3F9E] =	sst s7  }
0x10: {  	[smem:$0x3F9F] =	sst s8  }
0x11: {  	[smem:$0x3FA0] =	sst s9;
	s0 =	simm.s32 @!p0 $0x0  }
0x12: {  	s1 =	sld [smem:$0x3F86];
	s0 =	simm.s32 @p0 $0x1  }
0x13: {  	[smem:$0x3FA1] =	sst s0;
	s0 =	simm.s32 @!p1 $0x0  }
0x14: {  	s2 =	sld [smem:$0x3F85];
	s0 =	simm.s32 @p1 $0x1  }
0x15: {  	[smem:$0x3FA2] =	sst s0;
	s0 =	simm.s32 @!p2 $0x0  }
0x16: {  	s3 =	sld [smem:$0x3FDB];
	s0 =	simm.s32 @p2 $0x1  }
0x17: {  	s4 =	simm.s32 $0x1BF5;
	[smem:$0x3FA4] =	sst s0  }
0x18: {  	s0 =	sld [smem:$0x3F87];
	_ =	swait.ge [sflag:s4], $0x0  }
0x19: {  	s7 =	sld [smem:$0x3F88]  }
0x1a: {  	s8 =	sadd.s32 $0xFFFFE003, lr  }
0x1b: {  	s9 =	sadd.s32 $0xFFFFFEF7, lr;
	s5 =	simm.s32 $0xFFFFFFFF;
	p2 =	slt.u32 s8, $0xFFFFF086  }
0x1c: {  	p1 =	slt.u32 s9, $0xF7A;
	s5 =	simm.s32 @!p2 $0x0  }
0x1d: {  	s5 =	simm.s32 @p1 $0x1;
	p0 =	seq.s32 s7, s2  }
0x1e: {  	s7 =	smul.u32 @!p0 $0xF7A, s2;
	p2 =	seq.s32 @!p0 s5, $0x0  }
0x1f: {  	s9 =	smul.u32 $0xF7A, s1;
	s8 =	simm.s32 @!p0 $0x1BF5;
	p2 =	por !p2, p0  }
0x20: {  	[sflag:s8] =	ssyncset.s32 @!p0 $0xFFFFF086;
	s6 =	sadd.s32 @!p0 s3, s7;
	s7 =	simm.s32 @!p0 $0x108  }
0x21: {  	s3 =	sadd.s32 s3, s9;
	s6 =	sadd.s32 @!p0 $0x88, s6;
	s7 =	simm.s32 @p2 $0x1082  }
0x22: {  	[simem:s7], [sflag:s8] =	dma.local @!p0 [hbm:s6], $0xF7A  }
0x23: {  	s9 =	sor.u32 $0xD0000000, s2;
	s6 =	simm.s32 $0x108;
	_ =	swait.ge @!p0 [sflag:s8], $0x0  }
0x24: {  	s3 =	sadd.s32 $0x88, s3;
	s6 =	simm.s32 @!p1 $0x1082;
	[sflag:s4] =	ssyncset.s32 $0xFFFFF086  }
0x25: {  	[simem:s6], [sflag:s4] =	dma.local [hbm:s3], $0xF7A  }
0x26: {  	[smem:$0x3F88] =	sst s1;
	(tag) =	ssettag s2;
	_ =	strace s9  }
0x27: {  	s1 =	sld [smem:$0x3F98]  }
0x28: {  	s2 =	sld [smem:$0x3F99]  }
0x29: {  	s4 =	sld [smem:$0x3F9B]  }
0x2a: {  	p0 =	seq.s32 s5, $0x0;
	s5 =	sld [smem:$0x3F9C]  }
0x2b: {  	s6 =	sld [smem:$0x3F9D]  }
0x2c: {  	s7 =	sld [smem:$0x3F9E]  }
0x2d: {  	s3 =	simm.s32 $0x108;
	s8 =	sld [smem:$0x3F9F]  }
0x2e: {  	s3 =	simm.s32 @!p0 $0x1082;
	s9 =	sld [smem:$0x3FA0]  }
0x2f: {  	lr =	sadd.s32 s0, s3;
	s0 =	sld [smem:$0x3F97]  }
0x30: {  	s3 =	sld [smem:$0x3F9A]  }
0x31: {  	[smem:$0x3FA3] =	sst s10  }
0x32: {  	s10 =	sld [smem:$0x3FA1];
	_ =	sdelay $0x3  }
0x33: {  	p0 =	seq.s32 s10, $0x1;
	s10 =	sld [smem:$0x3FA3];
	_ =	sdelay $0x3  }
0x34: {  	[smem:$0x3FA3] =	sst s10  }
0x35: {  	s10 =	sld [smem:$0x3FA2];
	_ =	sdelay $0x3  }
0x36: {  	p1 =	seq.s32 s10, $0x1;
	s10 =	sld [smem:$0x3FA3];
	_ =	sdelay $0x3  }
0x37: {  	[smem:$0x3FA3] =	sst s10  }
0x38: {  	s10 =	sld [smem:$0x3FA4]  }
0x39: {  	_ = 	snop;
	(pc) =	sbr.ind lr, $3  }
0x3a: {  	_ = 	snop  }
0x3b: {  	_ = 	snop  }
0x3c: {  	p2 =	seq.s32 s10, $0x1;
	s10 =	sld [smem:$0x3FA3]  }
0x3d: {  	_ =	shalt  }
0x3e: {  	_ =	shalt  }
0x3f: {  	_ =	shalt  }
0x40: {  	_ =	shalt  }
0x41: {  	_ =	shalt  }
0x42: {  	_ =	shalt  }
0x43: {  	_ =	shalt  }
0x44: {  	_ =	shalt  }
0x45: {  	_ =	shalt  }
0x46: {  	_ =	shalt  }
0x47: {  	_ =	shalt  }
0x48: {  	_ =	shalt  }
0x49: {  	_ =	shalt  }
0x4a: {  	_ =	shalt  }
0x4b: {  	_ =	shalt  }
0x4c: {  	_ =	shalt  }
0x4d: {  	_ =	shalt  }
0x4e: {  	_ =	shalt  }
0x4f: {  	_ =	shalt  }
0x50: {  	_ =	shalt  }
0x51: {  	_ =	shalt  }
0x52: {  	_ =	shalt  }
0x53: {  	_ =	shalt  }
0x54: {  	_ =	shalt  }
0x55: {  	_ =	shalt  }
0x56: {  	_ =	shalt  }
0x57: {  	_ =	shalt  }
0x58: {  	_ =	shalt  }
0x59: {  	_ =	shalt  }
0x5a: {  	_ =	shalt  }
0x5b: {  	_ =	shalt  }
0x5c: {  	_ =	shalt  }
0x5d: {  	_ =	shalt  }
0x5e: {  	_ =	shalt  }
0x5f: {  	_ =	shalt  }
0x60: {  	_ =	shalt  }
0x61: {  	_ =	shalt  }
0x62: {  	_ =	shalt  }
0x63: {  	_ =	shalt  }
0x64: {  	_ =	shalt  }
0x65: {  	_ =	shalt  }
0x66: {  	_ =	shalt  }
0x67: {  	_ =	shalt  }
0x68: {  	_ =	shalt  }
0x69: {  	_ =	shalt  }
0x6a: {  	_ =	shalt  }
0x6b: {  	_ =	shalt  }
0x6c: {  	_ =	shalt  }
0x6d: {  	_ =	shalt  }
0x6e: {  	_ =	shalt  }
0x6f: {  	_ =	shalt  }
0x70: {  	_ =	shalt  }
0x71: {  	_ =	shalt  }
0x72: {  	_ =	shalt  }
0x73: {  	_ =	shalt  }
0x74: {  	_ =	shalt  }
0x75: {  	_ =	shalt  }
0x76: {  	_ =	shalt  }
0x77: {  	_ =	shalt  }
0x78: {  	_ =	shalt  }
0x79: {  	_ =	shalt  }
0x7a: {  	_ =	shalt  }
0x7b: {  	_ =	shalt  }
0x7c: {  	_ =	shalt  }
0x7d: {  	_ =	shalt  }
0x7e: {  	_ =	shalt  }
0x7f: {  	_ =	shalt  }
0x80: {  	_ =	shalt  }
0x81: {  	_ =	shalt  }
0x82: {  	_ =	shalt  }
0x83: {  	_ =	shalt  }
0x84: {  	_ =	shalt  }
0x85: {  	_ =	shalt  }
0x86: {  	_ =	shalt  }
0x87: {  	_ =	shalt  }
.Lfunc_end0:
.L_simem_size_0:
called_computation.4_lowered:
.L_overlay_start_0:
0x88: {  	s2 =	sld [smem:$0x3FD9]  }
0x89: {  	s3 =	sld [smem:$0x3FFE];
	_ =	sdelay $0x1  }
0x8a: {  	s1 =	srdreg.scid  }
0x8b: {  	s0 =	sand.u32 $0x1, s1  }
0x8c: {  	s16 =	sshll.u32 s0, $0xA;
	s2 =	sadd.s32 s3, s2  }
0x8d: {  	s2 =	sadd.s32 s2, s16  }
0x8e: {  	[smem:$0x3FAF] =	sst s2  }
0x8f: {  	_ = 	snop  }
0x90: {  	(tm) =	ssettm $0x1  }
0x91: {  	s17 =	sld [smem:$0x3FFB];
	_ =	sdelay $0x3  }
0x92: {  	_ =	strace s17  }
0x93: {  	s2 =	sld [smem:$0x3FFC];
	_ =	sdelay $0x3  }
0x94: {  	_ =	strace s2  }
0x95: {  	s2 =	sld [smem:$0x3FFD];
	_ =	sdelay $0x3  }
0x96: {  	_ =	strace s2  }
0x97: {  	_ =	strace $0x8FFFFFFF  }
0x98: {  	s18 =	sld [smem:$0x3FDB];
	_ =	sdelay $0x1  }
0x99: {  	s19 =	simm.s32 $_scs_section_size  }
0x9a: {  	s4 =	simm.s32 $_size__tile_overlayer_lowered;
	s5 =	simm.s32 $_tile_overlayer_lowered  }
0x9b: {  	s22 =	simm.s32 $0x1BFF;
	s21 =	sshll.u32 s5, $0x1;
	s2 =	sadd.s32 s19, s18  }
0x9c: {  	s6 =	simm.s32 $0x0;
	s20 =	sshll.u32 s4, $0x1;
	s4 =	sadd.s32 s21, s2  }
0x9d: {  	[timem:s6], [sflag:s22] =	dma.local [hbm:s4], s20  }
0x9e: {  	_ =	swait.ge [sflag:s22], s20  }
0x9f: {  	s3 =	ssub.s32 $0x0, s20;
	[sflag:s22] =	ssyncset.done $0x0  }
0xa0: {  	[sflag:s22] =	ssyncadd.s32 s3;
	_ =	sdelay $0x1  }
0xa1: {  	s23 =	simm.s32 $0x1B8B  }
0xa2: {  	_ =	swait.ge [sflag:s23], $0x1  }
0xa3: {  	[sflag:s23] =	ssyncset.done $0x0  }
0xa4: {  	s25 =	simm.s32 $0x1B8E;
	s24 =	sld [smem:$0x3FFE];
	[sflag:s23] =	ssyncadd.s32 $0xFFFFFFFF  }
0xa5: {  	s26 =	simm.s32 $execute0_lowered;
	[smem:$0x3FD2] =	sst s25  }
0xa6: {  	s4 =	sshll.u32 s26, $0x1;
	_ =	strace $0x80000052;
	[dreg:$0x1] =	wrdreg $0xFFFFFFFF  }
0xa7: {  	s28 =	simm.s32 $_size_execute0_lowered;
	s2 =	sadd.s32 s2, s4;
	[dreg:$0x0] =	wrdreg $0x0  }
0xa8: {  	s4 =	sshll.u32 s28, $0x1;
	[dreg:$0x2] =	wrdreg s2  }
0xa9: {  	[dreg:$0x3] =	wrdreg s4  }
0xaa: {  	[dreg:$0x4] =	wrdreg $0xC0  }
0xab: {  	_ =	task [dreg:s6], $0x5FFFF  }
0xac: {  	[dreg:$0x1] =	wrdreg $0xFFFFFFFF  }
0xad: {  	[dreg:$0x0] =	wrdreg $0x60  }
0xae: {  	[dreg:$0x2] =	wrdreg s24  }
0xaf: {  	[dreg:$0x3] =	wrdreg $0x52000  }
0xb0: {  	[dreg:$0x4] =	wrdreg $0x9  }
0xb1: {  	_ =	task.clear_ibuf [dreg:s6], $0x5FFFF;
	_ =	strace $0x90000052  }
0xb2: {  	s29 =	simm.s32 $0x9;
	_ =	strace $0x80000054  }
0xb3: {  	_ =	swait.ge [sflag:s29], $0x1  }
0xb4: {  	[sflag:s29] =	ssyncadd.s32 $0xFFFFFFFF  }
0xb5: {  	_ =	strace $0x90000054  }
0xb6: {  	_ =	sfence  }
0xb7: {  	s30 =	sld [smem:$0x0];
	_ =	sdelay $0x2  }
0xb8: {  	s31 =	sshll.u32 s1, $0xD;
	s1 =	sshrl.u32 s1, $0x2  }
0xb9: {  	s3 =	sand.u32 $0x4000, s31;
	s1 =	sadd.s32 s1, s30  }
0xba: {  	s0 =	sor.u32 s3, s0;
	s1 =	sshll.u32 s1, $0x11  }
0xbb: {  	s0 =	sor.u32 s1, s0  }
0xbc: {  	s0 =	sadd.s32 $0x8F2B, s0  }
0xbd: {  	[sflag:s0] =	ssyncadd.remote.s32 $0x1  }
0xbe: {  	_ =	sfence.sel $0xFFFF  }
0xbf: {  	[dreg:$0x0] =	wrdreg $0xFFFFFFFF;
	(pc) =	sbr.abs _section_cstart, $3  }
0xc0: {  	[dreg:$0x1] =	wrdreg $0xFFFFFFFF  }
0xc1: {  	_ =	task.clear_ibuf [dreg:s6], $0x2FFFF;
	_ =	strace $0x9FFFFFFF  }
0xc2: {  	(tm) =	ssettm $0x7FFFFFFF  }
0xc3: {  	_ =	shalt  }
tec
execute0_lowered:
.L_overlay_start_1:
0x0: {  	(tag) =	ssettag $0x1  }
0x1: {  	s0 =	rddreg [dreg:$0x0];
	s1 =	srdreg.scid  }
0x2: {  	s2 =	rddreg [dreg:$0x1];
	s11 =	stileid.u32  }
0x3: {  	s3 =	simm.s32 $0x0;
	s28 =	simm.s32 $0x5;
	s29 =	simm.s32 $0x80  }
0x4: {  	s30 =	simm.s32 $0x50;
	s1 =	sand.u32 $0x1, s1;
	s6 =	smul.u32 $0x13800, s11  }
0x5: {  	[smem:$0x7FF] =	sst s3;
	s4 =	sadd.s32 $0x19600, s0;
	s8 =	smul.u32 $0x4E000, s11  }
0x6: {  	s31 =	simm.s32 $0x100;
	s5 =	smul.u32 $0x138800, s1;
	_ =	strace $0x80000053  }
0x7: {  	s22 =	ssub.s32 $0x2, s1;
	s10 =	sshll.u32 s1, $0x4;
	s1 =	smul.u32 $0x27100, s1  }
0x8: {  	s9 =	sshrl.u32 s22, $0x1;
	s8 =	sshrl.u32 s8, $0x2;
	s6 =	sadd.s32 s6, s5  }
0x9: {  	s23 =	sor.u32 s11, s10;
	s5 =	sadd.s32 $0x5A00, s0;
	s7 =	sshrl.u32 s6, $0x3  }
0xa: {  	s6 =	sadd.s32 $0xF800, s0;
	s0 =	sadd.s32 s7, s0;
	s7 =	sadd.s32 s8, s2  }
0xb: {  	s11 =	smul.u32 $0x2710, s11;
	s9 =	ssub.s32 s22, s9;
	s24 =	sadd.s32 $0x2800, s7  }
0xc: {  	s18 =	smax.u32 s9, $0x1;
	s25 =	sadd.s32 $0x5000, s7;
	[dreg:$0x3] =	wrdreg s24  }
0xd: {  	s17 =	sadd.s32 s11, s1;
	s26 =	sadd.s32 $0x7800, s7;
	[dreg:$0x4] =	wrdreg s25  }
0xe: {  	s1 =	simm.s32 $0x2A00;
	s12 =	sadd.s32 $0xA000, s7;
	[dreg:$0x5] =	wrdreg s26  }
0xf: {  	s9 =	simm.s32 $0x2;
	s13 =	sadd.s32 $0xC800, s7;
	[dreg:$0x6] =	wrdreg s12  }
0x10: {  	s8 =	smul.u32 $0x2710, s23;
	s14 =	sadd.s32 $0xF000, s7;
	[dreg:$0x7] =	wrdreg s13  }
0x11: {  	s11 =	simm.s32 $0x4;
	s15 =	sadd.s32 $0x11800, s7;
	[dreg:$0x8] =	wrdreg s14  }
0x12: {  	s0 =	sadd.s32 $0x40800, s0;
	s8 =	sshrl.u32 s8, $0x3;
	[dreg:$0x9] =	wrdreg s15  }
0x13: {  	[dreg:$0xc] =	wrdreg s0;
	s25 =	sadd.s32 $0xF0, s17;
	s0 =	simm.s32 $0x180  }
0x14: {  	s16 =	sadd.s32 $0x4D8, s8;
	s19 =	sadd.s32 s5, s8;
	s20 =	sadd.s32 s6, s8  }
0x15: {  	s24 =	sadd.s32 $0xA, s8;
	s26 =	sshrl.u32 s25, $0x3;
	s25 =	sadd.s32 $0xA0, s17  }
0x16: {  	s8 =	simm.s32 $0x1;
	s12 =	sadd.s32 s5, s16;
	s10 =	sadd.s32 s6, s16  }
0x17: {  	s21 =	sadd.s32 s5, s24;
	s22 =	sadd.s32 s6, s24;
	s23 =	sadd.s32 s26, s6  }
0x18: {  	s24 =	sadd.s32 s26, s5;
	s26 =	simm.s32 $0x200;
	[dreg:$0xa] =	wrdreg s12  }
0x19: {  	v0 =	vimm.f32 $0.0e+00;
	[dreg:$0xb] =	wrdreg s10;
	s10 =	simm.s32 $0x3;
	s12 =	simm.s32 $0x0  }
.LBB2_1:
0x1a: {  	s13 =	simm.s32 $0x0;
	s14 =	simm.s32 $0x200  }
.LBB2_2:
0x1b: {  	p0 =	sne.s32 s14, $0x9E00;
	[tilespmem:s13+$0x270] =	vst v0  }
0x1c: {  	[tilespmem:s13+$0x200] =	vst v0  }
0x1d: {  	[tilespmem:s13+$0x210] =	vst v0  }
.Ltmp0:
0x1e: {  	[tilespmem:s13+$0x220] =	vst v0;
	(pc) =	sbr.rel @p0 .LBB2_2-.Ltmp0, $4  }
0x1f: {  	[tilespmem:s13+$0x230] =	vst v0  }
0x20: {  	[tilespmem:s13+$0x240] =	vst v0  }
0x21: {  	[tilespmem:s13+$0x250] =	vst v0  }
0x22: {  	[tilespmem:s13+$0x260] =	vst v0;
	s13 =	sshra.s32 s14, $0x2;
	s14 =	sadd.s32 $0x200, s14  }
0x23: {  	[tilespmem:s13+$0x270] =	vst v0  }
0x24: {  	[tilespmem:s13+$0x200] =	vst v0  }
0x25: {  	[tilespmem:s13+$0x210] =	vst v0  }
0x26: {  	[tilespmem:s13+$0x220] =	vst v0  }
0x27: {  	[tilespmem:s13+$0x230] =	vst v0  }
0x28: {  	[tilespmem:s13+$0x240] =	vst v0  }
0x29: {  	[tilespmem:s13+$0x250] =	vst v0  }
0x2a: {  	[tilespmem:s13+$0x260] =	vst v0  }
0x2b: {  	[spmem:s7] =	stream.linear.scatter [tilespmem:s26], [sflag:$0x5], $0x2800, $0x38;
	[tilespmem:$0x18A80] =	vst v63  }
0x2c: {  	_ =	swait.ge [sflag:s28], $0x2800  }
0x2d: {  	[sflag:s28] =	ssyncset.done $0x0  }
0x2e: {  	s15 =	rddreg [dreg:$0x3];
	[sflag:s28] =	ssyncadd.s32 $0xFFFFD800  }
0x2f: {  	[spmem:s15] =	stream.linear.scatter [tilespmem:s26], [sflag:$0x5], $0x2800, $0x38;
	[tilespmem:$0x18A80] =	vst v63  }
0x30: {  	_ =	swait.ge [sflag:s28], $0x2800  }
0x31: {  	[sflag:s28] =	ssyncset.done $0x0  }
0x32: {  	s16 =	rddreg [dreg:$0x4];
	[sflag:s28] =	ssyncadd.s32 $0xFFFFD800  }
0x33: {  	[spmem:s16] =	stream.linear.scatter [tilespmem:s26], [sflag:$0x5], $0x2800, $0x38;
	[tilespmem:$0x18A80] =	vst v63  }
0x34: {  	_ =	swait.ge [sflag:s28], $0x2800  }
0x35: {  	[sflag:s28] =	ssyncset.done $0x0  }
0x36: {  	s17 =	rddreg [dreg:$0x5];
	[sflag:s28] =	ssyncadd.s32 $0xFFFFD800  }
0x37: {  	[spmem:s17] =	stream.linear.scatter [tilespmem:s26], [sflag:$0x5], $0x2800, $0x38;
	[tilespmem:$0x18A80] =	vst v63  }
0x38: {  	_ =	swait.ge [sflag:s28], $0x2800  }
0x39: {  	[sflag:s28] =	ssyncset.done $0x0  }
0x3a: {  	s14 =	rddreg [dreg:$0x6];
	[sflag:s28] =	ssyncadd.s32 $0xFFFFD800  }
0x3b: {  	[spmem:s14] =	stream.linear.scatter [tilespmem:s26], [sflag:$0x5], $0x2800, $0x38;
	[tilespmem:$0x18A80] =	vst v63  }
0x3c: {  	_ =	swait.ge [sflag:s28], $0x2800  }
0x3d: {  	[sflag:s28] =	ssyncset.done $0x0  }
0x3e: {  	s15 =	rddreg [dreg:$0x7];
	[sflag:s28] =	ssyncadd.s32 $0xFFFFD800  }
0x3f: {  	[spmem:s15] =	stream.linear.scatter [tilespmem:s26], [sflag:$0x5], $0x2800, $0x38;
	[tilespmem:$0x18A80] =	vst v63  }
0x40: {  	_ =	swait.ge [sflag:s28], $0x2800  }
0x41: {  	[sflag:s28] =	ssyncset.done $0x0  }
0x42: {  	s16 =	rddreg [dreg:$0x8];
	[sflag:s28] =	ssyncadd.s32 $0xFFFFD800  }
0x43: {  	[spmem:s16] =	stream.linear.scatter [tilespmem:s26], [sflag:$0x5], $0x2800, $0x38;
	[tilespmem:$0x18A80] =	vst v63  }
0x44: {  	_ =	swait.ge [sflag:s28], $0x2800  }
0x45: {  	[sflag:s28] =	ssyncset.done $0x0  }
0x46: {  	s17 =	rddreg [dreg:$0x9];
	[sflag:s28] =	ssyncadd.s32 $0xFFFFD800  }
0x47: {  	[spmem:s17] =	stream.linear.scatter [tilespmem:s26], [sflag:$0x5], $0x2800, $0x38;
	[tilespmem:$0x18A80] =	vst v63  }
0x48: {  	_ =	swait.ge [sflag:s28], $0x2800  }
0x49: {  	[sflag:s28] =	ssyncset.done $0x0  }
0x4a: {  	[sflag:s28] =	ssyncadd.s32 $0xFFFFD800  }
0x4b: {  	s14 =	simm.s32 $0x0;
	[bflag:$0x0] =	sbarrier.arrive $0xFFFF  }
0x4c: {  	[tilespmem:s14], [sflag:$0x5] =	stream.linear.gather [hbm4b:s19+s14], $0x50, $0x38;
	[tilespmem:$0x18A80] =	vst v63  }
0x4d: {  	_ =	swait.ge [sflag:s28], $0x50  }
0x4e: {  	[sflag:s28] =	ssyncset.done $0x0  }
0x4f: {  	[sflag:s28] =	ssyncadd.s32 $0xFFFFFFB0  }
0x50: {  	[tilespmem:s29], [sflag:$0x5] =	stream.linear.gather [hbm4b:s20+s14], $0x50, $0x38;
	[tilespmem:$0x18A80] =	vst v63  }
0x51: {  	_ =	swait.ge [sflag:s28], $0x50  }
0x52: {  	[sflag:s28] =	ssyncset.done $0x0  }
0x53: {  	[sflag:s28] =	ssyncadd.s32 $0xFFFFFFB0  }
0x54: {  	[tilespmem:s26], [sflag:$0x1] =	stream.indirect.gather [hbm4b:s4+s30], $0x80, s14, s30, $0xb8;
	[tilespmem:$0x18A80] =	vst v63  }
0x55: {  	_ = 	snop  }
0x56: {  	[tilespmem:s31], [sflag:$0x5] =	stream.linear.gather [hbm4b:s21+s14], $0x50, $0x38;
	[tilespmem:$0x18A80] =	vst v63  }
0x57: {  	_ =	swait.ge [sflag:s28], $0x50  }
0x58: {  	[sflag:s28] =	ssyncset.done $0x0  }
0x59: {  	[sflag:s28] =	ssyncadd.s32 $0xFFFFFFB0  }
0x5a: {  	[tilespmem:s0], [sflag:$0x5] =	stream.linear.gather [hbm4b:s22+s14], $0x50, $0x38;
	[tilespmem:$0x18A80] =	vst v63  }
0x5b: {  	_ =	swait.ge [sflag:s28], $0x50  }
0x5c: {  	[sflag:s28] =	ssyncset.done $0x0  }
0x5d: {  	[sflag:s28] =	ssyncadd.s32 $0xFFFFFFB0  }
0x5e: {  	[tilespmem:s1], [sflag:$0x2] =	stream.indirect.gather [hbm4b:s4+s30], $0x80, s31, s30, $0xb8;
	[tilespmem:$0x18A80] =	vst v63  }
0x5f: {  	_ =	swait.ge [sflag:s8], $0x2800  }
0x60: {  	[sflag:s8] =	ssyncset.done $0x0  }
0x61: {  	[sflag:s8] =	ssyncadd.s32 $0xFFFFD800  }
0x62: {  	[spmem:s2] =	stream.indirect.scatter.add.f32 [tilespmem:s26], [sflag:$0x3], $0x80, s29, s30, $0xb8;
	[tilespmem:$0x18A80] =	vst v63  }
0x63: {  	_ =	swait.ge [sflag:s9], $0x2800  }
0x64: {  	[sflag:s9] =	ssyncset.done $0x0  }
0x65: {  	[sflag:s9] =	ssyncadd.s32 $0xFFFFD800  }
0x66: {  	[spmem:s2] =	stream.indirect.scatter.add.f32 [tilespmem:s1], [sflag:$0x4], $0x80, s0, s30, $0xb8;
	[tilespmem:$0x18A80] =	vst v63  }
0x67: {  	_ =	swait.ge [sflag:s10], $0x2800  }
0x68: {  	s15 =	sshrl.u32 s25, $0x3;
	[sflag:s10] =	ssyncset.done $0x0  }
0x69: {  	s14 =	sadd.s32 s5, s15;
	[sflag:s10] =	ssyncadd.s32 $0xFFFFD800  }
0x6a: {  	[tilespmem:s3], [sflag:$0x5] =	stream.linear.gather [hbm4b:s14+s3], $0x50, $0x38;
	[tilespmem:$0x18A80] =	vst v63  }
0x6b: {  	_ =	swait.ge [sflag:s28], $0x50  }
0x6c: {  	[sflag:s28] =	ssyncset.done $0x0  }
0x6d: {  	s13 =	sadd.s32 s6, s15;
	[sflag:s28] =	ssyncadd.s32 $0xFFFFFFB0  }
0x6e: {  	[tilespmem:s29], [sflag:$0x5] =	stream.linear.gather [hbm4b:s13+s3], $0x50, $0x38;
	[tilespmem:$0x18A80] =	vst v63  }
0x6f: {  	_ =	swait.ge [sflag:s28], $0x50  }
0x70: {  	[sflag:s28] =	ssyncset.done $0x0  }
0x71: {  	[sflag:s28] =	ssyncadd.s32 $0xFFFFFFB0  }
0x72: {  	[tilespmem:s26], [sflag:$0x1] =	stream.indirect.gather [hbm4b:s4+s30], $0x80, s3, s30, $0xb8;
	[tilespmem:$0x18A80] =	vst v63  }
0x73: {  	_ =	swait.ge [sflag:s11], $0x2800  }
0x74: {  	[sflag:s11] =	ssyncset.done $0x0  }
0x75: {  	s16 =	sadd.s32 $0x0, s24;
	[sflag:s11] =	ssyncadd.s32 $0xFFFFD800  }
0x76: {  	[tilespmem:s31], [sflag:$0x5] =	stream.linear.gather [hbm4b:s16+s3], $0x50, $0x38;
	[tilespmem:$0x18A80] =	vst v63  }
0x77: {  	_ =	swait.ge [sflag:s28], $0x50  }
0x78: {  	[sflag:s28] =	ssyncset.done $0x0  }
0x79: {  	s17 =	sadd.s32 $0x0, s23;
	[sflag:s28] =	ssyncadd.s32 $0xFFFFFFB0  }
0x7a: {  	[tilespmem:s0], [sflag:$0x5] =	stream.linear.gather [hbm4b:s17+s3], $0x50, $0x38;
	[tilespmem:$0x18A80] =	vst v63  }
0x7b: {  	_ =	swait.ge [sflag:s28], $0x50  }
0x7c: {  	[sflag:s28] =	ssyncset.done $0x0  }
0x7d: {  	[sflag:s28] =	ssyncadd.s32 $0xFFFFFFB0  }
0x7e: {  	[tilespmem:s1], [sflag:$0x2] =	stream.indirect.gather [hbm4b:s4+s30], $0x80, s31, s30, $0xb8;
	[tilespmem:$0x18A80] =	vst v63  }
0x7f: {  	_ =	swait.ge [sflag:s8], $0x2800  }
0x80: {  	[sflag:s8] =	ssyncset.done $0x0  }
0x81: {  	[sflag:s8] =	ssyncadd.s32 $0xFFFFD800  }
0x82: {  	[spmem:s2] =	stream.indirect.scatter.add.f32 [tilespmem:s26], [sflag:$0x3], $0x80, s29, s30, $0xb8;
	[tilespmem:$0x18A80] =	vst v63  }
0x83: {  	_ =	swait.ge [sflag:s9], $0x2800  }
0x84: {  	[sflag:s9] =	ssyncset.done $0x0  }
0x85: {  	s14 =	sadd.s32 $0xA0, s25;
	s13 =	simm.s32 $0x14;
	[sflag:s9] =	ssyncadd.s32 $0xFFFFD800  }
.LBB2_4:
0x86: {  	[spmem:s2] =	stream.indirect.scatter.add.f32 [tilespmem:s1], [sflag:$0x4], $0x80, s0, s30, $0xb8;
	[tilespmem:$0x18A80] =	vst v63  }
0x87: {  	s15 =	smov.u32 s13  }
0x88: {  	p0 =	sne.s32 s13, $0x4B0;
	s13 =	sadd.s32 $0x14, s13;
	_ =	swait.ge [sflag:s10], $0x2800  }
0x89: {  	s16 =	sshrl.u32 s14, $0x3;
	[sflag:s10] =	ssyncset.done $0x0  }
0x8a: {  	s17 =	sadd.s32 s5, s16;
	[sflag:s10] =	ssyncadd.s32 $0xFFFFD800  }
0x8b: {  	[tilespmem:s3], [sflag:$0x5] =	stream.linear.gather [hbm4b:s17+s3], $0x50, $0x38;
	[tilespmem:$0x18A80] =	vst v63  }
0x8c: {  	_ =	swait.ge [sflag:s28], $0x50  }
0x8d: {  	[sflag:s28] =	ssyncset.done $0x0  }
0x8e: {  	s16 =	sadd.s32 s6, s16;
	[sflag:s28] =	ssyncadd.s32 $0xFFFFFFB0  }
0x8f: {  	[tilespmem:s29], [sflag:$0x5] =	stream.linear.gather [hbm4b:s16+s3], $0x50, $0x38;
	[tilespmem:$0x18A80] =	vst v63  }
0x90: {  	_ =	swait.ge [sflag:s28], $0x50  }
0x91: {  	[sflag:s28] =	ssyncset.done $0x0  }
0x92: {  	[sflag:s28] =	ssyncadd.s32 $0xFFFFFFB0  }
0x93: {  	[tilespmem:s26], [sflag:$0x1] =	stream.indirect.gather [hbm4b:s4+s30], $0x80, s3, s30, $0xb8;
	[tilespmem:$0x18A80] =	vst v63  }
0x94: {  	_ =	swait.ge [sflag:s11], $0x2800  }
0x95: {  	[sflag:s11] =	ssyncset.done $0x0  }
0x96: {  	s16 =	sadd.s32 s15, s24;
	[sflag:s11] =	ssyncadd.s32 $0xFFFFD800  }
0x97: {  	[tilespmem:s31], [sflag:$0x5] =	stream.linear.gather [hbm4b:s16+s3], $0x50, $0x38;
	[tilespmem:$0x18A80] =	vst v63  }
0x98: {  	_ =	swait.ge [sflag:s28], $0x50  }
0x99: {  	[sflag:s28] =	ssyncset.done $0x0  }
0x9a: {  	s15 =	sadd.s32 s15, s23;
	[sflag:s28] =	ssyncadd.s32 $0xFFFFFFB0  }
0x9b: {  	[tilespmem:s0], [sflag:$0x5] =	stream.linear.gather [hbm4b:s15+s3], $0x50, $0x38;
	[tilespmem:$0x18A80] =	vst v63  }
0x9c: {  	_ =	swait.ge [sflag:s28], $0x50  }
0x9d: {  	[sflag:s28] =	ssyncset.done $0x0  }
0x9e: {  	[sflag:s28] =	ssyncadd.s32 $0xFFFFFFB0  }
0x9f: {  	[tilespmem:s1], [sflag:$0x2] =	stream.indirect.gather [hbm4b:s4+s30], $0x80, s31, s30, $0xb8;
	[tilespmem:$0x18A80] =	vst v63  }
0xa0: {  	_ =	swait.ge [sflag:s8], $0x2800  }
0xa1: {  	[sflag:s8] =	ssyncset.done $0x0  }
.Ltmp1:
0xa2: {  	[sflag:s8] =	ssyncadd.s32 $0xFFFFD800;
	(pc) =	sbr.rel @p0 .LBB2_4-.Ltmp1, $4  }
0xa3: {  	[spmem:s2] =	stream.indirect.scatter.add.f32 [tilespmem:s26], [sflag:$0x3], $0x80, s29, s30, $0xb8;
	[tilespmem:$0x18A80] =	vst v63  }
0xa4: {  	_ =	swait.ge [sflag:s9], $0x2800  }
0xa5: {  	[sflag:s9] =	ssyncset.done $0x0  }
0xa6: {  	s14 =	sadd.s32 $0xA0, s14;
	[sflag:s9] =	ssyncadd.s32 $0xFFFFD800  }
0xa7: {  	[spmem:s2] =	stream.indirect.scatter.add.f32 [tilespmem:s1], [sflag:$0x4], $0x80, s0, s30, $0xb8;
	[tilespmem:$0x18A80] =	vst v63  }
0xa8: {  	_ =	swait.ge [sflag:s10], $0x2800  }
0xa9: {  	[sflag:s10] =	ssyncset.done $0x0  }
0xaa: {  	[sflag:s10] =	ssyncadd.s32 $0xFFFFD800  }
0xab: {  	_ =	swait.ge [sflag:s11], $0x2800  }
0xac: {  	[sflag:s11] =	ssyncset.done $0x0  }
0xad: {  	s13 =	rddreg [dreg:$0xa];
	[sflag:s11] =	ssyncadd.s32 $0xFFFFD800  }
0xae: {  	[tilespmem:s3], [sflag:$0x5] =	stream.linear.gather [hbm4b:s13+s3], $0x50, $0x38;
	[tilespmem:$0x18A80] =	vst v63  }
0xaf: {  	_ =	swait.ge [sflag:s28], $0x50  }
0xb0: {  	[sflag:s28] =	ssyncset.done $0x0  }
0xb1: {  	s16 =	rddreg [dreg:$0xb];
	[sflag:s28] =	ssyncadd.s32 $0xFFFFFFB0  }
0xb2: {  	[tilespmem:s29], [sflag:$0x5] =	stream.linear.gather [hbm4b:s16+s3], $0x50, $0x38;
	[tilespmem:$0x18A80] =	vst v63  }
0xb3: {  	_ =	swait.ge [sflag:s28], $0x50  }
0xb4: {  	[sflag:s28] =	ssyncset.done $0x0  }
0xb5: {  	[sflag:s28] =	ssyncadd.s32 $0xFFFFFFB0  }
0xb6: {  	[tilespmem:s26], [sflag:$0x1] =	stream.indirect.gather [hbm4b:s4+s30], $0x80, s3, s30, $0xb8;
	[tilespmem:$0x18A80] =	vst v63  }
0xb7: {  	_ =	swait.ge [sflag:s8], $0x2800  }
0xb8: {  	[sflag:s8] =	ssyncset.done $0x0  }
0xb9: {  	[sflag:s8] =	ssyncadd.s32 $0xFFFFD800  }
0xba: {  	[spmem:s2] =	stream.indirect.scatter.add.f32 [tilespmem:s26], [sflag:$0x5], $0x80, s29, s30, $0xb8;
	[tilespmem:$0x18A80] =	vst v63  }
0xbb: {  	_ =	swait.ge [sflag:s28], $0x2800  }
0xbc: {  	s17 =	stileid.u32;
	[sflag:s28] =	ssyncset.done $0x0  }
0xbd: {  	s14 =	sshrl.u32 s7, $0x3;
	s12 =	sadd.s32 $0x1, s12;
	[sflag:s28] =	ssyncadd.s32 $0xFFFFD800  }
0xbe: {  	p0 =	sne.s32 s12, s18;
	s13 =	sshll.u32 s17, $0x6;
	[bflag:$0x0] =	sbarrier.arrive $0xFFFF  }
.Ltmp2:
0xbf: {  	s13 =	sor.u32 $0x1C05, s13;
	s15 =	rddreg [dreg:$0xc];
	(pc) =	sbr.rel @p0 .LBB2_1-.Ltmp2, $4  }
0xc0: {  	[hbm:s15], [sflag:s13] =	dma.local [spmem:s14], $0x2800  }
0xc1: {  	_ =	swait.ge [sflag:s28], $0x2800  }
0xc2: {  	[sflag:s28] =	ssyncset.done $0x0  }
0xc3: {  	[sflag:s28] =	ssyncadd.s32 $0xFFFFD800  }
0xc4: {  	_ =	sfence.sel $0x180000  }
0xc5: {  	[bflag:$0x0] =	sbarrier.arrive $0xFFFF  }
0xc6: {  	_ =	strace $0x90000053  }
0xc7: {  	s0 =	stileid.u32;
	[bflag:$0x2] =	sbarrier.arrive $0xFFFF  }
0xc8: {  	p0 =	sne.s32 s0, $0x0;
	s0 =	rddreg [dreg:$0x2]  }
0xc9: {  	s0 =	sadd.s32 @!p0 $0x100000, s0  }
0xca: {  	[sflag:s0] =	ssyncadd.tile.s32 @!p0 $0x1;
	_ =	shalt  }
.Lfunc_end2:
_tile_overlayer_lowered:
.L_overlay_start_2:
0xcb: {  	(tag) =	ssettag $0x2  }
0xcc: {  	s0 =	rddreg [dreg:$0x0];
	s2 =	stileid.u32  }
0xcd: {  	s1 =	rddreg [dreg:$0x1];
	p0 =	sne.s32 s2, $0x0  }
0xce: {  	s3 =	rddreg [dreg:$0x2];
	[bflag:$0x3] =	sbarrier.arrive $0xFFFF;
	s2 =	simm.s32 @!p0 $0x1C05  }
0xcf: {  	[timem:s3], [sflag:s2] =	dma.local @!p0 [hbm:s0], s1  }
0xd0: {  	s0 =	simm.s32 @!p0 $0x5  }
0xd1: {  	_ =	swait.ge @!p0 [sflag:s0], s1  }
0xd2: {  	s1 =	ssub.s32 @!p0 $0x0, s1;
	[sflag:s0] =	ssyncset.done @!p0 $0x0  }
0xd3: {  	[sflag:s0] =	ssyncadd.s32 @!p0 s1  }
0xd4: {  	[bflag:$0x3] =	sbarrier.arrive $0xFFFF  }
0xd5: {  	_ =	shalt  }

</sc_bundles>
